<compile_context>
chip_gen: v7x
topology: tpu7x:2x2x1
jax: 0.10.2.dev20260603
libtpu: 0.0.44.dev20260713+nightly
codegen_flags: <defaults>
</compile_context>

<pallas_src>
import functools

import jax
import jax.numpy as jnp
from jax import lax
from jax.experimental import pallas as pl
from jax.experimental.pallas import tpu as pltpu
from jax.experimental.pallas import tpu_sc as plsc

N_NODES = 10000
N_EDGES = 160000
DIM = 256
NC = 2
NS = 16
LANES = 16
DH = DIM // NC
EPT = N_EDGES // NS
CHUNK = 80
NCHUNK = EPT // CHUNK
NSTAGE = 5
NCHUNK_F = NCHUNK // NSTAGE
NTRI = (NCHUNK_F - 1) // 3
ROWS_PT = 1000
NW_ROWS = N_NODES // ROWS_PT


def _sc_aggregate(x0, x1, src_r, dst_r, z2d, z1d, o1):
    mesh = plsc.VectorSubcoreMesh(
        core_axis_name="c", subcore_axis_name="s", num_cores=NC, num_subcores=NS
    )

    @functools.partial(
        pl.kernel,
        out_type=(
            jax.ShapeDtypeStruct((N_NODES, DH), jnp.float32),
            jax.ShapeDtypeStruct((N_NODES, DH), jnp.float32),
            jax.ShapeDtypeStruct((N_NODES,), jnp.float32),
            jax.ShapeDtypeStruct((N_NODES,), jnp.float32),
        ),
        mesh=mesh,
        scratch_types=[
            pltpu.VMEM((NCHUNK_F, CHUNK), jnp.int32),
            pltpu.VMEM((NCHUNK_F, CHUNK), jnp.int32),
            pltpu.VMEM((NCHUNK_F, CHUNK), jnp.int32),
            pltpu.VMEM((NCHUNK_F, CHUNK), jnp.int32),
            pltpu.VMEM((CHUNK, DH), jnp.float32),
            pltpu.VMEM((CHUNK, DH), jnp.float32),
            pltpu.VMEM((CHUNK, DH), jnp.float32),
            pltpu.VMEM((CHUNK,), jnp.float32),
            pltpu.VMEM_SHARED((N_NODES, DH), jnp.float32),
            pltpu.VMEM_SHARED((N_NODES,), jnp.float32),
            pltpu.SemaphoreType.DMA,
            pltpu.SemaphoreType.DMA,
            pltpu.SemaphoreType.DMA,
            pltpu.SemaphoreType.DMA,
            pltpu.SemaphoreType.DMA,
        ],
    )
    def body(x0_hbm, x1_hbm, src_hbm, dst_hbm, z2d_hbm, z1d_hbm, o1_hbm,
             agg0_hbm, agg1_hbm, deg0_hbm, deg1_hbm,
             src_va, dst_va, src_vb, dst_vb, rows_a, rows_b, rows_c,
             ones_v, acc_sh, deg_sh,
             sem_a, sem_b, sem_c, sem_d, sem_i):
        c = lax.axis_index("c")
        s = lax.axis_index("s")

        @pl.when(s < NW_ROWS)
        def _():
            pltpu.sync_copy(z2d_hbm, acc_sh.at[pl.ds(s * ROWS_PT, ROWS_PT)])

        @pl.when(s == 0)
        def _():
            pltpu.sync_copy(z1d_hbm, deg_sh)

        pltpu.sync_copy(o1_hbm, ones_v)

        plsc.subcore_barrier()

        def idx_load(f, sv, dv):
            pltpu.async_copy(src_hbm.at[s].at[f], sv, sem_i)
            pltpu.async_copy(dst_hbm.at[s].at[f], dv, sem_i)

        def idx_wait(f, sv, dv):
            pltpu.make_async_copy(src_hbm.at[s].at[f], sv, sem_i).wait()
            pltpu.make_async_copy(dst_hbm.at[s].at[f], dv, sem_i).wait()

        idx_load(0, src_va, dst_va)
        for f in range(NSTAGE):
            cnt = f % 2
            if f % 2 == 0:
                src_v, dst_v = src_va, dst_va
                nsrc_v, ndst_v = src_vb, dst_vb
            else:
                src_v, dst_v = src_vb, dst_vb
                nsrc_v, ndst_v = src_va, dst_va

            idx_wait(f, src_v, dst_v)
            if f + 1 < NSTAGE:
                idx_load(f + 1, nsrc_v, ndst_v)

            def gissue(j, buf, sem, sv=src_v):
                @pl.when(c == 0)
                def _():
                    pltpu.async_copy(x0_hbm.at[sv.at[j]], buf, sem)

                @pl.when(c == 1)
                def _():
                    pltpu.async_copy(x1_hbm.at[sv.at[j]], buf, sem)

            def gwait(j, buf, sem, sv=src_v):
                @pl.when(c == 0)
                def _():
                    pltpu.make_async_copy(x0_hbm.at[sv.at[j]], buf, sem).wait()

                @pl.when(c == 1)
                def _():
                    pltpu.make_async_copy(x1_hbm.at[sv.at[j]], buf, sem).wait()

            def scatter_one(j, buf, dv=dst_v, cnt=cnt):
                pltpu.sync_copy(buf, acc_sh.at[dv.at[j]], add=True)

                @pl.when(c == cnt)
                def _():
                    pltpu.async_copy(ones_v, deg_sh.at[dv.at[j]], sem_d,
                                     add=True)

            def deg_drain(i, _, dv=dst_v):
                pltpu.make_async_copy(ones_v, deg_sh.at[dv.at[0]],
                                      sem_d).wait()
                return ()

            def tri_step(jt, _):
                j0 = 3 * jt
                gissue(j0 + 2, rows_c, sem_c)
                gwait(j0, rows_a, sem_a)
                scatter_one(j0, rows_a)

                @pl.when(j0 + 3 < NCHUNK_F)
                def _():
                    gissue(j0 + 3, rows_a, sem_a)

                gwait(j0 + 1, rows_b, sem_b)
                scatter_one(j0 + 1, rows_b)

                @pl.when(j0 + 4 < NCHUNK_F)
                def _():
                    gissue(j0 + 4, rows_b, sem_b)

                gwait(j0 + 2, rows_c, sem_c)
                scatter_one(j0 + 2, rows_c)
                return ()

            gissue(0, rows_a, sem_a)
            gissue(1, rows_b, sem_b)
            lax.fori_loop(0, NTRI, tri_step, ())
            gwait(NCHUNK_F - 1, rows_a, sem_a)
            scatter_one(NCHUNK_F - 1, rows_a)

            @pl.when(c == cnt)
            def _():
                lax.fori_loop(0, NCHUNK_F, deg_drain, ())

        plsc.subcore_barrier()

        row0 = s * ROWS_PT

        @pl.when(jnp.logical_and(c == 0, s < NW_ROWS))
        def _():
            pltpu.sync_copy(acc_sh.at[pl.ds(row0, ROWS_PT)],
                            agg0_hbm.at[pl.ds(row0, ROWS_PT)])

        @pl.when(jnp.logical_and(c == 1, s < NW_ROWS))
        def _():
            pltpu.sync_copy(acc_sh.at[pl.ds(row0, ROWS_PT)],
                            agg1_hbm.at[pl.ds(row0, ROWS_PT)])

        @pl.when(jnp.logical_and(c == 0, s == NS - 1))
        def _():
            pltpu.sync_copy(deg_sh, deg0_hbm)

        @pl.when(jnp.logical_and(c == 1, s == NS - 1))
        def _():
            pltpu.sync_copy(deg_sh, deg1_hbm)

    return body(x0, x1, src_r, dst_r, z2d, z1d, o1)


BN = 5000


def _tc_linear_body(a0_ref, a1_ref, d_ref, w_ref, b_ref, o_ref):
    recip = 1.0 / jnp.maximum(d_ref[...], 1.0)
    s0 = a0_ref[...] * recip
    s1 = a1_ref[...] * recip
    w = w_ref[...]
    acc = lax.dot_general(s0, w[:, :DH], (((1,), (1,)), ((), ())),
                          preferred_element_type=jnp.float32)
    acc += lax.dot_general(s1, w[:, DH:], (((1,), (1,)), ((), ())),
                           preferred_element_type=jnp.float32)
    o_ref[...] = acc + b_ref[...]


def _tc_linear(agg0, agg1, deg, W, b):
    grid = (N_NODES // BN,)
    return pl.pallas_call(
        _tc_linear_body,
        grid=grid,
        in_specs=[
            pl.BlockSpec((BN, DH), lambda i: (i, 0)),
            pl.BlockSpec((BN, DH), lambda i: (i, 0)),
            pl.BlockSpec((BN, 1), lambda i: (i, 0)),
            pl.BlockSpec((DIM, DIM), lambda i: (0, 0)),
            pl.BlockSpec((1, DIM), lambda i: (0, 0)),
        ],
        out_specs=pl.BlockSpec((BN, DIM), lambda i: (i, 0)),
        out_shape=jax.ShapeDtypeStruct((N_NODES, DIM), jnp.float32),
    )(agg0, agg1, deg, W, b)


def kernel(x, edge_index, W, b):
    ei = edge_index.astype(jnp.int32)
    dst = ei[0].reshape(NS, NSTAGE, NCHUNK_F, CHUNK)
    src = ei[1].reshape(NS, NSTAGE, NCHUNK_F, CHUNK)
    x0 = x[:, :DH]
    x1 = x[:, DH:]
    z2d = jnp.zeros((ROWS_PT, DH), jnp.float32)
    z1d = jnp.zeros((N_NODES,), jnp.float32)
    o1 = jnp.ones((CHUNK,), jnp.float32)
    agg0, agg1, deg0, deg1 = _sc_aggregate(x0, x1, src, dst, z2d, z1d, o1)
    deg = (deg0 + deg1).reshape(N_NODES, 1)
    return _tc_linear(agg0, agg1, deg, W, b.reshape(1, DIM))

# --- scband reference (transcript-rebuilt; emitter-appended) ---
"""Pipeline reference for scband-sageconv-63496796504240 (READ-ONLY COPY).

The authoritative reference and input builder live on the scoring server;
editing this copy changes nothing except your own understanding.
"""

import jax, jax.numpy as jnp
import numpy as np

N_NODES = 10000
N_EDGES = 160000
IN_DIM = 256
OUT_DIM = 256


def setup_inputs(seed: int = 0) -> dict:
    key = jax.random.key(seed)
    k_x, k_e, k_w, k_b = jax.random.split(key, 4)
    x = jax.random.normal(k_x, (N_NODES, IN_DIM), dtype=jnp.float32)
    edge_index = jax.random.randint(k_e, (2, N_EDGES), 0, N_NODES, dtype=jnp.int64)
    # nn.Linear(in_dim, out_dim): W [out_dim, in_dim], b [out_dim]
    bound = 1.0 / np.sqrt(IN_DIM)
    W = jax.random.uniform(k_w, (OUT_DIM, IN_DIM), dtype=jnp.float32, minval=-bound, maxval=bound)
    b = jax.random.uniform(k_b, (OUT_DIM,), dtype=jnp.float32, minval=-bound, maxval=bound)
    return {"x": x, "edge_index": edge_index, "W": W, "b": b}


def reference(x, edge_index, W, b):
    # adj is a sparse [N, N] matrix with a 1.0 at (dst, src) for each edge
    # (duplicate edges coalesce by summation, matching torch.sparse semantics).
    dst = edge_index[0]
    src = edge_index[1]
    # out = torch.sparse.mm(adj, x)  -> scatter-add of gathered neighbor features
    gathered = jnp.take(x, src, axis=0)
    out = jax.ops.segment_sum(gathered, dst, num_segments=N_NODES)
    # row_sum = torch.sparse.sum(adj, dim=1).to_dense().clamp(min=min_degree)
    row_sum = jax.ops.segment_sum(jnp.ones((N_EDGES,), dtype=jnp.float32), dst, num_segments=N_NODES)
    row_sum = jnp.clip(row_sum, 1.0, None)
    out = out / row_sum[:, None]
    # out = self.linear(out)
    out = out @ W.T + b
    return out

if __name__ == "__main__":
    import jax
    _d = setup_inputs()
    print(jax.jit(kernel)(*tuple(_d.values())))

</pallas_src>

<mosaic_0001>
#map = affine_map<(d0, d1) -> (0, 0)>
#map1 = affine_map<(d0, d1) -> (0, 0, 0, 0)>
#map2 = affine_map<(d0, d1) -> (0)>
module attributes {stable_mosaic.version = 14 : i64} {
  func.func @body(%arg0: i32, %arg1: i32, %arg2: memref<10000x128xf32, #tpu.memory_space<hbm>>, %arg3: memref<10000x128xf32, #tpu.memory_space<hbm>>, %arg4: memref<16x5x25x80xi32, #tpu.memory_space<hbm>>, %arg5: memref<16x5x25x80xi32, #tpu.memory_space<hbm>>, %arg6: memref<1000x128xf32, #tpu.memory_space<hbm>>, %arg7: memref<10000xf32, #tpu.memory_space<hbm>>, %arg8: memref<80xf32, #tpu.memory_space<hbm>>, %arg9: memref<10000x128xf32, #tpu.memory_space<hbm>>, %arg10: memref<10000x128xf32, #tpu.memory_space<hbm>>, %arg11: memref<10000xf32, #tpu.memory_space<hbm>>, %arg12: memref<10000xf32, #tpu.memory_space<hbm>>, %arg13: memref<25x80xi32, #tpu.memory_space<vmem>>, %arg14: memref<25x80xi32, #tpu.memory_space<vmem>>, %arg15: memref<25x80xi32, #tpu.memory_space<vmem>>, %arg16: memref<25x80xi32, #tpu.memory_space<vmem>>, %arg17: memref<80x128xf32, #tpu.memory_space<vmem>>, %arg18: memref<80x128xf32, #tpu.memory_space<vmem>>, %arg19: memref<80x128xf32, #tpu.memory_space<vmem>>, %arg20: memref<80xf32, #tpu.memory_space<vmem>>, %arg21: memref<10000x128xf32, #tpu.memory_space<vmem_shared>>, %arg22: memref<10000xf32, #tpu.memory_space<vmem_shared>>, %arg23: memref<!tpu.dma_semaphore, #tpu.memory_space<semaphore_mem>>, %arg24: memref<!tpu.dma_semaphore, #tpu.memory_space<semaphore_mem>>, %arg25: memref<!tpu.dma_semaphore, #tpu.memory_space<semaphore_mem>>, %arg26: memref<!tpu.dma_semaphore, #tpu.memory_space<semaphore_mem>>, %arg27: memref<!tpu.dma_semaphore, #tpu.memory_space<semaphore_mem>>) attributes {dimension_semantics = [#tpu.dimension_semantics<core_parallel>, #tpu.dimension_semantics<subcore_parallel>], iteration_bounds = array<i64: 2, 16>, scalar_prefetch = 0 : i64, scratch_operands = 15 : i64, tpu.core_type = #tpu.core_type<sc_vector_subcore>, window_params = [{transform_indices = #map}, {transform_indices = #map}, {transform_indices = #map1}, {transform_indices = #map1}, {transform_indices = #map}, {transform_indices = #map2}, {transform_indices = #map2}, {transform_indices = #map}, {transform_indices = #map}, {transform_indices = #map2}, {transform_indices = #map2}]} {
    %lt3A = arith.constant 10 : i32
    %lt3A_0 = arith.cmpi slt, %arg1, %lt3A : i32
    %convert_element_type3A = arith.extui %lt3A_0 : i1 to i32
    %cond3A = arith.constant 0 : i32
    %cond3A_1 = arith.cmpi ne, %convert_element_type3A, %cond3A : i32
    scf.if %cond3A_1 {
      %mul3A_645 = arith.constant 1000 : i32
      %mul3A_646 = arith.muli %arg1, %mul3A_645 : i32
      "tpu.region"() ({
        %run_scoped3A_647 = tpu.sem_alloc : memref<!tpu.dma_semaphore, #tpu.memory_space<semaphore_mem>>
        %dma_start3A_648 = arith.constant 0 : i32
        %dma_start3A_649 = tpu.memref_slice %arg21[%mul3A_646, %dma_start3A_648] : memref<10000x128xf32, #tpu.memory_space<vmem_shared>> -> memref<1000x128xf32, #tpu.memory_space<vmem_shared>>
        tpu.enqueue_dma source(%arg6 : memref<1000x128xf32, #tpu.memory_space<hbm>>) target(%dma_start3A_649 : memref<1000x128xf32, #tpu.memory_space<vmem_shared>>) target_semaphore(%run_scoped3A_647 : memref<!tpu.dma_semaphore, #tpu.memory_space<semaphore_mem>>)
        %dma_wait3A_650 = arith.constant 0 : i32
        %dma_wait3A_651 = tpu.memref_slice %arg21[%mul3A_646, %dma_wait3A_650] : memref<10000x128xf32, #tpu.memory_space<vmem_shared>> -> memref<1000x128xf32, #tpu.memory_space<vmem_shared>>
        tpu.wait_dma2 semaphore(%run_scoped3A_647 : memref<!tpu.dma_semaphore, #tpu.memory_space<semaphore_mem>>) src(%arg6 : memref<1000x128xf32, #tpu.memory_space<hbm>>) dst(%dma_wait3A_651 : memref<1000x128xf32, #tpu.memory_space<vmem_shared>>)
        tpu.yield
      }) : () -> ()
    } else {
    }
    %eq3A = arith.constant 0 : i32
    %eq3A_2 = arith.cmpi eq, %arg1, %eq3A : i32
    %convert_element_type3A_3 = arith.extui %eq3A_2 : i1 to i32
    %cond3A_4 = arith.constant 0 : i32
    %cond3A_5 = arith.cmpi ne, %convert_element_type3A_3, %cond3A_4 : i32
    scf.if %cond3A_5 {
      "tpu.region"() ({
        %run_scoped3A_645 = tpu.sem_alloc : memref<!tpu.dma_semaphore, #tpu.memory_space<semaphore_mem>>
        tpu.enqueue_dma source(%arg7 : memref<10000xf32, #tpu.memory_space<hbm>>) target(%arg22 : memref<10000xf32, #tpu.memory_space<vmem_shared>>) target_semaphore(%run_scoped3A_645 : memref<!tpu.dma_semaphore, #tpu.memory_space<semaphore_mem>>)
        tpu.wait_dma2 semaphore(%run_scoped3A_645 : memref<!tpu.dma_semaphore, #tpu.memory_space<semaphore_mem>>) src(%arg7 : memref<10000xf32, #tpu.memory_space<hbm>>) dst(%arg22 : memref<10000xf32, #tpu.memory_space<vmem_shared>>)
        tpu.yield
      }) : () -> ()
    } else {
    }
    "tpu.region"() ({
      %run_scoped3A_645 = tpu.sem_alloc : memref<!tpu.dma_semaphore, #tpu.memory_space<semaphore_mem>>
      tpu.enqueue_dma source(%arg8 : memref<80xf32, #tpu.memory_space<hbm>>) target(%arg20 : memref<80xf32, #tpu.memory_space<vmem>>) target_semaphore(%run_scoped3A_645 : memref<!tpu.dma_semaphore, #tpu.memory_space<semaphore_mem>>)
      tpu.wait_dma2 semaphore(%run_scoped3A_645 : memref<!tpu.dma_semaphore, #tpu.memory_space<semaphore_mem>>) src(%arg8 : memref<80xf32, #tpu.memory_space<hbm>>) dst(%arg20 : memref<80xf32, #tpu.memory_space<vmem>>)
      tpu.yield
    }) : () -> ()
    %barrier3A = arith.constant 0 : index
    tpu.barrier barrier_id(%barrier3A)
    %dma_start3A = arith.constant 0 : i32
    %dma_start3A_6 = arith.constant 0 : i32
    %dma_start3A_7 = arith.constant 0 : i32
    %dma_start3A_8 = arith.constant 0 : i32
    %dma_start3A_9 = tpu.memref_slice %arg4[%arg1, %dma_start3A_6, %dma_start3A_7, %dma_start3A_8] : memref<16x5x25x80xi32, #tpu.memory_space<hbm>> -> memref<1x5x25x80xi32, #tpu.memory_space<hbm>>
    %dma_start3A_10 = tpu.memref_squeeze %dma_start3A_9 : memref<1x5x25x80xi32, #tpu.memory_space<hbm>> -> memref<5x25x80xi32, #tpu.memory_space<hbm>>
    %dma_start3A_11 = arith.constant 0 : i32
    %dma_start3A_12 = arith.constant 0 : i32
    %dma_start3A_13 = tpu.memref_slice %dma_start3A_10[%dma_start3A, %dma_start3A_11, %dma_start3A_12] : memref<5x25x80xi32, #tpu.memory_space<hbm>> -> memref<1x25x80xi32, #tpu.memory_space<hbm>>
    %dma_start3A_14 = tpu.memref_squeeze %dma_start3A_13 : memref<1x25x80xi32, #tpu.memory_space<hbm>> -> memref<25x80xi32, #tpu.memory_space<hbm>>
    %dma_start3A_15 = arith.constant 0 : i32
    %dma_start3A_16 = arith.constant 0 : i32
    %dma_start3A_17 = arith.constant 0 : i32
    %dma_start3A_18 = tpu.memref_slice %arg4[%arg1, %dma_start3A_15, %dma_start3A_16, %dma_start3A_17] : memref<16x5x25x80xi32, #tpu.memory_space<hbm>> -> memref<1x5x25x80xi32, #tpu.memory_space<hbm>>
    %dma_start3A_19 = tpu.memref_squeeze %dma_start3A_18 : memref<1x5x25x80xi32, #tpu.memory_space<hbm>> -> memref<5x25x80xi32, #tpu.memory_space<hbm>>
    %dma_start3A_20 = arith.constant 0 : i32
    %dma_start3A_21 = arith.constant 0 : i32
    %dma_start3A_22 = tpu.memref_slice %dma_start3A_19[%dma_start3A, %dma_start3A_20, %dma_start3A_21] : memref<5x25x80xi32, #tpu.memory_space<hbm>> -> memref<1x25x80xi32, #tpu.memory_space<hbm>>
    %dma_start3A_23 = tpu.memref_squeeze %dma_start3A_22 : memref<1x25x80xi32, #tpu.memory_space<hbm>> -> memref<25x80xi32, #tpu.memory_space<hbm>>
    tpu.enqueue_dma source(%dma_start3A_23 : memref<25x80xi32, #tpu.memory_space<hbm>>) target(%arg13 : memref<25x80xi32, #tpu.memory_space<vmem>>) target_semaphore(%arg27 : memref<!tpu.dma_semaphore, #tpu.memory_space<semaphore_mem>>)
    %dma_start3A_24 = arith.constant 0 : i32
    %dma_start3A_25 = arith.constant 0 : i32
    %dma_start3A_26 = arith.constant 0 : i32
    %dma_start3A_27 = arith.constant 0 : i32
    %dma_start3A_28 = tpu.memref_slice %arg5[%arg1, %dma_start3A_25, %dma_start3A_26, %dma_start3A_27] : memref<16x5x25x80xi32, #tpu.memory_space<hbm>> -> memref<1x5x25x80xi32, #tpu.memory_space<hbm>>
    %dma_start3A_29 = tpu.memref_squeeze %dma_start3A_28 : memref<1x5x25x80xi32, #tpu.memory_space<hbm>> -> memref<5x25x80xi32, #tpu.memory_space<hbm>>
    %dma_start3A_30 = arith.constant 0 : i32
    %dma_start3A_31 = arith.constant 0 : i32
    %dma_start3A_32 = tpu.memref_slice %dma_start3A_29[%dma_start3A_24, %dma_start3A_30, %dma_start3A_31] : memref<5x25x80xi32, #tpu.memory_space<hbm>> -> memref<1x25x80xi32, #tpu.memory_space<hbm>>
    %dma_start3A_33 = tpu.memref_squeeze %dma_start3A_32 : memref<1x25x80xi32, #tpu.memory_space<hbm>> -> memref<25x80xi32, #tpu.memory_space<hbm>>
    %dma_start3A_34 = arith.constant 0 : i32
    %dma_start3A_35 = arith.constant 0 : i32
    %dma_start3A_36 = arith.constant 0 : i32
    %dma_start3A_37 = tpu.memref_slice %arg5[%arg1, %dma_start3A_34, %dma_start3A_35, %dma_start3A_36] : memref<16x5x25x80xi32, #tpu.memory_space<hbm>> -> memref<1x5x25x80xi32, #tpu.memory_space<hbm>>
    %dma_start3A_38 = tpu.memref_squeeze %dma_start3A_37 : memref<1x5x25x80xi32, #tpu.memory_space<hbm>> -> memref<5x25x80xi32, #tpu.memory_space<hbm>>
    %dma_start3A_39 = arith.constant 0 : i32
    %dma_start3A_40 = arith.constant 0 : i32
    %dma_start3A_41 = tpu.memref_slice %dma_start3A_38[%dma_start3A_24, %dma_start3A_39, %dma_start3A_40] : memref<5x25x80xi32, #tpu.memory_space<hbm>> -> memref<1x25x80xi32, #tpu.memory_space<hbm>>
    %dma_start3A_42 = tpu.memref_squeeze %dma_start3A_41 : memref<1x25x80xi32, #tpu.memory_space<hbm>> -> memref<25x80xi32, #tpu.memory_space<hbm>>
    tpu.enqueue_dma source(%dma_start3A_42 : memref<25x80xi32, #tpu.memory_space<hbm>>) target(%arg14 : memref<25x80xi32, #tpu.memory_space<vmem>>) target_semaphore(%arg27 : memref<!tpu.dma_semaphore, #tpu.memory_space<semaphore_mem>>)
    %dma_wait3A = arith.constant 0 : i32
    %dma_wait3A_43 = arith.constant 0 : i32
    %dma_wait3A_44 = arith.constant 0 : i32
    %dma_wait3A_45 = arith.constant 0 : i32
    %dma_wait3A_46 = tpu.memref_slice %arg4[%arg1, %dma_wait3A_43, %dma_wait3A_44, %dma_wait3A_45] : memref<16x5x25x80xi32, #tpu.memory_space<hbm>> -> memref<1x5x25x80xi32, #tpu.memory_space<hbm>>
    %dma_wait3A_47 = tpu.memref_squeeze %dma_wait3A_46 : memref<1x5x25x80xi32, #tpu.memory_space<hbm>> -> memref<5x25x80xi32, #tpu.memory_space<hbm>>
    %dma_wait3A_48 = arith.constant 0 : i32
    %dma_wait3A_49 = arith.constant 0 : i32
    %dma_wait3A_50 = tpu.memref_slice %dma_wait3A_47[%dma_wait3A, %dma_wait3A_48, %dma_wait3A_49] : memref<5x25x80xi32, #tpu.memory_space<hbm>> -> memref<1x25x80xi32, #tpu.memory_space<hbm>>
    %dma_wait3A_51 = tpu.memref_squeeze %dma_wait3A_50 : memref<1x25x80xi32, #tpu.memory_space<hbm>> -> memref<25x80xi32, #tpu.memory_space<hbm>>
    %dma_wait3A_52 = arith.constant 0 : i32
    %dma_wait3A_53 = arith.constant 0 : i32
    %dma_wait3A_54 = arith.constant 0 : i32
    %dma_wait3A_55 = tpu.memref_slice %arg4[%arg1, %dma_wait3A_52, %dma_wait3A_53, %dma_wait3A_54] : memref<16x5x25x80xi32, #tpu.memory_space<hbm>> -> memref<1x5x25x80xi32, #tpu.memory_space<hbm>>
    %dma_wait3A_56 = tpu.memref_squeeze %dma_wait3A_55 : memref<1x5x25x80xi32, #tpu.memory_space<hbm>> -> memref<5x25x80xi32, #tpu.memory_space<hbm>>
    %dma_wait3A_57 = arith.constant 0 : i32
    %dma_wait3A_58 = arith.constant 0 : i32
    %dma_wait3A_59 = tpu.memref_slice %dma_wait3A_56[%dma_wait3A, %dma_wait3A_57, %dma_wait3A_58] : memref<5x25x80xi32, #tpu.memory_space<hbm>> -> memref<1x25x80xi32, #tpu.memory_space<hbm>>
    %dma_wait3A_60 = tpu.memref_squeeze %dma_wait3A_59 : memref<1x25x80xi32, #tpu.memory_space<hbm>> -> memref<25x80xi32, #tpu.memory_space<hbm>>
    tpu.wait_dma2 semaphore(%arg27 : memref<!tpu.dma_semaphore, #tpu.memory_space<semaphore_mem>>) src(%dma_wait3A_60 : memref<25x80xi32, #tpu.memory_space<hbm>>) dst(%arg13 : memref<25x80xi32, #tpu.memory_space<vmem>>)
    %dma_wait3A_61 = arith.constant 0 : i32
    %dma_wait3A_62 = arith.constant 0 : i32
    %dma_wait3A_63 = arith.constant 0 : i32
    %dma_wait3A_64 = arith.constant 0 : i32
    %dma_wait3A_65 = tpu.memref_slice %arg5[%arg1, %dma_wait3A_62, %dma_wait3A_63, %dma_wait3A_64] : memref<16x5x25x80xi32, #tpu.memory_space<hbm>> -> memref<1x5x25x80xi32, #tpu.memory_space<hbm>>
    %dma_wait3A_66 = tpu.memref_squeeze %dma_wait3A_65 : memref<1x5x25x80xi32, #tpu.memory_space<hbm>> -> memref<5x25x80xi32, #tpu.memory_space<hbm>>
    %dma_wait3A_67 = arith.constant 0 : i32
    %dma_wait3A_68 = arith.constant 0 : i32
    %dma_wait3A_69 = tpu.memref_slice %dma_wait3A_66[%dma_wait3A_61, %dma_wait3A_67, %dma_wait3A_68] : memref<5x25x80xi32, #tpu.memory_space<hbm>> -> memref<1x25x80xi32, #tpu.memory_space<hbm>>
    %dma_wait3A_70 = tpu.memref_squeeze %dma_wait3A_69 : memref<1x25x80xi32, #tpu.memory_space<hbm>> -> memref<25x80xi32, #tpu.memory_space<hbm>>
    %dma_wait3A_71 = arith.constant 0 : i32
    %dma_wait3A_72 = arith.constant 0 : i32
    %dma_wait3A_73 = arith.constant 0 : i32
    %dma_wait3A_74 = tpu.memref_slice %arg5[%arg1, %dma_wait3A_71, %dma_wait3A_72, %dma_wait3A_73] : memref<16x5x25x80xi32, #tpu.memory_space<hbm>> -> memref<1x5x25x80xi32, #tpu.memory_space<hbm>>
    %dma_wait3A_75 = tpu.memref_squeeze %dma_wait3A_74 : memref<1x5x25x80xi32, #tpu.memory_space<hbm>> -> memref<5x25x80xi32, #tpu.memory_space<hbm>>
    %dma_wait3A_76 = arith.constant 0 : i32
    %dma_wait3A_77 = arith.constant 0 : i32
    %dma_wait3A_78 = tpu.memref_slice %dma_wait3A_75[%dma_wait3A_61, %dma_wait3A_76, %dma_wait3A_77] : memref<5x25x80xi32, #tpu.memory_space<hbm>> -> memref<1x25x80xi32, #tpu.memory_space<hbm>>
    %dma_wait3A_79 = tpu.memref_squeeze %dma_wait3A_78 : memref<1x25x80xi32, #tpu.memory_space<hbm>> -> memref<25x80xi32, #tpu.memory_space<hbm>>
    tpu.wait_dma2 semaphore(%arg27 : memref<!tpu.dma_semaphore, #tpu.memory_space<semaphore_mem>>) src(%dma_wait3A_79 : memref<25x80xi32, #tpu.memory_space<hbm>>) dst(%arg14 : memref<25x80xi32, #tpu.memory_space<vmem>>)
    %dma_start3A_80 = arith.constant 1 : i32
    %dma_start3A_81 = arith.constant 0 : i32
    %dma_start3A_82 = arith.constant 0 : i32
    %dma_start3A_83 = arith.constant 0 : i32
    %dma_start3A_84 = tpu.memref_slice %arg4[%arg1, %dma_start3A_81, %dma_start3A_82, %dma_start3A_83] : memref<16x5x25x80xi32, #tpu.memory_space<hbm>> -> memref<1x5x25x80xi32, #tpu.memory_space<hbm>>
    %dma_start3A_85 = tpu.memref_squeeze %dma_start3A_84 : memref<1x5x25x80xi32, #tpu.memory_space<hbm>> -> memref<5x25x80xi32, #tpu.memory_space<hbm>>
    %dma_start3A_86 = arith.constant 0 : i32
    %dma_start3A_87 = arith.constant 0 : i32
    %dma_start3A_88 = tpu.memref_slice %dma_start3A_85[%dma_start3A_80, %dma_start3A_86, %dma_start3A_87] : memref<5x25x80xi32, #tpu.memory_space<hbm>> -> memref<1x25x80xi32, #tpu.memory_space<hbm>>
    %dma_start3A_89 = tpu.memref_squeeze %dma_start3A_88 : memref<1x25x80xi32, #tpu.memory_space<hbm>> -> memref<25x80xi32, #tpu.memory_space<hbm>>
    %dma_start3A_90 = arith.constant 0 : i32
    %dma_start3A_91 = arith.constant 0 : i32
    %dma_start3A_92 = arith.constant 0 : i32
    %dma_start3A_93 = tpu.memref_slice %arg4[%arg1, %dma_start3A_90, %dma_start3A_91, %dma_start3A_92] : memref<16x5x25x80xi32, #tpu.memory_space<hbm>> -> memref<1x5x25x80xi32, #tpu.memory_space<hbm>>
    %dma_start3A_94 = tpu.memref_squeeze %dma_start3A_93 : memref<1x5x25x80xi32, #tpu.memory_space<hbm>> -> memref<5x25x80xi32, #tpu.memory_space<hbm>>
    %dma_start3A_95 = arith.constant 0 : i32
    %dma_start3A_96 = arith.constant 0 : i32
    %dma_start3A_97 = tpu.memref_slice %dma_start3A_94[%dma_start3A_80, %dma_start3A_95, %dma_start3A_96] : memref<5x25x80xi32, #tpu.memory_space<hbm>> -> memref<1x25x80xi32, #tpu.memory_space<hbm>>
    %dma_start3A_98 = tpu.memref_squeeze %dma_start3A_97 : memref<1x25x80xi32, #tpu.memory_space<hbm>> -> memref<25x80xi32, #tpu.memory_space<hbm>>
    tpu.enqueue_dma source(%dma_start3A_98 : memref<25x80xi32, #tpu.memory_space<hbm>>) target(%arg15 : memref<25x80xi32, #tpu.memory_space<vmem>>) target_semaphore(%arg27 : memref<!tpu.dma_semaphore, #tpu.memory_space<semaphore_mem>>)
    %dma_start3A_99 = arith.constant 1 : i32
    %dma_start3A_100 = arith.constant 0 : i32
    %dma_start3A_101 = arith.constant 0 : i32
    %dma_start3A_102 = arith.constant 0 : i32
    %dma_start3A_103 = tpu.memref_slice %arg5[%arg1, %dma_start3A_100, %dma_start3A_101, %dma_start3A_102] : memref<16x5x25x80xi32, #tpu.memory_space<hbm>> -> memref<1x5x25x80xi32, #tpu.memory_space<hbm>>
    %dma_start3A_104 = tpu.memref_squeeze %dma_start3A_103 : memref<1x5x25x80xi32, #tpu.memory_space<hbm>> -> memref<5x25x80xi32, #tpu.memory_space<hbm>>
    %dma_start3A_105 = arith.constant 0 : i32
    %dma_start3A_106 = arith.constant 0 : i32
    %dma_start3A_107 = tpu.memref_slice %dma_start3A_104[%dma_start3A_99, %dma_start3A_105, %dma_start3A_106] : memref<5x25x80xi32, #tpu.memory_space<hbm>> -> memref<1x25x80xi32, #tpu.memory_space<hbm>>
    %dma_start3A_108 = tpu.memref_squeeze %dma_start3A_107 : memref<1x25x80xi32, #tpu.memory_space<hbm>> -> memref<25x80xi32, #tpu.memory_space<hbm>>
    %dma_start3A_109 = arith.constant 0 : i32
    %dma_start3A_110 = arith.constant 0 : i32
    %dma_start3A_111 = arith.constant 0 : i32
    %dma_start3A_112 = tpu.memref_slice %arg5[%arg1, %dma_start3A_109, %dma_start3A_110, %dma_start3A_111] : memref<16x5x25x80xi32, #tpu.memory_space<hbm>> -> memref<1x5x25x80xi32, #tpu.memory_space<hbm>>
    %dma_start3A_113 = tpu.memref_squeeze %dma_start3A_112 : memref<1x5x25x80xi32, #tpu.memory_space<hbm>> -> memref<5x25x80xi32, #tpu.memory_space<hbm>>
    %dma_start3A_114 = arith.constant 0 : i32
    %dma_start3A_115 = arith.constant 0 : i32
    %dma_start3A_116 = tpu.memref_slice %dma_start3A_113[%dma_start3A_99, %dma_start3A_114, %dma_start3A_115] : memref<5x25x80xi32, #tpu.memory_space<hbm>> -> memref<1x25x80xi32, #tpu.memory_space<hbm>>
    %dma_start3A_117 = tpu.memref_squeeze %dma_start3A_116 : memref<1x25x80xi32, #tpu.memory_space<hbm>> -> memref<25x80xi32, #tpu.memory_space<hbm>>
    tpu.enqueue_dma source(%dma_start3A_117 : memref<25x80xi32, #tpu.memory_space<hbm>>) target(%arg16 : memref<25x80xi32, #tpu.memory_space<vmem>>) target_semaphore(%arg27 : memref<!tpu.dma_semaphore, #tpu.memory_space<semaphore_mem>>)
    %eq3A_118 = arith.constant 0 : i32
    %eq3A_119 = arith.cmpi eq, %arg0, %eq3A_118 : i32
    %convert_element_type3A_120 = arith.extui %eq3A_119 : i1 to i32
    %cond3A_121 = arith.constant 0 : i32
    %cond3A_122 = arith.cmpi ne, %convert_element_type3A_120, %cond3A_121 : i32
    scf.if %cond3A_122 {
      %dma_start3A_645 = arith.constant 0 : i32
      %dma_start3A_646 = arith.constant 0 : i32
      %dma_start3A_647 = tpu.memref_slice %arg13[%dma_start3A_645, %dma_start3A_646] : memref<25x80xi32, #tpu.memory_space<vmem>> -> memref<1x80xi32, #tpu.memory_space<vmem>>
      %dma_start3A_648 = tpu.memref_squeeze %dma_start3A_647 : memref<1x80xi32, #tpu.memory_space<vmem>> -> memref<80xi32, #tpu.memory_space<vmem>>
      %dma_start3A_649 = arith.constant 0 : i32
      %dma_start3A_650 = arith.constant 0 : i32
      %dma_start3A_651 = tpu.memref_slice %arg2[%dma_start3A_649, %dma_start3A_650] : memref<10000x128xf32, #tpu.memory_space<hbm>> -> memref<10000x128xf32, #tpu.memory_space<hbm>>
      tpu.enqueue_indirect_dma source(%dma_start3A_651 : memref<10000x128xf32, #tpu.memory_space<hbm>>) target(%arg17 : memref<80x128xf32, #tpu.memory_space<vmem>>) offsets(%dma_start3A_648 : memref<80xi32, #tpu.memory_space<vmem>>) semaphore(%arg23 : memref<!tpu.dma_semaphore, #tpu.memory_space<semaphore_mem>>)
    } else {
    }
    %eq3A_123 = arith.constant 1 : i32
    %eq3A_124 = arith.cmpi eq, %arg0, %eq3A_123 : i32
    %convert_element_type3A_125 = arith.extui %eq3A_124 : i1 to i32
    %cond3A_126 = arith.constant 0 : i32
    %cond3A_127 = arith.cmpi ne, %convert_element_type3A_125, %cond3A_126 : i32
    scf.if %cond3A_127 {
      %dma_start3A_645 = arith.constant 0 : i32
      %dma_start3A_646 = arith.constant 0 : i32
      %dma_start3A_647 = tpu.memref_slice %arg13[%dma_start3A_645, %dma_start3A_646] : memref<25x80xi32, #tpu.memory_space<vmem>> -> memref<1x80xi32, #tpu.memory_space<vmem>>
      %dma_start3A_648 = tpu.memref_squeeze %dma_start3A_647 : memref<1x80xi32, #tpu.memory_space<vmem>> -> memref<80xi32, #tpu.memory_space<vmem>>
      %dma_start3A_649 = arith.constant 0 : i32
      %dma_start3A_650 = arith.constant 0 : i32
      %dma_start3A_651 = tpu.memref_slice %arg3[%dma_start3A_649, %dma_start3A_650] : memref<10000x128xf32, #tpu.memory_space<hbm>> -> memref<10000x128xf32, #tpu.memory_space<hbm>>
      tpu.enqueue_indirect_dma source(%dma_start3A_651 : memref<10000x128xf32, #tpu.memory_space<hbm>>) target(%arg17 : memref<80x128xf32, #tpu.memory_space<vmem>>) offsets(%dma_start3A_648 : memref<80xi32, #tpu.memory_space<vmem>>) semaphore(%arg23 : memref<!tpu.dma_semaphore, #tpu.memory_space<semaphore_mem>>)
    } else {
    }
    %eq3A_128 = arith.constant 0 : i32
    %eq3A_129 = arith.cmpi eq, %arg0, %eq3A_128 : i32
    %convert_element_type3A_130 = arith.extui %eq3A_129 : i1 to i32
    %cond3A_131 = arith.constant 0 : i32
    %cond3A_132 = arith.cmpi ne, %convert_element_type3A_130, %cond3A_131 : i32
    scf.if %cond3A_132 {
      %dma_start3A_645 = arith.constant 1 : i32
      %dma_start3A_646 = arith.constant 0 : i32
      %dma_start3A_647 = tpu.memref_slice %arg13[%dma_start3A_645, %dma_start3A_646] : memref<25x80xi32, #tpu.memory_space<vmem>> -> memref<1x80xi32, #tpu.memory_space<vmem>>
      %dma_start3A_648 = tpu.memref_squeeze %dma_start3A_647 : memref<1x80xi32, #tpu.memory_space<vmem>> -> memref<80xi32, #tpu.memory_space<vmem>>
      %dma_start3A_649 = arith.constant 0 : i32
      %dma_start3A_650 = arith.constant 0 : i32
      %dma_start3A_651 = tpu.memref_slice %arg2[%dma_start3A_649, %dma_start3A_650] : memref<10000x128xf32, #tpu.memory_space<hbm>> -> memref<10000x128xf32, #tpu.memory_space<hbm>>
      tpu.enqueue_indirect_dma source(%dma_start3A_651 : memref<10000x128xf32, #tpu.memory_space<hbm>>) target(%arg18 : memref<80x128xf32, #tpu.memory_space<vmem>>) offsets(%dma_start3A_648 : memref<80xi32, #tpu.memory_space<vmem>>) semaphore(%arg24 : memref<!tpu.dma_semaphore, #tpu.memory_space<semaphore_mem>>)
    } else {
    }
    %eq3A_133 = arith.constant 1 : i32
    %eq3A_134 = arith.cmpi eq, %arg0, %eq3A_133 : i32
    %convert_element_type3A_135 = arith.extui %eq3A_134 : i1 to i32
    %cond3A_136 = arith.constant 0 : i32
    %cond3A_137 = arith.cmpi ne, %convert_element_type3A_135, %cond3A_136 : i32
    scf.if %cond3A_137 {
      %dma_start3A_645 = arith.constant 1 : i32
      %dma_start3A_646 = arith.constant 0 : i32
      %dma_start3A_647 = tpu.memref_slice %arg13[%dma_start3A_645, %dma_start3A_646] : memref<25x80xi32, #tpu.memory_space<vmem>> -> memref<1x80xi32, #tpu.memory_space<vmem>>
      %dma_start3A_648 = tpu.memref_squeeze %dma_start3A_647 : memref<1x80xi32, #tpu.memory_space<vmem>> -> memref<80xi32, #tpu.memory_space<vmem>>
      %dma_start3A_649 = arith.constant 0 : i32
      %dma_start3A_650 = arith.constant 0 : i32
      %dma_start3A_651 = tpu.memref_slice %arg3[%dma_start3A_649, %dma_start3A_650] : memref<10000x128xf32, #tpu.memory_space<hbm>> -> memref<10000x128xf32, #tpu.memory_space<hbm>>
      tpu.enqueue_indirect_dma source(%dma_start3A_651 : memref<10000x128xf32, #tpu.memory_space<hbm>>) target(%arg18 : memref<80x128xf32, #tpu.memory_space<vmem>>) offsets(%dma_start3A_648 : memref<80xi32, #tpu.memory_space<vmem>>) semaphore(%arg24 : memref<!tpu.dma_semaphore, #tpu.memory_space<semaphore_mem>>)
    } else {
    }
    %scan3A = arith.constant 0 : i32
    %scan3A_138 = arith.constant 8 : i32
    %scan3A_139 = arith.addi %scan3A, %scan3A_138 : i32
    %scan3A_140 = arith.constant 1 : i32
    scf.for %scan3A_645 = %scan3A to %scan3A_139 step %scan3A_140  : i32 {
      %mul3A_646 = arith.constant 3 : i32
      %mul3A_647 = arith.muli %mul3A_646, %scan3A_645 : i32
      %add3A = arith.constant 2 : i32
      %add3A_648 = arith.addi %mul3A_647, %add3A : i32
      %eq3A_649 = arith.constant 0 : i32
      %eq3A_650 = arith.cmpi eq, %arg0, %eq3A_649 : i32
      %convert_element_type3A_651 = arith.extui %eq3A_650 : i1 to i32
      %cond3A_652 = arith.constant 0 : i32
      %cond3A_653 = arith.cmpi ne, %convert_element_type3A_651, %cond3A_652 : i32
      scf.if %cond3A_653 {
        %dma_start3A_726 = arith.constant 0 : i32
        %dma_start3A_727 = tpu.memref_slice %arg13[%add3A_648, %dma_start3A_726] : memref<25x80xi32, #tpu.memory_space<vmem>> -> memref<1x80xi32, #tpu.memory_space<vmem>>
        %dma_start3A_728 = tpu.memref_squeeze %dma_start3A_727 : memref<1x80xi32, #tpu.memory_space<vmem>> -> memref<80xi32, #tpu.memory_space<vmem>>
        %dma_start3A_729 = arith.constant 0 : i32
        %dma_start3A_730 = arith.constant 0 : i32
        %dma_start3A_731 = tpu.memref_slice %arg2[%dma_start3A_729, %dma_start3A_730] : memref<10000x128xf32, #tpu.memory_space<hbm>> -> memref<10000x128xf32, #tpu.memory_space<hbm>>
        tpu.enqueue_indirect_dma source(%dma_start3A_731 : memref<10000x128xf32, #tpu.memory_space<hbm>>) target(%arg19 : memref<80x128xf32, #tpu.memory_space<vmem>>) offsets(%dma_start3A_728 : memref<80xi32, #tpu.memory_space<vmem>>) semaphore(%arg25 : memref<!tpu.dma_semaphore, #tpu.memory_space<semaphore_mem>>)
      } else {
      }
      %eq3A_654 = arith.constant 1 : i32
      %eq3A_655 = arith.cmpi eq, %arg0, %eq3A_654 : i32
      %convert_element_type3A_656 = arith.extui %eq3A_655 : i1 to i32
      %cond3A_657 = arith.constant 0 : i32
      %cond3A_658 = arith.cmpi ne, %convert_element_type3A_656, %cond3A_657 : i32
      scf.if %cond3A_658 {
        %dma_start3A_726 = arith.constant 0 : i32
        %dma_start3A_727 = tpu.memref_slice %arg13[%add3A_648, %dma_start3A_726] : memref<25x80xi32, #tpu.memory_space<vmem>> -> memref<1x80xi32, #tpu.memory_space<vmem>>
        %dma_start3A_728 = tpu.memref_squeeze %dma_start3A_727 : memref<1x80xi32, #tpu.memory_space<vmem>> -> memref<80xi32, #tpu.memory_space<vmem>>
        %dma_start3A_729 = arith.constant 0 : i32
        %dma_start3A_730 = arith.constant 0 : i32
        %dma_start3A_731 = tpu.memref_slice %arg3[%dma_start3A_729, %dma_start3A_730] : memref<10000x128xf32, #tpu.memory_space<hbm>> -> memref<10000x128xf32, #tpu.memory_space<hbm>>
        tpu.enqueue_indirect_dma source(%dma_start3A_731 : memref<10000x128xf32, #tpu.memory_space<hbm>>) target(%arg19 : memref<80x128xf32, #tpu.memory_space<vmem>>) offsets(%dma_start3A_728 : memref<80xi32, #tpu.memory_space<vmem>>) semaphore(%arg25 : memref<!tpu.dma_semaphore, #tpu.memory_space<semaphore_mem>>)
      } else {
      }
      %eq3A_659 = arith.constant 0 : i32
      %eq3A_660 = arith.cmpi eq, %arg0, %eq3A_659 : i32
      %convert_element_type3A_661 = arith.extui %eq3A_660 : i1 to i32
      %cond3A_662 = arith.constant 0 : i32
      %cond3A_663 = arith.cmpi ne, %convert_element_type3A_661, %cond3A_662 : i32
      scf.if %cond3A_663 {
        %dma_wait3A_726 = arith.constant 0 : i32
        %dma_wait3A_727 = tpu.memref_slice %arg13[%mul3A_647, %dma_wait3A_726] : memref<25x80xi32, #tpu.memory_space<vmem>> -> memref<1x80xi32, #tpu.memory_space<vmem>>
        %dma_wait3A_728 = tpu.memref_squeeze %dma_wait3A_727 : memref<1x80xi32, #tpu.memory_space<vmem>> -> memref<80xi32, #tpu.memory_space<vmem>>
        %dma_wait3A_729 = arith.constant 0 : i32
        %dma_wait3A_730 = arith.constant 0 : i32
        %dma_wait3A_731 = tpu.memref_slice %arg2[%dma_wait3A_729, %dma_wait3A_730] : memref<10000x128xf32, #tpu.memory_space<hbm>> -> memref<10000x128xf32, #tpu.memory_space<hbm>>
        tpu.wait_indirect_dma semaphore(%arg23 : memref<!tpu.dma_semaphore, #tpu.memory_space<semaphore_mem>>) src(%dma_wait3A_731 : memref<10000x128xf32, #tpu.memory_space<hbm>>) dst(%arg17 : memref<80x128xf32, #tpu.memory_space<vmem>>)
      } else {
      }
      %eq3A_664 = arith.constant 1 : i32
      %eq3A_665 = arith.cmpi eq, %arg0, %eq3A_664 : i32
      %convert_element_type3A_666 = arith.extui %eq3A_665 : i1 to i32
      %cond3A_667 = arith.constant 0 : i32
      %cond3A_668 = arith.cmpi ne, %convert_element_type3A_666, %cond3A_667 : i32
      scf.if %cond3A_668 {
        %dma_wait3A_726 = arith.constant 0 : i32
        %dma_wait3A_727 = tpu.memref_slice %arg13[%mul3A_647, %dma_wait3A_726] : memref<25x80xi32, #tpu.memory_space<vmem>> -> memref<1x80xi32, #tpu.memory_space<vmem>>
        %dma_wait3A_728 = tpu.memref_squeeze %dma_wait3A_727 : memref<1x80xi32, #tpu.memory_space<vmem>> -> memref<80xi32, #tpu.memory_space<vmem>>
        %dma_wait3A_729 = arith.constant 0 : i32
        %dma_wait3A_730 = arith.constant 0 : i32
        %dma_wait3A_731 = tpu.memref_slice %arg3[%dma_wait3A_729, %dma_wait3A_730] : memref<10000x128xf32, #tpu.memory_space<hbm>> -> memref<10000x128xf32, #tpu.memory_space<hbm>>
        tpu.wait_indirect_dma semaphore(%arg23 : memref<!tpu.dma_semaphore, #tpu.memory_space<semaphore_mem>>) src(%dma_wait3A_731 : memref<10000x128xf32, #tpu.memory_space<hbm>>) dst(%arg17 : memref<80x128xf32, #tpu.memory_space<vmem>>)
      } else {
      }
      "tpu.region"() ({
        %run_scoped3A_726 = tpu.sem_alloc : memref<!tpu.dma_semaphore, #tpu.memory_space<semaphore_mem>>
        %dma_start3A_727 = arith.constant 0 : i32
        %dma_start3A_728 = tpu.memref_slice %arg14[%mul3A_647, %dma_start3A_727] : memref<25x80xi32, #tpu.memory_space<vmem>> -> memref<1x80xi32, #tpu.memory_space<vmem>>
        %dma_start3A_729 = tpu.memref_squeeze %dma_start3A_728 : memref<1x80xi32, #tpu.memory_space<vmem>> -> memref<80xi32, #tpu.memory_space<vmem>>
        %dma_start3A_730 = arith.constant 0 : i32
        %dma_start3A_731 = arith.constant 0 : i32
        %dma_start3A_732 = tpu.memref_slice %arg21[%dma_start3A_730, %dma_start3A_731] : memref<10000x128xf32, #tpu.memory_space<vmem_shared>> -> memref<10000x128xf32, #tpu.memory_space<vmem_shared>>
        tpu.enqueue_indirect_dma source(%arg17 : memref<80x128xf32, #tpu.memory_space<vmem>>) target(%dma_start3A_732 : memref<10000x128xf32, #tpu.memory_space<vmem_shared>>) offsets(%dma_start3A_729 : memref<80xi32, #tpu.memory_space<vmem>>) semaphore(%run_scoped3A_726 : memref<!tpu.dma_semaphore, #tpu.memory_space<semaphore_mem>>) {add = true}
        %dma_wait3A_733 = arith.constant 0 : i32
        %dma_wait3A_734 = tpu.memref_slice %arg14[%mul3A_647, %dma_wait3A_733] : memref<25x80xi32, #tpu.memory_space<vmem>> -> memref<1x80xi32, #tpu.memory_space<vmem>>
        %dma_wait3A_735 = tpu.memref_squeeze %dma_wait3A_734 : memref<1x80xi32, #tpu.memory_space<vmem>> -> memref<80xi32, #tpu.memory_space<vmem>>
        %dma_wait3A_736 = arith.constant 0 : i32
        %dma_wait3A_737 = arith.constant 0 : i32
        %dma_wait3A_738 = tpu.memref_slice %arg21[%dma_wait3A_736, %dma_wait3A_737] : memref<10000x128xf32, #tpu.memory_space<vmem_shared>> -> memref<10000x128xf32, #tpu.memory_space<vmem_shared>>
        tpu.wait_indirect_dma semaphore(%run_scoped3A_726 : memref<!tpu.dma_semaphore, #tpu.memory_space<semaphore_mem>>) src(%arg17 : memref<80x128xf32, #tpu.memory_space<vmem>>) dst(%dma_wait3A_738 : memref<10000x128xf32, #tpu.memory_space<vmem_shared>>)
        tpu.yield
      }) : () -> ()
      %eq3A_669 = arith.constant 0 : i32
      %eq3A_670 = arith.cmpi eq, %arg0, %eq3A_669 : i32
      %convert_element_type3A_671 = arith.extui %eq3A_670 : i1 to i32
      %cond3A_672 = arith.constant 0 : i32
      %cond3A_673 = arith.cmpi ne, %convert_element_type3A_671, %cond3A_672 : i32
      scf.if %cond3A_673 {
        %dma_start3A_726 = arith.constant 0 : i32
        %dma_start3A_727 = tpu.memref_slice %arg14[%mul3A_647, %dma_start3A_726] : memref<25x80xi32, #tpu.memory_space<vmem>> -> memref<1x80xi32, #tpu.memory_space<vmem>>
        %dma_start3A_728 = tpu.memref_squeeze %dma_start3A_727 : memref<1x80xi32, #tpu.memory_space<vmem>> -> memref<80xi32, #tpu.memory_space<vmem>>
        %dma_start3A_729 = arith.constant 0 : i32
        %dma_start3A_730 = tpu.memref_slice %arg22[%dma_start3A_729] : memref<10000xf32, #tpu.memory_space<vmem_shared>> -> memref<10000xf32, #tpu.memory_space<vmem_shared>>
        tpu.enqueue_indirect_dma source(%arg20 : memref<80xf32, #tpu.memory_space<vmem>>) target(%dma_start3A_730 : memref<10000xf32, #tpu.memory_space<vmem_shared>>) offsets(%dma_start3A_728 : memref<80xi32, #tpu.memory_space<vmem>>) semaphore(%arg26 : memref<!tpu.dma_semaphore, #tpu.memory_space<semaphore_mem>>) {add = true}
      } else {
      }
      %add3A_674 = arith.constant 3 : i32
      %add3A_675 = arith.addi %mul3A_647, %add3A_674 : i32
      %lt3A_676 = arith.constant 25 : i32
      %lt3A_677 = arith.cmpi slt, %add3A_675, %lt3A_676 : i32
      %convert_element_type3A_678 = arith.extui %lt3A_677 : i1 to i32
      %cond3A_679 = arith.constant 0 : i32
      %cond3A_680 = arith.cmpi ne, %convert_element_type3A_678, %cond3A_679 : i32
      scf.if %cond3A_680 {
        %add3A_726 = arith.constant 3 : i32
        %add3A_727 = arith.addi %mul3A_647, %add3A_726 : i32
        %eq3A_728 = arith.constant 0 : i32
        %eq3A_729 = arith.cmpi eq, %arg0, %eq3A_728 : i32
        %convert_element_type3A_730 = arith.extui %eq3A_729 : i1 to i32
        %cond3A_731 = arith.constant 0 : i32
        %cond3A_732 = arith.cmpi ne, %convert_element_type3A_730, %cond3A_731 : i32
        scf.if %cond3A_732 {
          %dma_start3A_738 = arith.constant 0 : i32
          %dma_start3A_739 = tpu.memref_slice %arg13[%add3A_727, %dma_start3A_738] : memref<25x80xi32, #tpu.memory_space<vmem>> -> memref<1x80xi32, #tpu.memory_space<vmem>>
          %dma_start3A_740 = tpu.memref_squeeze %dma_start3A_739 : memref<1x80xi32, #tpu.memory_space<vmem>> -> memref<80xi32, #tpu.memory_space<vmem>>
          %dma_start3A_741 = arith.constant 0 : i32
          %dma_start3A_742 = arith.constant 0 : i32
          %dma_start3A_743 = tpu.memref_slice %arg2[%dma_start3A_741, %dma_start3A_742] : memref<10000x128xf32, #tpu.memory_space<hbm>> -> memref<10000x128xf32, #tpu.memory_space<hbm>>
          tpu.enqueue_indirect_dma source(%dma_start3A_743 : memref<10000x128xf32, #tpu.memory_space<hbm>>) target(%arg17 : memref<80x128xf32, #tpu.memory_space<vmem>>) offsets(%dma_start3A_740 : memref<80xi32, #tpu.memory_space<vmem>>) semaphore(%arg23 : memref<!tpu.dma_semaphore, #tpu.memory_space<semaphore_mem>>)
        } else {
        }
        %eq3A_733 = arith.constant 1 : i32
        %eq3A_734 = arith.cmpi eq, %arg0, %eq3A_733 : i32
        %convert_element_type3A_735 = arith.extui %eq3A_734 : i1 to i32
        %cond3A_736 = arith.constant 0 : i32
        %cond3A_737 = arith.cmpi ne, %convert_element_type3A_735, %cond3A_736 : i32
        scf.if %cond3A_737 {
          %dma_start3A_738 = arith.constant 0 : i32
          %dma_start3A_739 = tpu.memref_slice %arg13[%add3A_727, %dma_start3A_738] : memref<25x80xi32, #tpu.memory_space<vmem>> -> memref<1x80xi32, #tpu.memory_space<vmem>>
          %dma_start3A_740 = tpu.memref_squeeze %dma_start3A_739 : memref<1x80xi32, #tpu.memory_space<vmem>> -> memref<80xi32, #tpu.memory_space<vmem>>
          %dma_start3A_741 = arith.constant 0 : i32
          %dma_start3A_742 = arith.constant 0 : i32
          %dma_start3A_743 = tpu.memref_slice %arg3[%dma_start3A_741, %dma_start3A_742] : memref<10000x128xf32, #tpu.memory_space<hbm>> -> memref<10000x128xf32, #tpu.memory_space<hbm>>
          tpu.enqueue_indirect_dma source(%dma_start3A_743 : memref<10000x128xf32, #tpu.memory_space<hbm>>) target(%arg17 : memref<80x128xf32, #tpu.memory_space<vmem>>) offsets(%dma_start3A_740 : memref<80xi32, #tpu.memory_space<vmem>>) semaphore(%arg23 : memref<!tpu.dma_semaphore, #tpu.memory_space<semaphore_mem>>)
        } else {
        }
      } else {
      }
      %add3A_681 = arith.constant 1 : i32
      %add3A_682 = arith.addi %mul3A_647, %add3A_681 : i32
      %eq3A_683 = arith.constant 0 : i32
      %eq3A_684 = arith.cmpi eq, %arg0, %eq3A_683 : i32
      %convert_element_type3A_685 = arith.extui %eq3A_684 : i1 to i32
      %cond3A_686 = arith.constant 0 : i32
      %cond3A_687 = arith.cmpi ne, %convert_element_type3A_685, %cond3A_686 : i32
      scf.if %cond3A_687 {
        %dma_wait3A_726 = arith.constant 0 : i32
        %dma_wait3A_727 = tpu.memref_slice %arg13[%add3A_682, %dma_wait3A_726] : memref<25x80xi32, #tpu.memory_space<vmem>> -> memref<1x80xi32, #tpu.memory_space<vmem>>
        %dma_wait3A_728 = tpu.memref_squeeze %dma_wait3A_727 : memref<1x80xi32, #tpu.memory_space<vmem>> -> memref<80xi32, #tpu.memory_space<vmem>>
        %dma_wait3A_729 = arith.constant 0 : i32
        %dma_wait3A_730 = arith.constant 0 : i32
        %dma_wait3A_731 = tpu.memref_slice %arg2[%dma_wait3A_729, %dma_wait3A_730] : memref<10000x128xf32, #tpu.memory_space<hbm>> -> memref<10000x128xf32, #tpu.memory_space<hbm>>
        tpu.wait_indirect_dma semaphore(%arg24 : memref<!tpu.dma_semaphore, #tpu.memory_space<semaphore_mem>>) src(%dma_wait3A_731 : memref<10000x128xf32, #tpu.memory_space<hbm>>) dst(%arg18 : memref<80x128xf32, #tpu.memory_space<vmem>>)
      } else {
      }
      %eq3A_688 = arith.constant 1 : i32
      %eq3A_689 = arith.cmpi eq, %arg0, %eq3A_688 : i32
      %convert_element_type3A_690 = arith.extui %eq3A_689 : i1 to i32
      %cond3A_691 = arith.constant 0 : i32
      %cond3A_692 = arith.cmpi ne, %convert_element_type3A_690, %cond3A_691 : i32
      scf.if %cond3A_692 {
        %dma_wait3A_726 = arith.constant 0 : i32
        %dma_wait3A_727 = tpu.memref_slice %arg13[%add3A_682, %dma_wait3A_726] : memref<25x80xi32, #tpu.memory_space<vmem>> -> memref<1x80xi32, #tpu.memory_space<vmem>>
        %dma_wait3A_728 = tpu.memref_squeeze %dma_wait3A_727 : memref<1x80xi32, #tpu.memory_space<vmem>> -> memref<80xi32, #tpu.memory_space<vmem>>
        %dma_wait3A_729 = arith.constant 0 : i32
        %dma_wait3A_730 = arith.constant 0 : i32
        %dma_wait3A_731 = tpu.memref_slice %arg3[%dma_wait3A_729, %dma_wait3A_730] : memref<10000x128xf32, #tpu.memory_space<hbm>> -> memref<10000x128xf32, #tpu.memory_space<hbm>>
        tpu.wait_indirect_dma semaphore(%arg24 : memref<!tpu.dma_semaphore, #tpu.memory_space<semaphore_mem>>) src(%dma_wait3A_731 : memref<10000x128xf32, #tpu.memory_space<hbm>>) dst(%arg18 : memref<80x128xf32, #tpu.memory_space<vmem>>)
      } else {
      }
      %add3A_693 = arith.constant 1 : i32
      %add3A_694 = arith.addi %mul3A_647, %add3A_693 : i32
      "tpu.region"() ({
        %run_scoped3A_726 = tpu.sem_alloc : memref<!tpu.dma_semaphore, #tpu.memory_space<semaphore_mem>>
        %dma_start3A_727 = arith.constant 0 : i32
        %dma_start3A_728 = tpu.memref_slice %arg14[%add3A_694, %dma_start3A_727] : memref<25x80xi32, #tpu.memory_space<vmem>> -> memref<1x80xi32, #tpu.memory_space<vmem>>
        %dma_start3A_729 = tpu.memref_squeeze %dma_start3A_728 : memref<1x80xi32, #tpu.memory_space<vmem>> -> memref<80xi32, #tpu.memory_space<vmem>>
        %dma_start3A_730 = arith.constant 0 : i32
        %dma_start3A_731 = arith.constant 0 : i32
        %dma_start3A_732 = tpu.memref_slice %arg21[%dma_start3A_730, %dma_start3A_731] : memref<10000x128xf32, #tpu.memory_space<vmem_shared>> -> memref<10000x128xf32, #tpu.memory_space<vmem_shared>>
        tpu.enqueue_indirect_dma source(%arg18 : memref<80x128xf32, #tpu.memory_space<vmem>>) target(%dma_start3A_732 : memref<10000x128xf32, #tpu.memory_space<vmem_shared>>) offsets(%dma_start3A_729 : memref<80xi32, #tpu.memory_space<vmem>>) semaphore(%run_scoped3A_726 : memref<!tpu.dma_semaphore, #tpu.memory_space<semaphore_mem>>) {add = true}
        %dma_wait3A_733 = arith.constant 0 : i32
        %dma_wait3A_734 = tpu.memref_slice %arg14[%add3A_694, %dma_wait3A_733] : memref<25x80xi32, #tpu.memory_space<vmem>> -> memref<1x80xi32, #tpu.memory_space<vmem>>
        %dma_wait3A_735 = tpu.memref_squeeze %dma_wait3A_734 : memref<1x80xi32, #tpu.memory_space<vmem>> -> memref<80xi32, #tpu.memory_space<vmem>>
        %dma_wait3A_736 = arith.constant 0 : i32
        %dma_wait3A_737 = arith.constant 0 : i32
        %dma_wait3A_738 = tpu.memref_slice %arg21[%dma_wait3A_736, %dma_wait3A_737] : memref<10000x128xf32, #tpu.memory_space<vmem_shared>> -> memref<10000x128xf32, #tpu.memory_space<vmem_shared>>
        tpu.wait_indirect_dma semaphore(%run_scoped3A_726 : memref<!tpu.dma_semaphore, #tpu.memory_space<semaphore_mem>>) src(%arg18 : memref<80x128xf32, #tpu.memory_space<vmem>>) dst(%dma_wait3A_738 : memref<10000x128xf32, #tpu.memory_space<vmem_shared>>)
        tpu.yield
      }) : () -> ()
      %eq3A_695 = arith.constant 0 : i32
      %eq3A_696 = arith.cmpi eq, %arg0, %eq3A_695 : i32
      %convert_element_type3A_697 = arith.extui %eq3A_696 : i1 to i32
      %cond3A_698 = arith.constant 0 : i32
      %cond3A_699 = arith.cmpi ne, %convert_element_type3A_697, %cond3A_698 : i32
      scf.if %cond3A_699 {
        %dma_start3A_726 = arith.constant 0 : i32
        %dma_start3A_727 = tpu.memref_slice %arg14[%add3A_694, %dma_start3A_726] : memref<25x80xi32, #tpu.memory_space<vmem>> -> memref<1x80xi32, #tpu.memory_space<vmem>>
        %dma_start3A_728 = tpu.memref_squeeze %dma_start3A_727 : memref<1x80xi32, #tpu.memory_space<vmem>> -> memref<80xi32, #tpu.memory_space<vmem>>
        %dma_start3A_729 = arith.constant 0 : i32
        %dma_start3A_730 = tpu.memref_slice %arg22[%dma_start3A_729] : memref<10000xf32, #tpu.memory_space<vmem_shared>> -> memref<10000xf32, #tpu.memory_space<vmem_shared>>
        tpu.enqueue_indirect_dma source(%arg20 : memref<80xf32, #tpu.memory_space<vmem>>) target(%dma_start3A_730 : memref<10000xf32, #tpu.memory_space<vmem_shared>>) offsets(%dma_start3A_728 : memref<80xi32, #tpu.memory_space<vmem>>) semaphore(%arg26 : memref<!tpu.dma_semaphore, #tpu.memory_space<semaphore_mem>>) {add = true}
      } else {
      }
      %add3A_700 = arith.constant 4 : i32
      %add3A_701 = arith.addi %mul3A_647, %add3A_700 : i32
      %lt3A_702 = arith.constant 25 : i32
      %lt3A_703 = arith.cmpi slt, %add3A_701, %lt3A_702 : i32
      %convert_element_type3A_704 = arith.extui %lt3A_703 : i1 to i32
      %cond3A_705 = arith.constant 0 : i32
      %cond3A_706 = arith.cmpi ne, %convert_element_type3A_704, %cond3A_705 : i32
      scf.if %cond3A_706 {
        %add3A_726 = arith.constant 4 : i32
        %add3A_727 = arith.addi %mul3A_647, %add3A_726 : i32
        %eq3A_728 = arith.constant 0 : i32
        %eq3A_729 = arith.cmpi eq, %arg0, %eq3A_728 : i32
        %convert_element_type3A_730 = arith.extui %eq3A_729 : i1 to i32
        %cond3A_731 = arith.constant 0 : i32
        %cond3A_732 = arith.cmpi ne, %convert_element_type3A_730, %cond3A_731 : i32
        scf.if %cond3A_732 {
          %dma_start3A_738 = arith.constant 0 : i32
          %dma_start3A_739 = tpu.memref_slice %arg13[%add3A_727, %dma_start3A_738] : memref<25x80xi32, #tpu.memory_space<vmem>> -> memref<1x80xi32, #tpu.memory_space<vmem>>
          %dma_start3A_740 = tpu.memref_squeeze %dma_start3A_739 : memref<1x80xi32, #tpu.memory_space<vmem>> -> memref<80xi32, #tpu.memory_space<vmem>>
          %dma_start3A_741 = arith.constant 0 : i32
          %dma_start3A_742 = arith.constant 0 : i32
          %dma_start3A_743 = tpu.memref_slice %arg2[%dma_start3A_741, %dma_start3A_742] : memref<10000x128xf32, #tpu.memory_space<hbm>> -> memref<10000x128xf32, #tpu.memory_space<hbm>>
          tpu.enqueue_indirect_dma source(%dma_start3A_743 : memref<10000x128xf32, #tpu.memory_space<hbm>>) target(%arg18 : memref<80x128xf32, #tpu.memory_space<vmem>>) offsets(%dma_start3A_740 : memref<80xi32, #tpu.memory_space<vmem>>) semaphore(%arg24 : memref<!tpu.dma_semaphore, #tpu.memory_space<semaphore_mem>>)
        } else {
        }
        %eq3A_733 = arith.constant 1 : i32
        %eq3A_734 = arith.cmpi eq, %arg0, %eq3A_733 : i32
        %convert_element_type3A_735 = arith.extui %eq3A_734 : i1 to i32
        %cond3A_736 = arith.constant 0 : i32
        %cond3A_737 = arith.cmpi ne, %convert_element_type3A_735, %cond3A_736 : i32
        scf.if %cond3A_737 {
          %dma_start3A_738 = arith.constant 0 : i32
          %dma_start3A_739 = tpu.memref_slice %arg13[%add3A_727, %dma_start3A_738] : memref<25x80xi32, #tpu.memory_space<vmem>> -> memref<1x80xi32, #tpu.memory_space<vmem>>
          %dma_start3A_740 = tpu.memref_squeeze %dma_start3A_739 : memref<1x80xi32, #tpu.memory_space<vmem>> -> memref<80xi32, #tpu.memory_space<vmem>>
          %dma_start3A_741 = arith.constant 0 : i32
          %dma_start3A_742 = arith.constant 0 : i32
          %dma_start3A_743 = tpu.memref_slice %arg3[%dma_start3A_741, %dma_start3A_742] : memref<10000x128xf32, #tpu.memory_space<hbm>> -> memref<10000x128xf32, #tpu.memory_space<hbm>>
          tpu.enqueue_indirect_dma source(%dma_start3A_743 : memref<10000x128xf32, #tpu.memory_space<hbm>>) target(%arg18 : memref<80x128xf32, #tpu.memory_space<vmem>>) offsets(%dma_start3A_740 : memref<80xi32, #tpu.memory_space<vmem>>) semaphore(%arg24 : memref<!tpu.dma_semaphore, #tpu.memory_space<semaphore_mem>>)
        } else {
        }
      } else {
      }
      %add3A_707 = arith.constant 2 : i32
      %add3A_708 = arith.addi %mul3A_647, %add3A_707 : i32
      %eq3A_709 = arith.constant 0 : i32
      %eq3A_710 = arith.cmpi eq, %arg0, %eq3A_709 : i32
      %convert_element_type3A_711 = arith.extui %eq3A_710 : i1 to i32
      %cond3A_712 = arith.constant 0 : i32
      %cond3A_713 = arith.cmpi ne, %convert_element_type3A_711, %cond3A_712 : i32
      scf.if %cond3A_713 {
        %dma_wait3A_726 = arith.constant 0 : i32
        %dma_wait3A_727 = tpu.memref_slice %arg13[%add3A_708, %dma_wait3A_726] : memref<25x80xi32, #tpu.memory_space<vmem>> -> memref<1x80xi32, #tpu.memory_space<vmem>>
        %dma_wait3A_728 = tpu.memref_squeeze %dma_wait3A_727 : memref<1x80xi32, #tpu.memory_space<vmem>> -> memref<80xi32, #tpu.memory_space<vmem>>
        %dma_wait3A_729 = arith.constant 0 : i32
        %dma_wait3A_730 = arith.constant 0 : i32
        %dma_wait3A_731 = tpu.memref_slice %arg2[%dma_wait3A_729, %dma_wait3A_730] : memref<10000x128xf32, #tpu.memory_space<hbm>> -> memref<10000x128xf32, #tpu.memory_space<hbm>>
        tpu.wait_indirect_dma semaphore(%arg25 : memref<!tpu.dma_semaphore, #tpu.memory_space<semaphore_mem>>) src(%dma_wait3A_731 : memref<10000x128xf32, #tpu.memory_space<hbm>>) dst(%arg19 : memref<80x128xf32, #tpu.memory_space<vmem>>)
      } else {
      }
      %eq3A_714 = arith.constant 1 : i32
      %eq3A_715 = arith.cmpi eq, %arg0, %eq3A_714 : i32
      %convert_element_type3A_716 = arith.extui %eq3A_715 : i1 to i32
      %cond3A_717 = arith.constant 0 : i32
      %cond3A_718 = arith.cmpi ne, %convert_element_type3A_716, %cond3A_717 : i32
      scf.if %cond3A_718 {
        %dma_wait3A_726 = arith.constant 0 : i32
        %dma_wait3A_727 = tpu.memref_slice %arg13[%add3A_708, %dma_wait3A_726] : memref<25x80xi32, #tpu.memory_space<vmem>> -> memref<1x80xi32, #tpu.memory_space<vmem>>
        %dma_wait3A_728 = tpu.memref_squeeze %dma_wait3A_727 : memref<1x80xi32, #tpu.memory_space<vmem>> -> memref<80xi32, #tpu.memory_space<vmem>>
        %dma_wait3A_729 = arith.constant 0 : i32
        %dma_wait3A_730 = arith.constant 0 : i32
        %dma_wait3A_731 = tpu.memref_slice %arg3[%dma_wait3A_729, %dma_wait3A_730] : memref<10000x128xf32, #tpu.memory_space<hbm>> -> memref<10000x128xf32, #tpu.memory_space<hbm>>
        tpu.wait_indirect_dma semaphore(%arg25 : memref<!tpu.dma_semaphore, #tpu.memory_space<semaphore_mem>>) src(%dma_wait3A_731 : memref<10000x128xf32, #tpu.memory_space<hbm>>) dst(%arg19 : memref<80x128xf32, #tpu.memory_space<vmem>>)
      } else {
      }
      %add3A_719 = arith.constant 2 : i32
      %add3A_720 = arith.addi %mul3A_647, %add3A_719 : i32
      "tpu.region"() ({
        %run_scoped3A_726 = tpu.sem_alloc : memref<!tpu.dma_semaphore, #tpu.memory_space<semaphore_mem>>
        %dma_start3A_727 = arith.constant 0 : i32
        %dma_start3A_728 = tpu.memref_slice %arg14[%add3A_720, %dma_start3A_727] : memref<25x80xi32, #tpu.memory_space<vmem>> -> memref<1x80xi32, #tpu.memory_space<vmem>>
        %dma_start3A_729 = tpu.memref_squeeze %dma_start3A_728 : memref<1x80xi32, #tpu.memory_space<vmem>> -> memref<80xi32, #tpu.memory_space<vmem>>
        %dma_start3A_730 = arith.constant 0 : i32
        %dma_start3A_731 = arith.constant 0 : i32
        %dma_start3A_732 = tpu.memref_slice %arg21[%dma_start3A_730, %dma_start3A_731] : memref<10000x128xf32, #tpu.memory_space<vmem_shared>> -> memref<10000x128xf32, #tpu.memory_space<vmem_shared>>
        tpu.enqueue_indirect_dma source(%arg19 : memref<80x128xf32, #tpu.memory_space<vmem>>) target(%dma_start3A_732 : memref<10000x128xf32, #tpu.memory_space<vmem_shared>>) offsets(%dma_start3A_729 : memref<80xi32, #tpu.memory_space<vmem>>) semaphore(%run_scoped3A_726 : memref<!tpu.dma_semaphore, #tpu.memory_space<semaphore_mem>>) {add = true}
        %dma_wait3A_733 = arith.constant 0 : i32
        %dma_wait3A_734 = tpu.memref_slice %arg14[%add3A_720, %dma_wait3A_733] : memref<25x80xi32, #tpu.memory_space<vmem>> -> memref<1x80xi32, #tpu.memory_space<vmem>>
        %dma_wait3A_735 = tpu.memref_squeeze %dma_wait3A_734 : memref<1x80xi32, #tpu.memory_space<vmem>> -> memref<80xi32, #tpu.memory_space<vmem>>
        %dma_wait3A_736 = arith.constant 0 : i32
        %dma_wait3A_737 = arith.constant 0 : i32
        %dma_wait3A_738 = tpu.memref_slice %arg21[%dma_wait3A_736, %dma_wait3A_737] : memref<10000x128xf32, #tpu.memory_space<vmem_shared>> -> memref<10000x128xf32, #tpu.memory_space<vmem_shared>>
        tpu.wait_indirect_dma semaphore(%run_scoped3A_726 : memref<!tpu.dma_semaphore, #tpu.memory_space<semaphore_mem>>) src(%arg19 : memref<80x128xf32, #tpu.memory_space<vmem>>) dst(%dma_wait3A_738 : memref<10000x128xf32, #tpu.memory_space<vmem_shared>>)
        tpu.yield
      }) : () -> ()
      %eq3A_721 = arith.constant 0 : i32
      %eq3A_722 = arith.cmpi eq, %arg0, %eq3A_721 : i32
      %convert_element_type3A_723 = arith.extui %eq3A_722 : i1 to i32
      %cond3A_724 = arith.constant 0 : i32
      %cond3A_725 = arith.cmpi ne, %convert_element_type3A_723, %cond3A_724 : i32
      scf.if %cond3A_725 {
        %dma_start3A_726 = arith.constant 0 : i32
        %dma_start3A_727 = tpu.memref_slice %arg14[%add3A_720, %dma_start3A_726] : memref<25x80xi32, #tpu.memory_space<vmem>> -> memref<1x80xi32, #tpu.memory_space<vmem>>
        %dma_start3A_728 = tpu.memref_squeeze %dma_start3A_727 : memref<1x80xi32, #tpu.memory_space<vmem>> -> memref<80xi32, #tpu.memory_space<vmem>>
        %dma_start3A_729 = arith.constant 0 : i32
        %dma_start3A_730 = tpu.memref_slice %arg22[%dma_start3A_729] : memref<10000xf32, #tpu.memory_space<vmem_shared>> -> memref<10000xf32, #tpu.memory_space<vmem_shared>>
        tpu.enqueue_indirect_dma source(%arg20 : memref<80xf32, #tpu.memory_space<vmem>>) target(%dma_start3A_730 : memref<10000xf32, #tpu.memory_space<vmem_shared>>) offsets(%dma_start3A_728 : memref<80xi32, #tpu.memory_space<vmem>>) semaphore(%arg26 : memref<!tpu.dma_semaphore, #tpu.memory_space<semaphore_mem>>) {add = true}
      } else {
      }
    }
    %scan3A_141 = arith.constant 8 : i32
    %eq3A_142 = arith.constant 0 : i32
    %eq3A_143 = arith.cmpi eq, %arg0, %eq3A_142 : i32
    %convert_element_type3A_144 = arith.extui %eq3A_143 : i1 to i32
    %cond3A_145 = arith.constant 0 : i32
    %cond3A_146 = arith.cmpi ne, %convert_element_type3A_144, %cond3A_145 : i32
    scf.if %cond3A_146 {
      %dma_wait3A_645 = arith.constant 24 : i32
      %dma_wait3A_646 = arith.constant 0 : i32
      %dma_wait3A_647 = tpu.memref_slice %arg13[%dma_wait3A_645, %dma_wait3A_646] : memref<25x80xi32, #tpu.memory_space<vmem>> -> memref<1x80xi32, #tpu.memory_space<vmem>>
      %dma_wait3A_648 = tpu.memref_squeeze %dma_wait3A_647 : memref<1x80xi32, #tpu.memory_space<vmem>> -> memref<80xi32, #tpu.memory_space<vmem>>
      %dma_wait3A_649 = arith.constant 0 : i32
      %dma_wait3A_650 = arith.constant 0 : i32
      %dma_wait3A_651 = tpu.memref_slice %arg2[%dma_wait3A_649, %dma_wait3A_650] : memref<10000x128xf32, #tpu.memory_space<hbm>> -> memref<10000x128xf32, #tpu.memory_space<hbm>>
      tpu.wait_indirect_dma semaphore(%arg23 : memref<!tpu.dma_semaphore, #tpu.memory_space<semaphore_mem>>) src(%dma_wait3A_651 : memref<10000x128xf32, #tpu.memory_space<hbm>>) dst(%arg17 : memref<80x128xf32, #tpu.memory_space<vmem>>)
    } else {
    }
    %eq3A_147 = arith.constant 1 : i32
    %eq3A_148 = arith.cmpi eq, %arg0, %eq3A_147 : i32
    %convert_element_type3A_149 = arith.extui %eq3A_148 : i1 to i32
    %cond3A_150 = arith.constant 0 : i32
    %cond3A_151 = arith.cmpi ne, %convert_element_type3A_149, %cond3A_150 : i32
    scf.if %cond3A_151 {
      %dma_wait3A_645 = arith.constant 24 : i32
      %dma_wait3A_646 = arith.constant 0 : i32
      %dma_wait3A_647 = tpu.memref_slice %arg13[%dma_wait3A_645, %dma_wait3A_646] : memref<25x80xi32, #tpu.memory_space<vmem>> -> memref<1x80xi32, #tpu.memory_space<vmem>>
      %dma_wait3A_648 = tpu.memref_squeeze %dma_wait3A_647 : memref<1x80xi32, #tpu.memory_space<vmem>> -> memref<80xi32, #tpu.memory_space<vmem>>
      %dma_wait3A_649 = arith.constant 0 : i32
      %dma_wait3A_650 = arith.constant 0 : i32
      %dma_wait3A_651 = tpu.memref_slice %arg3[%dma_wait3A_649, %dma_wait3A_650] : memref<10000x128xf32, #tpu.memory_space<hbm>> -> memref<10000x128xf32, #tpu.memory_space<hbm>>
      tpu.wait_indirect_dma semaphore(%arg23 : memref<!tpu.dma_semaphore, #tpu.memory_space<semaphore_mem>>) src(%dma_wait3A_651 : memref<10000x128xf32, #tpu.memory_space<hbm>>) dst(%arg17 : memref<80x128xf32, #tpu.memory_space<vmem>>)
    } else {
    }
    %run_scoped3A = arith.constant 24 : i32
    "tpu.region"() ({
      %run_scoped3A_645 = tpu.sem_alloc : memref<!tpu.dma_semaphore, #tpu.memory_space<semaphore_mem>>
      %dma_start3A_646 = arith.constant 0 : i32
      %dma_start3A_647 = tpu.memref_slice %arg14[%run_scoped3A, %dma_start3A_646] : memref<25x80xi32, #tpu.memory_space<vmem>> -> memref<1x80xi32, #tpu.memory_space<vmem>>
      %dma_start3A_648 = tpu.memref_squeeze %dma_start3A_647 : memref<1x80xi32, #tpu.memory_space<vmem>> -> memref<80xi32, #tpu.memory_space<vmem>>
      %dma_start3A_649 = arith.constant 0 : i32
      %dma_start3A_650 = arith.constant 0 : i32
      %dma_start3A_651 = tpu.memref_slice %arg21[%dma_start3A_649, %dma_start3A_650] : memref<10000x128xf32, #tpu.memory_space<vmem_shared>> -> memref<10000x128xf32, #tpu.memory_space<vmem_shared>>
      tpu.enqueue_indirect_dma source(%arg17 : memref<80x128xf32, #tpu.memory_space<vmem>>) target(%dma_start3A_651 : memref<10000x128xf32, #tpu.memory_space<vmem_shared>>) offsets(%dma_start3A_648 : memref<80xi32, #tpu.memory_space<vmem>>) semaphore(%run_scoped3A_645 : memref<!tpu.dma_semaphore, #tpu.memory_space<semaphore_mem>>) {add = true}
      %dma_wait3A_652 = arith.constant 0 : i32
      %dma_wait3A_653 = tpu.memref_slice %arg14[%run_scoped3A, %dma_wait3A_652] : memref<25x80xi32, #tpu.memory_space<vmem>> -> memref<1x80xi32, #tpu.memory_space<vmem>>
      %dma_wait3A_654 = tpu.memref_squeeze %dma_wait3A_653 : memref<1x80xi32, #tpu.memory_space<vmem>> -> memref<80xi32, #tpu.memory_space<vmem>>
      %dma_wait3A_655 = arith.constant 0 : i32
      %dma_wait3A_656 = arith.constant 0 : i32
      %dma_wait3A_657 = tpu.memref_slice %arg21[%dma_wait3A_655, %dma_wait3A_656] : memref<10000x128xf32, #tpu.memory_space<vmem_shared>> -> memref<10000x128xf32, #tpu.memory_space<vmem_shared>>
      tpu.wait_indirect_dma semaphore(%run_scoped3A_645 : memref<!tpu.dma_semaphore, #tpu.memory_space<semaphore_mem>>) src(%arg17 : memref<80x128xf32, #tpu.memory_space<vmem>>) dst(%dma_wait3A_657 : memref<10000x128xf32, #tpu.memory_space<vmem_shared>>)
      tpu.yield
    }) : () -> ()
    %eq3A_152 = arith.constant 0 : i32
    %eq3A_153 = arith.cmpi eq, %arg0, %eq3A_152 : i32
    %convert_element_type3A_154 = arith.extui %eq3A_153 : i1 to i32
    %cond3A_155 = arith.constant 0 : i32
    %cond3A_156 = arith.cmpi ne, %convert_element_type3A_154, %cond3A_155 : i32
    scf.if %cond3A_156 {
      %dma_start3A_645 = arith.constant 24 : i32
      %dma_start3A_646 = arith.constant 0 : i32
      %dma_start3A_647 = tpu.memref_slice %arg14[%dma_start3A_645, %dma_start3A_646] : memref<25x80xi32, #tpu.memory_space<vmem>> -> memref<1x80xi32, #tpu.memory_space<vmem>>
      %dma_start3A_648 = tpu.memref_squeeze %dma_start3A_647 : memref<1x80xi32, #tpu.memory_space<vmem>> -> memref<80xi32, #tpu.memory_space<vmem>>
      %dma_start3A_649 = arith.constant 0 : i32
      %dma_start3A_650 = tpu.memref_slice %arg22[%dma_start3A_649] : memref<10000xf32, #tpu.memory_space<vmem_shared>> -> memref<10000xf32, #tpu.memory_space<vmem_shared>>
      tpu.enqueue_indirect_dma source(%arg20 : memref<80xf32, #tpu.memory_space<vmem>>) target(%dma_start3A_650 : memref<10000xf32, #tpu.memory_space<vmem_shared>>) offsets(%dma_start3A_648 : memref<80xi32, #tpu.memory_space<vmem>>) semaphore(%arg26 : memref<!tpu.dma_semaphore, #tpu.memory_space<semaphore_mem>>) {add = true}
    } else {
    }
    %eq3A_157 = arith.constant 0 : i32
    %eq3A_158 = arith.cmpi eq, %arg0, %eq3A_157 : i32
    %convert_element_type3A_159 = arith.extui %eq3A_158 : i1 to i32
    %cond3A_160 = arith.constant 0 : i32
    %cond3A_161 = arith.cmpi ne, %convert_element_type3A_159, %cond3A_160 : i32
    scf.if %cond3A_161 {
      %scan3A_645 = arith.constant 0 : i32
      %scan3A_646 = arith.constant 25 : i32
      %scan3A_647 = arith.addi %scan3A_645, %scan3A_646 : i32
      %scan3A_648 = arith.constant 1 : i32
      scf.for %scan3A_650 = %scan3A_645 to %scan3A_647 step %scan3A_648  : i32 {
        %dma_wait3A_651 = arith.constant 0 : i32
        %dma_wait3A_652 = arith.constant 0 : i32
        %dma_wait3A_653 = tpu.memref_slice %arg14[%dma_wait3A_651, %dma_wait3A_652] : memref<25x80xi32, #tpu.memory_space<vmem>> -> memref<1x80xi32, #tpu.memory_space<vmem>>
        %dma_wait3A_654 = tpu.memref_squeeze %dma_wait3A_653 : memref<1x80xi32, #tpu.memory_space<vmem>> -> memref<80xi32, #tpu.memory_space<vmem>>
        %dma_wait3A_655 = arith.constant 0 : i32
        %dma_wait3A_656 = tpu.memref_slice %arg22[%dma_wait3A_655] : memref<10000xf32, #tpu.memory_space<vmem_shared>> -> memref<10000xf32, #tpu.memory_space<vmem_shared>>
        tpu.wait_indirect_dma semaphore(%arg26 : memref<!tpu.dma_semaphore, #tpu.memory_space<semaphore_mem>>) src(%arg20 : memref<80xf32, #tpu.memory_space<vmem>>) dst(%dma_wait3A_656 : memref<10000xf32, #tpu.memory_space<vmem_shared>>)
      }
      %scan3A_649 = arith.constant 25 : i32
    } else {
    }
    %dma_wait3A_162 = arith.constant 1 : i32
    %dma_wait3A_163 = arith.constant 0 : i32
    %dma_wait3A_164 = arith.constant 0 : i32
    %dma_wait3A_165 = arith.constant 0 : i32
    %dma_wait3A_166 = tpu.memref_slice %arg4[%arg1, %dma_wait3A_163, %dma_wait3A_164, %dma_wait3A_165] : memref<16x5x25x80xi32, #tpu.memory_space<hbm>> -> memref<1x5x25x80xi32, #tpu.memory_space<hbm>>
    %dma_wait3A_167 = tpu.memref_squeeze %dma_wait3A_166 : memref<1x5x25x80xi32, #tpu.memory_space<hbm>> -> memref<5x25x80xi32, #tpu.memory_space<hbm>>
    %dma_wait3A_168 = arith.constant 0 : i32
    %dma_wait3A_169 = arith.constant 0 : i32
    %dma_wait3A_170 = tpu.memref_slice %dma_wait3A_167[%dma_wait3A_162, %dma_wait3A_168, %dma_wait3A_169] : memref<5x25x80xi32, #tpu.memory_space<hbm>> -> memref<1x25x80xi32, #tpu.memory_space<hbm>>
    %dma_wait3A_171 = tpu.memref_squeeze %dma_wait3A_170 : memref<1x25x80xi32, #tpu.memory_space<hbm>> -> memref<25x80xi32, #tpu.memory_space<hbm>>
    %dma_wait3A_172 = arith.constant 0 : i32
    %dma_wait3A_173 = arith.constant 0 : i32
    %dma_wait3A_174 = arith.constant 0 : i32
    %dma_wait3A_175 = tpu.memref_slice %arg4[%arg1, %dma_wait3A_172, %dma_wait3A_173, %dma_wait3A_174] : memref<16x5x25x80xi32, #tpu.memory_space<hbm>> -> memref<1x5x25x80xi32, #tpu.memory_space<hbm>>
    %dma_wait3A_176 = tpu.memref_squeeze %dma_wait3A_175 : memref<1x5x25x80xi32, #tpu.memory_space<hbm>> -> memref<5x25x80xi32, #tpu.memory_space<hbm>>
    %dma_wait3A_177 = arith.constant 0 : i32
    %dma_wait3A_178 = arith.constant 0 : i32
    %dma_wait3A_179 = tpu.memref_slice %dma_wait3A_176[%dma_wait3A_162, %dma_wait3A_177, %dma_wait3A_178] : memref<5x25x80xi32, #tpu.memory_space<hbm>> -> memref<1x25x80xi32, #tpu.memory_space<hbm>>
    %dma_wait3A_180 = tpu.memref_squeeze %dma_wait3A_179 : memref<1x25x80xi32, #tpu.memory_space<hbm>> -> memref<25x80xi32, #tpu.memory_space<hbm>>
    tpu.wait_dma2 semaphore(%arg27 : memref<!tpu.dma_semaphore, #tpu.memory_space<semaphore_mem>>) src(%dma_wait3A_180 : memref<25x80xi32, #tpu.memory_space<hbm>>) dst(%arg15 : memref<25x80xi32, #tpu.memory_space<vmem>>)
    %dma_wait3A_181 = arith.constant 1 : i32
    %dma_wait3A_182 = arith.constant 0 : i32
    %dma_wait3A_183 = arith.constant 0 : i32
    %dma_wait3A_184 = arith.constant 0 : i32
    %dma_wait3A_185 = tpu.memref_slice %arg5[%arg1, %dma_wait3A_182, %dma_wait3A_183, %dma_wait3A_184] : memref<16x5x25x80xi32, #tpu.memory_space<hbm>> -> memref<1x5x25x80xi32, #tpu.memory_space<hbm>>
    %dma_wait3A_186 = tpu.memref_squeeze %dma_wait3A_185 : memref<1x5x25x80xi32, #tpu.memory_space<hbm>> -> memref<5x25x80xi32, #tpu.memory_space<hbm>>
    %dma_wait3A_187 = arith.constant 0 : i32
    %dma_wait3A_188 = arith.constant 0 : i32
    %dma_wait3A_189 = tpu.memref_slice %dma_wait3A_186[%dma_wait3A_181, %dma_wait3A_187, %dma_wait3A_188] : memref<5x25x80xi32, #tpu.memory_space<hbm>> -> memref<1x25x80xi32, #tpu.memory_space<hbm>>
    %dma_wait3A_190 = tpu.memref_squeeze %dma_wait3A_189 : memref<1x25x80xi32, #tpu.memory_space<hbm>> -> memref<25x80xi32, #tpu.memory_space<hbm>>
    %dma_wait3A_191 = arith.constant 0 : i32
    %dma_wait3A_192 = arith.constant 0 : i32
    %dma_wait3A_193 = arith.constant 0 : i32
    %dma_wait3A_194 = tpu.memref_slice %arg5[%arg1, %dma_wait3A_191, %dma_wait3A_192, %dma_wait3A_193] : memref<16x5x25x80xi32, #tpu.memory_space<hbm>> -> memref<1x5x25x80xi32, #tpu.memory_space<hbm>>
    %dma_wait3A_195 = tpu.memref_squeeze %dma_wait3A_194 : memref<1x5x25x80xi32, #tpu.memory_space<hbm>> -> memref<5x25x80xi32, #tpu.memory_space<hbm>>
    %dma_wait3A_196 = arith.constant 0 : i32
    %dma_wait3A_197 = arith.constant 0 : i32
    %dma_wait3A_198 = tpu.memref_slice %dma_wait3A_195[%dma_wait3A_181, %dma_wait3A_196, %dma_wait3A_197] : memref<5x25x80xi32, #tpu.memory_space<hbm>> -> memref<1x25x80xi32, #tpu.memory_space<hbm>>
    %dma_wait3A_199 = tpu.memref_squeeze %dma_wait3A_198 : memref<1x25x80xi32, #tpu.memory_space<hbm>> -> memref<25x80xi32, #tpu.memory_space<hbm>>
    tpu.wait_dma2 semaphore(%arg27 : memref<!tpu.dma_semaphore, #tpu.memory_space<semaphore_mem>>) src(%dma_wait3A_199 : memref<25x80xi32, #tpu.memory_space<hbm>>) dst(%arg16 : memref<25x80xi32, #tpu.memory_space<vmem>>)
    %dma_start3A_200 = arith.constant 2 : i32
    %dma_start3A_201 = arith.constant 0 : i32
    %dma_start3A_202 = arith.constant 0 : i32
    %dma_start3A_203 = arith.constant 0 : i32
    %dma_start3A_204 = tpu.memref_slice %arg4[%arg1, %dma_start3A_201, %dma_start3A_202, %dma_start3A_203] : memref<16x5x25x80xi32, #tpu.memory_space<hbm>> -> memref<1x5x25x80xi32, #tpu.memory_space<hbm>>
    %dma_start3A_205 = tpu.memref_squeeze %dma_start3A_204 : memref<1x5x25x80xi32, #tpu.memory_space<hbm>> -> memref<5x25x80xi32, #tpu.memory_space<hbm>>
    %dma_start3A_206 = arith.constant 0 : i32
    %dma_start3A_207 = arith.constant 0 : i32
    %dma_start3A_208 = tpu.memref_slice %dma_start3A_205[%dma_start3A_200, %dma_start3A_206, %dma_start3A_207] : memref<5x25x80xi32, #tpu.memory_space<hbm>> -> memref<1x25x80xi32, #tpu.memory_space<hbm>>
    %dma_start3A_209 = tpu.memref_squeeze %dma_start3A_208 : memref<1x25x80xi32, #tpu.memory_space<hbm>> -> memref<25x80xi32, #tpu.memory_space<hbm>>
    %dma_start3A_210 = arith.constant 0 : i32
    %dma_start3A_211 = arith.constant 0 : i32
    %dma_start3A_212 = arith.constant 0 : i32
    %dma_start3A_213 = tpu.memref_slice %arg4[%arg1, %dma_start3A_210, %dma_start3A_211, %dma_start3A_212] : memref<16x5x25x80xi32, #tpu.memory_space<hbm>> -> memref<1x5x25x80xi32, #tpu.memory_space<hbm>>
    %dma_start3A_214 = tpu.memref_squeeze %dma_start3A_213 : memref<1x5x25x80xi32, #tpu.memory_space<hbm>> -> memref<5x25x80xi32, #tpu.memory_space<hbm>>
    %dma_start3A_215 = arith.constant 0 : i32
    %dma_start3A_216 = arith.constant 0 : i32
    %dma_start3A_217 = tpu.memref_slice %dma_start3A_214[%dma_start3A_200, %dma_start3A_215, %dma_start3A_216] : memref<5x25x80xi32, #tpu.memory_space<hbm>> -> memref<1x25x80xi32, #tpu.memory_space<hbm>>
    %dma_start3A_218 = tpu.memref_squeeze %dma_start3A_217 : memref<1x25x80xi32, #tpu.memory_space<hbm>> -> memref<25x80xi32, #tpu.memory_space<hbm>>
    tpu.enqueue_dma source(%dma_start3A_218 : memref<25x80xi32, #tpu.memory_space<hbm>>) target(%arg13 : memref<25x80xi32, #tpu.memory_space<vmem>>) target_semaphore(%arg27 : memref<!tpu.dma_semaphore, #tpu.memory_space<semaphore_mem>>)
    %dma_start3A_219 = arith.constant 2 : i32
    %dma_start3A_220 = arith.constant 0 : i32
    %dma_start3A_221 = arith.constant 0 : i32
    %dma_start3A_222 = arith.constant 0 : i32
    %dma_start3A_223 = tpu.memref_slice %arg5[%arg1, %dma_start3A_220, %dma_start3A_221, %dma_start3A_222] : memref<16x5x25x80xi32, #tpu.memory_space<hbm>> -> memref<1x5x25x80xi32, #tpu.memory_space<hbm>>
    %dma_start3A_224 = tpu.memref_squeeze %dma_start3A_223 : memref<1x5x25x80xi32, #tpu.memory_space<hbm>> -> memref<5x25x80xi32, #tpu.memory_space<hbm>>
    %dma_start3A_225 = arith.constant 0 : i32
    %dma_start3A_226 = arith.constant 0 : i32
    %dma_start3A_227 = tpu.memref_slice %dma_start3A_224[%dma_start3A_219, %dma_start3A_225, %dma_start3A_226] : memref<5x25x80xi32, #tpu.memory_space<hbm>> -> memref<1x25x80xi32, #tpu.memory_space<hbm>>
    %dma_start3A_228 = tpu.memref_squeeze %dma_start3A_227 : memref<1x25x80xi32, #tpu.memory_space<hbm>> -> memref<25x80xi32, #tpu.memory_space<hbm>>
    %dma_start3A_229 = arith.constant 0 : i32
    %dma_start3A_230 = arith.constant 0 : i32
    %dma_start3A_231 = arith.constant 0 : i32
    %dma_start3A_232 = tpu.memref_slice %arg5[%arg1, %dma_start3A_229, %dma_start3A_230, %dma_start3A_231] : memref<16x5x25x80xi32, #tpu.memory_space<hbm>> -> memref<1x5x25x80xi32, #tpu.memory_space<hbm>>
    %dma_start3A_233 = tpu.memref_squeeze %dma_start3A_232 : memref<1x5x25x80xi32, #tpu.memory_space<hbm>> -> memref<5x25x80xi32, #tpu.memory_space<hbm>>
    %dma_start3A_234 = arith.constant 0 : i32
    %dma_start3A_235 = arith.constant 0 : i32
    %dma_start3A_236 = tpu.memref_slice %dma_start3A_233[%dma_start3A_219, %dma_start3A_234, %dma_start3A_235] : memref<5x25x80xi32, #tpu.memory_space<hbm>> -> memref<1x25x80xi32, #tpu.memory_space<hbm>>
    %dma_start3A_237 = tpu.memref_squeeze %dma_start3A_236 : memref<1x25x80xi32, #tpu.memory_space<hbm>> -> memref<25x80xi32, #tpu.memory_space<hbm>>
    tpu.enqueue_dma source(%dma_start3A_237 : memref<25x80xi32, #tpu.memory_space<hbm>>) target(%arg14 : memref<25x80xi32, #tpu.memory_space<vmem>>) target_semaphore(%arg27 : memref<!tpu.dma_semaphore, #tpu.memory_space<semaphore_mem>>)
    %eq3A_238 = arith.constant 0 : i32
    %eq3A_239 = arith.cmpi eq, %arg0, %eq3A_238 : i32
    %convert_element_type3A_240 = arith.extui %eq3A_239 : i1 to i32
    %cond3A_241 = arith.constant 0 : i32
    %cond3A_242 = arith.cmpi ne, %convert_element_type3A_240, %cond3A_241 : i32
    scf.if %cond3A_242 {
      %dma_start3A_645 = arith.constant 0 : i32
      %dma_start3A_646 = arith.constant 0 : i32
      %dma_start3A_647 = tpu.memref_slice %arg15[%dma_start3A_645, %dma_start3A_646] : memref<25x80xi32, #tpu.memory_space<vmem>> -> memref<1x80xi32, #tpu.memory_space<vmem>>
      %dma_start3A_648 = tpu.memref_squeeze %dma_start3A_647 : memref<1x80xi32, #tpu.memory_space<vmem>> -> memref<80xi32, #tpu.memory_space<vmem>>
      %dma_start3A_649 = arith.constant 0 : i32
      %dma_start3A_650 = arith.constant 0 : i32
      %dma_start3A_651 = tpu.memref_slice %arg2[%dma_start3A_649, %dma_start3A_650] : memref<10000x128xf32, #tpu.memory_space<hbm>> -> memref<10000x128xf32, #tpu.memory_space<hbm>>
      tpu.enqueue_indirect_dma source(%dma_start3A_651 : memref<10000x128xf32, #tpu.memory_space<hbm>>) target(%arg17 : memref<80x128xf32, #tpu.memory_space<vmem>>) offsets(%dma_start3A_648 : memref<80xi32, #tpu.memory_space<vmem>>) semaphore(%arg23 : memref<!tpu.dma_semaphore, #tpu.memory_space<semaphore_mem>>)
    } else {
    }
    %eq3A_243 = arith.constant 1 : i32
    %eq3A_244 = arith.cmpi eq, %arg0, %eq3A_243 : i32
    %convert_element_type3A_245 = arith.extui %eq3A_244 : i1 to i32
    %cond3A_246 = arith.constant 0 : i32
    %cond3A_247 = arith.cmpi ne, %convert_element_type3A_245, %cond3A_246 : i32
    scf.if %cond3A_247 {
      %dma_start3A_645 = arith.constant 0 : i32
      %dma_start3A_646 = arith.constant 0 : i32
      %dma_start3A_647 = tpu.memref_slice %arg15[%dma_start3A_645, %dma_start3A_646] : memref<25x80xi32, #tpu.memory_space<vmem>> -> memref<1x80xi32, #tpu.memory_space<vmem>>
      %dma_start3A_648 = tpu.memref_squeeze %dma_start3A_647 : memref<1x80xi32, #tpu.memory_space<vmem>> -> memref<80xi32, #tpu.memory_space<vmem>>
      %dma_start3A_649 = arith.constant 0 : i32
      %dma_start3A_650 = arith.constant 0 : i32
      %dma_start3A_651 = tpu.memref_slice %arg3[%dma_start3A_649, %dma_start3A_650] : memref<10000x128xf32, #tpu.memory_space<hbm>> -> memref<10000x128xf32, #tpu.memory_space<hbm>>
      tpu.enqueue_indirect_dma source(%dma_start3A_651 : memref<10000x128xf32, #tpu.memory_space<hbm>>) target(%arg17 : memref<80x128xf32, #tpu.memory_space<vmem>>) offsets(%dma_start3A_648 : memref<80xi32, #tpu.memory_space<vmem>>) semaphore(%arg23 : memref<!tpu.dma_semaphore, #tpu.memory_space<semaphore_mem>>)
    } else {
    }
    %eq3A_248 = arith.constant 0 : i32
    %eq3A_249 = arith.cmpi eq, %arg0, %eq3A_248 : i32
    %convert_element_type3A_250 = arith.extui %eq3A_249 : i1 to i32
    %cond3A_251 = arith.constant 0 : i32
    %cond3A_252 = arith.cmpi ne, %convert_element_type3A_250, %cond3A_251 : i32
    scf.if %cond3A_252 {
      %dma_start3A_645 = arith.constant 1 : i32
      %dma_start3A_646 = arith.constant 0 : i32
      %dma_start3A_647 = tpu.memref_slice %arg15[%dma_start3A_645, %dma_start3A_646] : memref<25x80xi32, #tpu.memory_space<vmem>> -> memref<1x80xi32, #tpu.memory_space<vmem>>
      %dma_start3A_648 = tpu.memref_squeeze %dma_start3A_647 : memref<1x80xi32, #tpu.memory_space<vmem>> -> memref<80xi32, #tpu.memory_space<vmem>>
      %dma_start3A_649 = arith.constant 0 : i32
      %dma_start3A_650 = arith.constant 0 : i32
      %dma_start3A_651 = tpu.memref_slice %arg2[%dma_start3A_649, %dma_start3A_650] : memref<10000x128xf32, #tpu.memory_space<hbm>> -> memref<10000x128xf32, #tpu.memory_space<hbm>>
      tpu.enqueue_indirect_dma source(%dma_start3A_651 : memref<10000x128xf32, #tpu.memory_space<hbm>>) target(%arg18 : memref<80x128xf32, #tpu.memory_space<vmem>>) offsets(%dma_start3A_648 : memref<80xi32, #tpu.memory_space<vmem>>) semaphore(%arg24 : memref<!tpu.dma_semaphore, #tpu.memory_space<semaphore_mem>>)
    } else {
    }
    %eq3A_253 = arith.constant 1 : i32
    %eq3A_254 = arith.cmpi eq, %arg0, %eq3A_253 : i32
    %convert_element_type3A_255 = arith.extui %eq3A_254 : i1 to i32
    %cond3A_256 = arith.constant 0 : i32
    %cond3A_257 = arith.cmpi ne, %convert_element_type3A_255, %cond3A_256 : i32
    scf.if %cond3A_257 {
      %dma_start3A_645 = arith.constant 1 : i32
      %dma_start3A_646 = arith.constant 0 : i32
      %dma_start3A_647 = tpu.memref_slice %arg15[%dma_start3A_645, %dma_start3A_646] : memref<25x80xi32, #tpu.memory_space<vmem>> -> memref<1x80xi32, #tpu.memory_space<vmem>>
      %dma_start3A_648 = tpu.memref_squeeze %dma_start3A_647 : memref<1x80xi32, #tpu.memory_space<vmem>> -> memref<80xi32, #tpu.memory_space<vmem>>
      %dma_start3A_649 = arith.constant 0 : i32
      %dma_start3A_650 = arith.constant 0 : i32
      %dma_start3A_651 = tpu.memref_slice %arg3[%dma_start3A_649, %dma_start3A_650] : memref<10000x128xf32, #tpu.memory_space<hbm>> -> memref<10000x128xf32, #tpu.memory_space<hbm>>
      tpu.enqueue_indirect_dma source(%dma_start3A_651 : memref<10000x128xf32, #tpu.memory_space<hbm>>) target(%arg18 : memref<80x128xf32, #tpu.memory_space<vmem>>) offsets(%dma_start3A_648 : memref<80xi32, #tpu.memory_space<vmem>>) semaphore(%arg24 : memref<!tpu.dma_semaphore, #tpu.memory_space<semaphore_mem>>)
    } else {
    }
    %scan3A_258 = arith.constant 0 : i32
    %scan3A_259 = arith.constant 8 : i32
    %scan3A_260 = arith.addi %scan3A_258, %scan3A_259 : i32
    %scan3A_261 = arith.constant 1 : i32
    scf.for %scan3A_645 = %scan3A_258 to %scan3A_260 step %scan3A_261  : i32 {
      %mul3A_646 = arith.constant 3 : i32
      %mul3A_647 = arith.muli %mul3A_646, %scan3A_645 : i32
      %add3A = arith.constant 2 : i32
      %add3A_648 = arith.addi %mul3A_647, %add3A : i32
      %eq3A_649 = arith.constant 0 : i32
      %eq3A_650 = arith.cmpi eq, %arg0, %eq3A_649 : i32
      %convert_element_type3A_651 = arith.extui %eq3A_650 : i1 to i32
      %cond3A_652 = arith.constant 0 : i32
      %cond3A_653 = arith.cmpi ne, %convert_element_type3A_651, %cond3A_652 : i32
      scf.if %cond3A_653 {
        %dma_start3A_726 = arith.constant 0 : i32
        %dma_start3A_727 = tpu.memref_slice %arg15[%add3A_648, %dma_start3A_726] : memref<25x80xi32, #tpu.memory_space<vmem>> -> memref<1x80xi32, #tpu.memory_space<vmem>>
        %dma_start3A_728 = tpu.memref_squeeze %dma_start3A_727 : memref<1x80xi32, #tpu.memory_space<vmem>> -> memref<80xi32, #tpu.memory_space<vmem>>
        %dma_start3A_729 = arith.constant 0 : i32
        %dma_start3A_730 = arith.constant 0 : i32
        %dma_start3A_731 = tpu.memref_slice %arg2[%dma_start3A_729, %dma_start3A_730] : memref<10000x128xf32, #tpu.memory_space<hbm>> -> memref<10000x128xf32, #tpu.memory_space<hbm>>
        tpu.enqueue_indirect_dma source(%dma_start3A_731 : memref<10000x128xf32, #tpu.memory_space<hbm>>) target(%arg19 : memref<80x128xf32, #tpu.memory_space<vmem>>) offsets(%dma_start3A_728 : memref<80xi32, #tpu.memory_space<vmem>>) semaphore(%arg25 : memref<!tpu.dma_semaphore, #tpu.memory_space<semaphore_mem>>)
      } else {
      }
      %eq3A_654 = arith.constant 1 : i32
      %eq3A_655 = arith.cmpi eq, %arg0, %eq3A_654 : i32
      %convert_element_type3A_656 = arith.extui %eq3A_655 : i1 to i32
      %cond3A_657 = arith.constant 0 : i32
      %cond3A_658 = arith.cmpi ne, %convert_element_type3A_656, %cond3A_657 : i32
      scf.if %cond3A_658 {
        %dma_start3A_726 = arith.constant 0 : i32
        %dma_start3A_727 = tpu.memref_slice %arg15[%add3A_648, %dma_start3A_726] : memref<25x80xi32, #tpu.memory_space<vmem>> -> memref<1x80xi32, #tpu.memory_space<vmem>>
        %dma_start3A_728 = tpu.memref_squeeze %dma_start3A_727 : memref<1x80xi32, #tpu.memory_space<vmem>> -> memref<80xi32, #tpu.memory_space<vmem>>
        %dma_start3A_729 = arith.constant 0 : i32
        %dma_start3A_730 = arith.constant 0 : i32
        %dma_start3A_731 = tpu.memref_slice %arg3[%dma_start3A_729, %dma_start3A_730] : memref<10000x128xf32, #tpu.memory_space<hbm>> -> memref<10000x128xf32, #tpu.memory_space<hbm>>
        tpu.enqueue_indirect_dma source(%dma_start3A_731 : memref<10000x128xf32, #tpu.memory_space<hbm>>) target(%arg19 : memref<80x128xf32, #tpu.memory_space<vmem>>) offsets(%dma_start3A_728 : memref<80xi32, #tpu.memory_space<vmem>>) semaphore(%arg25 : memref<!tpu.dma_semaphore, #tpu.memory_space<semaphore_mem>>)
      } else {
      }
      %eq3A_659 = arith.constant 0 : i32
      %eq3A_660 = arith.cmpi eq, %arg0, %eq3A_659 : i32
      %convert_element_type3A_661 = arith.extui %eq3A_660 : i1 to i32
      %cond3A_662 = arith.constant 0 : i32
      %cond3A_663 = arith.cmpi ne, %convert_element_type3A_661, %cond3A_662 : i32
      scf.if %cond3A_663 {
        %dma_wait3A_726 = arith.constant 0 : i32
        %dma_wait3A_727 = tpu.memref_slice %arg15[%mul3A_647, %dma_wait3A_726] : memref<25x80xi32, #tpu.memory_space<vmem>> -> memref<1x80xi32, #tpu.memory_space<vmem>>
        %dma_wait3A_728 = tpu.memref_squeeze %dma_wait3A_727 : memref<1x80xi32, #tpu.memory_space<vmem>> -> memref<80xi32, #tpu.memory_space<vmem>>
        %dma_wait3A_729 = arith.constant 0 : i32
        %dma_wait3A_730 = arith.constant 0 : i32
        %dma_wait3A_731 = tpu.memref_slice %arg2[%dma_wait3A_729, %dma_wait3A_730] : memref<10000x128xf32, #tpu.memory_space<hbm>> -> memref<10000x128xf32, #tpu.memory_space<hbm>>
        tpu.wait_indirect_dma semaphore(%arg23 : memref<!tpu.dma_semaphore, #tpu.memory_space<semaphore_mem>>) src(%dma_wait3A_731 : memref<10000x128xf32, #tpu.memory_space<hbm>>) dst(%arg17 : memref<80x128xf32, #tpu.memory_space<vmem>>)
      } else {
      }
      %eq3A_664 = arith.constant 1 : i32
      %eq3A_665 = arith.cmpi eq, %arg0, %eq3A_664 : i32
      %convert_element_type3A_666 = arith.extui %eq3A_665 : i1 to i32
      %cond3A_667 = arith.constant 0 : i32
      %cond3A_668 = arith.cmpi ne, %convert_element_type3A_666, %cond3A_667 : i32
      scf.if %cond3A_668 {
        %dma_wait3A_726 = arith.constant 0 : i32
        %dma_wait3A_727 = tpu.memref_slice %arg15[%mul3A_647, %dma_wait3A_726] : memref<25x80xi32, #tpu.memory_space<vmem>> -> memref<1x80xi32, #tpu.memory_space<vmem>>
        %dma_wait3A_728 = tpu.memref_squeeze %dma_wait3A_727 : memref<1x80xi32, #tpu.memory_space<vmem>> -> memref<80xi32, #tpu.memory_space<vmem>>
        %dma_wait3A_729 = arith.constant 0 : i32
        %dma_wait3A_730 = arith.constant 0 : i32
        %dma_wait3A_731 = tpu.memref_slice %arg3[%dma_wait3A_729, %dma_wait3A_730] : memref<10000x128xf32, #tpu.memory_space<hbm>> -> memref<10000x128xf32, #tpu.memory_space<hbm>>
        tpu.wait_indirect_dma semaphore(%arg23 : memref<!tpu.dma_semaphore, #tpu.memory_space<semaphore_mem>>) src(%dma_wait3A_731 : memref<10000x128xf32, #tpu.memory_space<hbm>>) dst(%arg17 : memref<80x128xf32, #tpu.memory_space<vmem>>)
      } else {
      }
      "tpu.region"() ({
        %run_scoped3A_726 = tpu.sem_alloc : memref<!tpu.dma_semaphore, #tpu.memory_space<semaphore_mem>>
        %dma_start3A_727 = arith.constant 0 : i32
        %dma_start3A_728 = tpu.memref_slice %arg16[%mul3A_647, %dma_start3A_727] : memref<25x80xi32, #tpu.memory_space<vmem>> -> memref<1x80xi32, #tpu.memory_space<vmem>>
        %dma_start3A_729 = tpu.memref_squeeze %dma_start3A_728 : memref<1x80xi32, #tpu.memory_space<vmem>> -> memref<80xi32, #tpu.memory_space<vmem>>
        %dma_start3A_730 = arith.constant 0 : i32
        %dma_start3A_731 = arith.constant 0 : i32
        %dma_start3A_732 = tpu.memref_slice %arg21[%dma_start3A_730, %dma_start3A_731] : memref<10000x128xf32, #tpu.memory_space<vmem_shared>> -> memref<10000x128xf32, #tpu.memory_space<vmem_shared>>
        tpu.enqueue_indirect_dma source(%arg17 : memref<80x128xf32, #tpu.memory_space<vmem>>) target(%dma_start3A_732 : memref<10000x128xf32, #tpu.memory_space<vmem_shared>>) offsets(%dma_start3A_729 : memref<80xi32, #tpu.memory_space<vmem>>) semaphore(%run_scoped3A_726 : memref<!tpu.dma_semaphore, #tpu.memory_space<semaphore_mem>>) {add = true}
        %dma_wait3A_733 = arith.constant 0 : i32
        %dma_wait3A_734 = tpu.memref_slice %arg16[%mul3A_647, %dma_wait3A_733] : memref<25x80xi32, #tpu.memory_space<vmem>> -> memref<1x80xi32, #tpu.memory_space<vmem>>
        %dma_wait3A_735 = tpu.memref_squeeze %dma_wait3A_734 : memref<1x80xi32, #tpu.memory_space<vmem>> -> memref<80xi32, #tpu.memory_space<vmem>>
        %dma_wait3A_736 = arith.constant 0 : i32
        %dma_wait3A_737 = arith.constant 0 : i32
        %dma_wait3A_738 = tpu.memref_slice %arg21[%dma_wait3A_736, %dma_wait3A_737] : memref<10000x128xf32, #tpu.memory_space<vmem_shared>> -> memref<10000x128xf32, #tpu.memory_space<vmem_shared>>
        tpu.wait_indirect_dma semaphore(%run_scoped3A_726 : memref<!tpu.dma_semaphore, #tpu.memory_space<semaphore_mem>>) src(%arg17 : memref<80x128xf32, #tpu.memory_space<vmem>>) dst(%dma_wait3A_738 : memref<10000x128xf32, #tpu.memory_space<vmem_shared>>)
        tpu.yield
      }) : () -> ()
      %eq3A_669 = arith.constant 1 : i32
      %eq3A_670 = arith.cmpi eq, %arg0, %eq3A_669 : i32
      %convert_element_type3A_671 = arith.extui %eq3A_670 : i1 to i32
      %cond3A_672 = arith.constant 0 : i32
      %cond3A_673 = arith.cmpi ne, %convert_element_type3A_671, %cond3A_672 : i32
      scf.if %cond3A_673 {
        %dma_start3A_726 = arith.constant 0 : i32
        %dma_start3A_727 = tpu.memref_slice %arg16[%mul3A_647, %dma_start3A_726] : memref<25x80xi32, #tpu.memory_space<vmem>> -> memref<1x80xi32, #tpu.memory_space<vmem>>
        %dma_start3A_728 = tpu.memref_squeeze %dma_start3A_727 : memref<1x80xi32, #tpu.memory_space<vmem>> -> memref<80xi32, #tpu.memory_space<vmem>>
        %dma_start3A_729 = arith.constant 0 : i32
        %dma_start3A_730 = tpu.memref_slice %arg22[%dma_start3A_729] : memref<10000xf32, #tpu.memory_space<vmem_shared>> -> memref<10000xf32, #tpu.memory_space<vmem_shared>>
        tpu.enqueue_indirect_dma source(%arg20 : memref<80xf32, #tpu.memory_space<vmem>>) target(%dma_start3A_730 : memref<10000xf32, #tpu.memory_space<vmem_shared>>) offsets(%dma_start3A_728 : memref<80xi32, #tpu.memory_space<vmem>>) semaphore(%arg26 : memref<!tpu.dma_semaphore, #tpu.memory_space<semaphore_mem>>) {add = true}
      } else {
      }
      %add3A_674 = arith.constant 3 : i32
      %add3A_675 = arith.addi %mul3A_647, %add3A_674 : i32
      %lt3A_676 = arith.constant 25 : i32
      %lt3A_677 = arith.cmpi slt, %add3A_675, %lt3A_676 : i32
      %convert_element_type3A_678 = arith.extui %lt3A_677 : i1 to i32
      %cond3A_679 = arith.constant 0 : i32
      %cond3A_680 = arith.cmpi ne, %convert_element_type3A_678, %cond3A_679 : i32
      scf.if %cond3A_680 {
        %add3A_726 = arith.constant 3 : i32
        %add3A_727 = arith.addi %mul3A_647, %add3A_726 : i32
        %eq3A_728 = arith.constant 0 : i32
        %eq3A_729 = arith.cmpi eq, %arg0, %eq3A_728 : i32
        %convert_element_type3A_730 = arith.extui %eq3A_729 : i1 to i32
        %cond3A_731 = arith.constant 0 : i32
        %cond3A_732 = arith.cmpi ne, %convert_element_type3A_730, %cond3A_731 : i32
        scf.if %cond3A_732 {
          %dma_start3A_738 = arith.constant 0 : i32
          %dma_start3A_739 = tpu.memref_slice %arg15[%add3A_727, %dma_start3A_738] : memref<25x80xi32, #tpu.memory_space<vmem>> -> memref<1x80xi32, #tpu.memory_space<vmem>>
          %dma_start3A_740 = tpu.memref_squeeze %dma_start3A_739 : memref<1x80xi32, #tpu.memory_space<vmem>> -> memref<80xi32, #tpu.memory_space<vmem>>
          %dma_start3A_741 = arith.constant 0 : i32
          %dma_start3A_742 = arith.constant 0 : i32
          %dma_start3A_743 = tpu.memref_slice %arg2[%dma_start3A_741, %dma_start3A_742] : memref<10000x128xf32, #tpu.memory_space<hbm>> -> memref<10000x128xf32, #tpu.memory_space<hbm>>
          tpu.enqueue_indirect_dma source(%dma_start3A_743 : memref<10000x128xf32, #tpu.memory_space<hbm>>) target(%arg17 : memref<80x128xf32, #tpu.memory_space<vmem>>) offsets(%dma_start3A_740 : memref<80xi32, #tpu.memory_space<vmem>>) semaphore(%arg23 : memref<!tpu.dma_semaphore, #tpu.memory_space<semaphore_mem>>)
        } else {
        }
        %eq3A_733 = arith.constant 1 : i32
        %eq3A_734 = arith.cmpi eq, %arg0, %eq3A_733 : i32
        %convert_element_type3A_735 = arith.extui %eq3A_734 : i1 to i32
        %cond3A_736 = arith.constant 0 : i32
        %cond3A_737 = arith.cmpi ne, %convert_element_type3A_735, %cond3A_736 : i32
        scf.if %cond3A_737 {
          %dma_start3A_738 = arith.constant 0 : i32
          %dma_start3A_739 = tpu.memref_slice %arg15[%add3A_727, %dma_start3A_738] : memref<25x80xi32, #tpu.memory_space<vmem>> -> memref<1x80xi32, #tpu.memory_space<vmem>>
          %dma_start3A_740 = tpu.memref_squeeze %dma_start3A_739 : memref<1x80xi32, #tpu.memory_space<vmem>> -> memref<80xi32, #tpu.memory_space<vmem>>
          %dma_start3A_741 = arith.constant 0 : i32
          %dma_start3A_742 = arith.constant 0 : i32
          %dma_start3A_743 = tpu.memref_slice %arg3[%dma_start3A_741, %dma_start3A_742] : memref<10000x128xf32, #tpu.memory_space<hbm>> -> memref<10000x128xf32, #tpu.memory_space<hbm>>
          tpu.enqueue_indirect_dma source(%dma_start3A_743 : memref<10000x128xf32, #tpu.memory_space<hbm>>) target(%arg17 : memref<80x128xf32, #tpu.memory_space<vmem>>) offsets(%dma_start3A_740 : memref<80xi32, #tpu.memory_space<vmem>>) semaphore(%arg23 : memref<!tpu.dma_semaphore, #tpu.memory_space<semaphore_mem>>)
        } else {
        }
      } else {
      }
      %add3A_681 = arith.constant 1 : i32
      %add3A_682 = arith.addi %mul3A_647, %add3A_681 : i32
      %eq3A_683 = arith.constant 0 : i32
      %eq3A_684 = arith.cmpi eq, %arg0, %eq3A_683 : i32
      %convert_element_type3A_685 = arith.extui %eq3A_684 : i1 to i32
      %cond3A_686 = arith.constant 0 : i32
      %cond3A_687 = arith.cmpi ne, %convert_element_type3A_685, %cond3A_686 : i32
      scf.if %cond3A_687 {
        %dma_wait3A_726 = arith.constant 0 : i32
        %dma_wait3A_727 = tpu.memref_slice %arg15[%add3A_682, %dma_wait3A_726] : memref<25x80xi32, #tpu.memory_space<vmem>> -> memref<1x80xi32, #tpu.memory_space<vmem>>
        %dma_wait3A_728 = tpu.memref_squeeze %dma_wait3A_727 : memref<1x80xi32, #tpu.memory_space<vmem>> -> memref<80xi32, #tpu.memory_space<vmem>>
        %dma_wait3A_729 = arith.constant 0 : i32
        %dma_wait3A_730 = arith.constant 0 : i32
        %dma_wait3A_731 = tpu.memref_slice %arg2[%dma_wait3A_729, %dma_wait3A_730] : memref<10000x128xf32, #tpu.memory_space<hbm>> -> memref<10000x128xf32, #tpu.memory_space<hbm>>
        tpu.wait_indirect_dma semaphore(%arg24 : memref<!tpu.dma_semaphore, #tpu.memory_space<semaphore_mem>>) src(%dma_wait3A_731 : memref<10000x128xf32, #tpu.memory_space<hbm>>) dst(%arg18 : memref<80x128xf32, #tpu.memory_space<vmem>>)
      } else {
      }
      %eq3A_688 = arith.constant 1 : i32
      %eq3A_689 = arith.cmpi eq, %arg0, %eq3A_688 : i32
      %convert_element_type3A_690 = arith.extui %eq3A_689 : i1 to i32
      %cond3A_691 = arith.constant 0 : i32
      %cond3A_692 = arith.cmpi ne, %convert_element_type3A_690, %cond3A_691 : i32
      scf.if %cond3A_692 {
        %dma_wait3A_726 = arith.constant 0 : i32
        %dma_wait3A_727 = tpu.memref_slice %arg15[%add3A_682, %dma_wait3A_726] : memref<25x80xi32, #tpu.memory_space<vmem>> -> memref<1x80xi32, #tpu.memory_space<vmem>>
        %dma_wait3A_728 = tpu.memref_squeeze %dma_wait3A_727 : memref<1x80xi32, #tpu.memory_space<vmem>> -> memref<80xi32, #tpu.memory_space<vmem>>
        %dma_wait3A_729 = arith.constant 0 : i32
        %dma_wait3A_730 = arith.constant 0 : i32
        %dma_wait3A_731 = tpu.memref_slice %arg3[%dma_wait3A_729, %dma_wait3A_730] : memref<10000x128xf32, #tpu.memory_space<hbm>> -> memref<10000x128xf32, #tpu.memory_space<hbm>>
        tpu.wait_indirect_dma semaphore(%arg24 : memref<!tpu.dma_semaphore, #tpu.memory_space<semaphore_mem>>) src(%dma_wait3A_731 : memref<10000x128xf32, #tpu.memory_space<hbm>>) dst(%arg18 : memref<80x128xf32, #tpu.memory_space<vmem>>)
      } else {
      }
      %add3A_693 = arith.constant 1 : i32
      %add3A_694 = arith.addi %mul3A_647, %add3A_693 : i32
      "tpu.region"() ({
        %run_scoped3A_726 = tpu.sem_alloc : memref<!tpu.dma_semaphore, #tpu.memory_space<semaphore_mem>>
        %dma_start3A_727 = arith.constant 0 : i32
        %dma_start3A_728 = tpu.memref_slice %arg16[%add3A_694, %dma_start3A_727] : memref<25x80xi32, #tpu.memory_space<vmem>> -> memref<1x80xi32, #tpu.memory_space<vmem>>
        %dma_start3A_729 = tpu.memref_squeeze %dma_start3A_728 : memref<1x80xi32, #tpu.memory_space<vmem>> -> memref<80xi32, #tpu.memory_space<vmem>>
        %dma_start3A_730 = arith.constant 0 : i32
        %dma_start3A_731 = arith.constant 0 : i32
        %dma_start3A_732 = tpu.memref_slice %arg21[%dma_start3A_730, %dma_start3A_731] : memref<10000x128xf32, #tpu.memory_space<vmem_shared>> -> memref<10000x128xf32, #tpu.memory_space<vmem_shared>>
        tpu.enqueue_indirect_dma source(%arg18 : memref<80x128xf32, #tpu.memory_space<vmem>>) target(%dma_start3A_732 : memref<10000x128xf32, #tpu.memory_space<vmem_shared>>) offsets(%dma_start3A_729 : memref<80xi32, #tpu.memory_space<vmem>>) semaphore(%run_scoped3A_726 : memref<!tpu.dma_semaphore, #tpu.memory_space<semaphore_mem>>) {add = true}
        %dma_wait3A_733 = arith.constant 0 : i32
        %dma_wait3A_734 = tpu.memref_slice %arg16[%add3A_694, %dma_wait3A_733] : memref<25x80xi32, #tpu.memory_space<vmem>> -> memref<1x80xi32, #tpu.memory_space<vmem>>
        %dma_wait3A_735 = tpu.memref_squeeze %dma_wait3A_734 : memref<1x80xi32, #tpu.memory_space<vmem>> -> memref<80xi32, #tpu.memory_space<vmem>>
        %dma_wait3A_736 = arith.constant 0 : i32
        %dma_wait3A_737 = arith.constant 0 : i32
        %dma_wait3A_738 = tpu.memref_slice %arg21[%dma_wait3A_736, %dma_wait3A_737] : memref<10000x128xf32, #tpu.memory_space<vmem_shared>> -> memref<10000x128xf32, #tpu.memory_space<vmem_shared>>
        tpu.wait_indirect_dma semaphore(%run_scoped3A_726 : memref<!tpu.dma_semaphore, #tpu.memory_space<semaphore_mem>>) src(%arg18 : memref<80x128xf32, #tpu.memory_space<vmem>>) dst(%dma_wait3A_738 : memref<10000x128xf32, #tpu.memory_space<vmem_shared>>)
        tpu.yield
      }) : () -> ()
      %eq3A_695 = arith.constant 1 : i32
      %eq3A_696 = arith.cmpi eq, %arg0, %eq3A_695 : i32
      %convert_element_type3A_697 = arith.extui %eq3A_696 : i1 to i32
      %cond3A_698 = arith.constant 0 : i32
      %cond3A_699 = arith.cmpi ne, %convert_element_type3A_697, %cond3A_698 : i32
      scf.if %cond3A_699 {
        %dma_start3A_726 = arith.constant 0 : i32
        %dma_start3A_727 = tpu.memref_slice %arg16[%add3A_694, %dma_start3A_726] : memref<25x80xi32, #tpu.memory_space<vmem>> -> memref<1x80xi32, #tpu.memory_space<vmem>>
        %dma_start3A_728 = tpu.memref_squeeze %dma_start3A_727 : memref<1x80xi32, #tpu.memory_space<vmem>> -> memref<80xi32, #tpu.memory_space<vmem>>
        %dma_start3A_729 = arith.constant 0 : i32
        %dma_start3A_730 = tpu.memref_slice %arg22[%dma_start3A_729] : memref<10000xf32, #tpu.memory_space<vmem_shared>> -> memref<10000xf32, #tpu.memory_space<vmem_shared>>
        tpu.enqueue_indirect_dma source(%arg20 : memref<80xf32, #tpu.memory_space<vmem>>) target(%dma_start3A_730 : memref<10000xf32, #tpu.memory_space<vmem_shared>>) offsets(%dma_start3A_728 : memref<80xi32, #tpu.memory_space<vmem>>) semaphore(%arg26 : memref<!tpu.dma_semaphore, #tpu.memory_space<semaphore_mem>>) {add = true}
      } else {
      }
      %add3A_700 = arith.constant 4 : i32
      %add3A_701 = arith.addi %mul3A_647, %add3A_700 : i32
      %lt3A_702 = arith.constant 25 : i32
      %lt3A_703 = arith.cmpi slt, %add3A_701, %lt3A_702 : i32
      %convert_element_type3A_704 = arith.extui %lt3A_703 : i1 to i32
      %cond3A_705 = arith.constant 0 : i32
      %cond3A_706 = arith.cmpi ne, %convert_element_type3A_704, %cond3A_705 : i32
      scf.if %cond3A_706 {
        %add3A_726 = arith.constant 4 : i32
        %add3A_727 = arith.addi %mul3A_647, %add3A_726 : i32
        %eq3A_728 = arith.constant 0 : i32
        %eq3A_729 = arith.cmpi eq, %arg0, %eq3A_728 : i32
        %convert_element_type3A_730 = arith.extui %eq3A_729 : i1 to i32
        %cond3A_731 = arith.constant 0 : i32
        %cond3A_732 = arith.cmpi ne, %convert_element_type3A_730, %cond3A_731 : i32
        scf.if %cond3A_732 {
          %dma_start3A_738 = arith.constant 0 : i32
          %dma_start3A_739 = tpu.memref_slice %arg15[%add3A_727, %dma_start3A_738] : memref<25x80xi32, #tpu.memory_space<vmem>> -> memref<1x80xi32, #tpu.memory_space<vmem>>
          %dma_start3A_740 = tpu.memref_squeeze %dma_start3A_739 : memref<1x80xi32, #tpu.memory_space<vmem>> -> memref<80xi32, #tpu.memory_space<vmem>>
          %dma_start3A_741 = arith.constant 0 : i32
          %dma_start3A_742 = arith.constant 0 : i32
          %dma_start3A_743 = tpu.memref_slice %arg2[%dma_start3A_741, %dma_start3A_742] : memref<10000x128xf32, #tpu.memory_space<hbm>> -> memref<10000x128xf32, #tpu.memory_space<hbm>>
          tpu.enqueue_indirect_dma source(%dma_start3A_743 : memref<10000x128xf32, #tpu.memory_space<hbm>>) target(%arg18 : memref<80x128xf32, #tpu.memory_space<vmem>>) offsets(%dma_start3A_740 : memref<80xi32, #tpu.memory_space<vmem>>) semaphore(%arg24 : memref<!tpu.dma_semaphore, #tpu.memory_space<semaphore_mem>>)
        } else {
        }
        %eq3A_733 = arith.constant 1 : i32
        %eq3A_734 = arith.cmpi eq, %arg0, %eq3A_733 : i32
        %convert_element_type3A_735 = arith.extui %eq3A_734 : i1 to i32
        %cond3A_736 = arith.constant 0 : i32
        %cond3A_737 = arith.cmpi ne, %convert_element_type3A_735, %cond3A_736 : i32
        scf.if %cond3A_737 {
          %dma_start3A_738 = arith.constant 0 : i32
          %dma_start3A_739 = tpu.memref_slice %arg15[%add3A_727, %dma_start3A_738] : memref<25x80xi32, #tpu.memory_space<vmem>> -> memref<1x80xi32, #tpu.memory_space<vmem>>
          %dma_start3A_740 = tpu.memref_squeeze %dma_start3A_739 : memref<1x80xi32, #tpu.memory_space<vmem>> -> memref<80xi32, #tpu.memory_space<vmem>>
          %dma_start3A_741 = arith.constant 0 : i32
          %dma_start3A_742 = arith.constant 0 : i32
          %dma_start3A_743 = tpu.memref_slice %arg3[%dma_start3A_741, %dma_start3A_742] : memref<10000x128xf32, #tpu.memory_space<hbm>> -> memref<10000x128xf32, #tpu.memory_space<hbm>>
          tpu.enqueue_indirect_dma source(%dma_start3A_743 : memref<10000x128xf32, #tpu.memory_space<hbm>>) target(%arg18 : memref<80x128xf32, #tpu.memory_space<vmem>>) offsets(%dma_start3A_740 : memref<80xi32, #tpu.memory_space<vmem>>) semaphore(%arg24 : memref<!tpu.dma_semaphore, #tpu.memory_space<semaphore_mem>>)
        } else {
        }
      } else {
      }
      %add3A_707 = arith.constant 2 : i32
      %add3A_708 = arith.addi %mul3A_647, %add3A_707 : i32
      %eq3A_709 = arith.constant 0 : i32
      %eq3A_710 = arith.cmpi eq, %arg0, %eq3A_709 : i32
      %convert_element_type3A_711 = arith.extui %eq3A_710 : i1 to i32
      %cond3A_712 = arith.constant 0 : i32
      %cond3A_713 = arith.cmpi ne, %convert_element_type3A_711, %cond3A_712 : i32
      scf.if %cond3A_713 {
        %dma_wait3A_726 = arith.constant 0 : i32
        %dma_wait3A_727 = tpu.memref_slice %arg15[%add3A_708, %dma_wait3A_726] : memref<25x80xi32, #tpu.memory_space<vmem>> -> memref<1x80xi32, #tpu.memory_space<vmem>>
        %dma_wait3A_728 = tpu.memref_squeeze %dma_wait3A_727 : memref<1x80xi32, #tpu.memory_space<vmem>> -> memref<80xi32, #tpu.memory_space<vmem>>
        %dma_wait3A_729 = arith.constant 0 : i32
        %dma_wait3A_730 = arith.constant 0 : i32
        %dma_wait3A_731 = tpu.memref_slice %arg2[%dma_wait3A_729, %dma_wait3A_730] : memref<10000x128xf32, #tpu.memory_space<hbm>> -> memref<10000x128xf32, #tpu.memory_space<hbm>>
        tpu.wait_indirect_dma semaphore(%arg25 : memref<!tpu.dma_semaphore, #tpu.memory_space<semaphore_mem>>) src(%dma_wait3A_731 : memref<10000x128xf32, #tpu.memory_space<hbm>>) dst(%arg19 : memref<80x128xf32, #tpu.memory_space<vmem>>)
      } else {
      }
      %eq3A_714 = arith.constant 1 : i32
      %eq3A_715 = arith.cmpi eq, %arg0, %eq3A_714 : i32
      %convert_element_type3A_716 = arith.extui %eq3A_715 : i1 to i32
      %cond3A_717 = arith.constant 0 : i32
      %cond3A_718 = arith.cmpi ne, %convert_element_type3A_716, %cond3A_717 : i32
      scf.if %cond3A_718 {
        %dma_wait3A_726 = arith.constant 0 : i32
        %dma_wait3A_727 = tpu.memref_slice %arg15[%add3A_708, %dma_wait3A_726] : memref<25x80xi32, #tpu.memory_space<vmem>> -> memref<1x80xi32, #tpu.memory_space<vmem>>
        %dma_wait3A_728 = tpu.memref_squeeze %dma_wait3A_727 : memref<1x80xi32, #tpu.memory_space<vmem>> -> memref<80xi32, #tpu.memory_space<vmem>>
        %dma_wait3A_729 = arith.constant 0 : i32
        %dma_wait3A_730 = arith.constant 0 : i32
        %dma_wait3A_731 = tpu.memref_slice %arg3[%dma_wait3A_729, %dma_wait3A_730] : memref<10000x128xf32, #tpu.memory_space<hbm>> -> memref<10000x128xf32, #tpu.memory_space<hbm>>
        tpu.wait_indirect_dma semaphore(%arg25 : memref<!tpu.dma_semaphore, #tpu.memory_space<semaphore_mem>>) src(%dma_wait3A_731 : memref<10000x128xf32, #tpu.memory_space<hbm>>) dst(%arg19 : memref<80x128xf32, #tpu.memory_space<vmem>>)
      } else {
      }
      %add3A_719 = arith.constant 2 : i32
      %add3A_720 = arith.addi %mul3A_647, %add3A_719 : i32
      "tpu.region"() ({
        %run_scoped3A_726 = tpu.sem_alloc : memref<!tpu.dma_semaphore, #tpu.memory_space<semaphore_mem>>
        %dma_start3A_727 = arith.constant 0 : i32
        %dma_start3A_728 = tpu.memref_slice %arg16[%add3A_720, %dma_start3A_727] : memref<25x80xi32, #tpu.memory_space<vmem>> -> memref<1x80xi32, #tpu.memory_space<vmem>>
        %dma_start3A_729 = tpu.memref_squeeze %dma_start3A_728 : memref<1x80xi32, #tpu.memory_space<vmem>> -> memref<80xi32, #tpu.memory_space<vmem>>
        %dma_start3A_730 = arith.constant 0 : i32
        %dma_start3A_731 = arith.constant 0 : i32
        %dma_start3A_732 = tpu.memref_slice %arg21[%dma_start3A_730, %dma_start3A_731] : memref<10000x128xf32, #tpu.memory_space<vmem_shared>> -> memref<10000x128xf32, #tpu.memory_space<vmem_shared>>
        tpu.enqueue_indirect_dma source(%arg19 : memref<80x128xf32, #tpu.memory_space<vmem>>) target(%dma_start3A_732 : memref<10000x128xf32, #tpu.memory_space<vmem_shared>>) offsets(%dma_start3A_729 : memref<80xi32, #tpu.memory_space<vmem>>) semaphore(%run_scoped3A_726 : memref<!tpu.dma_semaphore, #tpu.memory_space<semaphore_mem>>) {add = true}
        %dma_wait3A_733 = arith.constant 0 : i32
        %dma_wait3A_734 = tpu.memref_slice %arg16[%add3A_720, %dma_wait3A_733] : memref<25x80xi32, #tpu.memory_space<vmem>> -> memref<1x80xi32, #tpu.memory_space<vmem>>
        %dma_wait3A_735 = tpu.memref_squeeze %dma_wait3A_734 : memref<1x80xi32, #tpu.memory_space<vmem>> -> memref<80xi32, #tpu.memory_space<vmem>>
        %dma_wait3A_736 = arith.constant 0 : i32
        %dma_wait3A_737 = arith.constant 0 : i32
        %dma_wait3A_738 = tpu.memref_slice %arg21[%dma_wait3A_736, %dma_wait3A_737] : memref<10000x128xf32, #tpu.memory_space<vmem_shared>> -> memref<10000x128xf32, #tpu.memory_space<vmem_shared>>
        tpu.wait_indirect_dma semaphore(%run_scoped3A_726 : memref<!tpu.dma_semaphore, #tpu.memory_space<semaphore_mem>>) src(%arg19 : memref<80x128xf32, #tpu.memory_space<vmem>>) dst(%dma_wait3A_738 : memref<10000x128xf32, #tpu.memory_space<vmem_shared>>)
        tpu.yield
      }) : () -> ()
      %eq3A_721 = arith.constant 1 : i32
      %eq3A_722 = arith.cmpi eq, %arg0, %eq3A_721 : i32
      %convert_element_type3A_723 = arith.extui %eq3A_722 : i1 to i32
      %cond3A_724 = arith.constant 0 : i32
      %cond3A_725 = arith.cmpi ne, %convert_element_type3A_723, %cond3A_724 : i32
      scf.if %cond3A_725 {
        %dma_start3A_726 = arith.constant 0 : i32
        %dma_start3A_727 = tpu.memref_slice %arg16[%add3A_720, %dma_start3A_726] : memref<25x80xi32, #tpu.memory_space<vmem>> -> memref<1x80xi32, #tpu.memory_space<vmem>>
        %dma_start3A_728 = tpu.memref_squeeze %dma_start3A_727 : memref<1x80xi32, #tpu.memory_space<vmem>> -> memref<80xi32, #tpu.memory_space<vmem>>
        %dma_start3A_729 = arith.constant 0 : i32
        %dma_start3A_730 = tpu.memref_slice %arg22[%dma_start3A_729] : memref<10000xf32, #tpu.memory_space<vmem_shared>> -> memref<10000xf32, #tpu.memory_space<vmem_shared>>
        tpu.enqueue_indirect_dma source(%arg20 : memref<80xf32, #tpu.memory_space<vmem>>) target(%dma_start3A_730 : memref<10000xf32, #tpu.memory_space<vmem_shared>>) offsets(%dma_start3A_728 : memref<80xi32, #tpu.memory_space<vmem>>) semaphore(%arg26 : memref<!tpu.dma_semaphore, #tpu.memory_space<semaphore_mem>>) {add = true}
      } else {
      }
    }
    %scan3A_262 = arith.constant 8 : i32
    %eq3A_263 = arith.constant 0 : i32
    %eq3A_264 = arith.cmpi eq, %arg0, %eq3A_263 : i32
    %convert_element_type3A_265 = arith.extui %eq3A_264 : i1 to i32
    %cond3A_266 = arith.constant 0 : i32
    %cond3A_267 = arith.cmpi ne, %convert_element_type3A_265, %cond3A_266 : i32
    scf.if %cond3A_267 {
      %dma_wait3A_645 = arith.constant 24 : i32
      %dma_wait3A_646 = arith.constant 0 : i32
      %dma_wait3A_647 = tpu.memref_slice %arg15[%dma_wait3A_645, %dma_wait3A_646] : memref<25x80xi32, #tpu.memory_space<vmem>> -> memref<1x80xi32, #tpu.memory_space<vmem>>
      %dma_wait3A_648 = tpu.memref_squeeze %dma_wait3A_647 : memref<1x80xi32, #tpu.memory_space<vmem>> -> memref<80xi32, #tpu.memory_space<vmem>>
      %dma_wait3A_649 = arith.constant 0 : i32
      %dma_wait3A_650 = arith.constant 0 : i32
      %dma_wait3A_651 = tpu.memref_slice %arg2[%dma_wait3A_649, %dma_wait3A_650] : memref<10000x128xf32, #tpu.memory_space<hbm>> -> memref<10000x128xf32, #tpu.memory_space<hbm>>
      tpu.wait_indirect_dma semaphore(%arg23 : memref<!tpu.dma_semaphore, #tpu.memory_space<semaphore_mem>>) src(%dma_wait3A_651 : memref<10000x128xf32, #tpu.memory_space<hbm>>) dst(%arg17 : memref<80x128xf32, #tpu.memory_space<vmem>>)
    } else {
    }
    %eq3A_268 = arith.constant 1 : i32
    %eq3A_269 = arith.cmpi eq, %arg0, %eq3A_268 : i32
    %convert_element_type3A_270 = arith.extui %eq3A_269 : i1 to i32
    %cond3A_271 = arith.constant 0 : i32
    %cond3A_272 = arith.cmpi ne, %convert_element_type3A_270, %cond3A_271 : i32
    scf.if %cond3A_272 {
      %dma_wait3A_645 = arith.constant 24 : i32
      %dma_wait3A_646 = arith.constant 0 : i32
      %dma_wait3A_647 = tpu.memref_slice %arg15[%dma_wait3A_645, %dma_wait3A_646] : memref<25x80xi32, #tpu.memory_space<vmem>> -> memref<1x80xi32, #tpu.memory_space<vmem>>
      %dma_wait3A_648 = tpu.memref_squeeze %dma_wait3A_647 : memref<1x80xi32, #tpu.memory_space<vmem>> -> memref<80xi32, #tpu.memory_space<vmem>>
      %dma_wait3A_649 = arith.constant 0 : i32
      %dma_wait3A_650 = arith.constant 0 : i32
      %dma_wait3A_651 = tpu.memref_slice %arg3[%dma_wait3A_649, %dma_wait3A_650] : memref<10000x128xf32, #tpu.memory_space<hbm>> -> memref<10000x128xf32, #tpu.memory_space<hbm>>
      tpu.wait_indirect_dma semaphore(%arg23 : memref<!tpu.dma_semaphore, #tpu.memory_space<semaphore_mem>>) src(%dma_wait3A_651 : memref<10000x128xf32, #tpu.memory_space<hbm>>) dst(%arg17 : memref<80x128xf32, #tpu.memory_space<vmem>>)
    } else {
    }
    %run_scoped3A_273 = arith.constant 24 : i32
    "tpu.region"() ({
      %run_scoped3A_645 = tpu.sem_alloc : memref<!tpu.dma_semaphore, #tpu.memory_space<semaphore_mem>>
      %dma_start3A_646 = arith.constant 0 : i32
      %dma_start3A_647 = tpu.memref_slice %arg16[%run_scoped3A_273, %dma_start3A_646] : memref<25x80xi32, #tpu.memory_space<vmem>> -> memref<1x80xi32, #tpu.memory_space<vmem>>
      %dma_start3A_648 = tpu.memref_squeeze %dma_start3A_647 : memref<1x80xi32, #tpu.memory_space<vmem>> -> memref<80xi32, #tpu.memory_space<vmem>>
      %dma_start3A_649 = arith.constant 0 : i32
      %dma_start3A_650 = arith.constant 0 : i32
      %dma_start3A_651 = tpu.memref_slice %arg21[%dma_start3A_649, %dma_start3A_650] : memref<10000x128xf32, #tpu.memory_space<vmem_shared>> -> memref<10000x128xf32, #tpu.memory_space<vmem_shared>>
      tpu.enqueue_indirect_dma source(%arg17 : memref<80x128xf32, #tpu.memory_space<vmem>>) target(%dma_start3A_651 : memref<10000x128xf32, #tpu.memory_space<vmem_shared>>) offsets(%dma_start3A_648 : memref<80xi32, #tpu.memory_space<vmem>>) semaphore(%run_scoped3A_645 : memref<!tpu.dma_semaphore, #tpu.memory_space<semaphore_mem>>) {add = true}
      %dma_wait3A_652 = arith.constant 0 : i32
      %dma_wait3A_653 = tpu.memref_slice %arg16[%run_scoped3A_273, %dma_wait3A_652] : memref<25x80xi32, #tpu.memory_space<vmem>> -> memref<1x80xi32, #tpu.memory_space<vmem>>
      %dma_wait3A_654 = tpu.memref_squeeze %dma_wait3A_653 : memref<1x80xi32, #tpu.memory_space<vmem>> -> memref<80xi32, #tpu.memory_space<vmem>>
      %dma_wait3A_655 = arith.constant 0 : i32
      %dma_wait3A_656 = arith.constant 0 : i32
      %dma_wait3A_657 = tpu.memref_slice %arg21[%dma_wait3A_655, %dma_wait3A_656] : memref<10000x128xf32, #tpu.memory_space<vmem_shared>> -> memref<10000x128xf32, #tpu.memory_space<vmem_shared>>
      tpu.wait_indirect_dma semaphore(%run_scoped3A_645 : memref<!tpu.dma_semaphore, #tpu.memory_space<semaphore_mem>>) src(%arg17 : memref<80x128xf32, #tpu.memory_space<vmem>>) dst(%dma_wait3A_657 : memref<10000x128xf32, #tpu.memory_space<vmem_shared>>)
      tpu.yield
    }) : () -> ()
    %eq3A_274 = arith.constant 1 : i32
    %eq3A_275 = arith.cmpi eq, %arg0, %eq3A_274 : i32
    %convert_element_type3A_276 = arith.extui %eq3A_275 : i1 to i32
    %cond3A_277 = arith.constant 0 : i32
    %cond3A_278 = arith.cmpi ne, %convert_element_type3A_276, %cond3A_277 : i32
    scf.if %cond3A_278 {
      %dma_start3A_645 = arith.constant 24 : i32
      %dma_start3A_646 = arith.constant 0 : i32
      %dma_start3A_647 = tpu.memref_slice %arg16[%dma_start3A_645, %dma_start3A_646] : memref<25x80xi32, #tpu.memory_space<vmem>> -> memref<1x80xi32, #tpu.memory_space<vmem>>
      %dma_start3A_648 = tpu.memref_squeeze %dma_start3A_647 : memref<1x80xi32, #tpu.memory_space<vmem>> -> memref<80xi32, #tpu.memory_space<vmem>>
      %dma_start3A_649 = arith.constant 0 : i32
      %dma_start3A_650 = tpu.memref_slice %arg22[%dma_start3A_649] : memref<10000xf32, #tpu.memory_space<vmem_shared>> -> memref<10000xf32, #tpu.memory_space<vmem_shared>>
      tpu.enqueue_indirect_dma source(%arg20 : memref<80xf32, #tpu.memory_space<vmem>>) target(%dma_start3A_650 : memref<10000xf32, #tpu.memory_space<vmem_shared>>) offsets(%dma_start3A_648 : memref<80xi32, #tpu.memory_space<vmem>>) semaphore(%arg26 : memref<!tpu.dma_semaphore, #tpu.memory_space<semaphore_mem>>) {add = true}
    } else {
    }
    %eq3A_279 = arith.constant 1 : i32
    %eq3A_280 = arith.cmpi eq, %arg0, %eq3A_279 : i32
    %convert_element_type3A_281 = arith.extui %eq3A_280 : i1 to i32
    %cond3A_282 = arith.constant 0 : i32
    %cond3A_283 = arith.cmpi ne, %convert_element_type3A_281, %cond3A_282 : i32
    scf.if %cond3A_283 {
      %scan3A_645 = arith.constant 0 : i32
      %scan3A_646 = arith.constant 25 : i32
      %scan3A_647 = arith.addi %scan3A_645, %scan3A_646 : i32
      %scan3A_648 = arith.constant 1 : i32
      scf.for %scan3A_650 = %scan3A_645 to %scan3A_647 step %scan3A_648  : i32 {
        %dma_wait3A_651 = arith.constant 0 : i32
        %dma_wait3A_652 = arith.constant 0 : i32
        %dma_wait3A_653 = tpu.memref_slice %arg16[%dma_wait3A_651, %dma_wait3A_652] : memref<25x80xi32, #tpu.memory_space<vmem>> -> memref<1x80xi32, #tpu.memory_space<vmem>>
        %dma_wait3A_654 = tpu.memref_squeeze %dma_wait3A_653 : memref<1x80xi32, #tpu.memory_space<vmem>> -> memref<80xi32, #tpu.memory_space<vmem>>
        %dma_wait3A_655 = arith.constant 0 : i32
        %dma_wait3A_656 = tpu.memref_slice %arg22[%dma_wait3A_655] : memref<10000xf32, #tpu.memory_space<vmem_shared>> -> memref<10000xf32, #tpu.memory_space<vmem_shared>>
        tpu.wait_indirect_dma semaphore(%arg26 : memref<!tpu.dma_semaphore, #tpu.memory_space<semaphore_mem>>) src(%arg20 : memref<80xf32, #tpu.memory_space<vmem>>) dst(%dma_wait3A_656 : memref<10000xf32, #tpu.memory_space<vmem_shared>>)
      }
      %scan3A_649 = arith.constant 25 : i32
    } else {
    }
    %dma_wait3A_284 = arith.constant 2 : i32
    %dma_wait3A_285 = arith.constant 0 : i32
    %dma_wait3A_286 = arith.constant 0 : i32
    %dma_wait3A_287 = arith.constant 0 : i32
    %dma_wait3A_288 = tpu.memref_slice %arg4[%arg1, %dma_wait3A_285, %dma_wait3A_286, %dma_wait3A_287] : memref<16x5x25x80xi32, #tpu.memory_space<hbm>> -> memref<1x5x25x80xi32, #tpu.memory_space<hbm>>
    %dma_wait3A_289 = tpu.memref_squeeze %dma_wait3A_288 : memref<1x5x25x80xi32, #tpu.memory_space<hbm>> -> memref<5x25x80xi32, #tpu.memory_space<hbm>>
    %dma_wait3A_290 = arith.constant 0 : i32
    %dma_wait3A_291 = arith.constant 0 : i32
    %dma_wait3A_292 = tpu.memref_slice %dma_wait3A_289[%dma_wait3A_284, %dma_wait3A_290, %dma_wait3A_291] : memref<5x25x80xi32, #tpu.memory_space<hbm>> -> memref<1x25x80xi32, #tpu.memory_space<hbm>>
    %dma_wait3A_293 = tpu.memref_squeeze %dma_wait3A_292 : memref<1x25x80xi32, #tpu.memory_space<hbm>> -> memref<25x80xi32, #tpu.memory_space<hbm>>
    %dma_wait3A_294 = arith.constant 0 : i32
    %dma_wait3A_295 = arith.constant 0 : i32
    %dma_wait3A_296 = arith.constant 0 : i32
    %dma_wait3A_297 = tpu.memref_slice %arg4[%arg1, %dma_wait3A_294, %dma_wait3A_295, %dma_wait3A_296] : memref<16x5x25x80xi32, #tpu.memory_space<hbm>> -> memref<1x5x25x80xi32, #tpu.memory_space<hbm>>
    %dma_wait3A_298 = tpu.memref_squeeze %dma_wait3A_297 : memref<1x5x25x80xi32, #tpu.memory_space<hbm>> -> memref<5x25x80xi32, #tpu.memory_space<hbm>>
    %dma_wait3A_299 = arith.constant 0 : i32
    %dma_wait3A_300 = arith.constant 0 : i32
    %dma_wait3A_301 = tpu.memref_slice %dma_wait3A_298[%dma_wait3A_284, %dma_wait3A_299, %dma_wait3A_300] : memref<5x25x80xi32, #tpu.memory_space<hbm>> -> memref<1x25x80xi32, #tpu.memory_space<hbm>>
    %dma_wait3A_302 = tpu.memref_squeeze %dma_wait3A_301 : memref<1x25x80xi32, #tpu.memory_space<hbm>> -> memref<25x80xi32, #tpu.memory_space<hbm>>
    tpu.wait_dma2 semaphore(%arg27 : memref<!tpu.dma_semaphore, #tpu.memory_space<semaphore_mem>>) src(%dma_wait3A_302 : memref<25x80xi32, #tpu.memory_space<hbm>>) dst(%arg13 : memref<25x80xi32, #tpu.memory_space<vmem>>)
    %dma_wait3A_303 = arith.constant 2 : i32
    %dma_wait3A_304 = arith.constant 0 : i32
    %dma_wait3A_305 = arith.constant 0 : i32
    %dma_wait3A_306 = arith.constant 0 : i32
    %dma_wait3A_307 = tpu.memref_slice %arg5[%arg1, %dma_wait3A_304, %dma_wait3A_305, %dma_wait3A_306] : memref<16x5x25x80xi32, #tpu.memory_space<hbm>> -> memref<1x5x25x80xi32, #tpu.memory_space<hbm>>
    %dma_wait3A_308 = tpu.memref_squeeze %dma_wait3A_307 : memref<1x5x25x80xi32, #tpu.memory_space<hbm>> -> memref<5x25x80xi32, #tpu.memory_space<hbm>>
    %dma_wait3A_309 = arith.constant 0 : i32
    %dma_wait3A_310 = arith.constant 0 : i32
    %dma_wait3A_311 = tpu.memref_slice %dma_wait3A_308[%dma_wait3A_303, %dma_wait3A_309, %dma_wait3A_310] : memref<5x25x80xi32, #tpu.memory_space<hbm>> -> memref<1x25x80xi32, #tpu.memory_space<hbm>>
    %dma_wait3A_312 = tpu.memref_squeeze %dma_wait3A_311 : memref<1x25x80xi32, #tpu.memory_space<hbm>> -> memref<25x80xi32, #tpu.memory_space<hbm>>
    %dma_wait3A_313 = arith.constant 0 : i32
    %dma_wait3A_314 = arith.constant 0 : i32
    %dma_wait3A_315 = arith.constant 0 : i32
    %dma_wait3A_316 = tpu.memref_slice %arg5[%arg1, %dma_wait3A_313, %dma_wait3A_314, %dma_wait3A_315] : memref<16x5x25x80xi32, #tpu.memory_space<hbm>> -> memref<1x5x25x80xi32, #tpu.memory_space<hbm>>
    %dma_wait3A_317 = tpu.memref_squeeze %dma_wait3A_316 : memref<1x5x25x80xi32, #tpu.memory_space<hbm>> -> memref<5x25x80xi32, #tpu.memory_space<hbm>>
    %dma_wait3A_318 = arith.constant 0 : i32
    %dma_wait3A_319 = arith.constant 0 : i32
    %dma_wait3A_320 = tpu.memref_slice %dma_wait3A_317[%dma_wait3A_303, %dma_wait3A_318, %dma_wait3A_319] : memref<5x25x80xi32, #tpu.memory_space<hbm>> -> memref<1x25x80xi32, #tpu.memory_space<hbm>>
    %dma_wait3A_321 = tpu.memref_squeeze %dma_wait3A_320 : memref<1x25x80xi32, #tpu.memory_space<hbm>> -> memref<25x80xi32, #tpu.memory_space<hbm>>
    tpu.wait_dma2 semaphore(%arg27 : memref<!tpu.dma_semaphore, #tpu.memory_space<semaphore_mem>>) src(%dma_wait3A_321 : memref<25x80xi32, #tpu.memory_space<hbm>>) dst(%arg14 : memref<25x80xi32, #tpu.memory_space<vmem>>)
    %dma_start3A_322 = arith.constant 3 : i32
    %dma_start3A_323 = arith.constant 0 : i32
    %dma_start3A_324 = arith.constant 0 : i32
    %dma_start3A_325 = arith.constant 0 : i32
    %dma_start3A_326 = tpu.memref_slice %arg4[%arg1, %dma_start3A_323, %dma_start3A_324, %dma_start3A_325] : memref<16x5x25x80xi32, #tpu.memory_space<hbm>> -> memref<1x5x25x80xi32, #tpu.memory_space<hbm>>
    %dma_start3A_327 = tpu.memref_squeeze %dma_start3A_326 : memref<1x5x25x80xi32, #tpu.memory_space<hbm>> -> memref<5x25x80xi32, #tpu.memory_space<hbm>>
    %dma_start3A_328 = arith.constant 0 : i32
    %dma_start3A_329 = arith.constant 0 : i32
    %dma_start3A_330 = tpu.memref_slice %dma_start3A_327[%dma_start3A_322, %dma_start3A_328, %dma_start3A_329] : memref<5x25x80xi32, #tpu.memory_space<hbm>> -> memref<1x25x80xi32, #tpu.memory_space<hbm>>
    %dma_start3A_331 = tpu.memref_squeeze %dma_start3A_330 : memref<1x25x80xi32, #tpu.memory_space<hbm>> -> memref<25x80xi32, #tpu.memory_space<hbm>>
    %dma_start3A_332 = arith.constant 0 : i32
    %dma_start3A_333 = arith.constant 0 : i32
    %dma_start3A_334 = arith.constant 0 : i32
    %dma_start3A_335 = tpu.memref_slice %arg4[%arg1, %dma_start3A_332, %dma_start3A_333, %dma_start3A_334] : memref<16x5x25x80xi32, #tpu.memory_space<hbm>> -> memref<1x5x25x80xi32, #tpu.memory_space<hbm>>
    %dma_start3A_336 = tpu.memref_squeeze %dma_start3A_335 : memref<1x5x25x80xi32, #tpu.memory_space<hbm>> -> memref<5x25x80xi32, #tpu.memory_space<hbm>>
    %dma_start3A_337 = arith.constant 0 : i32
    %dma_start3A_338 = arith.constant 0 : i32
    %dma_start3A_339 = tpu.memref_slice %dma_start3A_336[%dma_start3A_322, %dma_start3A_337, %dma_start3A_338] : memref<5x25x80xi32, #tpu.memory_space<hbm>> -> memref<1x25x80xi32, #tpu.memory_space<hbm>>
    %dma_start3A_340 = tpu.memref_squeeze %dma_start3A_339 : memref<1x25x80xi32, #tpu.memory_space<hbm>> -> memref<25x80xi32, #tpu.memory_space<hbm>>
    tpu.enqueue_dma source(%dma_start3A_340 : memref<25x80xi32, #tpu.memory_space<hbm>>) target(%arg15 : memref<25x80xi32, #tpu.memory_space<vmem>>) target_semaphore(%arg27 : memref<!tpu.dma_semaphore, #tpu.memory_space<semaphore_mem>>)
    %dma_start3A_341 = arith.constant 3 : i32
    %dma_start3A_342 = arith.constant 0 : i32
    %dma_start3A_343 = arith.constant 0 : i32
    %dma_start3A_344 = arith.constant 0 : i32
    %dma_start3A_345 = tpu.memref_slice %arg5[%arg1, %dma_start3A_342, %dma_start3A_343, %dma_start3A_344] : memref<16x5x25x80xi32, #tpu.memory_space<hbm>> -> memref<1x5x25x80xi32, #tpu.memory_space<hbm>>
    %dma_start3A_346 = tpu.memref_squeeze %dma_start3A_345 : memref<1x5x25x80xi32, #tpu.memory_space<hbm>> -> memref<5x25x80xi32, #tpu.memory_space<hbm>>
    %dma_start3A_347 = arith.constant 0 : i32
    %dma_start3A_348 = arith.constant 0 : i32
    %dma_start3A_349 = tpu.memref_slice %dma_start3A_346[%dma_start3A_341, %dma_start3A_347, %dma_start3A_348] : memref<5x25x80xi32, #tpu.memory_space<hbm>> -> memref<1x25x80xi32, #tpu.memory_space<hbm>>
    %dma_start3A_350 = tpu.memref_squeeze %dma_start3A_349 : memref<1x25x80xi32, #tpu.memory_space<hbm>> -> memref<25x80xi32, #tpu.memory_space<hbm>>
    %dma_start3A_351 = arith.constant 0 : i32
    %dma_start3A_352 = arith.constant 0 : i32
    %dma_start3A_353 = arith.constant 0 : i32
    %dma_start3A_354 = tpu.memref_slice %arg5[%arg1, %dma_start3A_351, %dma_start3A_352, %dma_start3A_353] : memref<16x5x25x80xi32, #tpu.memory_space<hbm>> -> memref<1x5x25x80xi32, #tpu.memory_space<hbm>>
    %dma_start3A_355 = tpu.memref_squeeze %dma_start3A_354 : memref<1x5x25x80xi32, #tpu.memory_space<hbm>> -> memref<5x25x80xi32, #tpu.memory_space<hbm>>
    %dma_start3A_356 = arith.constant 0 : i32
    %dma_start3A_357 = arith.constant 0 : i32
    %dma_start3A_358 = tpu.memref_slice %dma_start3A_355[%dma_start3A_341, %dma_start3A_356, %dma_start3A_357] : memref<5x25x80xi32, #tpu.memory_space<hbm>> -> memref<1x25x80xi32, #tpu.memory_space<hbm>>
    %dma_start3A_359 = tpu.memref_squeeze %dma_start3A_358 : memref<1x25x80xi32, #tpu.memory_space<hbm>> -> memref<25x80xi32, #tpu.memory_space<hbm>>
    tpu.enqueue_dma source(%dma_start3A_359 : memref<25x80xi32, #tpu.memory_space<hbm>>) target(%arg16 : memref<25x80xi32, #tpu.memory_space<vmem>>) target_semaphore(%arg27 : memref<!tpu.dma_semaphore, #tpu.memory_space<semaphore_mem>>)
    %eq3A_360 = arith.constant 0 : i32
    %eq3A_361 = arith.cmpi eq, %arg0, %eq3A_360 : i32
    %convert_element_type3A_362 = arith.extui %eq3A_361 : i1 to i32
    %cond3A_363 = arith.constant 0 : i32
    %cond3A_364 = arith.cmpi ne, %convert_element_type3A_362, %cond3A_363 : i32
    scf.if %cond3A_364 {
      %dma_start3A_645 = arith.constant 0 : i32
      %dma_start3A_646 = arith.constant 0 : i32
      %dma_start3A_647 = tpu.memref_slice %arg13[%dma_start3A_645, %dma_start3A_646] : memref<25x80xi32, #tpu.memory_space<vmem>> -> memref<1x80xi32, #tpu.memory_space<vmem>>
      %dma_start3A_648 = tpu.memref_squeeze %dma_start3A_647 : memref<1x80xi32, #tpu.memory_space<vmem>> -> memref<80xi32, #tpu.memory_space<vmem>>
      %dma_start3A_649 = arith.constant 0 : i32
      %dma_start3A_650 = arith.constant 0 : i32
      %dma_start3A_651 = tpu.memref_slice %arg2[%dma_start3A_649, %dma_start3A_650] : memref<10000x128xf32, #tpu.memory_space<hbm>> -> memref<10000x128xf32, #tpu.memory_space<hbm>>
      tpu.enqueue_indirect_dma source(%dma_start3A_651 : memref<10000x128xf32, #tpu.memory_space<hbm>>) target(%arg17 : memref<80x128xf32, #tpu.memory_space<vmem>>) offsets(%dma_start3A_648 : memref<80xi32, #tpu.memory_space<vmem>>) semaphore(%arg23 : memref<!tpu.dma_semaphore, #tpu.memory_space<semaphore_mem>>)
    } else {
    }
    %eq3A_365 = arith.constant 1 : i32
    %eq3A_366 = arith.cmpi eq, %arg0, %eq3A_365 : i32
    %convert_element_type3A_367 = arith.extui %eq3A_366 : i1 to i32
    %cond3A_368 = arith.constant 0 : i32
    %cond3A_369 = arith.cmpi ne, %convert_element_type3A_367, %cond3A_368 : i32
    scf.if %cond3A_369 {
      %dma_start3A_645 = arith.constant 0 : i32
      %dma_start3A_646 = arith.constant 0 : i32
      %dma_start3A_647 = tpu.memref_slice %arg13[%dma_start3A_645, %dma_start3A_646] : memref<25x80xi32, #tpu.memory_space<vmem>> -> memref<1x80xi32, #tpu.memory_space<vmem>>
      %dma_start3A_648 = tpu.memref_squeeze %dma_start3A_647 : memref<1x80xi32, #tpu.memory_space<vmem>> -> memref<80xi32, #tpu.memory_space<vmem>>
      %dma_start3A_649 = arith.constant 0 : i32
      %dma_start3A_650 = arith.constant 0 : i32
      %dma_start3A_651 = tpu.memref_slice %arg3[%dma_start3A_649, %dma_start3A_650] : memref<10000x128xf32, #tpu.memory_space<hbm>> -> memref<10000x128xf32, #tpu.memory_space<hbm>>
      tpu.enqueue_indirect_dma source(%dma_start3A_651 : memref<10000x128xf32, #tpu.memory_space<hbm>>) target(%arg17 : memref<80x128xf32, #tpu.memory_space<vmem>>) offsets(%dma_start3A_648 : memref<80xi32, #tpu.memory_space<vmem>>) semaphore(%arg23 : memref<!tpu.dma_semaphore, #tpu.memory_space<semaphore_mem>>)
    } else {
    }
    %eq3A_370 = arith.constant 0 : i32
    %eq3A_371 = arith.cmpi eq, %arg0, %eq3A_370 : i32
    %convert_element_type3A_372 = arith.extui %eq3A_371 : i1 to i32
    %cond3A_373 = arith.constant 0 : i32
    %cond3A_374 = arith.cmpi ne, %convert_element_type3A_372, %cond3A_373 : i32
    scf.if %cond3A_374 {
      %dma_start3A_645 = arith.constant 1 : i32
      %dma_start3A_646 = arith.constant 0 : i32
      %dma_start3A_647 = tpu.memref_slice %arg13[%dma_start3A_645, %dma_start3A_646] : memref<25x80xi32, #tpu.memory_space<vmem>> -> memref<1x80xi32, #tpu.memory_space<vmem>>
      %dma_start3A_648 = tpu.memref_squeeze %dma_start3A_647 : memref<1x80xi32, #tpu.memory_space<vmem>> -> memref<80xi32, #tpu.memory_space<vmem>>
      %dma_start3A_649 = arith.constant 0 : i32
      %dma_start3A_650 = arith.constant 0 : i32
      %dma_start3A_651 = tpu.memref_slice %arg2[%dma_start3A_649, %dma_start3A_650] : memref<10000x128xf32, #tpu.memory_space<hbm>> -> memref<10000x128xf32, #tpu.memory_space<hbm>>
      tpu.enqueue_indirect_dma source(%dma_start3A_651 : memref<10000x128xf32, #tpu.memory_space<hbm>>) target(%arg18 : memref<80x128xf32, #tpu.memory_space<vmem>>) offsets(%dma_start3A_648 : memref<80xi32, #tpu.memory_space<vmem>>) semaphore(%arg24 : memref<!tpu.dma_semaphore, #tpu.memory_space<semaphore_mem>>)
    } else {
    }
    %eq3A_375 = arith.constant 1 : i32
    %eq3A_376 = arith.cmpi eq, %arg0, %eq3A_375 : i32
    %convert_element_type3A_377 = arith.extui %eq3A_376 : i1 to i32
    %cond3A_378 = arith.constant 0 : i32
    %cond3A_379 = arith.cmpi ne, %convert_element_type3A_377, %cond3A_378 : i32
    scf.if %cond3A_379 {
      %dma_start3A_645 = arith.constant 1 : i32
      %dma_start3A_646 = arith.constant 0 : i32
      %dma_start3A_647 = tpu.memref_slice %arg13[%dma_start3A_645, %dma_start3A_646] : memref<25x80xi32, #tpu.memory_space<vmem>> -> memref<1x80xi32, #tpu.memory_space<vmem>>
      %dma_start3A_648 = tpu.memref_squeeze %dma_start3A_647 : memref<1x80xi32, #tpu.memory_space<vmem>> -> memref<80xi32, #tpu.memory_space<vmem>>
      %dma_start3A_649 = arith.constant 0 : i32
      %dma_start3A_650 = arith.constant 0 : i32
      %dma_start3A_651 = tpu.memref_slice %arg3[%dma_start3A_649, %dma_start3A_650] : memref<10000x128xf32, #tpu.memory_space<hbm>> -> memref<10000x128xf32, #tpu.memory_space<hbm>>
      tpu.enqueue_indirect_dma source(%dma_start3A_651 : memref<10000x128xf32, #tpu.memory_space<hbm>>) target(%arg18 : memref<80x128xf32, #tpu.memory_space<vmem>>) offsets(%dma_start3A_648 : memref<80xi32, #tpu.memory_space<vmem>>) semaphore(%arg24 : memref<!tpu.dma_semaphore, #tpu.memory_space<semaphore_mem>>)
    } else {
    }
    %scan3A_380 = arith.constant 0 : i32
    %scan3A_381 = arith.constant 8 : i32
    %scan3A_382 = arith.addi %scan3A_380, %scan3A_381 : i32
    %scan3A_383 = arith.constant 1 : i32
    scf.for %scan3A_645 = %scan3A_380 to %scan3A_382 step %scan3A_383  : i32 {
      %mul3A_646 = arith.constant 3 : i32
      %mul3A_647 = arith.muli %mul3A_646, %scan3A_645 : i32
      %add3A = arith.constant 2 : i32
      %add3A_648 = arith.addi %mul3A_647, %add3A : i32
      %eq3A_649 = arith.constant 0 : i32
      %eq3A_650 = arith.cmpi eq, %arg0, %eq3A_649 : i32
      %convert_element_type3A_651 = arith.extui %eq3A_650 : i1 to i32
      %cond3A_652 = arith.constant 0 : i32
      %cond3A_653 = arith.cmpi ne, %convert_element_type3A_651, %cond3A_652 : i32
      scf.if %cond3A_653 {
        %dma_start3A_726 = arith.constant 0 : i32
        %dma_start3A_727 = tpu.memref_slice %arg13[%add3A_648, %dma_start3A_726] : memref<25x80xi32, #tpu.memory_space<vmem>> -> memref<1x80xi32, #tpu.memory_space<vmem>>
        %dma_start3A_728 = tpu.memref_squeeze %dma_start3A_727 : memref<1x80xi32, #tpu.memory_space<vmem>> -> memref<80xi32, #tpu.memory_space<vmem>>
        %dma_start3A_729 = arith.constant 0 : i32
        %dma_start3A_730 = arith.constant 0 : i32
        %dma_start3A_731 = tpu.memref_slice %arg2[%dma_start3A_729, %dma_start3A_730] : memref<10000x128xf32, #tpu.memory_space<hbm>> -> memref<10000x128xf32, #tpu.memory_space<hbm>>
        tpu.enqueue_indirect_dma source(%dma_start3A_731 : memref<10000x128xf32, #tpu.memory_space<hbm>>) target(%arg19 : memref<80x128xf32, #tpu.memory_space<vmem>>) offsets(%dma_start3A_728 : memref<80xi32, #tpu.memory_space<vmem>>) semaphore(%arg25 : memref<!tpu.dma_semaphore, #tpu.memory_space<semaphore_mem>>)
      } else {
      }
      %eq3A_654 = arith.constant 1 : i32
      %eq3A_655 = arith.cmpi eq, %arg0, %eq3A_654 : i32
      %convert_element_type3A_656 = arith.extui %eq3A_655 : i1 to i32
      %cond3A_657 = arith.constant 0 : i32
      %cond3A_658 = arith.cmpi ne, %convert_element_type3A_656, %cond3A_657 : i32
      scf.if %cond3A_658 {
        %dma_start3A_726 = arith.constant 0 : i32
        %dma_start3A_727 = tpu.memref_slice %arg13[%add3A_648, %dma_start3A_726] : memref<25x80xi32, #tpu.memory_space<vmem>> -> memref<1x80xi32, #tpu.memory_space<vmem>>
        %dma_start3A_728 = tpu.memref_squeeze %dma_start3A_727 : memref<1x80xi32, #tpu.memory_space<vmem>> -> memref<80xi32, #tpu.memory_space<vmem>>
        %dma_start3A_729 = arith.constant 0 : i32
        %dma_start3A_730 = arith.constant 0 : i32
        %dma_start3A_731 = tpu.memref_slice %arg3[%dma_start3A_729, %dma_start3A_730] : memref<10000x128xf32, #tpu.memory_space<hbm>> -> memref<10000x128xf32, #tpu.memory_space<hbm>>
        tpu.enqueue_indirect_dma source(%dma_start3A_731 : memref<10000x128xf32, #tpu.memory_space<hbm>>) target(%arg19 : memref<80x128xf32, #tpu.memory_space<vmem>>) offsets(%dma_start3A_728 : memref<80xi32, #tpu.memory_space<vmem>>) semaphore(%arg25 : memref<!tpu.dma_semaphore, #tpu.memory_space<semaphore_mem>>)
      } else {
      }
      %eq3A_659 = arith.constant 0 : i32
      %eq3A_660 = arith.cmpi eq, %arg0, %eq3A_659 : i32
      %convert_element_type3A_661 = arith.extui %eq3A_660 : i1 to i32
      %cond3A_662 = arith.constant 0 : i32
      %cond3A_663 = arith.cmpi ne, %convert_element_type3A_661, %cond3A_662 : i32
      scf.if %cond3A_663 {
        %dma_wait3A_726 = arith.constant 0 : i32
        %dma_wait3A_727 = tpu.memref_slice %arg13[%mul3A_647, %dma_wait3A_726] : memref<25x80xi32, #tpu.memory_space<vmem>> -> memref<1x80xi32, #tpu.memory_space<vmem>>
        %dma_wait3A_728 = tpu.memref_squeeze %dma_wait3A_727 : memref<1x80xi32, #tpu.memory_space<vmem>> -> memref<80xi32, #tpu.memory_space<vmem>>
        %dma_wait3A_729 = arith.constant 0 : i32
        %dma_wait3A_730 = arith.constant 0 : i32
        %dma_wait3A_731 = tpu.memref_slice %arg2[%dma_wait3A_729, %dma_wait3A_730] : memref<10000x128xf32, #tpu.memory_space<hbm>> -> memref<10000x128xf32, #tpu.memory_space<hbm>>
        tpu.wait_indirect_dma semaphore(%arg23 : memref<!tpu.dma_semaphore, #tpu.memory_space<semaphore_mem>>) src(%dma_wait3A_731 : memref<10000x128xf32, #tpu.memory_space<hbm>>) dst(%arg17 : memref<80x128xf32, #tpu.memory_space<vmem>>)
      } else {
      }
      %eq3A_664 = arith.constant 1 : i32
      %eq3A_665 = arith.cmpi eq, %arg0, %eq3A_664 : i32
      %convert_element_type3A_666 = arith.extui %eq3A_665 : i1 to i32
      %cond3A_667 = arith.constant 0 : i32
      %cond3A_668 = arith.cmpi ne, %convert_element_type3A_666, %cond3A_667 : i32
      scf.if %cond3A_668 {
        %dma_wait3A_726 = arith.constant 0 : i32
        %dma_wait3A_727 = tpu.memref_slice %arg13[%mul3A_647, %dma_wait3A_726] : memref<25x80xi32, #tpu.memory_space<vmem>> -> memref<1x80xi32, #tpu.memory_space<vmem>>
        %dma_wait3A_728 = tpu.memref_squeeze %dma_wait3A_727 : memref<1x80xi32, #tpu.memory_space<vmem>> -> memref<80xi32, #tpu.memory_space<vmem>>
        %dma_wait3A_729 = arith.constant 0 : i32
        %dma_wait3A_730 = arith.constant 0 : i32
        %dma_wait3A_731 = tpu.memref_slice %arg3[%dma_wait3A_729, %dma_wait3A_730] : memref<10000x128xf32, #tpu.memory_space<hbm>> -> memref<10000x128xf32, #tpu.memory_space<hbm>>
        tpu.wait_indirect_dma semaphore(%arg23 : memref<!tpu.dma_semaphore, #tpu.memory_space<semaphore_mem>>) src(%dma_wait3A_731 : memref<10000x128xf32, #tpu.memory_space<hbm>>) dst(%arg17 : memref<80x128xf32, #tpu.memory_space<vmem>>)
      } else {
      }
      "tpu.region"() ({
        %run_scoped3A_726 = tpu.sem_alloc : memref<!tpu.dma_semaphore, #tpu.memory_space<semaphore_mem>>
        %dma_start3A_727 = arith.constant 0 : i32
        %dma_start3A_728 = tpu.memref_slice %arg14[%mul3A_647, %dma_start3A_727] : memref<25x80xi32, #tpu.memory_space<vmem>> -> memref<1x80xi32, #tpu.memory_space<vmem>>
        %dma_start3A_729 = tpu.memref_squeeze %dma_start3A_728 : memref<1x80xi32, #tpu.memory_space<vmem>> -> memref<80xi32, #tpu.memory_space<vmem>>
        %dma_start3A_730 = arith.constant 0 : i32
        %dma_start3A_731 = arith.constant 0 : i32
        %dma_start3A_732 = tpu.memref_slice %arg21[%dma_start3A_730, %dma_start3A_731] : memref<10000x128xf32, #tpu.memory_space<vmem_shared>> -> memref<10000x128xf32, #tpu.memory_space<vmem_shared>>
        tpu.enqueue_indirect_dma source(%arg17 : memref<80x128xf32, #tpu.memory_space<vmem>>) target(%dma_start3A_732 : memref<10000x128xf32, #tpu.memory_space<vmem_shared>>) offsets(%dma_start3A_729 : memref<80xi32, #tpu.memory_space<vmem>>) semaphore(%run_scoped3A_726 : memref<!tpu.dma_semaphore, #tpu.memory_space<semaphore_mem>>) {add = true}
        %dma_wait3A_733 = arith.constant 0 : i32
        %dma_wait3A_734 = tpu.memref_slice %arg14[%mul3A_647, %dma_wait3A_733] : memref<25x80xi32, #tpu.memory_space<vmem>> -> memref<1x80xi32, #tpu.memory_space<vmem>>
        %dma_wait3A_735 = tpu.memref_squeeze %dma_wait3A_734 : memref<1x80xi32, #tpu.memory_space<vmem>> -> memref<80xi32, #tpu.memory_space<vmem>>
        %dma_wait3A_736 = arith.constant 0 : i32
        %dma_wait3A_737 = arith.constant 0 : i32
        %dma_wait3A_738 = tpu.memref_slice %arg21[%dma_wait3A_736, %dma_wait3A_737] : memref<10000x128xf32, #tpu.memory_space<vmem_shared>> -> memref<10000x128xf32, #tpu.memory_space<vmem_shared>>
        tpu.wait_indirect_dma semaphore(%run_scoped3A_726 : memref<!tpu.dma_semaphore, #tpu.memory_space<semaphore_mem>>) src(%arg17 : memref<80x128xf32, #tpu.memory_space<vmem>>) dst(%dma_wait3A_738 : memref<10000x128xf32, #tpu.memory_space<vmem_shared>>)
        tpu.yield
      }) : () -> ()
      %eq3A_669 = arith.constant 0 : i32
      %eq3A_670 = arith.cmpi eq, %arg0, %eq3A_669 : i32
      %convert_element_type3A_671 = arith.extui %eq3A_670 : i1 to i32
      %cond3A_672 = arith.constant 0 : i32
      %cond3A_673 = arith.cmpi ne, %convert_element_type3A_671, %cond3A_672 : i32
      scf.if %cond3A_673 {
        %dma_start3A_726 = arith.constant 0 : i32
        %dma_start3A_727 = tpu.memref_slice %arg14[%mul3A_647, %dma_start3A_726] : memref<25x80xi32, #tpu.memory_space<vmem>> -> memref<1x80xi32, #tpu.memory_space<vmem>>
        %dma_start3A_728 = tpu.memref_squeeze %dma_start3A_727 : memref<1x80xi32, #tpu.memory_space<vmem>> -> memref<80xi32, #tpu.memory_space<vmem>>
        %dma_start3A_729 = arith.constant 0 : i32
        %dma_start3A_730 = tpu.memref_slice %arg22[%dma_start3A_729] : memref<10000xf32, #tpu.memory_space<vmem_shared>> -> memref<10000xf32, #tpu.memory_space<vmem_shared>>
        tpu.enqueue_indirect_dma source(%arg20 : memref<80xf32, #tpu.memory_space<vmem>>) target(%dma_start3A_730 : memref<10000xf32, #tpu.memory_space<vmem_shared>>) offsets(%dma_start3A_728 : memref<80xi32, #tpu.memory_space<vmem>>) semaphore(%arg26 : memref<!tpu.dma_semaphore, #tpu.memory_space<semaphore_mem>>) {add = true}
      } else {
      }
      %add3A_674 = arith.constant 3 : i32
      %add3A_675 = arith.addi %mul3A_647, %add3A_674 : i32
      %lt3A_676 = arith.constant 25 : i32
      %lt3A_677 = arith.cmpi slt, %add3A_675, %lt3A_676 : i32
      %convert_element_type3A_678 = arith.extui %lt3A_677 : i1 to i32
      %cond3A_679 = arith.constant 0 : i32
      %cond3A_680 = arith.cmpi ne, %convert_element_type3A_678, %cond3A_679 : i32
      scf.if %cond3A_680 {
        %add3A_726 = arith.constant 3 : i32
        %add3A_727 = arith.addi %mul3A_647, %add3A_726 : i32
        %eq3A_728 = arith.constant 0 : i32
        %eq3A_729 = arith.cmpi eq, %arg0, %eq3A_728 : i32
        %convert_element_type3A_730 = arith.extui %eq3A_729 : i1 to i32
        %cond3A_731 = arith.constant 0 : i32
        %cond3A_732 = arith.cmpi ne, %convert_element_type3A_730, %cond3A_731 : i32
        scf.if %cond3A_732 {
          %dma_start3A_738 = arith.constant 0 : i32
          %dma_start3A_739 = tpu.memref_slice %arg13[%add3A_727, %dma_start3A_738] : memref<25x80xi32, #tpu.memory_space<vmem>> -> memref<1x80xi32, #tpu.memory_space<vmem>>
          %dma_start3A_740 = tpu.memref_squeeze %dma_start3A_739 : memref<1x80xi32, #tpu.memory_space<vmem>> -> memref<80xi32, #tpu.memory_space<vmem>>
          %dma_start3A_741 = arith.constant 0 : i32
          %dma_start3A_742 = arith.constant 0 : i32
          %dma_start3A_743 = tpu.memref_slice %arg2[%dma_start3A_741, %dma_start3A_742] : memref<10000x128xf32, #tpu.memory_space<hbm>> -> memref<10000x128xf32, #tpu.memory_space<hbm>>
          tpu.enqueue_indirect_dma source(%dma_start3A_743 : memref<10000x128xf32, #tpu.memory_space<hbm>>) target(%arg17 : memref<80x128xf32, #tpu.memory_space<vmem>>) offsets(%dma_start3A_740 : memref<80xi32, #tpu.memory_space<vmem>>) semaphore(%arg23 : memref<!tpu.dma_semaphore, #tpu.memory_space<semaphore_mem>>)
        } else {
        }
        %eq3A_733 = arith.constant 1 : i32
        %eq3A_734 = arith.cmpi eq, %arg0, %eq3A_733 : i32
        %convert_element_type3A_735 = arith.extui %eq3A_734 : i1 to i32
        %cond3A_736 = arith.constant 0 : i32
        %cond3A_737 = arith.cmpi ne, %convert_element_type3A_735, %cond3A_736 : i32
        scf.if %cond3A_737 {
          %dma_start3A_738 = arith.constant 0 : i32
          %dma_start3A_739 = tpu.memref_slice %arg13[%add3A_727, %dma_start3A_738] : memref<25x80xi32, #tpu.memory_space<vmem>> -> memref<1x80xi32, #tpu.memory_space<vmem>>
          %dma_start3A_740 = tpu.memref_squeeze %dma_start3A_739 : memref<1x80xi32, #tpu.memory_space<vmem>> -> memref<80xi32, #tpu.memory_space<vmem>>
          %dma_start3A_741 = arith.constant 0 : i32
          %dma_start3A_742 = arith.constant 0 : i32
          %dma_start3A_743 = tpu.memref_slice %arg3[%dma_start3A_741, %dma_start3A_742] : memref<10000x128xf32, #tpu.memory_space<hbm>> -> memref<10000x128xf32, #tpu.memory_space<hbm>>
          tpu.enqueue_indirect_dma source(%dma_start3A_743 : memref<10000x128xf32, #tpu.memory_space<hbm>>) target(%arg17 : memref<80x128xf32, #tpu.memory_space<vmem>>) offsets(%dma_start3A_740 : memref<80xi32, #tpu.memory_space<vmem>>) semaphore(%arg23 : memref<!tpu.dma_semaphore, #tpu.memory_space<semaphore_mem>>)
        } else {
        }
      } else {
      }
      %add3A_681 = arith.constant 1 : i32
      %add3A_682 = arith.addi %mul3A_647, %add3A_681 : i32
      %eq3A_683 = arith.constant 0 : i32
      %eq3A_684 = arith.cmpi eq, %arg0, %eq3A_683 : i32
      %convert_element_type3A_685 = arith.extui %eq3A_684 : i1 to i32
      %cond3A_686 = arith.constant 0 : i32
      %cond3A_687 = arith.cmpi ne, %convert_element_type3A_685, %cond3A_686 : i32
      scf.if %cond3A_687 {
        %dma_wait3A_726 = arith.constant 0 : i32
        %dma_wait3A_727 = tpu.memref_slice %arg13[%add3A_682, %dma_wait3A_726] : memref<25x80xi32, #tpu.memory_space<vmem>> -> memref<1x80xi32, #tpu.memory_space<vmem>>
        %dma_wait3A_728 = tpu.memref_squeeze %dma_wait3A_727 : memref<1x80xi32, #tpu.memory_space<vmem>> -> memref<80xi32, #tpu.memory_space<vmem>>
        %dma_wait3A_729 = arith.constant 0 : i32
        %dma_wait3A_730 = arith.constant 0 : i32
        %dma_wait3A_731 = tpu.memref_slice %arg2[%dma_wait3A_729, %dma_wait3A_730] : memref<10000x128xf32, #tpu.memory_space<hbm>> -> memref<10000x128xf32, #tpu.memory_space<hbm>>
        tpu.wait_indirect_dma semaphore(%arg24 : memref<!tpu.dma_semaphore, #tpu.memory_space<semaphore_mem>>) src(%dma_wait3A_731 : memref<10000x128xf32, #tpu.memory_space<hbm>>) dst(%arg18 : memref<80x128xf32, #tpu.memory_space<vmem>>)
      } else {
      }
      %eq3A_688 = arith.constant 1 : i32
      %eq3A_689 = arith.cmpi eq, %arg0, %eq3A_688 : i32
      %convert_element_type3A_690 = arith.extui %eq3A_689 : i1 to i32
      %cond3A_691 = arith.constant 0 : i32
      %cond3A_692 = arith.cmpi ne, %convert_element_type3A_690, %cond3A_691 : i32
      scf.if %cond3A_692 {
        %dma_wait3A_726 = arith.constant 0 : i32
        %dma_wait3A_727 = tpu.memref_slice %arg13[%add3A_682, %dma_wait3A_726] : memref<25x80xi32, #tpu.memory_space<vmem>> -> memref<1x80xi32, #tpu.memory_space<vmem>>
        %dma_wait3A_728 = tpu.memref_squeeze %dma_wait3A_727 : memref<1x80xi32, #tpu.memory_space<vmem>> -> memref<80xi32, #tpu.memory_space<vmem>>
        %dma_wait3A_729 = arith.constant 0 : i32
        %dma_wait3A_730 = arith.constant 0 : i32
        %dma_wait3A_731 = tpu.memref_slice %arg3[%dma_wait3A_729, %dma_wait3A_730] : memref<10000x128xf32, #tpu.memory_space<hbm>> -> memref<10000x128xf32, #tpu.memory_space<hbm>>
        tpu.wait_indirect_dma semaphore(%arg24 : memref<!tpu.dma_semaphore, #tpu.memory_space<semaphore_mem>>) src(%dma_wait3A_731 : memref<10000x128xf32, #tpu.memory_space<hbm>>) dst(%arg18 : memref<80x128xf32, #tpu.memory_space<vmem>>)
      } else {
      }
      %add3A_693 = arith.constant 1 : i32
      %add3A_694 = arith.addi %mul3A_647, %add3A_693 : i32
      "tpu.region"() ({
        %run_scoped3A_726 = tpu.sem_alloc : memref<!tpu.dma_semaphore, #tpu.memory_space<semaphore_mem>>
        %dma_start3A_727 = arith.constant 0 : i32
        %dma_start3A_728 = tpu.memref_slice %arg14[%add3A_694, %dma_start3A_727] : memref<25x80xi32, #tpu.memory_space<vmem>> -> memref<1x80xi32, #tpu.memory_space<vmem>>
        %dma_start3A_729 = tpu.memref_squeeze %dma_start3A_728 : memref<1x80xi32, #tpu.memory_space<vmem>> -> memref<80xi32, #tpu.memory_space<vmem>>
        %dma_start3A_730 = arith.constant 0 : i32
        %dma_start3A_731 = arith.constant 0 : i32
        %dma_start3A_732 = tpu.memref_slice %arg21[%dma_start3A_730, %dma_start3A_731] : memref<10000x128xf32, #tpu.memory_space<vmem_shared>> -> memref<10000x128xf32, #tpu.memory_space<vmem_shared>>
        tpu.enqueue_indirect_dma source(%arg18 : memref<80x128xf32, #tpu.memory_space<vmem>>) target(%dma_start3A_732 : memref<10000x128xf32, #tpu.memory_space<vmem_shared>>) offsets(%dma_start3A_729 : memref<80xi32, #tpu.memory_space<vmem>>) semaphore(%run_scoped3A_726 : memref<!tpu.dma_semaphore, #tpu.memory_space<semaphore_mem>>) {add = true}
        %dma_wait3A_733 = arith.constant 0 : i32
        %dma_wait3A_734 = tpu.memref_slice %arg14[%add3A_694, %dma_wait3A_733] : memref<25x80xi32, #tpu.memory_space<vmem>> -> memref<1x80xi32, #tpu.memory_space<vmem>>
        %dma_wait3A_735 = tpu.memref_squeeze %dma_wait3A_734 : memref<1x80xi32, #tpu.memory_space<vmem>> -> memref<80xi32, #tpu.memory_space<vmem>>
        %dma_wait3A_736 = arith.constant 0 : i32
        %dma_wait3A_737 = arith.constant 0 : i32
        %dma_wait3A_738 = tpu.memref_slice %arg21[%dma_wait3A_736, %dma_wait3A_737] : memref<10000x128xf32, #tpu.memory_space<vmem_shared>> -> memref<10000x128xf32, #tpu.memory_space<vmem_shared>>
        tpu.wait_indirect_dma semaphore(%run_scoped3A_726 : memref<!tpu.dma_semaphore, #tpu.memory_space<semaphore_mem>>) src(%arg18 : memref<80x128xf32, #tpu.memory_space<vmem>>) dst(%dma_wait3A_738 : memref<10000x128xf32, #tpu.memory_space<vmem_shared>>)
        tpu.yield
      }) : () -> ()
      %eq3A_695 = arith.constant 0 : i32
      %eq3A_696 = arith.cmpi eq, %arg0, %eq3A_695 : i32
      %convert_element_type3A_697 = arith.extui %eq3A_696 : i1 to i32
      %cond3A_698 = arith.constant 0 : i32
      %cond3A_699 = arith.cmpi ne, %convert_element_type3A_697, %cond3A_698 : i32
      scf.if %cond3A_699 {
        %dma_start3A_726 = arith.constant 0 : i32
        %dma_start3A_727 = tpu.memref_slice %arg14[%add3A_694, %dma_start3A_726] : memref<25x80xi32, #tpu.memory_space<vmem>> -> memref<1x80xi32, #tpu.memory_space<vmem>>
        %dma_start3A_728 = tpu.memref_squeeze %dma_start3A_727 : memref<1x80xi32, #tpu.memory_space<vmem>> -> memref<80xi32, #tpu.memory_space<vmem>>
        %dma_start3A_729 = arith.constant 0 : i32
        %dma_start3A_730 = tpu.memref_slice %arg22[%dma_start3A_729] : memref<10000xf32, #tpu.memory_space<vmem_shared>> -> memref<10000xf32, #tpu.memory_space<vmem_shared>>
        tpu.enqueue_indirect_dma source(%arg20 : memref<80xf32, #tpu.memory_space<vmem>>) target(%dma_start3A_730 : memref<10000xf32, #tpu.memory_space<vmem_shared>>) offsets(%dma_start3A_728 : memref<80xi32, #tpu.memory_space<vmem>>) semaphore(%arg26 : memref<!tpu.dma_semaphore, #tpu.memory_space<semaphore_mem>>) {add = true}
      } else {
      }
      %add3A_700 = arith.constant 4 : i32
      %add3A_701 = arith.addi %mul3A_647, %add3A_700 : i32
      %lt3A_702 = arith.constant 25 : i32
      %lt3A_703 = arith.cmpi slt, %add3A_701, %lt3A_702 : i32
      %convert_element_type3A_704 = arith.extui %lt3A_703 : i1 to i32
      %cond3A_705 = arith.constant 0 : i32
      %cond3A_706 = arith.cmpi ne, %convert_element_type3A_704, %cond3A_705 : i32
      scf.if %cond3A_706 {
        %add3A_726 = arith.constant 4 : i32
        %add3A_727 = arith.addi %mul3A_647, %add3A_726 : i32
        %eq3A_728 = arith.constant 0 : i32
        %eq3A_729 = arith.cmpi eq, %arg0, %eq3A_728 : i32
        %convert_element_type3A_730 = arith.extui %eq3A_729 : i1 to i32
        %cond3A_731 = arith.constant 0 : i32
        %cond3A_732 = arith.cmpi ne, %convert_element_type3A_730, %cond3A_731 : i32
        scf.if %cond3A_732 {
          %dma_start3A_738 = arith.constant 0 : i32
          %dma_start3A_739 = tpu.memref_slice %arg13[%add3A_727, %dma_start3A_738] : memref<25x80xi32, #tpu.memory_space<vmem>> -> memref<1x80xi32, #tpu.memory_space<vmem>>
          %dma_start3A_740 = tpu.memref_squeeze %dma_start3A_739 : memref<1x80xi32, #tpu.memory_space<vmem>> -> memref<80xi32, #tpu.memory_space<vmem>>
          %dma_start3A_741 = arith.constant 0 : i32
          %dma_start3A_742 = arith.constant 0 : i32
          %dma_start3A_743 = tpu.memref_slice %arg2[%dma_start3A_741, %dma_start3A_742] : memref<10000x128xf32, #tpu.memory_space<hbm>> -> memref<10000x128xf32, #tpu.memory_space<hbm>>
          tpu.enqueue_indirect_dma source(%dma_start3A_743 : memref<10000x128xf32, #tpu.memory_space<hbm>>) target(%arg18 : memref<80x128xf32, #tpu.memory_space<vmem>>) offsets(%dma_start3A_740 : memref<80xi32, #tpu.memory_space<vmem>>) semaphore(%arg24 : memref<!tpu.dma_semaphore, #tpu.memory_space<semaphore_mem>>)
        } else {
        }
        %eq3A_733 = arith.constant 1 : i32
        %eq3A_734 = arith.cmpi eq, %arg0, %eq3A_733 : i32
        %convert_element_type3A_735 = arith.extui %eq3A_734 : i1 to i32
        %cond3A_736 = arith.constant 0 : i32
        %cond3A_737 = arith.cmpi ne, %convert_element_type3A_735, %cond3A_736 : i32
        scf.if %cond3A_737 {
          %dma_start3A_738 = arith.constant 0 : i32
          %dma_start3A_739 = tpu.memref_slice %arg13[%add3A_727, %dma_start3A_738] : memref<25x80xi32, #tpu.memory_space<vmem>> -> memref<1x80xi32, #tpu.memory_space<vmem>>
          %dma_start3A_740 = tpu.memref_squeeze %dma_start3A_739 : memref<1x80xi32, #tpu.memory_space<vmem>> -> memref<80xi32, #tpu.memory_space<vmem>>
          %dma_start3A_741 = arith.constant 0 : i32
          %dma_start3A_742 = arith.constant 0 : i32
          %dma_start3A_743 = tpu.memref_slice %arg3[%dma_start3A_741, %dma_start3A_742] : memref<10000x128xf32, #tpu.memory_space<hbm>> -> memref<10000x128xf32, #tpu.memory_space<hbm>>
          tpu.enqueue_indirect_dma source(%dma_start3A_743 : memref<10000x128xf32, #tpu.memory_space<hbm>>) target(%arg18 : memref<80x128xf32, #tpu.memory_space<vmem>>) offsets(%dma_start3A_740 : memref<80xi32, #tpu.memory_space<vmem>>) semaphore(%arg24 : memref<!tpu.dma_semaphore, #tpu.memory_space<semaphore_mem>>)
        } else {
        }
      } else {
      }
      %add3A_707 = arith.constant 2 : i32
      %add3A_708 = arith.addi %mul3A_647, %add3A_707 : i32
      %eq3A_709 = arith.constant 0 : i32
      %eq3A_710 = arith.cmpi eq, %arg0, %eq3A_709 : i32
      %convert_element_type3A_711 = arith.extui %eq3A_710 : i1 to i32
      %cond3A_712 = arith.constant 0 : i32
      %cond3A_713 = arith.cmpi ne, %convert_element_type3A_711, %cond3A_712 : i32
      scf.if %cond3A_713 {
        %dma_wait3A_726 = arith.constant 0 : i32
        %dma_wait3A_727 = tpu.memref_slice %arg13[%add3A_708, %dma_wait3A_726] : memref<25x80xi32, #tpu.memory_space<vmem>> -> memref<1x80xi32, #tpu.memory_space<vmem>>
        %dma_wait3A_728 = tpu.memref_squeeze %dma_wait3A_727 : memref<1x80xi32, #tpu.memory_space<vmem>> -> memref<80xi32, #tpu.memory_space<vmem>>
        %dma_wait3A_729 = arith.constant 0 : i32
        %dma_wait3A_730 = arith.constant 0 : i32
        %dma_wait3A_731 = tpu.memref_slice %arg2[%dma_wait3A_729, %dma_wait3A_730] : memref<10000x128xf32, #tpu.memory_space<hbm>> -> memref<10000x128xf32, #tpu.memory_space<hbm>>
        tpu.wait_indirect_dma semaphore(%arg25 : memref<!tpu.dma_semaphore, #tpu.memory_space<semaphore_mem>>) src(%dma_wait3A_731 : memref<10000x128xf32, #tpu.memory_space<hbm>>) dst(%arg19 : memref<80x128xf32, #tpu.memory_space<vmem>>)
      } else {
      }
      %eq3A_714 = arith.constant 1 : i32
      %eq3A_715 = arith.cmpi eq, %arg0, %eq3A_714 : i32
      %convert_element_type3A_716 = arith.extui %eq3A_715 : i1 to i32
      %cond3A_717 = arith.constant 0 : i32
      %cond3A_718 = arith.cmpi ne, %convert_element_type3A_716, %cond3A_717 : i32
      scf.if %cond3A_718 {
        %dma_wait3A_726 = arith.constant 0 : i32
        %dma_wait3A_727 = tpu.memref_slice %arg13[%add3A_708, %dma_wait3A_726] : memref<25x80xi32, #tpu.memory_space<vmem>> -> memref<1x80xi32, #tpu.memory_space<vmem>>
        %dma_wait3A_728 = tpu.memref_squeeze %dma_wait3A_727 : memref<1x80xi32, #tpu.memory_space<vmem>> -> memref<80xi32, #tpu.memory_space<vmem>>
        %dma_wait3A_729 = arith.constant 0 : i32
        %dma_wait3A_730 = arith.constant 0 : i32
        %dma_wait3A_731 = tpu.memref_slice %arg3[%dma_wait3A_729, %dma_wait3A_730] : memref<10000x128xf32, #tpu.memory_space<hbm>> -> memref<10000x128xf32, #tpu.memory_space<hbm>>
        tpu.wait_indirect_dma semaphore(%arg25 : memref<!tpu.dma_semaphore, #tpu.memory_space<semaphore_mem>>) src(%dma_wait3A_731 : memref<10000x128xf32, #tpu.memory_space<hbm>>) dst(%arg19 : memref<80x128xf32, #tpu.memory_space<vmem>>)
      } else {
      }
      %add3A_719 = arith.constant 2 : i32
      %add3A_720 = arith.addi %mul3A_647, %add3A_719 : i32
      "tpu.region"() ({
        %run_scoped3A_726 = tpu.sem_alloc : memref<!tpu.dma_semaphore, #tpu.memory_space<semaphore_mem>>
        %dma_start3A_727 = arith.constant 0 : i32
        %dma_start3A_728 = tpu.memref_slice %arg14[%add3A_720, %dma_start3A_727] : memref<25x80xi32, #tpu.memory_space<vmem>> -> memref<1x80xi32, #tpu.memory_space<vmem>>
        %dma_start3A_729 = tpu.memref_squeeze %dma_start3A_728 : memref<1x80xi32, #tpu.memory_space<vmem>> -> memref<80xi32, #tpu.memory_space<vmem>>
        %dma_start3A_730 = arith.constant 0 : i32
        %dma_start3A_731 = arith.constant 0 : i32
        %dma_start3A_732 = tpu.memref_slice %arg21[%dma_start3A_730, %dma_start3A_731] : memref<10000x128xf32, #tpu.memory_space<vmem_shared>> -> memref<10000x128xf32, #tpu.memory_space<vmem_shared>>
        tpu.enqueue_indirect_dma source(%arg19 : memref<80x128xf32, #tpu.memory_space<vmem>>) target(%dma_start3A_732 : memref<10000x128xf32, #tpu.memory_space<vmem_shared>>) offsets(%dma_start3A_729 : memref<80xi32, #tpu.memory_space<vmem>>) semaphore(%run_scoped3A_726 : memref<!tpu.dma_semaphore, #tpu.memory_space<semaphore_mem>>) {add = true}
        %dma_wait3A_733 = arith.constant 0 : i32
        %dma_wait3A_734 = tpu.memref_slice %arg14[%add3A_720, %dma_wait3A_733] : memref<25x80xi32, #tpu.memory_space<vmem>> -> memref<1x80xi32, #tpu.memory_space<vmem>>
        %dma_wait3A_735 = tpu.memref_squeeze %dma_wait3A_734 : memref<1x80xi32, #tpu.memory_space<vmem>> -> memref<80xi32, #tpu.memory_space<vmem>>
        %dma_wait3A_736 = arith.constant 0 : i32
        %dma_wait3A_737 = arith.constant 0 : i32
        %dma_wait3A_738 = tpu.memref_slice %arg21[%dma_wait3A_736, %dma_wait3A_737] : memref<10000x128xf32, #tpu.memory_space<vmem_shared>> -> memref<10000x128xf32, #tpu.memory_space<vmem_shared>>
        tpu.wait_indirect_dma semaphore(%run_scoped3A_726 : memref<!tpu.dma_semaphore, #tpu.memory_space<semaphore_mem>>) src(%arg19 : memref<80x128xf32, #tpu.memory_space<vmem>>) dst(%dma_wait3A_738 : memref<10000x128xf32, #tpu.memory_space<vmem_shared>>)
        tpu.yield
      }) : () -> ()
      %eq3A_721 = arith.constant 0 : i32
      %eq3A_722 = arith.cmpi eq, %arg0, %eq3A_721 : i32
      %convert_element_type3A_723 = arith.extui %eq3A_722 : i1 to i32
      %cond3A_724 = arith.constant 0 : i32
      %cond3A_725 = arith.cmpi ne, %convert_element_type3A_723, %cond3A_724 : i32
      scf.if %cond3A_725 {
        %dma_start3A_726 = arith.constant 0 : i32
        %dma_start3A_727 = tpu.memref_slice %arg14[%add3A_720, %dma_start3A_726] : memref<25x80xi32, #tpu.memory_space<vmem>> -> memref<1x80xi32, #tpu.memory_space<vmem>>
        %dma_start3A_728 = tpu.memref_squeeze %dma_start3A_727 : memref<1x80xi32, #tpu.memory_space<vmem>> -> memref<80xi32, #tpu.memory_space<vmem>>
        %dma_start3A_729 = arith.constant 0 : i32
        %dma_start3A_730 = tpu.memref_slice %arg22[%dma_start3A_729] : memref<10000xf32, #tpu.memory_space<vmem_shared>> -> memref<10000xf32, #tpu.memory_space<vmem_shared>>
        tpu.enqueue_indirect_dma source(%arg20 : memref<80xf32, #tpu.memory_space<vmem>>) target(%dma_start3A_730 : memref<10000xf32, #tpu.memory_space<vmem_shared>>) offsets(%dma_start3A_728 : memref<80xi32, #tpu.memory_space<vmem>>) semaphore(%arg26 : memref<!tpu.dma_semaphore, #tpu.memory_space<semaphore_mem>>) {add = true}
      } else {
      }
    }
    %scan3A_384 = arith.constant 8 : i32
    %eq3A_385 = arith.constant 0 : i32
    %eq3A_386 = arith.cmpi eq, %arg0, %eq3A_385 : i32
    %convert_element_type3A_387 = arith.extui %eq3A_386 : i1 to i32
    %cond3A_388 = arith.constant 0 : i32
    %cond3A_389 = arith.cmpi ne, %convert_element_type3A_387, %cond3A_388 : i32
    scf.if %cond3A_389 {
      %dma_wait3A_645 = arith.constant 24 : i32
      %dma_wait3A_646 = arith.constant 0 : i32
      %dma_wait3A_647 = tpu.memref_slice %arg13[%dma_wait3A_645, %dma_wait3A_646] : memref<25x80xi32, #tpu.memory_space<vmem>> -> memref<1x80xi32, #tpu.memory_space<vmem>>
      %dma_wait3A_648 = tpu.memref_squeeze %dma_wait3A_647 : memref<1x80xi32, #tpu.memory_space<vmem>> -> memref<80xi32, #tpu.memory_space<vmem>>
      %dma_wait3A_649 = arith.constant 0 : i32
      %dma_wait3A_650 = arith.constant 0 : i32
      %dma_wait3A_651 = tpu.memref_slice %arg2[%dma_wait3A_649, %dma_wait3A_650] : memref<10000x128xf32, #tpu.memory_space<hbm>> -> memref<10000x128xf32, #tpu.memory_space<hbm>>
      tpu.wait_indirect_dma semaphore(%arg23 : memref<!tpu.dma_semaphore, #tpu.memory_space<semaphore_mem>>) src(%dma_wait3A_651 : memref<10000x128xf32, #tpu.memory_space<hbm>>) dst(%arg17 : memref<80x128xf32, #tpu.memory_space<vmem>>)
    } else {
    }
    %eq3A_390 = arith.constant 1 : i32
    %eq3A_391 = arith.cmpi eq, %arg0, %eq3A_390 : i32
    %convert_element_type3A_392 = arith.extui %eq3A_391 : i1 to i32
    %cond3A_393 = arith.constant 0 : i32
    %cond3A_394 = arith.cmpi ne, %convert_element_type3A_392, %cond3A_393 : i32
    scf.if %cond3A_394 {
      %dma_wait3A_645 = arith.constant 24 : i32
      %dma_wait3A_646 = arith.constant 0 : i32
      %dma_wait3A_647 = tpu.memref_slice %arg13[%dma_wait3A_645, %dma_wait3A_646] : memref<25x80xi32, #tpu.memory_space<vmem>> -> memref<1x80xi32, #tpu.memory_space<vmem>>
      %dma_wait3A_648 = tpu.memref_squeeze %dma_wait3A_647 : memref<1x80xi32, #tpu.memory_space<vmem>> -> memref<80xi32, #tpu.memory_space<vmem>>
      %dma_wait3A_649 = arith.constant 0 : i32
      %dma_wait3A_650 = arith.constant 0 : i32
      %dma_wait3A_651 = tpu.memref_slice %arg3[%dma_wait3A_649, %dma_wait3A_650] : memref<10000x128xf32, #tpu.memory_space<hbm>> -> memref<10000x128xf32, #tpu.memory_space<hbm>>
      tpu.wait_indirect_dma semaphore(%arg23 : memref<!tpu.dma_semaphore, #tpu.memory_space<semaphore_mem>>) src(%dma_wait3A_651 : memref<10000x128xf32, #tpu.memory_space<hbm>>) dst(%arg17 : memref<80x128xf32, #tpu.memory_space<vmem>>)
    } else {
    }
    %run_scoped3A_395 = arith.constant 24 : i32
    "tpu.region"() ({
      %run_scoped3A_645 = tpu.sem_alloc : memref<!tpu.dma_semaphore, #tpu.memory_space<semaphore_mem>>
      %dma_start3A_646 = arith.constant 0 : i32
      %dma_start3A_647 = tpu.memref_slice %arg14[%run_scoped3A_395, %dma_start3A_646] : memref<25x80xi32, #tpu.memory_space<vmem>> -> memref<1x80xi32, #tpu.memory_space<vmem>>
      %dma_start3A_648 = tpu.memref_squeeze %dma_start3A_647 : memref<1x80xi32, #tpu.memory_space<vmem>> -> memref<80xi32, #tpu.memory_space<vmem>>
      %dma_start3A_649 = arith.constant 0 : i32
      %dma_start3A_650 = arith.constant 0 : i32
      %dma_start3A_651 = tpu.memref_slice %arg21[%dma_start3A_649, %dma_start3A_650] : memref<10000x128xf32, #tpu.memory_space<vmem_shared>> -> memref<10000x128xf32, #tpu.memory_space<vmem_shared>>
      tpu.enqueue_indirect_dma source(%arg17 : memref<80x128xf32, #tpu.memory_space<vmem>>) target(%dma_start3A_651 : memref<10000x128xf32, #tpu.memory_space<vmem_shared>>) offsets(%dma_start3A_648 : memref<80xi32, #tpu.memory_space<vmem>>) semaphore(%run_scoped3A_645 : memref<!tpu.dma_semaphore, #tpu.memory_space<semaphore_mem>>) {add = true}
      %dma_wait3A_652 = arith.constant 0 : i32
      %dma_wait3A_653 = tpu.memref_slice %arg14[%run_scoped3A_395, %dma_wait3A_652] : memref<25x80xi32, #tpu.memory_space<vmem>> -> memref<1x80xi32, #tpu.memory_space<vmem>>
      %dma_wait3A_654 = tpu.memref_squeeze %dma_wait3A_653 : memref<1x80xi32, #tpu.memory_space<vmem>> -> memref<80xi32, #tpu.memory_space<vmem>>
      %dma_wait3A_655 = arith.constant 0 : i32
      %dma_wait3A_656 = arith.constant 0 : i32
      %dma_wait3A_657 = tpu.memref_slice %arg21[%dma_wait3A_655, %dma_wait3A_656] : memref<10000x128xf32, #tpu.memory_space<vmem_shared>> -> memref<10000x128xf32, #tpu.memory_space<vmem_shared>>
      tpu.wait_indirect_dma semaphore(%run_scoped3A_645 : memref<!tpu.dma_semaphore, #tpu.memory_space<semaphore_mem>>) src(%arg17 : memref<80x128xf32, #tpu.memory_space<vmem>>) dst(%dma_wait3A_657 : memref<10000x128xf32, #tpu.memory_space<vmem_shared>>)
      tpu.yield
    }) : () -> ()
    %eq3A_396 = arith.constant 0 : i32
    %eq3A_397 = arith.cmpi eq, %arg0, %eq3A_396 : i32
    %convert_element_type3A_398 = arith.extui %eq3A_397 : i1 to i32
    %cond3A_399 = arith.constant 0 : i32
    %cond3A_400 = arith.cmpi ne, %convert_element_type3A_398, %cond3A_399 : i32
    scf.if %cond3A_400 {
      %dma_start3A_645 = arith.constant 24 : i32
      %dma_start3A_646 = arith.constant 0 : i32
      %dma_start3A_647 = tpu.memref_slice %arg14[%dma_start3A_645, %dma_start3A_646] : memref<25x80xi32, #tpu.memory_space<vmem>> -> memref<1x80xi32, #tpu.memory_space<vmem>>
      %dma_start3A_648 = tpu.memref_squeeze %dma_start3A_647 : memref<1x80xi32, #tpu.memory_space<vmem>> -> memref<80xi32, #tpu.memory_space<vmem>>
      %dma_start3A_649 = arith.constant 0 : i32
      %dma_start3A_650 = tpu.memref_slice %arg22[%dma_start3A_649] : memref<10000xf32, #tpu.memory_space<vmem_shared>> -> memref<10000xf32, #tpu.memory_space<vmem_shared>>
      tpu.enqueue_indirect_dma source(%arg20 : memref<80xf32, #tpu.memory_space<vmem>>) target(%dma_start3A_650 : memref<10000xf32, #tpu.memory_space<vmem_shared>>) offsets(%dma_start3A_648 : memref<80xi32, #tpu.memory_space<vmem>>) semaphore(%arg26 : memref<!tpu.dma_semaphore, #tpu.memory_space<semaphore_mem>>) {add = true}
    } else {
    }
    %eq3A_401 = arith.constant 0 : i32
    %eq3A_402 = arith.cmpi eq, %arg0, %eq3A_401 : i32
    %convert_element_type3A_403 = arith.extui %eq3A_402 : i1 to i32
    %cond3A_404 = arith.constant 0 : i32
    %cond3A_405 = arith.cmpi ne, %convert_element_type3A_403, %cond3A_404 : i32
    scf.if %cond3A_405 {
      %scan3A_645 = arith.constant 0 : i32
      %scan3A_646 = arith.constant 25 : i32
      %scan3A_647 = arith.addi %scan3A_645, %scan3A_646 : i32
      %scan3A_648 = arith.constant 1 : i32
      scf.for %scan3A_650 = %scan3A_645 to %scan3A_647 step %scan3A_648  : i32 {
        %dma_wait3A_651 = arith.constant 0 : i32
        %dma_wait3A_652 = arith.constant 0 : i32
        %dma_wait3A_653 = tpu.memref_slice %arg14[%dma_wait3A_651, %dma_wait3A_652] : memref<25x80xi32, #tpu.memory_space<vmem>> -> memref<1x80xi32, #tpu.memory_space<vmem>>
        %dma_wait3A_654 = tpu.memref_squeeze %dma_wait3A_653 : memref<1x80xi32, #tpu.memory_space<vmem>> -> memref<80xi32, #tpu.memory_space<vmem>>
        %dma_wait3A_655 = arith.constant 0 : i32
        %dma_wait3A_656 = tpu.memref_slice %arg22[%dma_wait3A_655] : memref<10000xf32, #tpu.memory_space<vmem_shared>> -> memref<10000xf32, #tpu.memory_space<vmem_shared>>
        tpu.wait_indirect_dma semaphore(%arg26 : memref<!tpu.dma_semaphore, #tpu.memory_space<semaphore_mem>>) src(%arg20 : memref<80xf32, #tpu.memory_space<vmem>>) dst(%dma_wait3A_656 : memref<10000xf32, #tpu.memory_space<vmem_shared>>)
      }
      %scan3A_649 = arith.constant 25 : i32
    } else {
    }
    %dma_wait3A_406 = arith.constant 3 : i32
    %dma_wait3A_407 = arith.constant 0 : i32
    %dma_wait3A_408 = arith.constant 0 : i32
    %dma_wait3A_409 = arith.constant 0 : i32
    %dma_wait3A_410 = tpu.memref_slice %arg4[%arg1, %dma_wait3A_407, %dma_wait3A_408, %dma_wait3A_409] : memref<16x5x25x80xi32, #tpu.memory_space<hbm>> -> memref<1x5x25x80xi32, #tpu.memory_space<hbm>>
    %dma_wait3A_411 = tpu.memref_squeeze %dma_wait3A_410 : memref<1x5x25x80xi32, #tpu.memory_space<hbm>> -> memref<5x25x80xi32, #tpu.memory_space<hbm>>
    %dma_wait3A_412 = arith.constant 0 : i32
    %dma_wait3A_413 = arith.constant 0 : i32
    %dma_wait3A_414 = tpu.memref_slice %dma_wait3A_411[%dma_wait3A_406, %dma_wait3A_412, %dma_wait3A_413] : memref<5x25x80xi32, #tpu.memory_space<hbm>> -> memref<1x25x80xi32, #tpu.memory_space<hbm>>
    %dma_wait3A_415 = tpu.memref_squeeze %dma_wait3A_414 : memref<1x25x80xi32, #tpu.memory_space<hbm>> -> memref<25x80xi32, #tpu.memory_space<hbm>>
    %dma_wait3A_416 = arith.constant 0 : i32
    %dma_wait3A_417 = arith.constant 0 : i32
    %dma_wait3A_418 = arith.constant 0 : i32
    %dma_wait3A_419 = tpu.memref_slice %arg4[%arg1, %dma_wait3A_416, %dma_wait3A_417, %dma_wait3A_418] : memref<16x5x25x80xi32, #tpu.memory_space<hbm>> -> memref<1x5x25x80xi32, #tpu.memory_space<hbm>>
    %dma_wait3A_420 = tpu.memref_squeeze %dma_wait3A_419 : memref<1x5x25x80xi32, #tpu.memory_space<hbm>> -> memref<5x25x80xi32, #tpu.memory_space<hbm>>
    %dma_wait3A_421 = arith.constant 0 : i32
    %dma_wait3A_422 = arith.constant 0 : i32
    %dma_wait3A_423 = tpu.memref_slice %dma_wait3A_420[%dma_wait3A_406, %dma_wait3A_421, %dma_wait3A_422] : memref<5x25x80xi32, #tpu.memory_space<hbm>> -> memref<1x25x80xi32, #tpu.memory_space<hbm>>
    %dma_wait3A_424 = tpu.memref_squeeze %dma_wait3A_423 : memref<1x25x80xi32, #tpu.memory_space<hbm>> -> memref<25x80xi32, #tpu.memory_space<hbm>>
    tpu.wait_dma2 semaphore(%arg27 : memref<!tpu.dma_semaphore, #tpu.memory_space<semaphore_mem>>) src(%dma_wait3A_424 : memref<25x80xi32, #tpu.memory_space<hbm>>) dst(%arg15 : memref<25x80xi32, #tpu.memory_space<vmem>>)
    %dma_wait3A_425 = arith.constant 3 : i32
    %dma_wait3A_426 = arith.constant 0 : i32
    %dma_wait3A_427 = arith.constant 0 : i32
    %dma_wait3A_428 = arith.constant 0 : i32
    %dma_wait3A_429 = tpu.memref_slice %arg5[%arg1, %dma_wait3A_426, %dma_wait3A_427, %dma_wait3A_428] : memref<16x5x25x80xi32, #tpu.memory_space<hbm>> -> memref<1x5x25x80xi32, #tpu.memory_space<hbm>>
    %dma_wait3A_430 = tpu.memref_squeeze %dma_wait3A_429 : memref<1x5x25x80xi32, #tpu.memory_space<hbm>> -> memref<5x25x80xi32, #tpu.memory_space<hbm>>
    %dma_wait3A_431 = arith.constant 0 : i32
    %dma_wait3A_432 = arith.constant 0 : i32
    %dma_wait3A_433 = tpu.memref_slice %dma_wait3A_430[%dma_wait3A_425, %dma_wait3A_431, %dma_wait3A_432] : memref<5x25x80xi32, #tpu.memory_space<hbm>> -> memref<1x25x80xi32, #tpu.memory_space<hbm>>
    %dma_wait3A_434 = tpu.memref_squeeze %dma_wait3A_433 : memref<1x25x80xi32, #tpu.memory_space<hbm>> -> memref<25x80xi32, #tpu.memory_space<hbm>>
    %dma_wait3A_435 = arith.constant 0 : i32
    %dma_wait3A_436 = arith.constant 0 : i32
    %dma_wait3A_437 = arith.constant 0 : i32
    %dma_wait3A_438 = tpu.memref_slice %arg5[%arg1, %dma_wait3A_435, %dma_wait3A_436, %dma_wait3A_437] : memref<16x5x25x80xi32, #tpu.memory_space<hbm>> -> memref<1x5x25x80xi32, #tpu.memory_space<hbm>>
    %dma_wait3A_439 = tpu.memref_squeeze %dma_wait3A_438 : memref<1x5x25x80xi32, #tpu.memory_space<hbm>> -> memref<5x25x80xi32, #tpu.memory_space<hbm>>
    %dma_wait3A_440 = arith.constant 0 : i32
    %dma_wait3A_441 = arith.constant 0 : i32
    %dma_wait3A_442 = tpu.memref_slice %dma_wait3A_439[%dma_wait3A_425, %dma_wait3A_440, %dma_wait3A_441] : memref<5x25x80xi32, #tpu.memory_space<hbm>> -> memref<1x25x80xi32, #tpu.memory_space<hbm>>
    %dma_wait3A_443 = tpu.memref_squeeze %dma_wait3A_442 : memref<1x25x80xi32, #tpu.memory_space<hbm>> -> memref<25x80xi32, #tpu.memory_space<hbm>>
    tpu.wait_dma2 semaphore(%arg27 : memref<!tpu.dma_semaphore, #tpu.memory_space<semaphore_mem>>) src(%dma_wait3A_443 : memref<25x80xi32, #tpu.memory_space<hbm>>) dst(%arg16 : memref<25x80xi32, #tpu.memory_space<vmem>>)
    %dma_start3A_444 = arith.constant 4 : i32
    %dma_start3A_445 = arith.constant 0 : i32
    %dma_start3A_446 = arith.constant 0 : i32
    %dma_start3A_447 = arith.constant 0 : i32
    %dma_start3A_448 = tpu.memref_slice %arg4[%arg1, %dma_start3A_445, %dma_start3A_446, %dma_start3A_447] : memref<16x5x25x80xi32, #tpu.memory_space<hbm>> -> memref<1x5x25x80xi32, #tpu.memory_space<hbm>>
    %dma_start3A_449 = tpu.memref_squeeze %dma_start3A_448 : memref<1x5x25x80xi32, #tpu.memory_space<hbm>> -> memref<5x25x80xi32, #tpu.memory_space<hbm>>
    %dma_start3A_450 = arith.constant 0 : i32
    %dma_start3A_451 = arith.constant 0 : i32
    %dma_start3A_452 = tpu.memref_slice %dma_start3A_449[%dma_start3A_444, %dma_start3A_450, %dma_start3A_451] : memref<5x25x80xi32, #tpu.memory_space<hbm>> -> memref<1x25x80xi32, #tpu.memory_space<hbm>>
    %dma_start3A_453 = tpu.memref_squeeze %dma_start3A_452 : memref<1x25x80xi32, #tpu.memory_space<hbm>> -> memref<25x80xi32, #tpu.memory_space<hbm>>
    %dma_start3A_454 = arith.constant 0 : i32
    %dma_start3A_455 = arith.constant 0 : i32
    %dma_start3A_456 = arith.constant 0 : i32
    %dma_start3A_457 = tpu.memref_slice %arg4[%arg1, %dma_start3A_454, %dma_start3A_455, %dma_start3A_456] : memref<16x5x25x80xi32, #tpu.memory_space<hbm>> -> memref<1x5x25x80xi32, #tpu.memory_space<hbm>>
    %dma_start3A_458 = tpu.memref_squeeze %dma_start3A_457 : memref<1x5x25x80xi32, #tpu.memory_space<hbm>> -> memref<5x25x80xi32, #tpu.memory_space<hbm>>
    %dma_start3A_459 = arith.constant 0 : i32
    %dma_start3A_460 = arith.constant 0 : i32
    %dma_start3A_461 = tpu.memref_slice %dma_start3A_458[%dma_start3A_444, %dma_start3A_459, %dma_start3A_460] : memref<5x25x80xi32, #tpu.memory_space<hbm>> -> memref<1x25x80xi32, #tpu.memory_space<hbm>>
    %dma_start3A_462 = tpu.memref_squeeze %dma_start3A_461 : memref<1x25x80xi32, #tpu.memory_space<hbm>> -> memref<25x80xi32, #tpu.memory_space<hbm>>
    tpu.enqueue_dma source(%dma_start3A_462 : memref<25x80xi32, #tpu.memory_space<hbm>>) target(%arg13 : memref<25x80xi32, #tpu.memory_space<vmem>>) target_semaphore(%arg27 : memref<!tpu.dma_semaphore, #tpu.memory_space<semaphore_mem>>)
    %dma_start3A_463 = arith.constant 4 : i32
    %dma_start3A_464 = arith.constant 0 : i32
    %dma_start3A_465 = arith.constant 0 : i32
    %dma_start3A_466 = arith.constant 0 : i32
    %dma_start3A_467 = tpu.memref_slice %arg5[%arg1, %dma_start3A_464, %dma_start3A_465, %dma_start3A_466] : memref<16x5x25x80xi32, #tpu.memory_space<hbm>> -> memref<1x5x25x80xi32, #tpu.memory_space<hbm>>
    %dma_start3A_468 = tpu.memref_squeeze %dma_start3A_467 : memref<1x5x25x80xi32, #tpu.memory_space<hbm>> -> memref<5x25x80xi32, #tpu.memory_space<hbm>>
    %dma_start3A_469 = arith.constant 0 : i32
    %dma_start3A_470 = arith.constant 0 : i32
    %dma_start3A_471 = tpu.memref_slice %dma_start3A_468[%dma_start3A_463, %dma_start3A_469, %dma_start3A_470] : memref<5x25x80xi32, #tpu.memory_space<hbm>> -> memref<1x25x80xi32, #tpu.memory_space<hbm>>
    %dma_start3A_472 = tpu.memref_squeeze %dma_start3A_471 : memref<1x25x80xi32, #tpu.memory_space<hbm>> -> memref<25x80xi32, #tpu.memory_space<hbm>>
    %dma_start3A_473 = arith.constant 0 : i32
    %dma_start3A_474 = arith.constant 0 : i32
    %dma_start3A_475 = arith.constant 0 : i32
    %dma_start3A_476 = tpu.memref_slice %arg5[%arg1, %dma_start3A_473, %dma_start3A_474, %dma_start3A_475] : memref<16x5x25x80xi32, #tpu.memory_space<hbm>> -> memref<1x5x25x80xi32, #tpu.memory_space<hbm>>
    %dma_start3A_477 = tpu.memref_squeeze %dma_start3A_476 : memref<1x5x25x80xi32, #tpu.memory_space<hbm>> -> memref<5x25x80xi32, #tpu.memory_space<hbm>>
    %dma_start3A_478 = arith.constant 0 : i32
    %dma_start3A_479 = arith.constant 0 : i32
    %dma_start3A_480 = tpu.memref_slice %dma_start3A_477[%dma_start3A_463, %dma_start3A_478, %dma_start3A_479] : memref<5x25x80xi32, #tpu.memory_space<hbm>> -> memref<1x25x80xi32, #tpu.memory_space<hbm>>
    %dma_start3A_481 = tpu.memref_squeeze %dma_start3A_480 : memref<1x25x80xi32, #tpu.memory_space<hbm>> -> memref<25x80xi32, #tpu.memory_space<hbm>>
    tpu.enqueue_dma source(%dma_start3A_481 : memref<25x80xi32, #tpu.memory_space<hbm>>) target(%arg14 : memref<25x80xi32, #tpu.memory_space<vmem>>) target_semaphore(%arg27 : memref<!tpu.dma_semaphore, #tpu.memory_space<semaphore_mem>>)
    %eq3A_482 = arith.constant 0 : i32
    %eq3A_483 = arith.cmpi eq, %arg0, %eq3A_482 : i32
    %convert_element_type3A_484 = arith.extui %eq3A_483 : i1 to i32
    %cond3A_485 = arith.constant 0 : i32
    %cond3A_486 = arith.cmpi ne, %convert_element_type3A_484, %cond3A_485 : i32
    scf.if %cond3A_486 {
      %dma_start3A_645 = arith.constant 0 : i32
      %dma_start3A_646 = arith.constant 0 : i32
      %dma_start3A_647 = tpu.memref_slice %arg15[%dma_start3A_645, %dma_start3A_646] : memref<25x80xi32, #tpu.memory_space<vmem>> -> memref<1x80xi32, #tpu.memory_space<vmem>>
      %dma_start3A_648 = tpu.memref_squeeze %dma_start3A_647 : memref<1x80xi32, #tpu.memory_space<vmem>> -> memref<80xi32, #tpu.memory_space<vmem>>
      %dma_start3A_649 = arith.constant 0 : i32
      %dma_start3A_650 = arith.constant 0 : i32
      %dma_start3A_651 = tpu.memref_slice %arg2[%dma_start3A_649, %dma_start3A_650] : memref<10000x128xf32, #tpu.memory_space<hbm>> -> memref<10000x128xf32, #tpu.memory_space<hbm>>
      tpu.enqueue_indirect_dma source(%dma_start3A_651 : memref<10000x128xf32, #tpu.memory_space<hbm>>) target(%arg17 : memref<80x128xf32, #tpu.memory_space<vmem>>) offsets(%dma_start3A_648 : memref<80xi32, #tpu.memory_space<vmem>>) semaphore(%arg23 : memref<!tpu.dma_semaphore, #tpu.memory_space<semaphore_mem>>)
    } else {
    }
    %eq3A_487 = arith.constant 1 : i32
    %eq3A_488 = arith.cmpi eq, %arg0, %eq3A_487 : i32
    %convert_element_type3A_489 = arith.extui %eq3A_488 : i1 to i32
    %cond3A_490 = arith.constant 0 : i32
    %cond3A_491 = arith.cmpi ne, %convert_element_type3A_489, %cond3A_490 : i32
    scf.if %cond3A_491 {
      %dma_start3A_645 = arith.constant 0 : i32
      %dma_start3A_646 = arith.constant 0 : i32
      %dma_start3A_647 = tpu.memref_slice %arg15[%dma_start3A_645, %dma_start3A_646] : memref<25x80xi32, #tpu.memory_space<vmem>> -> memref<1x80xi32, #tpu.memory_space<vmem>>
      %dma_start3A_648 = tpu.memref_squeeze %dma_start3A_647 : memref<1x80xi32, #tpu.memory_space<vmem>> -> memref<80xi32, #tpu.memory_space<vmem>>
      %dma_start3A_649 = arith.constant 0 : i32
      %dma_start3A_650 = arith.constant 0 : i32
      %dma_start3A_651 = tpu.memref_slice %arg3[%dma_start3A_649, %dma_start3A_650] : memref<10000x128xf32, #tpu.memory_space<hbm>> -> memref<10000x128xf32, #tpu.memory_space<hbm>>
      tpu.enqueue_indirect_dma source(%dma_start3A_651 : memref<10000x128xf32, #tpu.memory_space<hbm>>) target(%arg17 : memref<80x128xf32, #tpu.memory_space<vmem>>) offsets(%dma_start3A_648 : memref<80xi32, #tpu.memory_space<vmem>>) semaphore(%arg23 : memref<!tpu.dma_semaphore, #tpu.memory_space<semaphore_mem>>)
    } else {
    }
    %eq3A_492 = arith.constant 0 : i32
    %eq3A_493 = arith.cmpi eq, %arg0, %eq3A_492 : i32
    %convert_element_type3A_494 = arith.extui %eq3A_493 : i1 to i32
    %cond3A_495 = arith.constant 0 : i32
    %cond3A_496 = arith.cmpi ne, %convert_element_type3A_494, %cond3A_495 : i32
    scf.if %cond3A_496 {
      %dma_start3A_645 = arith.constant 1 : i32
      %dma_start3A_646 = arith.constant 0 : i32
      %dma_start3A_647 = tpu.memref_slice %arg15[%dma_start3A_645, %dma_start3A_646] : memref<25x80xi32, #tpu.memory_space<vmem>> -> memref<1x80xi32, #tpu.memory_space<vmem>>
      %dma_start3A_648 = tpu.memref_squeeze %dma_start3A_647 : memref<1x80xi32, #tpu.memory_space<vmem>> -> memref<80xi32, #tpu.memory_space<vmem>>
      %dma_start3A_649 = arith.constant 0 : i32
      %dma_start3A_650 = arith.constant 0 : i32
      %dma_start3A_651 = tpu.memref_slice %arg2[%dma_start3A_649, %dma_start3A_650] : memref<10000x128xf32, #tpu.memory_space<hbm>> -> memref<10000x128xf32, #tpu.memory_space<hbm>>
      tpu.enqueue_indirect_dma source(%dma_start3A_651 : memref<10000x128xf32, #tpu.memory_space<hbm>>) target(%arg18 : memref<80x128xf32, #tpu.memory_space<vmem>>) offsets(%dma_start3A_648 : memref<80xi32, #tpu.memory_space<vmem>>) semaphore(%arg24 : memref<!tpu.dma_semaphore, #tpu.memory_space<semaphore_mem>>)
    } else {
    }
    %eq3A_497 = arith.constant 1 : i32
    %eq3A_498 = arith.cmpi eq, %arg0, %eq3A_497 : i32
    %convert_element_type3A_499 = arith.extui %eq3A_498 : i1 to i32
    %cond3A_500 = arith.constant 0 : i32
    %cond3A_501 = arith.cmpi ne, %convert_element_type3A_499, %cond3A_500 : i32
    scf.if %cond3A_501 {
      %dma_start3A_645 = arith.constant 1 : i32
      %dma_start3A_646 = arith.constant 0 : i32
      %dma_start3A_647 = tpu.memref_slice %arg15[%dma_start3A_645, %dma_start3A_646] : memref<25x80xi32, #tpu.memory_space<vmem>> -> memref<1x80xi32, #tpu.memory_space<vmem>>
      %dma_start3A_648 = tpu.memref_squeeze %dma_start3A_647 : memref<1x80xi32, #tpu.memory_space<vmem>> -> memref<80xi32, #tpu.memory_space<vmem>>
      %dma_start3A_649 = arith.constant 0 : i32
      %dma_start3A_650 = arith.constant 0 : i32
      %dma_start3A_651 = tpu.memref_slice %arg3[%dma_start3A_649, %dma_start3A_650] : memref<10000x128xf32, #tpu.memory_space<hbm>> -> memref<10000x128xf32, #tpu.memory_space<hbm>>
      tpu.enqueue_indirect_dma source(%dma_start3A_651 : memref<10000x128xf32, #tpu.memory_space<hbm>>) target(%arg18 : memref<80x128xf32, #tpu.memory_space<vmem>>) offsets(%dma_start3A_648 : memref<80xi32, #tpu.memory_space<vmem>>) semaphore(%arg24 : memref<!tpu.dma_semaphore, #tpu.memory_space<semaphore_mem>>)
    } else {
    }
    %scan3A_502 = arith.constant 0 : i32
    %scan3A_503 = arith.constant 8 : i32
    %scan3A_504 = arith.addi %scan3A_502, %scan3A_503 : i32
    %scan3A_505 = arith.constant 1 : i32
    scf.for %scan3A_645 = %scan3A_502 to %scan3A_504 step %scan3A_505  : i32 {
      %mul3A_646 = arith.constant 3 : i32
      %mul3A_647 = arith.muli %mul3A_646, %scan3A_645 : i32
      %add3A = arith.constant 2 : i32
      %add3A_648 = arith.addi %mul3A_647, %add3A : i32
      %eq3A_649 = arith.constant 0 : i32
      %eq3A_650 = arith.cmpi eq, %arg0, %eq3A_649 : i32
      %convert_element_type3A_651 = arith.extui %eq3A_650 : i1 to i32
      %cond3A_652 = arith.constant 0 : i32
      %cond3A_653 = arith.cmpi ne, %convert_element_type3A_651, %cond3A_652 : i32
      scf.if %cond3A_653 {
        %dma_start3A_726 = arith.constant 0 : i32
        %dma_start3A_727 = tpu.memref_slice %arg15[%add3A_648, %dma_start3A_726] : memref<25x80xi32, #tpu.memory_space<vmem>> -> memref<1x80xi32, #tpu.memory_space<vmem>>
        %dma_start3A_728 = tpu.memref_squeeze %dma_start3A_727 : memref<1x80xi32, #tpu.memory_space<vmem>> -> memref<80xi32, #tpu.memory_space<vmem>>
        %dma_start3A_729 = arith.constant 0 : i32
        %dma_start3A_730 = arith.constant 0 : i32
        %dma_start3A_731 = tpu.memref_slice %arg2[%dma_start3A_729, %dma_start3A_730] : memref<10000x128xf32, #tpu.memory_space<hbm>> -> memref<10000x128xf32, #tpu.memory_space<hbm>>
        tpu.enqueue_indirect_dma source(%dma_start3A_731 : memref<10000x128xf32, #tpu.memory_space<hbm>>) target(%arg19 : memref<80x128xf32, #tpu.memory_space<vmem>>) offsets(%dma_start3A_728 : memref<80xi32, #tpu.memory_space<vmem>>) semaphore(%arg25 : memref<!tpu.dma_semaphore, #tpu.memory_space<semaphore_mem>>)
      } else {
      }
      %eq3A_654 = arith.constant 1 : i32
      %eq3A_655 = arith.cmpi eq, %arg0, %eq3A_654 : i32
      %convert_element_type3A_656 = arith.extui %eq3A_655 : i1 to i32
      %cond3A_657 = arith.constant 0 : i32
      %cond3A_658 = arith.cmpi ne, %convert_element_type3A_656, %cond3A_657 : i32
      scf.if %cond3A_658 {
        %dma_start3A_726 = arith.constant 0 : i32
        %dma_start3A_727 = tpu.memref_slice %arg15[%add3A_648, %dma_start3A_726] : memref<25x80xi32, #tpu.memory_space<vmem>> -> memref<1x80xi32, #tpu.memory_space<vmem>>
        %dma_start3A_728 = tpu.memref_squeeze %dma_start3A_727 : memref<1x80xi32, #tpu.memory_space<vmem>> -> memref<80xi32, #tpu.memory_space<vmem>>
        %dma_start3A_729 = arith.constant 0 : i32
        %dma_start3A_730 = arith.constant 0 : i32
        %dma_start3A_731 = tpu.memref_slice %arg3[%dma_start3A_729, %dma_start3A_730] : memref<10000x128xf32, #tpu.memory_space<hbm>> -> memref<10000x128xf32, #tpu.memory_space<hbm>>
        tpu.enqueue_indirect_dma source(%dma_start3A_731 : memref<10000x128xf32, #tpu.memory_space<hbm>>) target(%arg19 : memref<80x128xf32, #tpu.memory_space<vmem>>) offsets(%dma_start3A_728 : memref<80xi32, #tpu.memory_space<vmem>>) semaphore(%arg25 : memref<!tpu.dma_semaphore, #tpu.memory_space<semaphore_mem>>)
      } else {
      }
      %eq3A_659 = arith.constant 0 : i32
      %eq3A_660 = arith.cmpi eq, %arg0, %eq3A_659 : i32
      %convert_element_type3A_661 = arith.extui %eq3A_660 : i1 to i32
      %cond3A_662 = arith.constant 0 : i32
      %cond3A_663 = arith.cmpi ne, %convert_element_type3A_661, %cond3A_662 : i32
      scf.if %cond3A_663 {
        %dma_wait3A_726 = arith.constant 0 : i32
        %dma_wait3A_727 = tpu.memref_slice %arg15[%mul3A_647, %dma_wait3A_726] : memref<25x80xi32, #tpu.memory_space<vmem>> -> memref<1x80xi32, #tpu.memory_space<vmem>>
        %dma_wait3A_728 = tpu.memref_squeeze %dma_wait3A_727 : memref<1x80xi32, #tpu.memory_space<vmem>> -> memref<80xi32, #tpu.memory_space<vmem>>
        %dma_wait3A_729 = arith.constant 0 : i32
        %dma_wait3A_730 = arith.constant 0 : i32
        %dma_wait3A_731 = tpu.memref_slice %arg2[%dma_wait3A_729, %dma_wait3A_730] : memref<10000x128xf32, #tpu.memory_space<hbm>> -> memref<10000x128xf32, #tpu.memory_space<hbm>>
        tpu.wait_indirect_dma semaphore(%arg23 : memref<!tpu.dma_semaphore, #tpu.memory_space<semaphore_mem>>) src(%dma_wait3A_731 : memref<10000x128xf32, #tpu.memory_space<hbm>>) dst(%arg17 : memref<80x128xf32, #tpu.memory_space<vmem>>)
      } else {
      }
      %eq3A_664 = arith.constant 1 : i32
      %eq3A_665 = arith.cmpi eq, %arg0, %eq3A_664 : i32
      %convert_element_type3A_666 = arith.extui %eq3A_665 : i1 to i32
      %cond3A_667 = arith.constant 0 : i32
      %cond3A_668 = arith.cmpi ne, %convert_element_type3A_666, %cond3A_667 : i32
      scf.if %cond3A_668 {
        %dma_wait3A_726 = arith.constant 0 : i32
        %dma_wait3A_727 = tpu.memref_slice %arg15[%mul3A_647, %dma_wait3A_726] : memref<25x80xi32, #tpu.memory_space<vmem>> -> memref<1x80xi32, #tpu.memory_space<vmem>>
        %dma_wait3A_728 = tpu.memref_squeeze %dma_wait3A_727 : memref<1x80xi32, #tpu.memory_space<vmem>> -> memref<80xi32, #tpu.memory_space<vmem>>
        %dma_wait3A_729 = arith.constant 0 : i32
        %dma_wait3A_730 = arith.constant 0 : i32
        %dma_wait3A_731 = tpu.memref_slice %arg3[%dma_wait3A_729, %dma_wait3A_730] : memref<10000x128xf32, #tpu.memory_space<hbm>> -> memref<10000x128xf32, #tpu.memory_space<hbm>>
        tpu.wait_indirect_dma semaphore(%arg23 : memref<!tpu.dma_semaphore, #tpu.memory_space<semaphore_mem>>) src(%dma_wait3A_731 : memref<10000x128xf32, #tpu.memory_space<hbm>>) dst(%arg17 : memref<80x128xf32, #tpu.memory_space<vmem>>)
      } else {
      }
      "tpu.region"() ({
        %run_scoped3A_726 = tpu.sem_alloc : memref<!tpu.dma_semaphore, #tpu.memory_space<semaphore_mem>>
        %dma_start3A_727 = arith.constant 0 : i32
        %dma_start3A_728 = tpu.memref_slice %arg16[%mul3A_647, %dma_start3A_727] : memref<25x80xi32, #tpu.memory_space<vmem>> -> memref<1x80xi32, #tpu.memory_space<vmem>>
        %dma_start3A_729 = tpu.memref_squeeze %dma_start3A_728 : memref<1x80xi32, #tpu.memory_space<vmem>> -> memref<80xi32, #tpu.memory_space<vmem>>
        %dma_start3A_730 = arith.constant 0 : i32
        %dma_start3A_731 = arith.constant 0 : i32
        %dma_start3A_732 = tpu.memref_slice %arg21[%dma_start3A_730, %dma_start3A_731] : memref<10000x128xf32, #tpu.memory_space<vmem_shared>> -> memref<10000x128xf32, #tpu.memory_space<vmem_shared>>
        tpu.enqueue_indirect_dma source(%arg17 : memref<80x128xf32, #tpu.memory_space<vmem>>) target(%dma_start3A_732 : memref<10000x128xf32, #tpu.memory_space<vmem_shared>>) offsets(%dma_start3A_729 : memref<80xi32, #tpu.memory_space<vmem>>) semaphore(%run_scoped3A_726 : memref<!tpu.dma_semaphore, #tpu.memory_space<semaphore_mem>>) {add = true}
        %dma_wait3A_733 = arith.constant 0 : i32
        %dma_wait3A_734 = tpu.memref_slice %arg16[%mul3A_647, %dma_wait3A_733] : memref<25x80xi32, #tpu.memory_space<vmem>> -> memref<1x80xi32, #tpu.memory_space<vmem>>
        %dma_wait3A_735 = tpu.memref_squeeze %dma_wait3A_734 : memref<1x80xi32, #tpu.memory_space<vmem>> -> memref<80xi32, #tpu.memory_space<vmem>>
        %dma_wait3A_736 = arith.constant 0 : i32
        %dma_wait3A_737 = arith.constant 0 : i32
        %dma_wait3A_738 = tpu.memref_slice %arg21[%dma_wait3A_736, %dma_wait3A_737] : memref<10000x128xf32, #tpu.memory_space<vmem_shared>> -> memref<10000x128xf32, #tpu.memory_space<vmem_shared>>
        tpu.wait_indirect_dma semaphore(%run_scoped3A_726 : memref<!tpu.dma_semaphore, #tpu.memory_space<semaphore_mem>>) src(%arg17 : memref<80x128xf32, #tpu.memory_space<vmem>>) dst(%dma_wait3A_738 : memref<10000x128xf32, #tpu.memory_space<vmem_shared>>)
        tpu.yield
      }) : () -> ()
      %eq3A_669 = arith.constant 1 : i32
      %eq3A_670 = arith.cmpi eq, %arg0, %eq3A_669 : i32
      %convert_element_type3A_671 = arith.extui %eq3A_670 : i1 to i32
      %cond3A_672 = arith.constant 0 : i32
      %cond3A_673 = arith.cmpi ne, %convert_element_type3A_671, %cond3A_672 : i32
      scf.if %cond3A_673 {
        %dma_start3A_726 = arith.constant 0 : i32
        %dma_start3A_727 = tpu.memref_slice %arg16[%mul3A_647, %dma_start3A_726] : memref<25x80xi32, #tpu.memory_space<vmem>> -> memref<1x80xi32, #tpu.memory_space<vmem>>
        %dma_start3A_728 = tpu.memref_squeeze %dma_start3A_727 : memref<1x80xi32, #tpu.memory_space<vmem>> -> memref<80xi32, #tpu.memory_space<vmem>>
        %dma_start3A_729 = arith.constant 0 : i32
        %dma_start3A_730 = tpu.memref_slice %arg22[%dma_start3A_729] : memref<10000xf32, #tpu.memory_space<vmem_shared>> -> memref<10000xf32, #tpu.memory_space<vmem_shared>>
        tpu.enqueue_indirect_dma source(%arg20 : memref<80xf32, #tpu.memory_space<vmem>>) target(%dma_start3A_730 : memref<10000xf32, #tpu.memory_space<vmem_shared>>) offsets(%dma_start3A_728 : memref<80xi32, #tpu.memory_space<vmem>>) semaphore(%arg26 : memref<!tpu.dma_semaphore, #tpu.memory_space<semaphore_mem>>) {add = true}
      } else {
      }
      %add3A_674 = arith.constant 3 : i32
      %add3A_675 = arith.addi %mul3A_647, %add3A_674 : i32
      %lt3A_676 = arith.constant 25 : i32
      %lt3A_677 = arith.cmpi slt, %add3A_675, %lt3A_676 : i32
      %convert_element_type3A_678 = arith.extui %lt3A_677 : i1 to i32
      %cond3A_679 = arith.constant 0 : i32
      %cond3A_680 = arith.cmpi ne, %convert_element_type3A_678, %cond3A_679 : i32
      scf.if %cond3A_680 {
        %add3A_726 = arith.constant 3 : i32
        %add3A_727 = arith.addi %mul3A_647, %add3A_726 : i32
        %eq3A_728 = arith.constant 0 : i32
        %eq3A_729 = arith.cmpi eq, %arg0, %eq3A_728 : i32
        %convert_element_type3A_730 = arith.extui %eq3A_729 : i1 to i32
        %cond3A_731 = arith.constant 0 : i32
        %cond3A_732 = arith.cmpi ne, %convert_element_type3A_730, %cond3A_731 : i32
        scf.if %cond3A_732 {
          %dma_start3A_738 = arith.constant 0 : i32
          %dma_start3A_739 = tpu.memref_slice %arg15[%add3A_727, %dma_start3A_738] : memref<25x80xi32, #tpu.memory_space<vmem>> -> memref<1x80xi32, #tpu.memory_space<vmem>>
          %dma_start3A_740 = tpu.memref_squeeze %dma_start3A_739 : memref<1x80xi32, #tpu.memory_space<vmem>> -> memref<80xi32, #tpu.memory_space<vmem>>
          %dma_start3A_741 = arith.constant 0 : i32
          %dma_start3A_742 = arith.constant 0 : i32
          %dma_start3A_743 = tpu.memref_slice %arg2[%dma_start3A_741, %dma_start3A_742] : memref<10000x128xf32, #tpu.memory_space<hbm>> -> memref<10000x128xf32, #tpu.memory_space<hbm>>
          tpu.enqueue_indirect_dma source(%dma_start3A_743 : memref<10000x128xf32, #tpu.memory_space<hbm>>) target(%arg17 : memref<80x128xf32, #tpu.memory_space<vmem>>) offsets(%dma_start3A_740 : memref<80xi32, #tpu.memory_space<vmem>>) semaphore(%arg23 : memref<!tpu.dma_semaphore, #tpu.memory_space<semaphore_mem>>)
        } else {
        }
        %eq3A_733 = arith.constant 1 : i32
        %eq3A_734 = arith.cmpi eq, %arg0, %eq3A_733 : i32
        %convert_element_type3A_735 = arith.extui %eq3A_734 : i1 to i32
        %cond3A_736 = arith.constant 0 : i32
        %cond3A_737 = arith.cmpi ne, %convert_element_type3A_735, %cond3A_736 : i32
        scf.if %cond3A_737 {
          %dma_start3A_738 = arith.constant 0 : i32
          %dma_start3A_739 = tpu.memref_slice %arg15[%add3A_727, %dma_start3A_738] : memref<25x80xi32, #tpu.memory_space<vmem>> -> memref<1x80xi32, #tpu.memory_space<vmem>>
          %dma_start3A_740 = tpu.memref_squeeze %dma_start3A_739 : memref<1x80xi32, #tpu.memory_space<vmem>> -> memref<80xi32, #tpu.memory_space<vmem>>
          %dma_start3A_741 = arith.constant 0 : i32
          %dma_start3A_742 = arith.constant 0 : i32
          %dma_start3A_743 = tpu.memref_slice %arg3[%dma_start3A_741, %dma_start3A_742] : memref<10000x128xf32, #tpu.memory_space<hbm>> -> memref<10000x128xf32, #tpu.memory_space<hbm>>
          tpu.enqueue_indirect_dma source(%dma_start3A_743 : memref<10000x128xf32, #tpu.memory_space<hbm>>) target(%arg17 : memref<80x128xf32, #tpu.memory_space<vmem>>) offsets(%dma_start3A_740 : memref<80xi32, #tpu.memory_space<vmem>>) semaphore(%arg23 : memref<!tpu.dma_semaphore, #tpu.memory_space<semaphore_mem>>)
        } else {
        }
      } else {
      }
      %add3A_681 = arith.constant 1 : i32
      %add3A_682 = arith.addi %mul3A_647, %add3A_681 : i32
      %eq3A_683 = arith.constant 0 : i32
      %eq3A_684 = arith.cmpi eq, %arg0, %eq3A_683 : i32
      %convert_element_type3A_685 = arith.extui %eq3A_684 : i1 to i32
      %cond3A_686 = arith.constant 0 : i32
      %cond3A_687 = arith.cmpi ne, %convert_element_type3A_685, %cond3A_686 : i32
      scf.if %cond3A_687 {
        %dma_wait3A_726 = arith.constant 0 : i32
        %dma_wait3A_727 = tpu.memref_slice %arg15[%add3A_682, %dma_wait3A_726] : memref<25x80xi32, #tpu.memory_space<vmem>> -> memref<1x80xi32, #tpu.memory_space<vmem>>
        %dma_wait3A_728 = tpu.memref_squeeze %dma_wait3A_727 : memref<1x80xi32, #tpu.memory_space<vmem>> -> memref<80xi32, #tpu.memory_space<vmem>>
        %dma_wait3A_729 = arith.constant 0 : i32
        %dma_wait3A_730 = arith.constant 0 : i32
        %dma_wait3A_731 = tpu.memref_slice %arg2[%dma_wait3A_729, %dma_wait3A_730] : memref<10000x128xf32, #tpu.memory_space<hbm>> -> memref<10000x128xf32, #tpu.memory_space<hbm>>
        tpu.wait_indirect_dma semaphore(%arg24 : memref<!tpu.dma_semaphore, #tpu.memory_space<semaphore_mem>>) src(%dma_wait3A_731 : memref<10000x128xf32, #tpu.memory_space<hbm>>) dst(%arg18 : memref<80x128xf32, #tpu.memory_space<vmem>>)
      } else {
      }
      %eq3A_688 = arith.constant 1 : i32
      %eq3A_689 = arith.cmpi eq, %arg0, %eq3A_688 : i32
      %convert_element_type3A_690 = arith.extui %eq3A_689 : i1 to i32
      %cond3A_691 = arith.constant 0 : i32
      %cond3A_692 = arith.cmpi ne, %convert_element_type3A_690, %cond3A_691 : i32
      scf.if %cond3A_692 {
        %dma_wait3A_726 = arith.constant 0 : i32
        %dma_wait3A_727 = tpu.memref_slice %arg15[%add3A_682, %dma_wait3A_726] : memref<25x80xi32, #tpu.memory_space<vmem>> -> memref<1x80xi32, #tpu.memory_space<vmem>>
        %dma_wait3A_728 = tpu.memref_squeeze %dma_wait3A_727 : memref<1x80xi32, #tpu.memory_space<vmem>> -> memref<80xi32, #tpu.memory_space<vmem>>
        %dma_wait3A_729 = arith.constant 0 : i32
        %dma_wait3A_730 = arith.constant 0 : i32
        %dma_wait3A_731 = tpu.memref_slice %arg3[%dma_wait3A_729, %dma_wait3A_730] : memref<10000x128xf32, #tpu.memory_space<hbm>> -> memref<10000x128xf32, #tpu.memory_space<hbm>>
        tpu.wait_indirect_dma semaphore(%arg24 : memref<!tpu.dma_semaphore, #tpu.memory_space<semaphore_mem>>) src(%dma_wait3A_731 : memref<10000x128xf32, #tpu.memory_space<hbm>>) dst(%arg18 : memref<80x128xf32, #tpu.memory_space<vmem>>)
      } else {
      }
      %add3A_693 = arith.constant 1 : i32
      %add3A_694 = arith.addi %mul3A_647, %add3A_693 : i32
      "tpu.region"() ({
        %run_scoped3A_726 = tpu.sem_alloc : memref<!tpu.dma_semaphore, #tpu.memory_space<semaphore_mem>>
        %dma_start3A_727 = arith.constant 0 : i32
        %dma_start3A_728 = tpu.memref_slice %arg16[%add3A_694, %dma_start3A_727] : memref<25x80xi32, #tpu.memory_space<vmem>> -> memref<1x80xi32, #tpu.memory_space<vmem>>
        %dma_start3A_729 = tpu.memref_squeeze %dma_start3A_728 : memref<1x80xi32, #tpu.memory_space<vmem>> -> memref<80xi32, #tpu.memory_space<vmem>>
        %dma_start3A_730 = arith.constant 0 : i32
        %dma_start3A_731 = arith.constant 0 : i32
        %dma_start3A_732 = tpu.memref_slice %arg21[%dma_start3A_730, %dma_start3A_731] : memref<10000x128xf32, #tpu.memory_space<vmem_shared>> -> memref<10000x128xf32, #tpu.memory_space<vmem_shared>>
        tpu.enqueue_indirect_dma source(%arg18 : memref<80x128xf32, #tpu.memory_space<vmem>>) target(%dma_start3A_732 : memref<10000x128xf32, #tpu.memory_space<vmem_shared>>) offsets(%dma_start3A_729 : memref<80xi32, #tpu.memory_space<vmem>>) semaphore(%run_scoped3A_726 : memref<!tpu.dma_semaphore, #tpu.memory_space<semaphore_mem>>) {add = true}
        %dma_wait3A_733 = arith.constant 0 : i32
        %dma_wait3A_734 = tpu.memref_slice %arg16[%add3A_694, %dma_wait3A_733] : memref<25x80xi32, #tpu.memory_space<vmem>> -> memref<1x80xi32, #tpu.memory_space<vmem>>
        %dma_wait3A_735 = tpu.memref_squeeze %dma_wait3A_734 : memref<1x80xi32, #tpu.memory_space<vmem>> -> memref<80xi32, #tpu.memory_space<vmem>>
        %dma_wait3A_736 = arith.constant 0 : i32
        %dma_wait3A_737 = arith.constant 0 : i32
        %dma_wait3A_738 = tpu.memref_slice %arg21[%dma_wait3A_736, %dma_wait3A_737] : memref<10000x128xf32, #tpu.memory_space<vmem_shared>> -> memref<10000x128xf32, #tpu.memory_space<vmem_shared>>
        tpu.wait_indirect_dma semaphore(%run_scoped3A_726 : memref<!tpu.dma_semaphore, #tpu.memory_space<semaphore_mem>>) src(%arg18 : memref<80x128xf32, #tpu.memory_space<vmem>>) dst(%dma_wait3A_738 : memref<10000x128xf32, #tpu.memory_space<vmem_shared>>)
        tpu.yield
      }) : () -> ()
      %eq3A_695 = arith.constant 1 : i32
      %eq3A_696 = arith.cmpi eq, %arg0, %eq3A_695 : i32
      %convert_element_type3A_697 = arith.extui %eq3A_696 : i1 to i32
      %cond3A_698 = arith.constant 0 : i32
      %cond3A_699 = arith.cmpi ne, %convert_element_type3A_697, %cond3A_698 : i32
      scf.if %cond3A_699 {
        %dma_start3A_726 = arith.constant 0 : i32
        %dma_start3A_727 = tpu.memref_slice %arg16[%add3A_694, %dma_start3A_726] : memref<25x80xi32, #tpu.memory_space<vmem>> -> memref<1x80xi32, #tpu.memory_space<vmem>>
        %dma_start3A_728 = tpu.memref_squeeze %dma_start3A_727 : memref<1x80xi32, #tpu.memory_space<vmem>> -> memref<80xi32, #tpu.memory_space<vmem>>
        %dma_start3A_729 = arith.constant 0 : i32
        %dma_start3A_730 = tpu.memref_slice %arg22[%dma_start3A_729] : memref<10000xf32, #tpu.memory_space<vmem_shared>> -> memref<10000xf32, #tpu.memory_space<vmem_shared>>
        tpu.enqueue_indirect_dma source(%arg20 : memref<80xf32, #tpu.memory_space<vmem>>) target(%dma_start3A_730 : memref<10000xf32, #tpu.memory_space<vmem_shared>>) offsets(%dma_start3A_728 : memref<80xi32, #tpu.memory_space<vmem>>) semaphore(%arg26 : memref<!tpu.dma_semaphore, #tpu.memory_space<semaphore_mem>>) {add = true}
      } else {
      }
      %add3A_700 = arith.constant 4 : i32
      %add3A_701 = arith.addi %mul3A_647, %add3A_700 : i32
      %lt3A_702 = arith.constant 25 : i32
      %lt3A_703 = arith.cmpi slt, %add3A_701, %lt3A_702 : i32
      %convert_element_type3A_704 = arith.extui %lt3A_703 : i1 to i32
      %cond3A_705 = arith.constant 0 : i32
      %cond3A_706 = arith.cmpi ne, %convert_element_type3A_704, %cond3A_705 : i32
      scf.if %cond3A_706 {
        %add3A_726 = arith.constant 4 : i32
        %add3A_727 = arith.addi %mul3A_647, %add3A_726 : i32
        %eq3A_728 = arith.constant 0 : i32
        %eq3A_729 = arith.cmpi eq, %arg0, %eq3A_728 : i32
        %convert_element_type3A_730 = arith.extui %eq3A_729 : i1 to i32
        %cond3A_731 = arith.constant 0 : i32
        %cond3A_732 = arith.cmpi ne, %convert_element_type3A_730, %cond3A_731 : i32
        scf.if %cond3A_732 {
          %dma_start3A_738 = arith.constant 0 : i32
          %dma_start3A_739 = tpu.memref_slice %arg15[%add3A_727, %dma_start3A_738] : memref<25x80xi32, #tpu.memory_space<vmem>> -> memref<1x80xi32, #tpu.memory_space<vmem>>
          %dma_start3A_740 = tpu.memref_squeeze %dma_start3A_739 : memref<1x80xi32, #tpu.memory_space<vmem>> -> memref<80xi32, #tpu.memory_space<vmem>>
          %dma_start3A_741 = arith.constant 0 : i32
          %dma_start3A_742 = arith.constant 0 : i32
          %dma_start3A_743 = tpu.memref_slice %arg2[%dma_start3A_741, %dma_start3A_742] : memref<10000x128xf32, #tpu.memory_space<hbm>> -> memref<10000x128xf32, #tpu.memory_space<hbm>>
          tpu.enqueue_indirect_dma source(%dma_start3A_743 : memref<10000x128xf32, #tpu.memory_space<hbm>>) target(%arg18 : memref<80x128xf32, #tpu.memory_space<vmem>>) offsets(%dma_start3A_740 : memref<80xi32, #tpu.memory_space<vmem>>) semaphore(%arg24 : memref<!tpu.dma_semaphore, #tpu.memory_space<semaphore_mem>>)
        } else {
        }
        %eq3A_733 = arith.constant 1 : i32
        %eq3A_734 = arith.cmpi eq, %arg0, %eq3A_733 : i32
        %convert_element_type3A_735 = arith.extui %eq3A_734 : i1 to i32
        %cond3A_736 = arith.constant 0 : i32
        %cond3A_737 = arith.cmpi ne, %convert_element_type3A_735, %cond3A_736 : i32
        scf.if %cond3A_737 {
          %dma_start3A_738 = arith.constant 0 : i32
          %dma_start3A_739 = tpu.memref_slice %arg15[%add3A_727, %dma_start3A_738] : memref<25x80xi32, #tpu.memory_space<vmem>> -> memref<1x80xi32, #tpu.memory_space<vmem>>
          %dma_start3A_740 = tpu.memref_squeeze %dma_start3A_739 : memref<1x80xi32, #tpu.memory_space<vmem>> -> memref<80xi32, #tpu.memory_space<vmem>>
          %dma_start3A_741 = arith.constant 0 : i32
          %dma_start3A_742 = arith.constant 0 : i32
          %dma_start3A_743 = tpu.memref_slice %arg3[%dma_start3A_741, %dma_start3A_742] : memref<10000x128xf32, #tpu.memory_space<hbm>> -> memref<10000x128xf32, #tpu.memory_space<hbm>>
          tpu.enqueue_indirect_dma source(%dma_start3A_743 : memref<10000x128xf32, #tpu.memory_space<hbm>>) target(%arg18 : memref<80x128xf32, #tpu.memory_space<vmem>>) offsets(%dma_start3A_740 : memref<80xi32, #tpu.memory_space<vmem>>) semaphore(%arg24 : memref<!tpu.dma_semaphore, #tpu.memory_space<semaphore_mem>>)
        } else {
        }
      } else {
      }
      %add3A_707 = arith.constant 2 : i32
      %add3A_708 = arith.addi %mul3A_647, %add3A_707 : i32
      %eq3A_709 = arith.constant 0 : i32
      %eq3A_710 = arith.cmpi eq, %arg0, %eq3A_709 : i32
      %convert_element_type3A_711 = arith.extui %eq3A_710 : i1 to i32
      %cond3A_712 = arith.constant 0 : i32
      %cond3A_713 = arith.cmpi ne, %convert_element_type3A_711, %cond3A_712 : i32
      scf.if %cond3A_713 {
        %dma_wait3A_726 = arith.constant 0 : i32
        %dma_wait3A_727 = tpu.memref_slice %arg15[%add3A_708, %dma_wait3A_726] : memref<25x80xi32, #tpu.memory_space<vmem>> -> memref<1x80xi32, #tpu.memory_space<vmem>>
        %dma_wait3A_728 = tpu.memref_squeeze %dma_wait3A_727 : memref<1x80xi32, #tpu.memory_space<vmem>> -> memref<80xi32, #tpu.memory_space<vmem>>
        %dma_wait3A_729 = arith.constant 0 : i32
        %dma_wait3A_730 = arith.constant 0 : i32
        %dma_wait3A_731 = tpu.memref_slice %arg2[%dma_wait3A_729, %dma_wait3A_730] : memref<10000x128xf32, #tpu.memory_space<hbm>> -> memref<10000x128xf32, #tpu.memory_space<hbm>>
        tpu.wait_indirect_dma semaphore(%arg25 : memref<!tpu.dma_semaphore, #tpu.memory_space<semaphore_mem>>) src(%dma_wait3A_731 : memref<10000x128xf32, #tpu.memory_space<hbm>>) dst(%arg19 : memref<80x128xf32, #tpu.memory_space<vmem>>)
      } else {
      }
      %eq3A_714 = arith.constant 1 : i32
      %eq3A_715 = arith.cmpi eq, %arg0, %eq3A_714 : i32
      %convert_element_type3A_716 = arith.extui %eq3A_715 : i1 to i32
      %cond3A_717 = arith.constant 0 : i32
      %cond3A_718 = arith.cmpi ne, %convert_element_type3A_716, %cond3A_717 : i32
      scf.if %cond3A_718 {
        %dma_wait3A_726 = arith.constant 0 : i32
        %dma_wait3A_727 = tpu.memref_slice %arg15[%add3A_708, %dma_wait3A_726] : memref<25x80xi32, #tpu.memory_space<vmem>> -> memref<1x80xi32, #tpu.memory_space<vmem>>
        %dma_wait3A_728 = tpu.memref_squeeze %dma_wait3A_727 : memref<1x80xi32, #tpu.memory_space<vmem>> -> memref<80xi32, #tpu.memory_space<vmem>>
        %dma_wait3A_729 = arith.constant 0 : i32
        %dma_wait3A_730 = arith.constant 0 : i32
        %dma_wait3A_731 = tpu.memref_slice %arg3[%dma_wait3A_729, %dma_wait3A_730] : memref<10000x128xf32, #tpu.memory_space<hbm>> -> memref<10000x128xf32, #tpu.memory_space<hbm>>
        tpu.wait_indirect_dma semaphore(%arg25 : memref<!tpu.dma_semaphore, #tpu.memory_space<semaphore_mem>>) src(%dma_wait3A_731 : memref<10000x128xf32, #tpu.memory_space<hbm>>) dst(%arg19 : memref<80x128xf32, #tpu.memory_space<vmem>>)
      } else {
      }
      %add3A_719 = arith.constant 2 : i32
      %add3A_720 = arith.addi %mul3A_647, %add3A_719 : i32
      "tpu.region"() ({
        %run_scoped3A_726 = tpu.sem_alloc : memref<!tpu.dma_semaphore, #tpu.memory_space<semaphore_mem>>
        %dma_start3A_727 = arith.constant 0 : i32
        %dma_start3A_728 = tpu.memref_slice %arg16[%add3A_720, %dma_start3A_727] : memref<25x80xi32, #tpu.memory_space<vmem>> -> memref<1x80xi32, #tpu.memory_space<vmem>>
        %dma_start3A_729 = tpu.memref_squeeze %dma_start3A_728 : memref<1x80xi32, #tpu.memory_space<vmem>> -> memref<80xi32, #tpu.memory_space<vmem>>
        %dma_start3A_730 = arith.constant 0 : i32
        %dma_start3A_731 = arith.constant 0 : i32
        %dma_start3A_732 = tpu.memref_slice %arg21[%dma_start3A_730, %dma_start3A_731] : memref<10000x128xf32, #tpu.memory_space<vmem_shared>> -> memref<10000x128xf32, #tpu.memory_space<vmem_shared>>
        tpu.enqueue_indirect_dma source(%arg19 : memref<80x128xf32, #tpu.memory_space<vmem>>) target(%dma_start3A_732 : memref<10000x128xf32, #tpu.memory_space<vmem_shared>>) offsets(%dma_start3A_729 : memref<80xi32, #tpu.memory_space<vmem>>) semaphore(%run_scoped3A_726 : memref<!tpu.dma_semaphore, #tpu.memory_space<semaphore_mem>>) {add = true}
        %dma_wait3A_733 = arith.constant 0 : i32
        %dma_wait3A_734 = tpu.memref_slice %arg16[%add3A_720, %dma_wait3A_733] : memref<25x80xi32, #tpu.memory_space<vmem>> -> memref<1x80xi32, #tpu.memory_space<vmem>>
        %dma_wait3A_735 = tpu.memref_squeeze %dma_wait3A_734 : memref<1x80xi32, #tpu.memory_space<vmem>> -> memref<80xi32, #tpu.memory_space<vmem>>
        %dma_wait3A_736 = arith.constant 0 : i32
        %dma_wait3A_737 = arith.constant 0 : i32
        %dma_wait3A_738 = tpu.memref_slice %arg21[%dma_wait3A_736, %dma_wait3A_737] : memref<10000x128xf32, #tpu.memory_space<vmem_shared>> -> memref<10000x128xf32, #tpu.memory_space<vmem_shared>>
        tpu.wait_indirect_dma semaphore(%run_scoped3A_726 : memref<!tpu.dma_semaphore, #tpu.memory_space<semaphore_mem>>) src(%arg19 : memref<80x128xf32, #tpu.memory_space<vmem>>) dst(%dma_wait3A_738 : memref<10000x128xf32, #tpu.memory_space<vmem_shared>>)
        tpu.yield
      }) : () -> ()
      %eq3A_721 = arith.constant 1 : i32
      %eq3A_722 = arith.cmpi eq, %arg0, %eq3A_721 : i32
      %convert_element_type3A_723 = arith.extui %eq3A_722 : i1 to i32
      %cond3A_724 = arith.constant 0 : i32
      %cond3A_725 = arith.cmpi ne, %convert_element_type3A_723, %cond3A_724 : i32
      scf.if %cond3A_725 {
        %dma_start3A_726 = arith.constant 0 : i32
        %dma_start3A_727 = tpu.memref_slice %arg16[%add3A_720, %dma_start3A_726] : memref<25x80xi32, #tpu.memory_space<vmem>> -> memref<1x80xi32, #tpu.memory_space<vmem>>
        %dma_start3A_728 = tpu.memref_squeeze %dma_start3A_727 : memref<1x80xi32, #tpu.memory_space<vmem>> -> memref<80xi32, #tpu.memory_space<vmem>>
        %dma_start3A_729 = arith.constant 0 : i32
        %dma_start3A_730 = tpu.memref_slice %arg22[%dma_start3A_729] : memref<10000xf32, #tpu.memory_space<vmem_shared>> -> memref<10000xf32, #tpu.memory_space<vmem_shared>>
        tpu.enqueue_indirect_dma source(%arg20 : memref<80xf32, #tpu.memory_space<vmem>>) target(%dma_start3A_730 : memref<10000xf32, #tpu.memory_space<vmem_shared>>) offsets(%dma_start3A_728 : memref<80xi32, #tpu.memory_space<vmem>>) semaphore(%arg26 : memref<!tpu.dma_semaphore, #tpu.memory_space<semaphore_mem>>) {add = true}
      } else {
      }
    }
    %scan3A_506 = arith.constant 8 : i32
    %eq3A_507 = arith.constant 0 : i32
    %eq3A_508 = arith.cmpi eq, %arg0, %eq3A_507 : i32
    %convert_element_type3A_509 = arith.extui %eq3A_508 : i1 to i32
    %cond3A_510 = arith.constant 0 : i32
    %cond3A_511 = arith.cmpi ne, %convert_element_type3A_509, %cond3A_510 : i32
    scf.if %cond3A_511 {
      %dma_wait3A_645 = arith.constant 24 : i32
      %dma_wait3A_646 = arith.constant 0 : i32
      %dma_wait3A_647 = tpu.memref_slice %arg15[%dma_wait3A_645, %dma_wait3A_646] : memref<25x80xi32, #tpu.memory_space<vmem>> -> memref<1x80xi32, #tpu.memory_space<vmem>>
      %dma_wait3A_648 = tpu.memref_squeeze %dma_wait3A_647 : memref<1x80xi32, #tpu.memory_space<vmem>> -> memref<80xi32, #tpu.memory_space<vmem>>
      %dma_wait3A_649 = arith.constant 0 : i32
      %dma_wait3A_650 = arith.constant 0 : i32
      %dma_wait3A_651 = tpu.memref_slice %arg2[%dma_wait3A_649, %dma_wait3A_650] : memref<10000x128xf32, #tpu.memory_space<hbm>> -> memref<10000x128xf32, #tpu.memory_space<hbm>>
      tpu.wait_indirect_dma semaphore(%arg23 : memref<!tpu.dma_semaphore, #tpu.memory_space<semaphore_mem>>) src(%dma_wait3A_651 : memref<10000x128xf32, #tpu.memory_space<hbm>>) dst(%arg17 : memref<80x128xf32, #tpu.memory_space<vmem>>)
    } else {
    }
    %eq3A_512 = arith.constant 1 : i32
    %eq3A_513 = arith.cmpi eq, %arg0, %eq3A_512 : i32
    %convert_element_type3A_514 = arith.extui %eq3A_513 : i1 to i32
    %cond3A_515 = arith.constant 0 : i32
    %cond3A_516 = arith.cmpi ne, %convert_element_type3A_514, %cond3A_515 : i32
    scf.if %cond3A_516 {
      %dma_wait3A_645 = arith.constant 24 : i32
      %dma_wait3A_646 = arith.constant 0 : i32
      %dma_wait3A_647 = tpu.memref_slice %arg15[%dma_wait3A_645, %dma_wait3A_646] : memref<25x80xi32, #tpu.memory_space<vmem>> -> memref<1x80xi32, #tpu.memory_space<vmem>>
      %dma_wait3A_648 = tpu.memref_squeeze %dma_wait3A_647 : memref<1x80xi32, #tpu.memory_space<vmem>> -> memref<80xi32, #tpu.memory_space<vmem>>
      %dma_wait3A_649 = arith.constant 0 : i32
      %dma_wait3A_650 = arith.constant 0 : i32
      %dma_wait3A_651 = tpu.memref_slice %arg3[%dma_wait3A_649, %dma_wait3A_650] : memref<10000x128xf32, #tpu.memory_space<hbm>> -> memref<10000x128xf32, #tpu.memory_space<hbm>>
      tpu.wait_indirect_dma semaphore(%arg23 : memref<!tpu.dma_semaphore, #tpu.memory_space<semaphore_mem>>) src(%dma_wait3A_651 : memref<10000x128xf32, #tpu.memory_space<hbm>>) dst(%arg17 : memref<80x128xf32, #tpu.memory_space<vmem>>)
    } else {
    }
    %run_scoped3A_517 = arith.constant 24 : i32
    "tpu.region"() ({
      %run_scoped3A_645 = tpu.sem_alloc : memref<!tpu.dma_semaphore, #tpu.memory_space<semaphore_mem>>
      %dma_start3A_646 = arith.constant 0 : i32
      %dma_start3A_647 = tpu.memref_slice %arg16[%run_scoped3A_517, %dma_start3A_646] : memref<25x80xi32, #tpu.memory_space<vmem>> -> memref<1x80xi32, #tpu.memory_space<vmem>>
      %dma_start3A_648 = tpu.memref_squeeze %dma_start3A_647 : memref<1x80xi32, #tpu.memory_space<vmem>> -> memref<80xi32, #tpu.memory_space<vmem>>
      %dma_start3A_649 = arith.constant 0 : i32
      %dma_start3A_650 = arith.constant 0 : i32
      %dma_start3A_651 = tpu.memref_slice %arg21[%dma_start3A_649, %dma_start3A_650] : memref<10000x128xf32, #tpu.memory_space<vmem_shared>> -> memref<10000x128xf32, #tpu.memory_space<vmem_shared>>
      tpu.enqueue_indirect_dma source(%arg17 : memref<80x128xf32, #tpu.memory_space<vmem>>) target(%dma_start3A_651 : memref<10000x128xf32, #tpu.memory_space<vmem_shared>>) offsets(%dma_start3A_648 : memref<80xi32, #tpu.memory_space<vmem>>) semaphore(%run_scoped3A_645 : memref<!tpu.dma_semaphore, #tpu.memory_space<semaphore_mem>>) {add = true}
      %dma_wait3A_652 = arith.constant 0 : i32
      %dma_wait3A_653 = tpu.memref_slice %arg16[%run_scoped3A_517, %dma_wait3A_652] : memref<25x80xi32, #tpu.memory_space<vmem>> -> memref<1x80xi32, #tpu.memory_space<vmem>>
      %dma_wait3A_654 = tpu.memref_squeeze %dma_wait3A_653 : memref<1x80xi32, #tpu.memory_space<vmem>> -> memref<80xi32, #tpu.memory_space<vmem>>
      %dma_wait3A_655 = arith.constant 0 : i32
      %dma_wait3A_656 = arith.constant 0 : i32
      %dma_wait3A_657 = tpu.memref_slice %arg21[%dma_wait3A_655, %dma_wait3A_656] : memref<10000x128xf32, #tpu.memory_space<vmem_shared>> -> memref<10000x128xf32, #tpu.memory_space<vmem_shared>>
      tpu.wait_indirect_dma semaphore(%run_scoped3A_645 : memref<!tpu.dma_semaphore, #tpu.memory_space<semaphore_mem>>) src(%arg17 : memref<80x128xf32, #tpu.memory_space<vmem>>) dst(%dma_wait3A_657 : memref<10000x128xf32, #tpu.memory_space<vmem_shared>>)
      tpu.yield
    }) : () -> ()
    %eq3A_518 = arith.constant 1 : i32
    %eq3A_519 = arith.cmpi eq, %arg0, %eq3A_518 : i32
    %convert_element_type3A_520 = arith.extui %eq3A_519 : i1 to i32
    %cond3A_521 = arith.constant 0 : i32
    %cond3A_522 = arith.cmpi ne, %convert_element_type3A_520, %cond3A_521 : i32
    scf.if %cond3A_522 {
      %dma_start3A_645 = arith.constant 24 : i32
      %dma_start3A_646 = arith.constant 0 : i32
      %dma_start3A_647 = tpu.memref_slice %arg16[%dma_start3A_645, %dma_start3A_646] : memref<25x80xi32, #tpu.memory_space<vmem>> -> memref<1x80xi32, #tpu.memory_space<vmem>>
      %dma_start3A_648 = tpu.memref_squeeze %dma_start3A_647 : memref<1x80xi32, #tpu.memory_space<vmem>> -> memref<80xi32, #tpu.memory_space<vmem>>
      %dma_start3A_649 = arith.constant 0 : i32
      %dma_start3A_650 = tpu.memref_slice %arg22[%dma_start3A_649] : memref<10000xf32, #tpu.memory_space<vmem_shared>> -> memref<10000xf32, #tpu.memory_space<vmem_shared>>
      tpu.enqueue_indirect_dma source(%arg20 : memref<80xf32, #tpu.memory_space<vmem>>) target(%dma_start3A_650 : memref<10000xf32, #tpu.memory_space<vmem_shared>>) offsets(%dma_start3A_648 : memref<80xi32, #tpu.memory_space<vmem>>) semaphore(%arg26 : memref<!tpu.dma_semaphore, #tpu.memory_space<semaphore_mem>>) {add = true}
    } else {
    }
    %eq3A_523 = arith.constant 1 : i32
    %eq3A_524 = arith.cmpi eq, %arg0, %eq3A_523 : i32
    %convert_element_type3A_525 = arith.extui %eq3A_524 : i1 to i32
    %cond3A_526 = arith.constant 0 : i32
    %cond3A_527 = arith.cmpi ne, %convert_element_type3A_525, %cond3A_526 : i32
    scf.if %cond3A_527 {
      %scan3A_645 = arith.constant 0 : i32
      %scan3A_646 = arith.constant 25 : i32
      %scan3A_647 = arith.addi %scan3A_645, %scan3A_646 : i32
      %scan3A_648 = arith.constant 1 : i32
      scf.for %scan3A_650 = %scan3A_645 to %scan3A_647 step %scan3A_648  : i32 {
        %dma_wait3A_651 = arith.constant 0 : i32
        %dma_wait3A_652 = arith.constant 0 : i32
        %dma_wait3A_653 = tpu.memref_slice %arg16[%dma_wait3A_651, %dma_wait3A_652] : memref<25x80xi32, #tpu.memory_space<vmem>> -> memref<1x80xi32, #tpu.memory_space<vmem>>
        %dma_wait3A_654 = tpu.memref_squeeze %dma_wait3A_653 : memref<1x80xi32, #tpu.memory_space<vmem>> -> memref<80xi32, #tpu.memory_space<vmem>>
        %dma_wait3A_655 = arith.constant 0 : i32
        %dma_wait3A_656 = tpu.memref_slice %arg22[%dma_wait3A_655] : memref<10000xf32, #tpu.memory_space<vmem_shared>> -> memref<10000xf32, #tpu.memory_space<vmem_shared>>
        tpu.wait_indirect_dma semaphore(%arg26 : memref<!tpu.dma_semaphore, #tpu.memory_space<semaphore_mem>>) src(%arg20 : memref<80xf32, #tpu.memory_space<vmem>>) dst(%dma_wait3A_656 : memref<10000xf32, #tpu.memory_space<vmem_shared>>)
      }
      %scan3A_649 = arith.constant 25 : i32
    } else {
    }
    %dma_wait3A_528 = arith.constant 4 : i32
    %dma_wait3A_529 = arith.constant 0 : i32
    %dma_wait3A_530 = arith.constant 0 : i32
    %dma_wait3A_531 = arith.constant 0 : i32
    %dma_wait3A_532 = tpu.memref_slice %arg4[%arg1, %dma_wait3A_529, %dma_wait3A_530, %dma_wait3A_531] : memref<16x5x25x80xi32, #tpu.memory_space<hbm>> -> memref<1x5x25x80xi32, #tpu.memory_space<hbm>>
    %dma_wait3A_533 = tpu.memref_squeeze %dma_wait3A_532 : memref<1x5x25x80xi32, #tpu.memory_space<hbm>> -> memref<5x25x80xi32, #tpu.memory_space<hbm>>
    %dma_wait3A_534 = arith.constant 0 : i32
    %dma_wait3A_535 = arith.constant 0 : i32
    %dma_wait3A_536 = tpu.memref_slice %dma_wait3A_533[%dma_wait3A_528, %dma_wait3A_534, %dma_wait3A_535] : memref<5x25x80xi32, #tpu.memory_space<hbm>> -> memref<1x25x80xi32, #tpu.memory_space<hbm>>
    %dma_wait3A_537 = tpu.memref_squeeze %dma_wait3A_536 : memref<1x25x80xi32, #tpu.memory_space<hbm>> -> memref<25x80xi32, #tpu.memory_space<hbm>>
    %dma_wait3A_538 = arith.constant 0 : i32
    %dma_wait3A_539 = arith.constant 0 : i32
    %dma_wait3A_540 = arith.constant 0 : i32
    %dma_wait3A_541 = tpu.memref_slice %arg4[%arg1, %dma_wait3A_538, %dma_wait3A_539, %dma_wait3A_540] : memref<16x5x25x80xi32, #tpu.memory_space<hbm>> -> memref<1x5x25x80xi32, #tpu.memory_space<hbm>>
    %dma_wait3A_542 = tpu.memref_squeeze %dma_wait3A_541 : memref<1x5x25x80xi32, #tpu.memory_space<hbm>> -> memref<5x25x80xi32, #tpu.memory_space<hbm>>
    %dma_wait3A_543 = arith.constant 0 : i32
    %dma_wait3A_544 = arith.constant 0 : i32
    %dma_wait3A_545 = tpu.memref_slice %dma_wait3A_542[%dma_wait3A_528, %dma_wait3A_543, %dma_wait3A_544] : memref<5x25x80xi32, #tpu.memory_space<hbm>> -> memref<1x25x80xi32, #tpu.memory_space<hbm>>
    %dma_wait3A_546 = tpu.memref_squeeze %dma_wait3A_545 : memref<1x25x80xi32, #tpu.memory_space<hbm>> -> memref<25x80xi32, #tpu.memory_space<hbm>>
    tpu.wait_dma2 semaphore(%arg27 : memref<!tpu.dma_semaphore, #tpu.memory_space<semaphore_mem>>) src(%dma_wait3A_546 : memref<25x80xi32, #tpu.memory_space<hbm>>) dst(%arg13 : memref<25x80xi32, #tpu.memory_space<vmem>>)
    %dma_wait3A_547 = arith.constant 4 : i32
    %dma_wait3A_548 = arith.constant 0 : i32
    %dma_wait3A_549 = arith.constant 0 : i32
    %dma_wait3A_550 = arith.constant 0 : i32
    %dma_wait3A_551 = tpu.memref_slice %arg5[%arg1, %dma_wait3A_548, %dma_wait3A_549, %dma_wait3A_550] : memref<16x5x25x80xi32, #tpu.memory_space<hbm>> -> memref<1x5x25x80xi32, #tpu.memory_space<hbm>>
    %dma_wait3A_552 = tpu.memref_squeeze %dma_wait3A_551 : memref<1x5x25x80xi32, #tpu.memory_space<hbm>> -> memref<5x25x80xi32, #tpu.memory_space<hbm>>
    %dma_wait3A_553 = arith.constant 0 : i32
    %dma_wait3A_554 = arith.constant 0 : i32
    %dma_wait3A_555 = tpu.memref_slice %dma_wait3A_552[%dma_wait3A_547, %dma_wait3A_553, %dma_wait3A_554] : memref<5x25x80xi32, #tpu.memory_space<hbm>> -> memref<1x25x80xi32, #tpu.memory_space<hbm>>
    %dma_wait3A_556 = tpu.memref_squeeze %dma_wait3A_555 : memref<1x25x80xi32, #tpu.memory_space<hbm>> -> memref<25x80xi32, #tpu.memory_space<hbm>>
    %dma_wait3A_557 = arith.constant 0 : i32
    %dma_wait3A_558 = arith.constant 0 : i32
    %dma_wait3A_559 = arith.constant 0 : i32
    %dma_wait3A_560 = tpu.memref_slice %arg5[%arg1, %dma_wait3A_557, %dma_wait3A_558, %dma_wait3A_559] : memref<16x5x25x80xi32, #tpu.memory_space<hbm>> -> memref<1x5x25x80xi32, #tpu.memory_space<hbm>>
    %dma_wait3A_561 = tpu.memref_squeeze %dma_wait3A_560 : memref<1x5x25x80xi32, #tpu.memory_space<hbm>> -> memref<5x25x80xi32, #tpu.memory_space<hbm>>
    %dma_wait3A_562 = arith.constant 0 : i32
    %dma_wait3A_563 = arith.constant 0 : i32
    %dma_wait3A_564 = tpu.memref_slice %dma_wait3A_561[%dma_wait3A_547, %dma_wait3A_562, %dma_wait3A_563] : memref<5x25x80xi32, #tpu.memory_space<hbm>> -> memref<1x25x80xi32, #tpu.memory_space<hbm>>
    %dma_wait3A_565 = tpu.memref_squeeze %dma_wait3A_564 : memref<1x25x80xi32, #tpu.memory_space<hbm>> -> memref<25x80xi32, #tpu.memory_space<hbm>>
    tpu.wait_dma2 semaphore(%arg27 : memref<!tpu.dma_semaphore, #tpu.memory_space<semaphore_mem>>) src(%dma_wait3A_565 : memref<25x80xi32, #tpu.memory_space<hbm>>) dst(%arg14 : memref<25x80xi32, #tpu.memory_space<vmem>>)
    %eq3A_566 = arith.constant 0 : i32
    %eq3A_567 = arith.cmpi eq, %arg0, %eq3A_566 : i32
    %convert_element_type3A_568 = arith.extui %eq3A_567 : i1 to i32
    %cond3A_569 = arith.constant 0 : i32
    %cond3A_570 = arith.cmpi ne, %convert_element_type3A_568, %cond3A_569 : i32
    scf.if %cond3A_570 {
      %dma_start3A_645 = arith.constant 0 : i32
      %dma_start3A_646 = arith.constant 0 : i32
      %dma_start3A_647 = tpu.memref_slice %arg13[%dma_start3A_645, %dma_start3A_646] : memref<25x80xi32, #tpu.memory_space<vmem>> -> memref<1x80xi32, #tpu.memory_space<vmem>>
      %dma_start3A_648 = tpu.memref_squeeze %dma_start3A_647 : memref<1x80xi32, #tpu.memory_space<vmem>> -> memref<80xi32, #tpu.memory_space<vmem>>
      %dma_start3A_649 = arith.constant 0 : i32
      %dma_start3A_650 = arith.constant 0 : i32
      %dma_start3A_651 = tpu.memref_slice %arg2[%dma_start3A_649, %dma_start3A_650] : memref<10000x128xf32, #tpu.memory_space<hbm>> -> memref<10000x128xf32, #tpu.memory_space<hbm>>
      tpu.enqueue_indirect_dma source(%dma_start3A_651 : memref<10000x128xf32, #tpu.memory_space<hbm>>) target(%arg17 : memref<80x128xf32, #tpu.memory_space<vmem>>) offsets(%dma_start3A_648 : memref<80xi32, #tpu.memory_space<vmem>>) semaphore(%arg23 : memref<!tpu.dma_semaphore, #tpu.memory_space<semaphore_mem>>)
    } else {
    }
    %eq3A_571 = arith.constant 1 : i32
    %eq3A_572 = arith.cmpi eq, %arg0, %eq3A_571 : i32
    %convert_element_type3A_573 = arith.extui %eq3A_572 : i1 to i32
    %cond3A_574 = arith.constant 0 : i32
    %cond3A_575 = arith.cmpi ne, %convert_element_type3A_573, %cond3A_574 : i32
    scf.if %cond3A_575 {
      %dma_start3A_645 = arith.constant 0 : i32
      %dma_start3A_646 = arith.constant 0 : i32
      %dma_start3A_647 = tpu.memref_slice %arg13[%dma_start3A_645, %dma_start3A_646] : memref<25x80xi32, #tpu.memory_space<vmem>> -> memref<1x80xi32, #tpu.memory_space<vmem>>
      %dma_start3A_648 = tpu.memref_squeeze %dma_start3A_647 : memref<1x80xi32, #tpu.memory_space<vmem>> -> memref<80xi32, #tpu.memory_space<vmem>>
      %dma_start3A_649 = arith.constant 0 : i32
      %dma_start3A_650 = arith.constant 0 : i32
      %dma_start3A_651 = tpu.memref_slice %arg3[%dma_start3A_649, %dma_start3A_650] : memref<10000x128xf32, #tpu.memory_space<hbm>> -> memref<10000x128xf32, #tpu.memory_space<hbm>>
      tpu.enqueue_indirect_dma source(%dma_start3A_651 : memref<10000x128xf32, #tpu.memory_space<hbm>>) target(%arg17 : memref<80x128xf32, #tpu.memory_space<vmem>>) offsets(%dma_start3A_648 : memref<80xi32, #tpu.memory_space<vmem>>) semaphore(%arg23 : memref<!tpu.dma_semaphore, #tpu.memory_space<semaphore_mem>>)
    } else {
    }
    %eq3A_576 = arith.constant 0 : i32
    %eq3A_577 = arith.cmpi eq, %arg0, %eq3A_576 : i32
    %convert_element_type3A_578 = arith.extui %eq3A_577 : i1 to i32
    %cond3A_579 = arith.constant 0 : i32
    %cond3A_580 = arith.cmpi ne, %convert_element_type3A_578, %cond3A_579 : i32
    scf.if %cond3A_580 {
      %dma_start3A_645 = arith.constant 1 : i32
      %dma_start3A_646 = arith.constant 0 : i32
      %dma_start3A_647 = tpu.memref_slice %arg13[%dma_start3A_645, %dma_start3A_646] : memref<25x80xi32, #tpu.memory_space<vmem>> -> memref<1x80xi32, #tpu.memory_space<vmem>>
      %dma_start3A_648 = tpu.memref_squeeze %dma_start3A_647 : memref<1x80xi32, #tpu.memory_space<vmem>> -> memref<80xi32, #tpu.memory_space<vmem>>
      %dma_start3A_649 = arith.constant 0 : i32
      %dma_start3A_650 = arith.constant 0 : i32
      %dma_start3A_651 = tpu.memref_slice %arg2[%dma_start3A_649, %dma_start3A_650] : memref<10000x128xf32, #tpu.memory_space<hbm>> -> memref<10000x128xf32, #tpu.memory_space<hbm>>
      tpu.enqueue_indirect_dma source(%dma_start3A_651 : memref<10000x128xf32, #tpu.memory_space<hbm>>) target(%arg18 : memref<80x128xf32, #tpu.memory_space<vmem>>) offsets(%dma_start3A_648 : memref<80xi32, #tpu.memory_space<vmem>>) semaphore(%arg24 : memref<!tpu.dma_semaphore, #tpu.memory_space<semaphore_mem>>)
    } else {
    }
    %eq3A_581 = arith.constant 1 : i32
    %eq3A_582 = arith.cmpi eq, %arg0, %eq3A_581 : i32
    %convert_element_type3A_583 = arith.extui %eq3A_582 : i1 to i32
    %cond3A_584 = arith.constant 0 : i32
    %cond3A_585 = arith.cmpi ne, %convert_element_type3A_583, %cond3A_584 : i32
    scf.if %cond3A_585 {
      %dma_start3A_645 = arith.constant 1 : i32
      %dma_start3A_646 = arith.constant 0 : i32
      %dma_start3A_647 = tpu.memref_slice %arg13[%dma_start3A_645, %dma_start3A_646] : memref<25x80xi32, #tpu.memory_space<vmem>> -> memref<1x80xi32, #tpu.memory_space<vmem>>
      %dma_start3A_648 = tpu.memref_squeeze %dma_start3A_647 : memref<1x80xi32, #tpu.memory_space<vmem>> -> memref<80xi32, #tpu.memory_space<vmem>>
      %dma_start3A_649 = arith.constant 0 : i32
      %dma_start3A_650 = arith.constant 0 : i32
      %dma_start3A_651 = tpu.memref_slice %arg3[%dma_start3A_649, %dma_start3A_650] : memref<10000x128xf32, #tpu.memory_space<hbm>> -> memref<10000x128xf32, #tpu.memory_space<hbm>>
      tpu.enqueue_indirect_dma source(%dma_start3A_651 : memref<10000x128xf32, #tpu.memory_space<hbm>>) target(%arg18 : memref<80x128xf32, #tpu.memory_space<vmem>>) offsets(%dma_start3A_648 : memref<80xi32, #tpu.memory_space<vmem>>) semaphore(%arg24 : memref<!tpu.dma_semaphore, #tpu.memory_space<semaphore_mem>>)
    } else {
    }
    %scan3A_586 = arith.constant 0 : i32
    %scan3A_587 = arith.constant 8 : i32
    %scan3A_588 = arith.addi %scan3A_586, %scan3A_587 : i32
    %scan3A_589 = arith.constant 1 : i32
    scf.for %scan3A_645 = %scan3A_586 to %scan3A_588 step %scan3A_589  : i32 {
      %mul3A_646 = arith.constant 3 : i32
      %mul3A_647 = arith.muli %mul3A_646, %scan3A_645 : i32
      %add3A = arith.constant 2 : i32
      %add3A_648 = arith.addi %mul3A_647, %add3A : i32
      %eq3A_649 = arith.constant 0 : i32
      %eq3A_650 = arith.cmpi eq, %arg0, %eq3A_649 : i32
      %convert_element_type3A_651 = arith.extui %eq3A_650 : i1 to i32
      %cond3A_652 = arith.constant 0 : i32
      %cond3A_653 = arith.cmpi ne, %convert_element_type3A_651, %cond3A_652 : i32
      scf.if %cond3A_653 {
        %dma_start3A_726 = arith.constant 0 : i32
        %dma_start3A_727 = tpu.memref_slice %arg13[%add3A_648, %dma_start3A_726] : memref<25x80xi32, #tpu.memory_space<vmem>> -> memref<1x80xi32, #tpu.memory_space<vmem>>
        %dma_start3A_728 = tpu.memref_squeeze %dma_start3A_727 : memref<1x80xi32, #tpu.memory_space<vmem>> -> memref<80xi32, #tpu.memory_space<vmem>>
        %dma_start3A_729 = arith.constant 0 : i32
        %dma_start3A_730 = arith.constant 0 : i32
        %dma_start3A_731 = tpu.memref_slice %arg2[%dma_start3A_729, %dma_start3A_730] : memref<10000x128xf32, #tpu.memory_space<hbm>> -> memref<10000x128xf32, #tpu.memory_space<hbm>>
        tpu.enqueue_indirect_dma source(%dma_start3A_731 : memref<10000x128xf32, #tpu.memory_space<hbm>>) target(%arg19 : memref<80x128xf32, #tpu.memory_space<vmem>>) offsets(%dma_start3A_728 : memref<80xi32, #tpu.memory_space<vmem>>) semaphore(%arg25 : memref<!tpu.dma_semaphore, #tpu.memory_space<semaphore_mem>>)
      } else {
      }
      %eq3A_654 = arith.constant 1 : i32
      %eq3A_655 = arith.cmpi eq, %arg0, %eq3A_654 : i32
      %convert_element_type3A_656 = arith.extui %eq3A_655 : i1 to i32
      %cond3A_657 = arith.constant 0 : i32
      %cond3A_658 = arith.cmpi ne, %convert_element_type3A_656, %cond3A_657 : i32
      scf.if %cond3A_658 {
        %dma_start3A_726 = arith.constant 0 : i32
        %dma_start3A_727 = tpu.memref_slice %arg13[%add3A_648, %dma_start3A_726] : memref<25x80xi32, #tpu.memory_space<vmem>> -> memref<1x80xi32, #tpu.memory_space<vmem>>
        %dma_start3A_728 = tpu.memref_squeeze %dma_start3A_727 : memref<1x80xi32, #tpu.memory_space<vmem>> -> memref<80xi32, #tpu.memory_space<vmem>>
        %dma_start3A_729 = arith.constant 0 : i32
        %dma_start3A_730 = arith.constant 0 : i32
        %dma_start3A_731 = tpu.memref_slice %arg3[%dma_start3A_729, %dma_start3A_730] : memref<10000x128xf32, #tpu.memory_space<hbm>> -> memref<10000x128xf32, #tpu.memory_space<hbm>>
        tpu.enqueue_indirect_dma source(%dma_start3A_731 : memref<10000x128xf32, #tpu.memory_space<hbm>>) target(%arg19 : memref<80x128xf32, #tpu.memory_space<vmem>>) offsets(%dma_start3A_728 : memref<80xi32, #tpu.memory_space<vmem>>) semaphore(%arg25 : memref<!tpu.dma_semaphore, #tpu.memory_space<semaphore_mem>>)
      } else {
      }
      %eq3A_659 = arith.constant 0 : i32
      %eq3A_660 = arith.cmpi eq, %arg0, %eq3A_659 : i32
      %convert_element_type3A_661 = arith.extui %eq3A_660 : i1 to i32
      %cond3A_662 = arith.constant 0 : i32
      %cond3A_663 = arith.cmpi ne, %convert_element_type3A_661, %cond3A_662 : i32
      scf.if %cond3A_663 {
        %dma_wait3A_726 = arith.constant 0 : i32
        %dma_wait3A_727 = tpu.memref_slice %arg13[%mul3A_647, %dma_wait3A_726] : memref<25x80xi32, #tpu.memory_space<vmem>> -> memref<1x80xi32, #tpu.memory_space<vmem>>
        %dma_wait3A_728 = tpu.memref_squeeze %dma_wait3A_727 : memref<1x80xi32, #tpu.memory_space<vmem>> -> memref<80xi32, #tpu.memory_space<vmem>>
        %dma_wait3A_729 = arith.constant 0 : i32
        %dma_wait3A_730 = arith.constant 0 : i32
        %dma_wait3A_731 = tpu.memref_slice %arg2[%dma_wait3A_729, %dma_wait3A_730] : memref<10000x128xf32, #tpu.memory_space<hbm>> -> memref<10000x128xf32, #tpu.memory_space<hbm>>
        tpu.wait_indirect_dma semaphore(%arg23 : memref<!tpu.dma_semaphore, #tpu.memory_space<semaphore_mem>>) src(%dma_wait3A_731 : memref<10000x128xf32, #tpu.memory_space<hbm>>) dst(%arg17 : memref<80x128xf32, #tpu.memory_space<vmem>>)
      } else {
      }
      %eq3A_664 = arith.constant 1 : i32
      %eq3A_665 = arith.cmpi eq, %arg0, %eq3A_664 : i32
      %convert_element_type3A_666 = arith.extui %eq3A_665 : i1 to i32
      %cond3A_667 = arith.constant 0 : i32
      %cond3A_668 = arith.cmpi ne, %convert_element_type3A_666, %cond3A_667 : i32
      scf.if %cond3A_668 {
        %dma_wait3A_726 = arith.constant 0 : i32
        %dma_wait3A_727 = tpu.memref_slice %arg13[%mul3A_647, %dma_wait3A_726] : memref<25x80xi32, #tpu.memory_space<vmem>> -> memref<1x80xi32, #tpu.memory_space<vmem>>
        %dma_wait3A_728 = tpu.memref_squeeze %dma_wait3A_727 : memref<1x80xi32, #tpu.memory_space<vmem>> -> memref<80xi32, #tpu.memory_space<vmem>>
        %dma_wait3A_729 = arith.constant 0 : i32
        %dma_wait3A_730 = arith.constant 0 : i32
        %dma_wait3A_731 = tpu.memref_slice %arg3[%dma_wait3A_729, %dma_wait3A_730] : memref<10000x128xf32, #tpu.memory_space<hbm>> -> memref<10000x128xf32, #tpu.memory_space<hbm>>
        tpu.wait_indirect_dma semaphore(%arg23 : memref<!tpu.dma_semaphore, #tpu.memory_space<semaphore_mem>>) src(%dma_wait3A_731 : memref<10000x128xf32, #tpu.memory_space<hbm>>) dst(%arg17 : memref<80x128xf32, #tpu.memory_space<vmem>>)
      } else {
      }
      "tpu.region"() ({
        %run_scoped3A_726 = tpu.sem_alloc : memref<!tpu.dma_semaphore, #tpu.memory_space<semaphore_mem>>
        %dma_start3A_727 = arith.constant 0 : i32
        %dma_start3A_728 = tpu.memref_slice %arg14[%mul3A_647, %dma_start3A_727] : memref<25x80xi32, #tpu.memory_space<vmem>> -> memref<1x80xi32, #tpu.memory_space<vmem>>
        %dma_start3A_729 = tpu.memref_squeeze %dma_start3A_728 : memref<1x80xi32, #tpu.memory_space<vmem>> -> memref<80xi32, #tpu.memory_space<vmem>>
        %dma_start3A_730 = arith.constant 0 : i32
        %dma_start3A_731 = arith.constant 0 : i32
        %dma_start3A_732 = tpu.memref_slice %arg21[%dma_start3A_730, %dma_start3A_731] : memref<10000x128xf32, #tpu.memory_space<vmem_shared>> -> memref<10000x128xf32, #tpu.memory_space<vmem_shared>>
        tpu.enqueue_indirect_dma source(%arg17 : memref<80x128xf32, #tpu.memory_space<vmem>>) target(%dma_start3A_732 : memref<10000x128xf32, #tpu.memory_space<vmem_shared>>) offsets(%dma_start3A_729 : memref<80xi32, #tpu.memory_space<vmem>>) semaphore(%run_scoped3A_726 : memref<!tpu.dma_semaphore, #tpu.memory_space<semaphore_mem>>) {add = true}
        %dma_wait3A_733 = arith.constant 0 : i32
        %dma_wait3A_734 = tpu.memref_slice %arg14[%mul3A_647, %dma_wait3A_733] : memref<25x80xi32, #tpu.memory_space<vmem>> -> memref<1x80xi32, #tpu.memory_space<vmem>>
        %dma_wait3A_735 = tpu.memref_squeeze %dma_wait3A_734 : memref<1x80xi32, #tpu.memory_space<vmem>> -> memref<80xi32, #tpu.memory_space<vmem>>
        %dma_wait3A_736 = arith.constant 0 : i32
        %dma_wait3A_737 = arith.constant 0 : i32
        %dma_wait3A_738 = tpu.memref_slice %arg21[%dma_wait3A_736, %dma_wait3A_737] : memref<10000x128xf32, #tpu.memory_space<vmem_shared>> -> memref<10000x128xf32, #tpu.memory_space<vmem_shared>>
        tpu.wait_indirect_dma semaphore(%run_scoped3A_726 : memref<!tpu.dma_semaphore, #tpu.memory_space<semaphore_mem>>) src(%arg17 : memref<80x128xf32, #tpu.memory_space<vmem>>) dst(%dma_wait3A_738 : memref<10000x128xf32, #tpu.memory_space<vmem_shared>>)
        tpu.yield
      }) : () -> ()
      %eq3A_669 = arith.constant 0 : i32
      %eq3A_670 = arith.cmpi eq, %arg0, %eq3A_669 : i32
      %convert_element_type3A_671 = arith.extui %eq3A_670 : i1 to i32
      %cond3A_672 = arith.constant 0 : i32
      %cond3A_673 = arith.cmpi ne, %convert_element_type3A_671, %cond3A_672 : i32
      scf.if %cond3A_673 {
        %dma_start3A_726 = arith.constant 0 : i32
        %dma_start3A_727 = tpu.memref_slice %arg14[%mul3A_647, %dma_start3A_726] : memref<25x80xi32, #tpu.memory_space<vmem>> -> memref<1x80xi32, #tpu.memory_space<vmem>>
        %dma_start3A_728 = tpu.memref_squeeze %dma_start3A_727 : memref<1x80xi32, #tpu.memory_space<vmem>> -> memref<80xi32, #tpu.memory_space<vmem>>
        %dma_start3A_729 = arith.constant 0 : i32
        %dma_start3A_730 = tpu.memref_slice %arg22[%dma_start3A_729] : memref<10000xf32, #tpu.memory_space<vmem_shared>> -> memref<10000xf32, #tpu.memory_space<vmem_shared>>
        tpu.enqueue_indirect_dma source(%arg20 : memref<80xf32, #tpu.memory_space<vmem>>) target(%dma_start3A_730 : memref<10000xf32, #tpu.memory_space<vmem_shared>>) offsets(%dma_start3A_728 : memref<80xi32, #tpu.memory_space<vmem>>) semaphore(%arg26 : memref<!tpu.dma_semaphore, #tpu.memory_space<semaphore_mem>>) {add = true}
      } else {
      }
      %add3A_674 = arith.constant 3 : i32
      %add3A_675 = arith.addi %mul3A_647, %add3A_674 : i32
      %lt3A_676 = arith.constant 25 : i32
      %lt3A_677 = arith.cmpi slt, %add3A_675, %lt3A_676 : i32
      %convert_element_type3A_678 = arith.extui %lt3A_677 : i1 to i32
      %cond3A_679 = arith.constant 0 : i32
      %cond3A_680 = arith.cmpi ne, %convert_element_type3A_678, %cond3A_679 : i32
      scf.if %cond3A_680 {
        %add3A_726 = arith.constant 3 : i32
        %add3A_727 = arith.addi %mul3A_647, %add3A_726 : i32
        %eq3A_728 = arith.constant 0 : i32
        %eq3A_729 = arith.cmpi eq, %arg0, %eq3A_728 : i32
        %convert_element_type3A_730 = arith.extui %eq3A_729 : i1 to i32
        %cond3A_731 = arith.constant 0 : i32
        %cond3A_732 = arith.cmpi ne, %convert_element_type3A_730, %cond3A_731 : i32
        scf.if %cond3A_732 {
          %dma_start3A_738 = arith.constant 0 : i32
          %dma_start3A_739 = tpu.memref_slice %arg13[%add3A_727, %dma_start3A_738] : memref<25x80xi32, #tpu.memory_space<vmem>> -> memref<1x80xi32, #tpu.memory_space<vmem>>
          %dma_start3A_740 = tpu.memref_squeeze %dma_start3A_739 : memref<1x80xi32, #tpu.memory_space<vmem>> -> memref<80xi32, #tpu.memory_space<vmem>>
          %dma_start3A_741 = arith.constant 0 : i32
          %dma_start3A_742 = arith.constant 0 : i32
          %dma_start3A_743 = tpu.memref_slice %arg2[%dma_start3A_741, %dma_start3A_742] : memref<10000x128xf32, #tpu.memory_space<hbm>> -> memref<10000x128xf32, #tpu.memory_space<hbm>>
          tpu.enqueue_indirect_dma source(%dma_start3A_743 : memref<10000x128xf32, #tpu.memory_space<hbm>>) target(%arg17 : memref<80x128xf32, #tpu.memory_space<vmem>>) offsets(%dma_start3A_740 : memref<80xi32, #tpu.memory_space<vmem>>) semaphore(%arg23 : memref<!tpu.dma_semaphore, #tpu.memory_space<semaphore_mem>>)
        } else {
        }
        %eq3A_733 = arith.constant 1 : i32
        %eq3A_734 = arith.cmpi eq, %arg0, %eq3A_733 : i32
        %convert_element_type3A_735 = arith.extui %eq3A_734 : i1 to i32
        %cond3A_736 = arith.constant 0 : i32
        %cond3A_737 = arith.cmpi ne, %convert_element_type3A_735, %cond3A_736 : i32
        scf.if %cond3A_737 {
          %dma_start3A_738 = arith.constant 0 : i32
          %dma_start3A_739 = tpu.memref_slice %arg13[%add3A_727, %dma_start3A_738] : memref<25x80xi32, #tpu.memory_space<vmem>> -> memref<1x80xi32, #tpu.memory_space<vmem>>
          %dma_start3A_740 = tpu.memref_squeeze %dma_start3A_739 : memref<1x80xi32, #tpu.memory_space<vmem>> -> memref<80xi32, #tpu.memory_space<vmem>>
          %dma_start3A_741 = arith.constant 0 : i32
          %dma_start3A_742 = arith.constant 0 : i32
          %dma_start3A_743 = tpu.memref_slice %arg3[%dma_start3A_741, %dma_start3A_742] : memref<10000x128xf32, #tpu.memory_space<hbm>> -> memref<10000x128xf32, #tpu.memory_space<hbm>>
          tpu.enqueue_indirect_dma source(%dma_start3A_743 : memref<10000x128xf32, #tpu.memory_space<hbm>>) target(%arg17 : memref<80x128xf32, #tpu.memory_space<vmem>>) offsets(%dma_start3A_740 : memref<80xi32, #tpu.memory_space<vmem>>) semaphore(%arg23 : memref<!tpu.dma_semaphore, #tpu.memory_space<semaphore_mem>>)
        } else {
        }
      } else {
      }
      %add3A_681 = arith.constant 1 : i32
      %add3A_682 = arith.addi %mul3A_647, %add3A_681 : i32
      %eq3A_683 = arith.constant 0 : i32
      %eq3A_684 = arith.cmpi eq, %arg0, %eq3A_683 : i32
      %convert_element_type3A_685 = arith.extui %eq3A_684 : i1 to i32
      %cond3A_686 = arith.constant 0 : i32
      %cond3A_687 = arith.cmpi ne, %convert_element_type3A_685, %cond3A_686 : i32
      scf.if %cond3A_687 {
        %dma_wait3A_726 = arith.constant 0 : i32
        %dma_wait3A_727 = tpu.memref_slice %arg13[%add3A_682, %dma_wait3A_726] : memref<25x80xi32, #tpu.memory_space<vmem>> -> memref<1x80xi32, #tpu.memory_space<vmem>>
        %dma_wait3A_728 = tpu.memref_squeeze %dma_wait3A_727 : memref<1x80xi32, #tpu.memory_space<vmem>> -> memref<80xi32, #tpu.memory_space<vmem>>
        %dma_wait3A_729 = arith.constant 0 : i32
        %dma_wait3A_730 = arith.constant 0 : i32
        %dma_wait3A_731 = tpu.memref_slice %arg2[%dma_wait3A_729, %dma_wait3A_730] : memref<10000x128xf32, #tpu.memory_space<hbm>> -> memref<10000x128xf32, #tpu.memory_space<hbm>>
        tpu.wait_indirect_dma semaphore(%arg24 : memref<!tpu.dma_semaphore, #tpu.memory_space<semaphore_mem>>) src(%dma_wait3A_731 : memref<10000x128xf32, #tpu.memory_space<hbm>>) dst(%arg18 : memref<80x128xf32, #tpu.memory_space<vmem>>)
      } else {
      }
      %eq3A_688 = arith.constant 1 : i32
      %eq3A_689 = arith.cmpi eq, %arg0, %eq3A_688 : i32
      %convert_element_type3A_690 = arith.extui %eq3A_689 : i1 to i32
      %cond3A_691 = arith.constant 0 : i32
      %cond3A_692 = arith.cmpi ne, %convert_element_type3A_690, %cond3A_691 : i32
      scf.if %cond3A_692 {
        %dma_wait3A_726 = arith.constant 0 : i32
        %dma_wait3A_727 = tpu.memref_slice %arg13[%add3A_682, %dma_wait3A_726] : memref<25x80xi32, #tpu.memory_space<vmem>> -> memref<1x80xi32, #tpu.memory_space<vmem>>
        %dma_wait3A_728 = tpu.memref_squeeze %dma_wait3A_727 : memref<1x80xi32, #tpu.memory_space<vmem>> -> memref<80xi32, #tpu.memory_space<vmem>>
        %dma_wait3A_729 = arith.constant 0 : i32
        %dma_wait3A_730 = arith.constant 0 : i32
        %dma_wait3A_731 = tpu.memref_slice %arg3[%dma_wait3A_729, %dma_wait3A_730] : memref<10000x128xf32, #tpu.memory_space<hbm>> -> memref<10000x128xf32, #tpu.memory_space<hbm>>
        tpu.wait_indirect_dma semaphore(%arg24 : memref<!tpu.dma_semaphore, #tpu.memory_space<semaphore_mem>>) src(%dma_wait3A_731 : memref<10000x128xf32, #tpu.memory_space<hbm>>) dst(%arg18 : memref<80x128xf32, #tpu.memory_space<vmem>>)
      } else {
      }
      %add3A_693 = arith.constant 1 : i32
      %add3A_694 = arith.addi %mul3A_647, %add3A_693 : i32
      "tpu.region"() ({
        %run_scoped3A_726 = tpu.sem_alloc : memref<!tpu.dma_semaphore, #tpu.memory_space<semaphore_mem>>
        %dma_start3A_727 = arith.constant 0 : i32
        %dma_start3A_728 = tpu.memref_slice %arg14[%add3A_694, %dma_start3A_727] : memref<25x80xi32, #tpu.memory_space<vmem>> -> memref<1x80xi32, #tpu.memory_space<vmem>>
        %dma_start3A_729 = tpu.memref_squeeze %dma_start3A_728 : memref<1x80xi32, #tpu.memory_space<vmem>> -> memref<80xi32, #tpu.memory_space<vmem>>
        %dma_start3A_730 = arith.constant 0 : i32
        %dma_start3A_731 = arith.constant 0 : i32
        %dma_start3A_732 = tpu.memref_slice %arg21[%dma_start3A_730, %dma_start3A_731] : memref<10000x128xf32, #tpu.memory_space<vmem_shared>> -> memref<10000x128xf32, #tpu.memory_space<vmem_shared>>
        tpu.enqueue_indirect_dma source(%arg18 : memref<80x128xf32, #tpu.memory_space<vmem>>) target(%dma_start3A_732 : memref<10000x128xf32, #tpu.memory_space<vmem_shared>>) offsets(%dma_start3A_729 : memref<80xi32, #tpu.memory_space<vmem>>) semaphore(%run_scoped3A_726 : memref<!tpu.dma_semaphore, #tpu.memory_space<semaphore_mem>>) {add = true}
        %dma_wait3A_733 = arith.constant 0 : i32
        %dma_wait3A_734 = tpu.memref_slice %arg14[%add3A_694, %dma_wait3A_733] : memref<25x80xi32, #tpu.memory_space<vmem>> -> memref<1x80xi32, #tpu.memory_space<vmem>>
        %dma_wait3A_735 = tpu.memref_squeeze %dma_wait3A_734 : memref<1x80xi32, #tpu.memory_space<vmem>> -> memref<80xi32, #tpu.memory_space<vmem>>
        %dma_wait3A_736 = arith.constant 0 : i32
        %dma_wait3A_737 = arith.constant 0 : i32
        %dma_wait3A_738 = tpu.memref_slice %arg21[%dma_wait3A_736, %dma_wait3A_737] : memref<10000x128xf32, #tpu.memory_space<vmem_shared>> -> memref<10000x128xf32, #tpu.memory_space<vmem_shared>>
        tpu.wait_indirect_dma semaphore(%run_scoped3A_726 : memref<!tpu.dma_semaphore, #tpu.memory_space<semaphore_mem>>) src(%arg18 : memref<80x128xf32, #tpu.memory_space<vmem>>) dst(%dma_wait3A_738 : memref<10000x128xf32, #tpu.memory_space<vmem_shared>>)
        tpu.yield
      }) : () -> ()
      %eq3A_695 = arith.constant 0 : i32
      %eq3A_696 = arith.cmpi eq, %arg0, %eq3A_695 : i32
      %convert_element_type3A_697 = arith.extui %eq3A_696 : i1 to i32
      %cond3A_698 = arith.constant 0 : i32
      %cond3A_699 = arith.cmpi ne, %convert_element_type3A_697, %cond3A_698 : i32
      scf.if %cond3A_699 {
        %dma_start3A_726 = arith.constant 0 : i32
        %dma_start3A_727 = tpu.memref_slice %arg14[%add3A_694, %dma_start3A_726] : memref<25x80xi32, #tpu.memory_space<vmem>> -> memref<1x80xi32, #tpu.memory_space<vmem>>
        %dma_start3A_728 = tpu.memref_squeeze %dma_start3A_727 : memref<1x80xi32, #tpu.memory_space<vmem>> -> memref<80xi32, #tpu.memory_space<vmem>>
        %dma_start3A_729 = arith.constant 0 : i32
        %dma_start3A_730 = tpu.memref_slice %arg22[%dma_start3A_729] : memref<10000xf32, #tpu.memory_space<vmem_shared>> -> memref<10000xf32, #tpu.memory_space<vmem_shared>>
        tpu.enqueue_indirect_dma source(%arg20 : memref<80xf32, #tpu.memory_space<vmem>>) target(%dma_start3A_730 : memref<10000xf32, #tpu.memory_space<vmem_shared>>) offsets(%dma_start3A_728 : memref<80xi32, #tpu.memory_space<vmem>>) semaphore(%arg26 : memref<!tpu.dma_semaphore, #tpu.memory_space<semaphore_mem>>) {add = true}
      } else {
      }
      %add3A_700 = arith.constant 4 : i32
      %add3A_701 = arith.addi %mul3A_647, %add3A_700 : i32
      %lt3A_702 = arith.constant 25 : i32
      %lt3A_703 = arith.cmpi slt, %add3A_701, %lt3A_702 : i32
      %convert_element_type3A_704 = arith.extui %lt3A_703 : i1 to i32
      %cond3A_705 = arith.constant 0 : i32
      %cond3A_706 = arith.cmpi ne, %convert_element_type3A_704, %cond3A_705 : i32
      scf.if %cond3A_706 {
        %add3A_726 = arith.constant 4 : i32
        %add3A_727 = arith.addi %mul3A_647, %add3A_726 : i32
        %eq3A_728 = arith.constant 0 : i32
        %eq3A_729 = arith.cmpi eq, %arg0, %eq3A_728 : i32
        %convert_element_type3A_730 = arith.extui %eq3A_729 : i1 to i32
        %cond3A_731 = arith.constant 0 : i32
        %cond3A_732 = arith.cmpi ne, %convert_element_type3A_730, %cond3A_731 : i32
        scf.if %cond3A_732 {
          %dma_start3A_738 = arith.constant 0 : i32
          %dma_start3A_739 = tpu.memref_slice %arg13[%add3A_727, %dma_start3A_738] : memref<25x80xi32, #tpu.memory_space<vmem>> -> memref<1x80xi32, #tpu.memory_space<vmem>>
          %dma_start3A_740 = tpu.memref_squeeze %dma_start3A_739 : memref<1x80xi32, #tpu.memory_space<vmem>> -> memref<80xi32, #tpu.memory_space<vmem>>
          %dma_start3A_741 = arith.constant 0 : i32
          %dma_start3A_742 = arith.constant 0 : i32
          %dma_start3A_743 = tpu.memref_slice %arg2[%dma_start3A_741, %dma_start3A_742] : memref<10000x128xf32, #tpu.memory_space<hbm>> -> memref<10000x128xf32, #tpu.memory_space<hbm>>
          tpu.enqueue_indirect_dma source(%dma_start3A_743 : memref<10000x128xf32, #tpu.memory_space<hbm>>) target(%arg18 : memref<80x128xf32, #tpu.memory_space<vmem>>) offsets(%dma_start3A_740 : memref<80xi32, #tpu.memory_space<vmem>>) semaphore(%arg24 : memref<!tpu.dma_semaphore, #tpu.memory_space<semaphore_mem>>)
        } else {
        }
        %eq3A_733 = arith.constant 1 : i32
        %eq3A_734 = arith.cmpi eq, %arg0, %eq3A_733 : i32
        %convert_element_type3A_735 = arith.extui %eq3A_734 : i1 to i32
        %cond3A_736 = arith.constant 0 : i32
        %cond3A_737 = arith.cmpi ne, %convert_element_type3A_735, %cond3A_736 : i32
        scf.if %cond3A_737 {
          %dma_start3A_738 = arith.constant 0 : i32
          %dma_start3A_739 = tpu.memref_slice %arg13[%add3A_727, %dma_start3A_738] : memref<25x80xi32, #tpu.memory_space<vmem>> -> memref<1x80xi32, #tpu.memory_space<vmem>>
          %dma_start3A_740 = tpu.memref_squeeze %dma_start3A_739 : memref<1x80xi32, #tpu.memory_space<vmem>> -> memref<80xi32, #tpu.memory_space<vmem>>
          %dma_start3A_741 = arith.constant 0 : i32
          %dma_start3A_742 = arith.constant 0 : i32
          %dma_start3A_743 = tpu.memref_slice %arg3[%dma_start3A_741, %dma_start3A_742] : memref<10000x128xf32, #tpu.memory_space<hbm>> -> memref<10000x128xf32, #tpu.memory_space<hbm>>
          tpu.enqueue_indirect_dma source(%dma_start3A_743 : memref<10000x128xf32, #tpu.memory_space<hbm>>) target(%arg18 : memref<80x128xf32, #tpu.memory_space<vmem>>) offsets(%dma_start3A_740 : memref<80xi32, #tpu.memory_space<vmem>>) semaphore(%arg24 : memref<!tpu.dma_semaphore, #tpu.memory_space<semaphore_mem>>)
        } else {
        }
      } else {
      }
      %add3A_707 = arith.constant 2 : i32
      %add3A_708 = arith.addi %mul3A_647, %add3A_707 : i32
      %eq3A_709 = arith.constant 0 : i32
      %eq3A_710 = arith.cmpi eq, %arg0, %eq3A_709 : i32
      %convert_element_type3A_711 = arith.extui %eq3A_710 : i1 to i32
      %cond3A_712 = arith.constant 0 : i32
      %cond3A_713 = arith.cmpi ne, %convert_element_type3A_711, %cond3A_712 : i32
      scf.if %cond3A_713 {
        %dma_wait3A_726 = arith.constant 0 : i32
        %dma_wait3A_727 = tpu.memref_slice %arg13[%add3A_708, %dma_wait3A_726] : memref<25x80xi32, #tpu.memory_space<vmem>> -> memref<1x80xi32, #tpu.memory_space<vmem>>
        %dma_wait3A_728 = tpu.memref_squeeze %dma_wait3A_727 : memref<1x80xi32, #tpu.memory_space<vmem>> -> memref<80xi32, #tpu.memory_space<vmem>>
        %dma_wait3A_729 = arith.constant 0 : i32
        %dma_wait3A_730 = arith.constant 0 : i32
        %dma_wait3A_731 = tpu.memref_slice %arg2[%dma_wait3A_729, %dma_wait3A_730] : memref<10000x128xf32, #tpu.memory_space<hbm>> -> memref<10000x128xf32, #tpu.memory_space<hbm>>
        tpu.wait_indirect_dma semaphore(%arg25 : memref<!tpu.dma_semaphore, #tpu.memory_space<semaphore_mem>>) src(%dma_wait3A_731 : memref<10000x128xf32, #tpu.memory_space<hbm>>) dst(%arg19 : memref<80x128xf32, #tpu.memory_space<vmem>>)
      } else {
      }
      %eq3A_714 = arith.constant 1 : i32
      %eq3A_715 = arith.cmpi eq, %arg0, %eq3A_714 : i32
      %convert_element_type3A_716 = arith.extui %eq3A_715 : i1 to i32
      %cond3A_717 = arith.constant 0 : i32
      %cond3A_718 = arith.cmpi ne, %convert_element_type3A_716, %cond3A_717 : i32
      scf.if %cond3A_718 {
        %dma_wait3A_726 = arith.constant 0 : i32
        %dma_wait3A_727 = tpu.memref_slice %arg13[%add3A_708, %dma_wait3A_726] : memref<25x80xi32, #tpu.memory_space<vmem>> -> memref<1x80xi32, #tpu.memory_space<vmem>>
        %dma_wait3A_728 = tpu.memref_squeeze %dma_wait3A_727 : memref<1x80xi32, #tpu.memory_space<vmem>> -> memref<80xi32, #tpu.memory_space<vmem>>
        %dma_wait3A_729 = arith.constant 0 : i32
        %dma_wait3A_730 = arith.constant 0 : i32
        %dma_wait3A_731 = tpu.memref_slice %arg3[%dma_wait3A_729, %dma_wait3A_730] : memref<10000x128xf32, #tpu.memory_space<hbm>> -> memref<10000x128xf32, #tpu.memory_space<hbm>>
        tpu.wait_indirect_dma semaphore(%arg25 : memref<!tpu.dma_semaphore, #tpu.memory_space<semaphore_mem>>) src(%dma_wait3A_731 : memref<10000x128xf32, #tpu.memory_space<hbm>>) dst(%arg19 : memref<80x128xf32, #tpu.memory_space<vmem>>)
      } else {
      }
      %add3A_719 = arith.constant 2 : i32
      %add3A_720 = arith.addi %mul3A_647, %add3A_719 : i32
      "tpu.region"() ({
        %run_scoped3A_726 = tpu.sem_alloc : memref<!tpu.dma_semaphore, #tpu.memory_space<semaphore_mem>>
        %dma_start3A_727 = arith.constant 0 : i32
        %dma_start3A_728 = tpu.memref_slice %arg14[%add3A_720, %dma_start3A_727] : memref<25x80xi32, #tpu.memory_space<vmem>> -> memref<1x80xi32, #tpu.memory_space<vmem>>
        %dma_start3A_729 = tpu.memref_squeeze %dma_start3A_728 : memref<1x80xi32, #tpu.memory_space<vmem>> -> memref<80xi32, #tpu.memory_space<vmem>>
        %dma_start3A_730 = arith.constant 0 : i32
        %dma_start3A_731 = arith.constant 0 : i32
        %dma_start3A_732 = tpu.memref_slice %arg21[%dma_start3A_730, %dma_start3A_731] : memref<10000x128xf32, #tpu.memory_space<vmem_shared>> -> memref<10000x128xf32, #tpu.memory_space<vmem_shared>>
        tpu.enqueue_indirect_dma source(%arg19 : memref<80x128xf32, #tpu.memory_space<vmem>>) target(%dma_start3A_732 : memref<10000x128xf32, #tpu.memory_space<vmem_shared>>) offsets(%dma_start3A_729 : memref<80xi32, #tpu.memory_space<vmem>>) semaphore(%run_scoped3A_726 : memref<!tpu.dma_semaphore, #tpu.memory_space<semaphore_mem>>) {add = true}
        %dma_wait3A_733 = arith.constant 0 : i32
        %dma_wait3A_734 = tpu.memref_slice %arg14[%add3A_720, %dma_wait3A_733] : memref<25x80xi32, #tpu.memory_space<vmem>> -> memref<1x80xi32, #tpu.memory_space<vmem>>
        %dma_wait3A_735 = tpu.memref_squeeze %dma_wait3A_734 : memref<1x80xi32, #tpu.memory_space<vmem>> -> memref<80xi32, #tpu.memory_space<vmem>>
        %dma_wait3A_736 = arith.constant 0 : i32
        %dma_wait3A_737 = arith.constant 0 : i32
        %dma_wait3A_738 = tpu.memref_slice %arg21[%dma_wait3A_736, %dma_wait3A_737] : memref<10000x128xf32, #tpu.memory_space<vmem_shared>> -> memref<10000x128xf32, #tpu.memory_space<vmem_shared>>
        tpu.wait_indirect_dma semaphore(%run_scoped3A_726 : memref<!tpu.dma_semaphore, #tpu.memory_space<semaphore_mem>>) src(%arg19 : memref<80x128xf32, #tpu.memory_space<vmem>>) dst(%dma_wait3A_738 : memref<10000x128xf32, #tpu.memory_space<vmem_shared>>)
        tpu.yield
      }) : () -> ()
      %eq3A_721 = arith.constant 0 : i32
      %eq3A_722 = arith.cmpi eq, %arg0, %eq3A_721 : i32
      %convert_element_type3A_723 = arith.extui %eq3A_722 : i1 to i32
      %cond3A_724 = arith.constant 0 : i32
      %cond3A_725 = arith.cmpi ne, %convert_element_type3A_723, %cond3A_724 : i32
      scf.if %cond3A_725 {
        %dma_start3A_726 = arith.constant 0 : i32
        %dma_start3A_727 = tpu.memref_slice %arg14[%add3A_720, %dma_start3A_726] : memref<25x80xi32, #tpu.memory_space<vmem>> -> memref<1x80xi32, #tpu.memory_space<vmem>>
        %dma_start3A_728 = tpu.memref_squeeze %dma_start3A_727 : memref<1x80xi32, #tpu.memory_space<vmem>> -> memref<80xi32, #tpu.memory_space<vmem>>
        %dma_start3A_729 = arith.constant 0 : i32
        %dma_start3A_730 = tpu.memref_slice %arg22[%dma_start3A_729] : memref<10000xf32, #tpu.memory_space<vmem_shared>> -> memref<10000xf32, #tpu.memory_space<vmem_shared>>
        tpu.enqueue_indirect_dma source(%arg20 : memref<80xf32, #tpu.memory_space<vmem>>) target(%dma_start3A_730 : memref<10000xf32, #tpu.memory_space<vmem_shared>>) offsets(%dma_start3A_728 : memref<80xi32, #tpu.memory_space<vmem>>) semaphore(%arg26 : memref<!tpu.dma_semaphore, #tpu.memory_space<semaphore_mem>>) {add = true}
      } else {
      }
    }
    %scan3A_590 = arith.constant 8 : i32
    %eq3A_591 = arith.constant 0 : i32
    %eq3A_592 = arith.cmpi eq, %arg0, %eq3A_591 : i32
    %convert_element_type3A_593 = arith.extui %eq3A_592 : i1 to i32
    %cond3A_594 = arith.constant 0 : i32
    %cond3A_595 = arith.cmpi ne, %convert_element_type3A_593, %cond3A_594 : i32
    scf.if %cond3A_595 {
      %dma_wait3A_645 = arith.constant 24 : i32
      %dma_wait3A_646 = arith.constant 0 : i32
      %dma_wait3A_647 = tpu.memref_slice %arg13[%dma_wait3A_645, %dma_wait3A_646] : memref<25x80xi32, #tpu.memory_space<vmem>> -> memref<1x80xi32, #tpu.memory_space<vmem>>
      %dma_wait3A_648 = tpu.memref_squeeze %dma_wait3A_647 : memref<1x80xi32, #tpu.memory_space<vmem>> -> memref<80xi32, #tpu.memory_space<vmem>>
      %dma_wait3A_649 = arith.constant 0 : i32
      %dma_wait3A_650 = arith.constant 0 : i32
      %dma_wait3A_651 = tpu.memref_slice %arg2[%dma_wait3A_649, %dma_wait3A_650] : memref<10000x128xf32, #tpu.memory_space<hbm>> -> memref<10000x128xf32, #tpu.memory_space<hbm>>
      tpu.wait_indirect_dma semaphore(%arg23 : memref<!tpu.dma_semaphore, #tpu.memory_space<semaphore_mem>>) src(%dma_wait3A_651 : memref<10000x128xf32, #tpu.memory_space<hbm>>) dst(%arg17 : memref<80x128xf32, #tpu.memory_space<vmem>>)
    } else {
    }
    %eq3A_596 = arith.constant 1 : i32
    %eq3A_597 = arith.cmpi eq, %arg0, %eq3A_596 : i32
    %convert_element_type3A_598 = arith.extui %eq3A_597 : i1 to i32
    %cond3A_599 = arith.constant 0 : i32
    %cond3A_600 = arith.cmpi ne, %convert_element_type3A_598, %cond3A_599 : i32
    scf.if %cond3A_600 {
      %dma_wait3A_645 = arith.constant 24 : i32
      %dma_wait3A_646 = arith.constant 0 : i32
      %dma_wait3A_647 = tpu.memref_slice %arg13[%dma_wait3A_645, %dma_wait3A_646] : memref<25x80xi32, #tpu.memory_space<vmem>> -> memref<1x80xi32, #tpu.memory_space<vmem>>
      %dma_wait3A_648 = tpu.memref_squeeze %dma_wait3A_647 : memref<1x80xi32, #tpu.memory_space<vmem>> -> memref<80xi32, #tpu.memory_space<vmem>>
      %dma_wait3A_649 = arith.constant 0 : i32
      %dma_wait3A_650 = arith.constant 0 : i32
      %dma_wait3A_651 = tpu.memref_slice %arg3[%dma_wait3A_649, %dma_wait3A_650] : memref<10000x128xf32, #tpu.memory_space<hbm>> -> memref<10000x128xf32, #tpu.memory_space<hbm>>
      tpu.wait_indirect_dma semaphore(%arg23 : memref<!tpu.dma_semaphore, #tpu.memory_space<semaphore_mem>>) src(%dma_wait3A_651 : memref<10000x128xf32, #tpu.memory_space<hbm>>) dst(%arg17 : memref<80x128xf32, #tpu.memory_space<vmem>>)
    } else {
    }
    %run_scoped3A_601 = arith.constant 24 : i32
    "tpu.region"() ({
      %run_scoped3A_645 = tpu.sem_alloc : memref<!tpu.dma_semaphore, #tpu.memory_space<semaphore_mem>>
      %dma_start3A_646 = arith.constant 0 : i32
      %dma_start3A_647 = tpu.memref_slice %arg14[%run_scoped3A_601, %dma_start3A_646] : memref<25x80xi32, #tpu.memory_space<vmem>> -> memref<1x80xi32, #tpu.memory_space<vmem>>
      %dma_start3A_648 = tpu.memref_squeeze %dma_start3A_647 : memref<1x80xi32, #tpu.memory_space<vmem>> -> memref<80xi32, #tpu.memory_space<vmem>>
      %dma_start3A_649 = arith.constant 0 : i32
      %dma_start3A_650 = arith.constant 0 : i32
      %dma_start3A_651 = tpu.memref_slice %arg21[%dma_start3A_649, %dma_start3A_650] : memref<10000x128xf32, #tpu.memory_space<vmem_shared>> -> memref<10000x128xf32, #tpu.memory_space<vmem_shared>>
      tpu.enqueue_indirect_dma source(%arg17 : memref<80x128xf32, #tpu.memory_space<vmem>>) target(%dma_start3A_651 : memref<10000x128xf32, #tpu.memory_space<vmem_shared>>) offsets(%dma_start3A_648 : memref<80xi32, #tpu.memory_space<vmem>>) semaphore(%run_scoped3A_645 : memref<!tpu.dma_semaphore, #tpu.memory_space<semaphore_mem>>) {add = true}
      %dma_wait3A_652 = arith.constant 0 : i32
      %dma_wait3A_653 = tpu.memref_slice %arg14[%run_scoped3A_601, %dma_wait3A_652] : memref<25x80xi32, #tpu.memory_space<vmem>> -> memref<1x80xi32, #tpu.memory_space<vmem>>
      %dma_wait3A_654 = tpu.memref_squeeze %dma_wait3A_653 : memref<1x80xi32, #tpu.memory_space<vmem>> -> memref<80xi32, #tpu.memory_space<vmem>>
      %dma_wait3A_655 = arith.constant 0 : i32
      %dma_wait3A_656 = arith.constant 0 : i32
      %dma_wait3A_657 = tpu.memref_slice %arg21[%dma_wait3A_655, %dma_wait3A_656] : memref<10000x128xf32, #tpu.memory_space<vmem_shared>> -> memref<10000x128xf32, #tpu.memory_space<vmem_shared>>
      tpu.wait_indirect_dma semaphore(%run_scoped3A_645 : memref<!tpu.dma_semaphore, #tpu.memory_space<semaphore_mem>>) src(%arg17 : memref<80x128xf32, #tpu.memory_space<vmem>>) dst(%dma_wait3A_657 : memref<10000x128xf32, #tpu.memory_space<vmem_shared>>)
      tpu.yield
    }) : () -> ()
    %eq3A_602 = arith.constant 0 : i32
    %eq3A_603 = arith.cmpi eq, %arg0, %eq3A_602 : i32
    %convert_element_type3A_604 = arith.extui %eq3A_603 : i1 to i32
    %cond3A_605 = arith.constant 0 : i32
    %cond3A_606 = arith.cmpi ne, %convert_element_type3A_604, %cond3A_605 : i32
    scf.if %cond3A_606 {
      %dma_start3A_645 = arith.constant 24 : i32
      %dma_start3A_646 = arith.constant 0 : i32
      %dma_start3A_647 = tpu.memref_slice %arg14[%dma_start3A_645, %dma_start3A_646] : memref<25x80xi32, #tpu.memory_space<vmem>> -> memref<1x80xi32, #tpu.memory_space<vmem>>
      %dma_start3A_648 = tpu.memref_squeeze %dma_start3A_647 : memref<1x80xi32, #tpu.memory_space<vmem>> -> memref<80xi32, #tpu.memory_space<vmem>>
      %dma_start3A_649 = arith.constant 0 : i32
      %dma_start3A_650 = tpu.memref_slice %arg22[%dma_start3A_649] : memref<10000xf32, #tpu.memory_space<vmem_shared>> -> memref<10000xf32, #tpu.memory_space<vmem_shared>>
      tpu.enqueue_indirect_dma source(%arg20 : memref<80xf32, #tpu.memory_space<vmem>>) target(%dma_start3A_650 : memref<10000xf32, #tpu.memory_space<vmem_shared>>) offsets(%dma_start3A_648 : memref<80xi32, #tpu.memory_space<vmem>>) semaphore(%arg26 : memref<!tpu.dma_semaphore, #tpu.memory_space<semaphore_mem>>) {add = true}
    } else {
    }
    %eq3A_607 = arith.constant 0 : i32
    %eq3A_608 = arith.cmpi eq, %arg0, %eq3A_607 : i32
    %convert_element_type3A_609 = arith.extui %eq3A_608 : i1 to i32
    %cond3A_610 = arith.constant 0 : i32
    %cond3A_611 = arith.cmpi ne, %convert_element_type3A_609, %cond3A_610 : i32
    scf.if %cond3A_611 {
      %scan3A_645 = arith.constant 0 : i32
      %scan3A_646 = arith.constant 25 : i32
      %scan3A_647 = arith.addi %scan3A_645, %scan3A_646 : i32
      %scan3A_648 = arith.constant 1 : i32
      scf.for %scan3A_650 = %scan3A_645 to %scan3A_647 step %scan3A_648  : i32 {
        %dma_wait3A_651 = arith.constant 0 : i32
        %dma_wait3A_652 = arith.constant 0 : i32
        %dma_wait3A_653 = tpu.memref_slice %arg14[%dma_wait3A_651, %dma_wait3A_652] : memref<25x80xi32, #tpu.memory_space<vmem>> -> memref<1x80xi32, #tpu.memory_space<vmem>>
        %dma_wait3A_654 = tpu.memref_squeeze %dma_wait3A_653 : memref<1x80xi32, #tpu.memory_space<vmem>> -> memref<80xi32, #tpu.memory_space<vmem>>
        %dma_wait3A_655 = arith.constant 0 : i32
        %dma_wait3A_656 = tpu.memref_slice %arg22[%dma_wait3A_655] : memref<10000xf32, #tpu.memory_space<vmem_shared>> -> memref<10000xf32, #tpu.memory_space<vmem_shared>>
        tpu.wait_indirect_dma semaphore(%arg26 : memref<!tpu.dma_semaphore, #tpu.memory_space<semaphore_mem>>) src(%arg20 : memref<80xf32, #tpu.memory_space<vmem>>) dst(%dma_wait3A_656 : memref<10000xf32, #tpu.memory_space<vmem_shared>>)
      }
      %scan3A_649 = arith.constant 25 : i32
    } else {
    }
    %barrier3A_612 = arith.constant 0 : index
    tpu.barrier barrier_id(%barrier3A_612)
    %mul3A = arith.constant 1000 : i32
    %mul3A_613 = arith.muli %arg1, %mul3A : i32
    %eq3A_614 = arith.constant 0 : i32
    %eq3A_615 = arith.cmpi eq, %arg0, %eq3A_614 : i32
    %lt3A_616 = arith.constant 10 : i32
    %lt3A_617 = arith.cmpi slt, %arg1, %lt3A_616 : i32
    %and3A = arith.andi %eq3A_615, %lt3A_617 : i1
    %convert_element_type3A_618 = arith.extui %and3A : i1 to i32
    %cond3A_619 = arith.constant 0 : i32
    %cond3A_620 = arith.cmpi ne, %convert_element_type3A_618, %cond3A_619 : i32
    scf.if %cond3A_620 {
      "tpu.region"() ({
        %run_scoped3A_645 = tpu.sem_alloc : memref<!tpu.dma_semaphore, #tpu.memory_space<semaphore_mem>>
        %dma_start3A_646 = arith.constant 0 : i32
        %dma_start3A_647 = tpu.memref_slice %arg9[%mul3A_613, %dma_start3A_646] : memref<10000x128xf32, #tpu.memory_space<hbm>> -> memref<1000x128xf32, #tpu.memory_space<hbm>>
        %dma_start3A_648 = arith.constant 0 : i32
        %dma_start3A_649 = tpu.memref_slice %arg21[%mul3A_613, %dma_start3A_648] : memref<10000x128xf32, #tpu.memory_space<vmem_shared>> -> memref<1000x128xf32, #tpu.memory_space<vmem_shared>>
        tpu.enqueue_dma source(%dma_start3A_649 : memref<1000x128xf32, #tpu.memory_space<vmem_shared>>) target(%dma_start3A_647 : memref<1000x128xf32, #tpu.memory_space<hbm>>) target_semaphore(%run_scoped3A_645 : memref<!tpu.dma_semaphore, #tpu.memory_space<semaphore_mem>>)
        %dma_wait3A_650 = arith.constant 0 : i32
        %dma_wait3A_651 = tpu.memref_slice %arg9[%mul3A_613, %dma_wait3A_650] : memref<10000x128xf32, #tpu.memory_space<hbm>> -> memref<1000x128xf32, #tpu.memory_space<hbm>>
        %dma_wait3A_652 = arith.constant 0 : i32
        %dma_wait3A_653 = tpu.memref_slice %arg21[%mul3A_613, %dma_wait3A_652] : memref<10000x128xf32, #tpu.memory_space<vmem_shared>> -> memref<1000x128xf32, #tpu.memory_space<vmem_shared>>
        tpu.wait_dma2 semaphore(%run_scoped3A_645 : memref<!tpu.dma_semaphore, #tpu.memory_space<semaphore_mem>>) src(%dma_wait3A_653 : memref<1000x128xf32, #tpu.memory_space<vmem_shared>>) dst(%dma_wait3A_651 : memref<1000x128xf32, #tpu.memory_space<hbm>>)
        tpu.yield
      }) : () -> ()
    } else {
    }
    %eq3A_621 = arith.constant 1 : i32
    %eq3A_622 = arith.cmpi eq, %arg0, %eq3A_621 : i32
    %lt3A_623 = arith.constant 10 : i32
    %lt3A_624 = arith.cmpi slt, %arg1, %lt3A_623 : i32
    %and3A_625 = arith.andi %eq3A_622, %lt3A_624 : i1
    %convert_element_type3A_626 = arith.extui %and3A_625 : i1 to i32
    %cond3A_627 = arith.constant 0 : i32
    %cond3A_628 = arith.cmpi ne, %convert_element_type3A_626, %cond3A_627 : i32
    scf.if %cond3A_628 {
      "tpu.region"() ({
        %run_scoped3A_645 = tpu.sem_alloc : memref<!tpu.dma_semaphore, #tpu.memory_space<semaphore_mem>>
        %dma_start3A_646 = arith.constant 0 : i32
        %dma_start3A_647 = tpu.memref_slice %arg10[%mul3A_613, %dma_start3A_646] : memref<10000x128xf32, #tpu.memory_space<hbm>> -> memref<1000x128xf32, #tpu.memory_space<hbm>>
        %dma_start3A_648 = arith.constant 0 : i32
        %dma_start3A_649 = tpu.memref_slice %arg21[%mul3A_613, %dma_start3A_648] : memref<10000x128xf32, #tpu.memory_space<vmem_shared>> -> memref<1000x128xf32, #tpu.memory_space<vmem_shared>>
        tpu.enqueue_dma source(%dma_start3A_649 : memref<1000x128xf32, #tpu.memory_space<vmem_shared>>) target(%dma_start3A_647 : memref<1000x128xf32, #tpu.memory_space<hbm>>) target_semaphore(%run_scoped3A_645 : memref<!tpu.dma_semaphore, #tpu.memory_space<semaphore_mem>>)
        %dma_wait3A_650 = arith.constant 0 : i32
        %dma_wait3A_651 = tpu.memref_slice %arg10[%mul3A_613, %dma_wait3A_650] : memref<10000x128xf32, #tpu.memory_space<hbm>> -> memref<1000x128xf32, #tpu.memory_space<hbm>>
        %dma_wait3A_652 = arith.constant 0 : i32
        %dma_wait3A_653 = tpu.memref_slice %arg21[%mul3A_613, %dma_wait3A_652] : memref<10000x128xf32, #tpu.memory_space<vmem_shared>> -> memref<1000x128xf32, #tpu.memory_space<vmem_shared>>
        tpu.wait_dma2 semaphore(%run_scoped3A_645 : memref<!tpu.dma_semaphore, #tpu.memory_space<semaphore_mem>>) src(%dma_wait3A_653 : memref<1000x128xf32, #tpu.memory_space<vmem_shared>>) dst(%dma_wait3A_651 : memref<1000x128xf32, #tpu.memory_space<hbm>>)
        tpu.yield
      }) : () -> ()
    } else {
    }
    %eq3A_629 = arith.constant 0 : i32
    %eq3A_630 = arith.cmpi eq, %arg0, %eq3A_629 : i32
    %eq3A_631 = arith.constant 15 : i32
    %eq3A_632 = arith.cmpi eq, %arg1, %eq3A_631 : i32
    %and3A_633 = arith.andi %eq3A_630, %eq3A_632 : i1
    %convert_element_type3A_634 = arith.extui %and3A_633 : i1 to i32
    %cond3A_635 = arith.constant 0 : i32
    %cond3A_636 = arith.cmpi ne, %convert_element_type3A_634, %cond3A_635 : i32
    scf.if %cond3A_636 {
      "tpu.region"() ({
        %run_scoped3A_645 = tpu.sem_alloc : memref<!tpu.dma_semaphore, #tpu.memory_space<semaphore_mem>>
        tpu.enqueue_dma source(%arg22 : memref<10000xf32, #tpu.memory_space<vmem_shared>>) target(%arg11 : memref<10000xf32, #tpu.memory_space<hbm>>) target_semaphore(%run_scoped3A_645 : memref<!tpu.dma_semaphore, #tpu.memory_space<semaphore_mem>>)
        tpu.wait_dma2 semaphore(%run_scoped3A_645 : memref<!tpu.dma_semaphore, #tpu.memory_space<semaphore_mem>>) src(%arg22 : memref<10000xf32, #tpu.memory_space<vmem_shared>>) dst(%arg11 : memref<10000xf32, #tpu.memory_space<hbm>>)
        tpu.yield
      }) : () -> ()
    } else {
    }
    %eq3A_637 = arith.constant 1 : i32
    %eq3A_638 = arith.cmpi eq, %arg0, %eq3A_637 : i32
    %eq3A_639 = arith.constant 15 : i32
    %eq3A_640 = arith.cmpi eq, %arg1, %eq3A_639 : i32
    %and3A_641 = arith.andi %eq3A_638, %eq3A_640 : i1
    %convert_element_type3A_642 = arith.extui %and3A_641 : i1 to i32
    %cond3A_643 = arith.constant 0 : i32
    %cond3A_644 = arith.cmpi ne, %convert_element_type3A_642, %cond3A_643 : i32
    scf.if %cond3A_644 {
      "tpu.region"() ({
        %run_scoped3A_645 = tpu.sem_alloc : memref<!tpu.dma_semaphore, #tpu.memory_space<semaphore_mem>>
        tpu.enqueue_dma source(%arg22 : memref<10000xf32, #tpu.memory_space<vmem_shared>>) target(%arg12 : memref<10000xf32, #tpu.memory_space<hbm>>) target_semaphore(%run_scoped3A_645 : memref<!tpu.dma_semaphore, #tpu.memory_space<semaphore_mem>>)
        tpu.wait_dma2 semaphore(%run_scoped3A_645 : memref<!tpu.dma_semaphore, #tpu.memory_space<semaphore_mem>>) src(%arg22 : memref<10000xf32, #tpu.memory_space<vmem_shared>>) dst(%arg12 : memref<10000xf32, #tpu.memory_space<hbm>>)
        tpu.yield
      }) : () -> ()
    } else {
    }
    return
  }
}

module attributes {stable_mosaic.version = 14 : i64} {
  func.func @_tc_linear_body(%arg0: i32, %arg1: memref<5000x128xf32, #tpu.memory_space<vmem>>, %arg2: memref<5000x128xf32, #tpu.memory_space<vmem>>, %arg3: memref<5000x1xf32, #tpu.memory_space<vmem>>, %arg4: memref<256x256xf32, #tpu.memory_space<vmem>>, %arg5: memref<1x256xf32, #tpu.memory_space<vmem>>, %arg6: memref<5000x256xf32, #tpu.memory_space<vmem>>) attributes {dimension_semantics = [#tpu.dimension_semantics<arbitrary>], iteration_bounds = array<i64: 2>, scalar_prefetch = 0 : i64, scratch_operands = 0 : i64, tpu.core_type = #tpu.core_type<tc>, window_params = [{transform_indices = @transform_0, window_bounds = array<i64: 5000, 128>}, {transform_indices = @transform_1, window_bounds = array<i64: 5000, 128>}, {transform_indices = @transform_2, window_bounds = array<i64: 5000, 1>}, {pipeline_mode = #tpu.pipeline_mode<synchronous>, transform_indices = @transform_3, window_bounds = array<i64: 256, 256>}, {pipeline_mode = #tpu.pipeline_mode<synchronous>, transform_indices = @transform_4, window_bounds = array<i64: 1, 256>}, {transform_indices = @transform_5, window_bounds = array<i64: 5000, 256>}]} {
    %get3A = arith.constant 0 : index
    %get3A_0 = arith.constant 0 : index
    %get3A_1 = vector.load %arg3[%get3A, %get3A_0] : memref<5000x1xf32, #tpu.memory_space<vmem>>, vector<5000x1xf32>
    %max3A = arith.constant 1.000000e+00 : f32
    %max3A_2 = vector.broadcast %max3A : f32 to vector<5000x1xf32>
    %max3A_3 = arith.maximumf %get3A_1, %max3A_2 : vector<5000x1xf32>
    %div3A = arith.constant 1.000000e+00 : f32
    %div3A_4 = vector.broadcast %div3A : f32 to vector<5000x1xf32>
    %div3A_5 = arith.divf %div3A_4, %max3A_3 : vector<5000x1xf32>
    %get3A_6 = arith.constant 0 : index
    %get3A_7 = arith.constant 0 : index
    %get3A_8 = vector.load %arg1[%get3A_6, %get3A_7] : memref<5000x128xf32, #tpu.memory_space<vmem>>, vector<5000x128xf32>
    %mul3A = vector.broadcast %div3A_5 : vector<5000x1xf32> to vector<5000x128xf32>
    %mul3A_9 = arith.mulf %get3A_8, %mul3A : vector<5000x128xf32>
    %get3A_10 = arith.constant 0 : index
    %get3A_11 = arith.constant 0 : index
    %get3A_12 = vector.load %arg2[%get3A_10, %get3A_11] : memref<5000x128xf32, #tpu.memory_space<vmem>>, vector<5000x128xf32>
    %mul3A_13 = vector.broadcast %div3A_5 : vector<5000x1xf32> to vector<5000x128xf32>
    %mul3A_14 = arith.mulf %get3A_12, %mul3A_13 : vector<5000x128xf32>
    %get3A_15 = arith.constant 0 : index
    %get3A_16 = arith.constant 0 : index
    %get3A_17 = vector.load %arg4[%get3A_15, %get3A_16] : memref<256x256xf32, #tpu.memory_space<vmem>>, vector<256x256xf32>
    %slice3A = vector.extract_strided_slice %get3A_17 {offsets = [0, 0], sizes = [256, 128], strides = [1, 1]} : vector<256x256xf32> to vector<256x128xf32>
    %dot_general3A = arith.constant dense<0.000000e+00> : vector<5000x256xf32>
    %dot_general3A_18 = tpu.matmul %mul3A_9, %slice3A, %dot_general3A {dimension_numbers = #tpu.dot_dimension_numbers<[1], [1], [0], [0], [0, 0, 1, 0], [], []>, transpose_lhs_hint = false} : vector<5000x128xf32>, vector<256x128xf32>, vector<5000x256xf32> -> vector<5000x256xf32>
    %slice3A_19 = vector.extract_strided_slice %get3A_17 {offsets = [0, 128], sizes = [256, 128], strides = [1, 1]} : vector<256x256xf32> to vector<256x128xf32>
    %dot_general3A_20 = arith.constant dense<0.000000e+00> : vector<5000x256xf32>
    %dot_general3A_21 = tpu.matmul %mul3A_14, %slice3A_19, %dot_general3A_20 {dimension_numbers = #tpu.dot_dimension_numbers<[1], [1], [0], [0], [0, 0, 1, 0], [], []>, transpose_lhs_hint = false} : vector<5000x128xf32>, vector<256x128xf32>, vector<5000x256xf32> -> vector<5000x256xf32>
    %add3A = arith.addf %dot_general3A_18, %dot_general3A_21 : vector<5000x256xf32>
    %get3A_22 = arith.constant 0 : index
    %get3A_23 = arith.constant 0 : index
    %get3A_24 = vector.load %arg5[%get3A_22, %get3A_23] : memref<1x256xf32, #tpu.memory_space<vmem>>, vector<1x256xf32>
    %add3A_25 = vector.broadcast %get3A_24 : vector<1x256xf32> to vector<5000x256xf32>
    %add3A_26 = arith.addf %add3A, %add3A_25 : vector<5000x256xf32>
    %swap3A = arith.constant 0 : index
    %swap3A_27 = arith.constant 0 : index
    %swap3A_28 = vector.load %arg6[%swap3A, %swap3A_27] : memref<5000x256xf32, #tpu.memory_space<vmem>>, vector<5000x256xf32>
    tpu.vector_store %arg6[%swap3A, %swap3A_27], %add3A_26 {strides = array<i32>} : memref<5000x256xf32, #tpu.memory_space<vmem>>, vector<5000x256xf32>,
    return
  }
  func.func @transform_0(%arg0: i32) -> (i32, i32) {
    %c0_i32 = arith.constant 0 : i32
    %c0_i32_0 = arith.constant 0 : i32
    return %arg0, %c0_i32 : i32, i32
  }
  func.func @transform_1(%arg0: i32) -> (i32, i32) {
    %c0_i32 = arith.constant 0 : i32
    %c0_i32_0 = arith.constant 0 : i32
    return %arg0, %c0_i32 : i32, i32
  }
  func.func @transform_2(%arg0: i32) -> (i32, i32) {
    %c0_i32 = arith.constant 0 : i32
    %c0_i32_0 = arith.constant 0 : i32
    return %arg0, %c0_i32 : i32, i32
  }
  func.func @transform_3(%arg0: i32) -> (i32, i32) {
    %c0_i32 = arith.constant 0 : i32
    %c0_i32_0 = arith.constant 0 : i32
    %c0_i32_1 = arith.constant 0 : i32
    return %c0_i32, %c0_i32_0 : i32, i32
  }
  func.func @transform_4(%arg0: i32) -> (i32, i32) {
    %c0_i32 = arith.constant 0 : i32
    %c0_i32_0 = arith.constant 0 : i32
    %c0_i32_1 = arith.constant 0 : i32
    return %c0_i32, %c0_i32_0 : i32, i32
  }
  func.func @transform_5(%arg0: i32) -> (i32, i32) {
    %c0_i32 = arith.constant 0 : i32
    %c0_i32_0 = arith.constant 0 : i32
    return %arg0, %c0_i32 : i32, i32
  }
}

</mosaic_0001>

<sc_bundles>
// kernel: kernel.4.cloned.1.call-start
scs
__scs_entry_jumppad:
0x0: {  	(pc) =	sbr.rel $0x88, $3  }
0x1: {  	(tag) =	ssettag $0x0;
	lr =	simm.s32 $0x1  }
0x2: {  	[smem:$0x3F9D] =	sst lr;
	_ =	strace $0xD0000000  }
0x3: {  	_ = 	snop  }
0x4: {  	_ = 	snop  }
0x5: {  	_ = 	snop  }
0x6: {  	_ = 	snop  }
0x7: {  	_ = 	snop  }
__scs_overlays_trampoline_lowered:
0x8: {  	[smem:$0x3FAC] =	sst s0  }
0x9: {  	[smem:$0x3FAD] =	sst s1  }
0xa: {  	[smem:$0x3FAE] =	sst s2  }
0xb: {  	[smem:$0x3FAF] =	sst s3  }
0xc: {  	[smem:$0x3FB0] =	sst s4  }
0xd: {  	[smem:$0x3FB1] =	sst s5  }
0xe: {  	[smem:$0x3FB2] =	sst s6  }
0xf: {  	[smem:$0x3FB3] =	sst s7  }
0x10: {  	[smem:$0x3FB4] =	sst s8  }
0x11: {  	[smem:$0x3FB5] =	sst s9;
	s0 =	simm.s32 @!p0 $0x0  }
0x12: {  	s1 =	sld [smem:$0x3F9B];
	s0 =	simm.s32 @p0 $0x1  }
0x13: {  	[smem:$0x3FB6] =	sst s0;
	s0 =	simm.s32 @!p1 $0x0  }
0x14: {  	s2 =	sld [smem:$0x3F9A];
	s0 =	simm.s32 @p1 $0x1  }
0x15: {  	[smem:$0x3FB7] =	sst s0;
	s0 =	simm.s32 @!p2 $0x0  }
0x16: {  	s3 =	sld [smem:$0x3FDB];
	s0 =	simm.s32 @p2 $0x1  }
0x17: {  	s4 =	simm.s32 $0x1BF5;
	[smem:$0x3FB9] =	sst s0  }
0x18: {  	s0 =	sld [smem:$0x3F9C];
	_ =	swait.ge [sflag:s4], $0x0  }
0x19: {  	s7 =	sld [smem:$0x3F9D]  }
0x1a: {  	s8 =	sadd.s32 $0xFFFFE003, lr  }
0x1b: {  	s9 =	sadd.s32 $0xFFFFFEF7, lr;
	s5 =	simm.s32 $0xFFFFFFFF;
	p2 =	slt.u32 s8, $0xFFFFF086  }
0x1c: {  	p1 =	slt.u32 s9, $0xF7A;
	s5 =	simm.s32 @!p2 $0x0  }
0x1d: {  	s5 =	simm.s32 @p1 $0x1;
	p0 =	seq.s32 s7, s2  }
0x1e: {  	s7 =	smul.u32 @!p0 $0xF7A, s2;
	p2 =	seq.s32 @!p0 s5, $0x0  }
0x1f: {  	s9 =	smul.u32 $0xF7A, s1;
	s8 =	simm.s32 @!p0 $0x1BF5;
	p2 =	por !p2, p0  }
0x20: {  	[sflag:s8] =	ssyncset.s32 @!p0 $0xFFFFF086;
	s6 =	sadd.s32 @!p0 s3, s7;
	s7 =	simm.s32 @!p0 $0x108  }
0x21: {  	s3 =	sadd.s32 s3, s9;
	s6 =	sadd.s32 @!p0 $0x88, s6;
	s7 =	simm.s32 @p2 $0x1082  }
0x22: {  	[simem:s7], [sflag:s8] =	dma.local @!p0 [hbm:s6], $0xF7A  }
0x23: {  	s9 =	sor.u32 $0xD0000000, s2;
	s6 =	simm.s32 $0x108;
	_ =	swait.ge @!p0 [sflag:s8], $0x0  }
0x24: {  	s3 =	sadd.s32 $0x88, s3;
	s6 =	simm.s32 @!p1 $0x1082;
	[sflag:s4] =	ssyncset.s32 $0xFFFFF086  }
0x25: {  	[simem:s6], [sflag:s4] =	dma.local [hbm:s3], $0xF7A  }
0x26: {  	[smem:$0x3F9D] =	sst s1;
	(tag) =	ssettag s2;
	_ =	strace s9  }
0x27: {  	s1 =	sld [smem:$0x3FAD]  }
0x28: {  	s2 =	sld [smem:$0x3FAE]  }
0x29: {  	s4 =	sld [smem:$0x3FB0]  }
0x2a: {  	p0 =	seq.s32 s5, $0x0;
	s5 =	sld [smem:$0x3FB1]  }
0x2b: {  	s6 =	sld [smem:$0x3FB2]  }
0x2c: {  	s7 =	sld [smem:$0x3FB3]  }
0x2d: {  	s3 =	simm.s32 $0x108;
	s8 =	sld [smem:$0x3FB4]  }
0x2e: {  	s3 =	simm.s32 @!p0 $0x1082;
	s9 =	sld [smem:$0x3FB5]  }
0x2f: {  	lr =	sadd.s32 s0, s3;
	s0 =	sld [smem:$0x3FAC]  }
0x30: {  	s3 =	sld [smem:$0x3FAF]  }
0x31: {  	[smem:$0x3FB8] =	sst s10  }
0x32: {  	s10 =	sld [smem:$0x3FB6];
	_ =	sdelay $0x3  }
0x33: {  	p0 =	seq.s32 s10, $0x1;
	s10 =	sld [smem:$0x3FB8];
	_ =	sdelay $0x3  }
0x34: {  	[smem:$0x3FB8] =	sst s10  }
0x35: {  	s10 =	sld [smem:$0x3FB7];
	_ =	sdelay $0x3  }
0x36: {  	p1 =	seq.s32 s10, $0x1;
	s10 =	sld [smem:$0x3FB8];
	_ =	sdelay $0x3  }
0x37: {  	[smem:$0x3FB8] =	sst s10  }
0x38: {  	s10 =	sld [smem:$0x3FB9]  }
0x39: {  	_ = 	snop;
	(pc) =	sbr.ind lr, $3  }
0x3a: {  	_ = 	snop  }
0x3b: {  	_ = 	snop  }
0x3c: {  	p2 =	seq.s32 s10, $0x1;
	s10 =	sld [smem:$0x3FB8]  }
0x3d: {  	_ =	shalt  }
0x3e: {  	_ =	shalt  }
0x3f: {  	_ =	shalt  }
0x40: {  	_ =	shalt  }
0x41: {  	_ =	shalt  }
0x42: {  	_ =	shalt  }
0x43: {  	_ =	shalt  }
0x44: {  	_ =	shalt  }
0x45: {  	_ =	shalt  }
0x46: {  	_ =	shalt  }
0x47: {  	_ =	shalt  }
0x48: {  	_ =	shalt  }
0x49: {  	_ =	shalt  }
0x4a: {  	_ =	shalt  }
0x4b: {  	_ =	shalt  }
0x4c: {  	_ =	shalt  }
0x4d: {  	_ =	shalt  }
0x4e: {  	_ =	shalt  }
0x4f: {  	_ =	shalt  }
0x50: {  	_ =	shalt  }
0x51: {  	_ =	shalt  }
0x52: {  	_ =	shalt  }
0x53: {  	_ =	shalt  }
0x54: {  	_ =	shalt  }
0x55: {  	_ =	shalt  }
0x56: {  	_ =	shalt  }
0x57: {  	_ =	shalt  }
0x58: {  	_ =	shalt  }
0x59: {  	_ =	shalt  }
0x5a: {  	_ =	shalt  }
0x5b: {  	_ =	shalt  }
0x5c: {  	_ =	shalt  }
0x5d: {  	_ =	shalt  }
0x5e: {  	_ =	shalt  }
0x5f: {  	_ =	shalt  }
0x60: {  	_ =	shalt  }
0x61: {  	_ =	shalt  }
0x62: {  	_ =	shalt  }
0x63: {  	_ =	shalt  }
0x64: {  	_ =	shalt  }
0x65: {  	_ =	shalt  }
0x66: {  	_ =	shalt  }
0x67: {  	_ =	shalt  }
0x68: {  	_ =	shalt  }
0x69: {  	_ =	shalt  }
0x6a: {  	_ =	shalt  }
0x6b: {  	_ =	shalt  }
0x6c: {  	_ =	shalt  }
0x6d: {  	_ =	shalt  }
0x6e: {  	_ =	shalt  }
0x6f: {  	_ =	shalt  }
0x70: {  	_ =	shalt  }
0x71: {  	_ =	shalt  }
0x72: {  	_ =	shalt  }
0x73: {  	_ =	shalt  }
0x74: {  	_ =	shalt  }
0x75: {  	_ =	shalt  }
0x76: {  	_ =	shalt  }
0x77: {  	_ =	shalt  }
0x78: {  	_ =	shalt  }
0x79: {  	_ =	shalt  }
0x7a: {  	_ =	shalt  }
0x7b: {  	_ =	shalt  }
0x7c: {  	_ =	shalt  }
0x7d: {  	_ =	shalt  }
0x7e: {  	_ =	shalt  }
0x7f: {  	_ =	shalt  }
0x80: {  	_ =	shalt  }
0x81: {  	_ =	shalt  }
0x82: {  	_ =	shalt  }
0x83: {  	_ =	shalt  }
0x84: {  	_ =	shalt  }
0x85: {  	_ =	shalt  }
0x86: {  	_ =	shalt  }
0x87: {  	_ =	shalt  }
.Lfunc_end0:
.L_simem_size_0:
called_computation_lowered:
.L_overlay_start_0:
0x88: {  	s2 =	sld [smem:$0x3FD9]  }
0x89: {  	s3 =	sld [smem:$0x3FFE];
	_ =	sdelay $0x1  }
0x8a: {  	s1 =	srdreg.scid  }
0x8b: {  	s0 =	sand.u32 $0x1, s1  }
0x8c: {  	s17 =	sshll.u32 s0, $0xA;
	s2 =	sadd.s32 s3, s2  }
0x8d: {  	s2 =	sadd.s32 s2, s17  }
0x8e: {  	[smem:$0x3FC4] =	sst s2  }
0x8f: {  	_ = 	snop  }
0x90: {  	s2 =	sld [smem:$0x3FD0];
	(tm) =	ssettm $0x1  }
0x91: {  	s18 =	sld [smem:$0x3FFB];
	_ =	sdelay $0x3  }
0x92: {  	_ =	strace s18  }
0x93: {  	s3 =	sld [smem:$0x3FFC];
	_ =	sdelay $0x3  }
0x94: {  	_ =	strace s3  }
0x95: {  	s3 =	sld [smem:$0x3FFD];
	_ =	sdelay $0x3  }
0x96: {  	_ =	strace s3  }
0x97: {  	_ =	strace $0x8FFFFFFF  }
0x98: {  	s19 =	sld [smem:$0x3FDB];
	_ =	sdelay $0x1  }
0x99: {  	s4 =	simm.s32 $_scs_section_size  }
0x9a: {  	s5 =	simm.s32 $_size__tile_overlayer_lowered;
	s6 =	simm.s32 $_tile_overlayer_lowered  }
0x9b: {  	s22 =	simm.s32 $0x1BFF;
	s21 =	sshll.u32 s6, $0x1;
	s3 =	sadd.s32 s4, s19  }
0x9c: {  	s7 =	simm.s32 $0x0;
	s20 =	sshll.u32 s5, $0x1;
	s5 =	sadd.s32 s21, s3  }
0x9d: {  	[timem:s7], [sflag:s22] =	dma.local [hbm:s5], s20  }
0x9e: {  	_ =	swait.ge [sflag:s22], s20  }
0x9f: {  	s4 =	ssub.s32 $0x0, s20;
	[sflag:s22] =	ssyncset.done $0x0  }
0xa0: {  	[sflag:s22] =	ssyncadd.s32 s4;
	_ =	sdelay $0x1  }
0xa1: {  	s23 =	simm.s32 $0x1B8B  }
0xa2: {  	_ =	swait.ge [sflag:s23], $0x1  }
0xa3: {  	[sflag:s23] =	ssyncset.done $0x0  }
0xa4: {  	s25 =	simm.s32 $0x1B8E;
	s24 =	sld [smem:$0x3FFE];
	[sflag:s23] =	ssyncadd.s32 $0xFFFFFFFF  }
0xa5: {  	s26 =	simm.s32 $execute0_lowered;
	[smem:$0x3FD2] =	sst s25  }
0xa6: {  	s5 =	sshll.u32 s26, $0x1;
	_ =	strace $0x80000046;
	[dreg:$0x1] =	wrdreg $0xFFFFFFFF  }
0xa7: {  	s28 =	simm.s32 $_size_execute0_lowered;
	s3 =	sadd.s32 s3, s5;
	[dreg:$0x0] =	wrdreg $0x0  }
0xa8: {  	s5 =	sshll.u32 s28, $0x1;
	[dreg:$0x2] =	wrdreg s3  }
0xa9: {  	[dreg:$0x3] =	wrdreg s5  }
0xaa: {  	[dreg:$0x4] =	wrdreg $0xC0  }
0xab: {  	_ =	task [dreg:s7], $0x5FFFF  }
0xac: {  	[dreg:$0x1] =	wrdreg $0xFFFFFFFF  }
0xad: {  	[dreg:$0x0] =	wrdreg $0x60  }
0xae: {  	[dreg:$0x2] =	wrdreg s24  }
0xaf: {  	[dreg:$0x3] =	wrdreg s2  }
0xb0: {  	[dreg:$0x4] =	wrdreg $0xB8800  }
0xb1: {  	[dreg:$0x5] =	wrdreg $0x1F1000  }
0xb2: {  	[dreg:$0x6] =	wrdreg $0x9  }
0xb3: {  	_ =	task.clear_ibuf [dreg:s7], $0x7FFFF;
	_ =	strace $0x90000046  }
0xb4: {  	s29 =	simm.s32 $0x9;
	_ =	strace $0x80000048  }
0xb5: {  	_ =	swait.ge [sflag:s29], $0x1  }
0xb6: {  	[sflag:s29] =	ssyncadd.s32 $0xFFFFFFFF  }
0xb7: {  	_ =	strace $0x90000048  }
0xb8: {  	_ =	sfence  }
0xb9: {  	s30 =	sld [smem:$0x0];
	_ =	sdelay $0x2  }
0xba: {  	s31 =	sshll.u32 s1, $0xD;
	s1 =	sshrl.u32 s1, $0x2  }
0xbb: {  	s3 =	sand.u32 $0x4000, s31;
	s1 =	sadd.s32 s1, s30  }
0xbc: {  	s0 =	sor.u32 s3, s0;
	s1 =	sshll.u32 s1, $0x11  }
0xbd: {  	s0 =	sor.u32 s1, s0  }
0xbe: {  	s0 =	sadd.s32 $0x8F2B, s0  }
0xbf: {  	[sflag:s0] =	ssyncadd.remote.s32 $0x1  }
0xc0: {  	_ =	sfence.sel $0xFFFF  }
0xc1: {  	[dreg:$0x0] =	wrdreg $0xFFFFFFFF;
	(pc) =	sbr.abs _section_cstart, $3  }
0xc2: {  	[dreg:$0x1] =	wrdreg $0xFFFFFFFF  }
0xc3: {  	_ =	task.clear_ibuf [dreg:s7], $0x2FFFF;
	_ =	strace $0x9FFFFFFF  }
0xc4: {  	(tm) =	ssettm $0x7FFFFFFF  }
0xc5: {  	_ =	shalt  }
tec
execute0_lowered:
.L_overlay_start_1:
0x0: {  	(tag) =	ssettag $0x1  }
0x1: {  	s0 =	rddreg [dreg:$0x0]  }
0x2: {  	s28 =	rddreg [dreg:$0x1]  }
0x3: {  	s2 =	rddreg [dreg:$0x2]  }
0x4: {  	s16 =	rddreg [dreg:$0x3];
	s1 =	simm.s32 $0x0;
	s4 =	stileid.u32  }
0x5: {  	s7 =	srdreg.scid;
	s18 =	simm.s32 $0xB800;
	s19 =	simm.s32 $0x6  }
0x6: {  	s29 =	simm.s32 $0x1C00;
	[smem:$0x7FF] =	sst s1;
	s3 =	smul.u32 $0xA00, s4  }
0x7: {  	s6 =	sadd.s32 $0x14A00, s0;
	s5 =	sadd.s32 $0x3C400, s0;
	s20 =	sadd.s32 $0x3BE00, s0  }
0x8: {  	s21 =	smul.u32 $0x3E80, s4;
	s8 =	sadd.s32 $0x3BC00, s0;
	s23 =	sand.u32 $0x1, s7  }
0x9: {  	s22 =	smul.u32 $0x7D000, s4;
	_ =	strace $0x80000047;
	[dreg:$0x5] =	wrdreg s5  }
0xa: {  	s24 =	sadd.s32 $0x40400, s0;
	p1 =	slt.u32 s4, $0xA;
	[dreg:$0x6] =	wrdreg s20  }
0xb: {  	p3 =	seq.s32 s4, $0xF;
	p5 =	sgt.u32 s4, $0x9;
	[dreg:$0x7] =	wrdreg s8  }
0xc: {  	[dreg:$0x8] =	wrdreg s24;
	s25 =	ssub.s32 $0x2, s23;
	p0 =	seq.s32 s23, $0x1  }
0xd: {  	p2 =	seq.s32 s23, $0x0;
	s20 =	simm.s32 $0x5;
	s24 =	simm.s32 $0x6800  }
0xe: {  	s3 =	sadd.s32 s3, s0;
	s5 =	sadd.s32 s21, s0;
	s0 =	sadd.s32 $0x40A00, s0  }
0xf: {  	s26 =	sshrl.u32 s25, $0x1;
	s7 =	sshrl.u32 s22, $0x2;
	p1 =	por !p1, !p0  }
0x10: {  	p6 =	por !p2, !p3;
	[dreg:$0x9] =	wrdreg s0;
	s30 =	sadd.s32 $0x41000, s5  }
0x11: {  	s21 =	simm.s32 $0x50;
	s31 =	sadd.s32 $0x68200, s5;
	[dreg:$0xd] =	wrdreg s30  }
0x12: {  	s22 =	simm.s32 $0x4000;
	s7 =	sadd.s32 s7, s2;
	[dreg:$0xe] =	wrdreg s31  }
0x13: {  	s15 =	sadd.s32 $0xAA00, s3;
	p1 =	por !p1, !p1;
	[dreg:$0xa] =	wrdreg s7  }
0x14: {  	s17 =	sadd.s32 $0xA00, s3;
	s3 =	simm.s32 @!p1 $0x0;
	[dreg:$0xb] =	wrdreg s15  }
0x15: {  	s0 =	ssub.s32 s25, s26;
	[dreg:$0xc] =	wrdreg s17;
	s3 =	simm.s32 @p1 $0x1  }
0x16: {  	s0 =	smax.u32 s0, $0x1;
	[smem:$0x7FA] =	sst s3;
	s3 =	simm.s32 @!p2 $0x0  }
0x17: {  	[dreg:$0xf] =	wrdreg s0;
	s0 =	sshll.u32 @!p5 s4, $0x6;
	s3 =	simm.s32 @p2 $0x1  }
0x18: {  	s0 =	sor.u32 @!p5 $0x1C06, s0;
	[smem:$0x7FB] =	sst s3;
	s3 =	simm.s32 @!p3 $0x0  }
0x19: {  	p1 =	por !p6, !p6;
	[dreg:$0x10] =	wrdreg s0;
	s3 =	simm.s32 @p3 $0x1  }
.Ltmp0:
0x1a: {  	[smem:$0x7FC] =	sst s3;
	s3 =	simm.s32 @!p1 $0x0;
	(pc) =	sbr.rel .LBB2_1-.Ltmp0, $4  }
0x1b: {  	s0 =	sshrl.u32 @!p5 s7, $0x3;
	s3 =	simm.s32 @p1 $0x1;
	p1 =	sne.s32 @!p5 s4, $0x0  }
0x1c: {  	s25 =	simm.s32 $0x3;
	[dreg:$0x11] =	wrdreg s0;
	p6 =	por p1, p5  }
0x1d: {  	s26 =	simm.s32 $0x9000;
	[smem:$0x7FD] =	sst s3;
	s0 =	sshrl.u32 @!p6 s16, $0x3  }
0x1e: {  	p2 =	sne.s32 s23, $0x0;
	s3 =	simm.s32 $0x0;
	[dreg:$0x12] =	wrdreg s0  }
.LBB2_54:
0x1f: {  	s0 =	sld [smem:$0x7FD];
	_ =	sdelay $0x2  }
0x20: {  	p4 =	seq.s32 s0, $0x1  }
0x21: {  	s4 =	rddreg [dreg:$0x8];
	s0 =	sshrl.u32 @p4 s16, $0x3;
	s3 =	simm.s32 @p4 $0x1FC6  }
0x22: {  	[hbm:s4], [sflag:s3] =	dma.local @p4 [spmem:s0], $0x4F0  }
0x23: {  	s0 =	sld [smem:$0x7FC];
	_ =	sdelay $0x2  }
0x24: {  	p1 =	por @p4 $0x1, $0x1;
	p3 =	seq.s32 s0, $0x1  }
0x25: {  	p1 =	por @!p4 p3, p3  }
0x26: {  	s0 =	simm.s32 @p4 $0x6;
	p1 =	por !p1, !p0  }
0x27: {  	s3 =	stileid.u32;
	_ =	swait.ge @p4 [sflag:s0], $0x4F0;
	p1 =	por !p1, !p1  }
0x28: {  	[sflag:s0] =	ssyncset.done @p4 $0x0;
	s4 =	rddreg [dreg:$0x9];
	s3 =	sshll.u32 @p1 s3, $0x6  }
0x29: {  	[sflag:s0] =	ssyncadd.s32 @p4 $0xFFFFFB10;
	s0 =	sor.u32 @p1 $0x1C06, s3;
	s3 =	sshrl.u32 @p1 s16, $0x3  }
0x2a: {  	[hbm:s4], [sflag:s0] =	dma.local @p1 [spmem:s3], $0x4F0  }
0x2b: {  	s0 =	simm.s32 @p1 $0x6  }
0x2c: {  	_ =	swait.ge @p1 [sflag:s0], $0x4F0  }
0x2d: {  	[sflag:s0] =	ssyncset.done @p1 $0x0  }
0x2e: {  	s3 =	rddreg [dreg:$0x13];
	[sflag:s0] =	ssyncadd.s32 @p1 $0xFFFFFB10  }
.LBB2_55:
0x2f: {  	s3 =	sadd.s32 $0x1, s3;
	s0 =	rddreg [dreg:$0xf]  }
0x30: {  	p1 =	sne.s32 s3, s0  }
.Ltmp1:
0x31: {  	_ = 	snop;
	(pc) =	sbr.rel @!p1 .LBB2_56-.Ltmp1, $1  }
0x32: {  	_ =	sdelay $0x3  }
.LBB2_1:
0x33: {  	[dreg:$0x13] =	wrdreg s3  }
0x34: {  	s0 =	rddreg [dreg:$0x5]  }
0x35: {  	s3 =	rddreg [dreg:$0x10]  }
0x36: {  	s4 =	rddreg [dreg:$0x11]  }
0x37: {  	[spmem:s4], [sflag:s3] =	dma.local @!p5 [hbm:s0], $0x3E80  }
0x38: {  	s0 =	simm.s32 @!p5 $0x6  }
0x39: {  	_ =	swait.ge @!p5 [sflag:s0], $0x3E80  }
0x3a: {  	[sflag:s0] =	ssyncset.done @!p5 $0x0;
	s3 =	rddreg [dreg:$0x6]  }
0x3b: {  	s4 =	rddreg [dreg:$0x12];
	[sflag:s0] =	ssyncadd.s32 @!p5 $0xFFFFC180;
	s0 =	simm.s32 @!p6 $0x1C06  }
0x3c: {  	[spmem:s4], [sflag:s0] =	dma.local @!p6 [hbm:s3], $0x4F0  }
0x3d: {  	s0 =	simm.s32 @!p6 $0x6  }
0x3e: {  	_ =	swait.ge @!p6 [sflag:s0], $0x4F0  }
0x3f: {  	[sflag:s0] =	ssyncset.done @!p6 $0x0  }
0x40: {  	s11 =	rddreg [dreg:$0x7];
	[sflag:s0] =	ssyncadd.s32 @!p6 $0xFFFFFB10  }
0x41: {  	[tilespmem:s18], [sflag:$0x6] =	stream.linear.gather [hbm4b:s11+s1], $0x80, $0x38;
	[tilespmem:$0x1F378] =	vst v63  }
0x42: {  	_ =	swait.ge [sflag:s19], $0x80  }
0x43: {  	[sflag:s19] =	ssyncset.done $0x0  }
0x44: {  	[sflag:s19] =	ssyncadd.s32 $0xFFFFFF80  }
0x45: {  	[bflag:$0x0] =	sbarrier.arrive $0xFFFF  }
0x46: {  	[tilespmem:s1], [sflag:$0x5] =	stream.linear.gather [hbm4b:s15+s1], $0xC80, $0x38;
	[tilespmem:$0x1F378] =	vst v63  }
0x47: {  	s12 =	simm.s32 $0x1000  }
0x48: {  	[tilespmem:s12], [sflag:$0x5] =	stream.linear.gather [hbm4b:s17+s1], $0xC80, $0x38;
	[tilespmem:$0x1F378] =	vst v63  }
0x49: {  	_ =	swait.ge [sflag:s20], $0xC80  }
0x4a: {  	[sflag:s20] =	ssyncset.done $0x0  }
0x4b: {  	[sflag:s20] =	ssyncadd.s32 $0xFFFFF380  }
0x4c: {  	_ =	swait.ge [sflag:s20], $0xC80  }
0x4d: {  	[sflag:s20] =	ssyncset.done $0x0  }
0x4e: {  	s13 =	sadd.s32 $0x200, s15;
	s14 =	simm.s32 $0x2000;
	[sflag:s20] =	ssyncadd.s32 $0xFFFFF380  }
0x4f: {  	[tilespmem:s14], [sflag:$0x5] =	stream.linear.gather [hbm4b:s13+s1], $0xC80, $0x38;
	[tilespmem:$0x1F378] =	vst v63  }
0x50: {  	s30 =	sadd.s32 $0x200, s17;
	s31 =	simm.s32 $0x3000  }
0x51: {  	[tilespmem:s31], [sflag:$0x5] =	stream.linear.gather [hbm4b:s30+s1], $0xC80, $0x38;
	[tilespmem:$0x1F378] =	vst v63  }
0x52: {  	s5 =	simm.s32 @!p2 $0x0;
	s3 =	simm.s32 @!p2 $0x4000;
	s0 =	simm.s32 @!p2 $0x50  }
0x53: {  	[tilespmem:s3], [sflag:$0x1] =	stream.indirect.gather @!p2 [hbm4b:s6+s0], $0x80, s5, s0, $0xb8;
	[tilespmem:$0x1F378] =	vst v63  }
0x54: {  	s8 =	simm.s32 @p0 $0x0;
	s7 =	simm.s32 @p0 $0x4000;
	s5 =	simm.s32 @p0 $0x50  }
0x55: {  	[tilespmem:s7], [sflag:$0x1] =	stream.indirect.gather @p0 [hbm4b:s28+s5], $0x80, s8, s5, $0xb8;
	[tilespmem:$0x1F378] =	vst v63  }
.Ltmp2:
0x56: {  	s9 =	simm.s32 @!p2 $0x6800;
	s8 =	simm.s32 @!p2 $0x80;
	(pc) =	sbr.rel .LBB2_2-.Ltmp2, $4  }
0x57: {  	[tilespmem:s9], [sflag:$0x2] =	stream.indirect.gather @!p2 [hbm4b:s6+s0], $0x80, s8, s0, $0xb8;
	[tilespmem:$0x1F378] =	vst v63  }
0x58: {  	s11 =	simm.s32 $0x200;
	s8 =	simm.s32 @p0 $0x80;
	s9 =	simm.s32 @p0 $0x6800  }
0x59: {  	[tilespmem:s9], [sflag:$0x2] =	stream.indirect.gather @p0 [hbm4b:s28+s5], $0x80, s8, s5, $0xb8;
	[tilespmem:$0x1F378] =	vst v63  }
0x5a: {  	s12 =	simm.s32 $0x0;
	s8 =	simm.s32 $0x7;
	s9 =	simm.s32 $0x1080  }
.LBB2_8:
.Ltmp3:
0x5b: {  	(pc) =	sbr.rel @p3 .LBB2_11-.Ltmp3, $2  }
0x5c: {  	_ =	sdelay $0x2  }
0x5d: {  	[spmem:s16] =	stream.indirect.scatter.add.f32 [tilespmem:s18], [sflag:$0x4], $0x1, s13, s21, $0xb8;
	[tilespmem:$0x1F378] =	vst v63  }
.LBB2_9:
0x5e: {  	s8 =	sadd.s32 $0xFFFFFFFF, s8;
	s9 =	sadd.s32 $0x180, s9;
	s11 =	sadd.s32 $0x180, s11  }
.LBB2_2:
0x5f: {  	s13 =	sadd.s32 @!p2 $0xFFFFFF00, s11;
	s14 =	simm.s32 @!p2 $0x9000  }
0x60: {  	[tilespmem:s14], [sflag:$0x3] =	stream.indirect.gather @!p2 [hbm4b:s6+s0], $0x80, s13, s0, $0xb8;
	[tilespmem:$0x1F378] =	vst v63  }
0x61: {  	s13 =	sadd.s32 @p0 $0xFFFFFF00, s11;
	s14 =	simm.s32 @p0 $0x9000  }
0x62: {  	[tilespmem:s14], [sflag:$0x3] =	stream.indirect.gather @p0 [hbm4b:s28+s5], $0x80, s13, s5, $0xb8;
	[tilespmem:$0x1F378] =	vst v63  }
0x63: {  	s13 =	simm.s32 @!p2 $0x1  }
0x64: {  	_ =	swait.ge @!p2 [sflag:s13], $0x2800  }
0x65: {  	[sflag:s13] =	ssyncset.done @!p2 $0x0  }
0x66: {  	[sflag:s13] =	ssyncadd.s32 @!p2 $0xFFFFD800;
	s13 =	simm.s32 @p0 $0x1  }
0x67: {  	_ =	swait.ge @p0 [sflag:s13], $0x2800  }
0x68: {  	[sflag:s13] =	ssyncset.done @p0 $0x0  }
0x69: {  	[sflag:s13] =	ssyncadd.s32 @p0 $0xFFFFD800;
	s13 =	sadd.s32 $0xFFFFFF80, s9  }
0x6a: {  	[spmem:s2] =	stream.indirect.scatter.add.f32 [tilespmem:s22], [sflag:$0x6], $0x80, s13, s21, $0xb8;
	[tilespmem:$0x1F378] =	vst v63  }
0x6b: {  	_ =	swait.ge [sflag:s19], $0x2800  }
0x6c: {  	[sflag:s19] =	ssyncset.done $0x0  }
0x6d: {  	s14 =	simm.s32 @!p2 $0xB800;
	[sflag:s19] =	ssyncadd.s32 $0xFFFFD800  }
0x6e: {  	[spmem:s16] =	stream.indirect.scatter.add.f32 @!p2 [tilespmem:s14], [sflag:$0x4], $0x1, s13, s0, $0xb8;
	[tilespmem:$0x1F378] =	vst v63  }
0x6f: {  	s13 =	sadd.s32 @!p2 $0xFFFFFF80, s11  }
0x70: {  	[tilespmem:s3], [sflag:$0x1] =	stream.indirect.gather @!p2 [hbm4b:s6+s0], $0x80, s13, s0, $0xb8;
	[tilespmem:$0x1F378] =	vst v63  }
0x71: {  	s13 =	sadd.s32 @p0 $0xFFFFFF80, s11  }
0x72: {  	[tilespmem:s7], [sflag:$0x1] =	stream.indirect.gather @p0 [hbm4b:s28+s5], $0x80, s13, s5, $0xb8;
	[tilespmem:$0x1F378] =	vst v63  }
0x73: {  	s13 =	simm.s32 @!p2 $0x2  }
0x74: {  	_ =	swait.ge @!p2 [sflag:s13], $0x2800  }
0x75: {  	[sflag:s13] =	ssyncset.done @!p2 $0x0  }
0x76: {  	[sflag:s13] =	ssyncadd.s32 @!p2 $0xFFFFD800;
	s13 =	simm.s32 @p0 $0x2  }
0x77: {  	_ =	swait.ge @p0 [sflag:s13], $0x2800  }
0x78: {  	[sflag:s13] =	ssyncset.done @p0 $0x0  }
.Ltmp4:
0x79: {  	[sflag:s13] =	ssyncadd.s32 @p0 $0xFFFFD800;
	(pc) =	sbr.rel @p2 .LBB2_57-.Ltmp4, $4  }
0x7a: {  	[spmem:s2] =	stream.indirect.scatter.add.f32 [tilespmem:s24], [sflag:$0x6], $0x80, s9, s21, $0xb8;
	[tilespmem:$0x1F378] =	vst v63  }
0x7b: {  	_ =	swait.ge [sflag:s19], $0x2800  }
0x7c: {  	[sflag:s19] =	ssyncset.done $0x0  }
0x7d: {  	p3 =	seq.s32 s8, $0x0;
	[sflag:s19] =	ssyncadd.s32 $0xFFFFD800  }
.Ltmp5:
0x7e: {  	(pc) =	sbr.rel @p3 .LBB2_6-.Ltmp5, $2  }
0x7f: {  	_ =	sdelay $0x2  }
0x80: {  	[spmem:s16] =	stream.indirect.scatter.add.f32 [tilespmem:s18], [sflag:$0x4], $0x1, s9, s21, $0xb8;
	[tilespmem:$0x1F378] =	vst v63  }
.Ltmp6:
0x81: {  	(pc) =	sbr.rel .LBB2_5-.Ltmp6, $2  }
0x82: {  	_ =	sdelay $0x2  }
0x83: {  	[tilespmem:s24], [sflag:$0x2] =	stream.indirect.gather [hbm4b:s6+s21], $0x80, s11, s21, $0xb8;
	[tilespmem:$0x1F378] =	vst v63  }
.LBB2_57:
.Ltmp7:
0x84: {  	(pc) =	sbr.rel @p3 .LBB2_7-.Ltmp7, $1  }
0x85: {  	_ =	sdelay $0x3  }
.LBB2_5:
.Ltmp8:
0x86: {  	(pc) =	sbr.rel @p2 .LBB2_7-.Ltmp8, $3  }
0x87: {  	_ =	sdelay $0x1  }
0x88: {  	s13 =	simm.s32 @p0 $0x50;
	s14 =	simm.s32 @p0 $0x6800  }
0x89: {  	[tilespmem:s14], [sflag:$0x2] =	stream.indirect.gather @p0 [hbm4b:s28+s13], $0x80, s11, s13, $0xb8;
	[tilespmem:$0x1F378] =	vst v63  }
.LBB2_6:
0x8a: {  	_ =	swait.ge [sflag:s25], $0x2800  }
0x8b: {  	[sflag:s25] =	ssyncset.done $0x0  }
0x8c: {  	[sflag:s25] =	ssyncadd.s32 $0xFFFFD800  }
.LBB2_7:
0x8d: {  	s13 =	simm.s32 @p0 $0x3  }
0x8e: {  	_ =	swait.ge @p0 [sflag:s13], $0x2800  }
0x8f: {  	[sflag:s13] =	ssyncset.done @p0 $0x0  }
.Ltmp9:
0x90: {  	[sflag:s13] =	ssyncadd.s32 @p0 $0xFFFFD800;
	s13 =	sadd.s32 $0x80, s9;
	(pc) =	sbr.rel @!p2 .LBB2_8-.Ltmp9, $4  }
0x91: {  	[spmem:s2] =	stream.indirect.scatter.add.f32 [tilespmem:s26], [sflag:$0x6], $0x80, s13, s21, $0xb8;
	[tilespmem:$0x1F378] =	vst v63  }
0x92: {  	_ =	swait.ge [sflag:s19], $0x2800  }
0x93: {  	[sflag:s19] =	ssyncset.done $0x0  }
0x94: {  	s12 =	sadd.s32 $0x1, s12;
	[sflag:s19] =	ssyncadd.s32 $0xFFFFD800  }
.Ltmp10:
0x95: {  	(pc) =	sbr.rel @!p3 .LBB2_9-.Ltmp10, $4  }
.Ltmp11:
0x96: {  	(pc) =	sbr.rel @p3 .LBB2_12-.Ltmp11, $4  }
0x97: {  	_ = 	snop  }
0x98: {  	_ = 	snop  }
0x99: {  	_ = 	snop  }
0x9a: {  	_ = 	snop  }
.LBB2_11:
0x9b: {  	s0 =	simm.s32 $0x1  }
0x9c: {  	_ =	swait.ge [sflag:s0], $0x2800  }
0x9d: {  	[sflag:s0] =	ssyncset.done $0x0  }
0x9e: {  	[sflag:s0] =	ssyncadd.s32 $0xFFFFD800  }
.LBB2_12:
0x9f: {  	s0 =	simm.s32 @p0 $0x1  }
0xa0: {  	_ =	swait.ge @p0 [sflag:s0], $0x2800  }
0xa1: {  	[sflag:s0] =	ssyncset.done @p0 $0x0  }
.Ltmp12:
0xa2: {  	[sflag:s0] =	ssyncadd.s32 @p0 $0xFFFFD800;
	(pc) =	sbr.rel @p2 .LBB2_14-.Ltmp12, $4  }
0xa3: {  	[spmem:s2] =	stream.indirect.scatter.add.f32 [tilespmem:s22], [sflag:$0x6], $0x80, s29, s21, $0xb8;
	[tilespmem:$0x1F378] =	vst v63  }
0xa4: {  	_ =	swait.ge [sflag:s19], $0x2800  }
0xa5: {  	[sflag:s19] =	ssyncset.done $0x0  }
0xa6: {  	[sflag:s19] =	ssyncadd.s32 $0xFFFFD800  }
0xa7: {  	[spmem:s16] =	stream.indirect.scatter.add.f32 [tilespmem:s18], [sflag:$0x4], $0x1, s29, s21, $0xb8;
	[tilespmem:$0x1F378] =	vst v63  }
0xa8: {  	s3 =	simm.s32 $0x4  }
0xa9: {  	_ =	swait.ge [sflag:s3], $0x50  }
0xaa: {  	[sflag:s3] =	ssyncset.done $0x0  }
0xab: {  	[sflag:s3] =	ssyncadd.s32 $0xFFFFFFB0  }
0xac: {  	_ =	swait.ge [sflag:s3], $0x50  }
0xad: {  	[sflag:s3] =	ssyncset.done $0x0  }
0xae: {  	[sflag:s3] =	ssyncadd.s32 $0xFFFFFFB0  }
0xaf: {  	_ =	swait.ge [sflag:s3], $0x50  }
0xb0: {  	[sflag:s3] =	ssyncset.done $0x0  }
0xb1: {  	[sflag:s3] =	ssyncadd.s32 $0xFFFFFFB0  }
0xb2: {  	_ =	swait.ge [sflag:s3], $0x50  }
0xb3: {  	[sflag:s3] =	ssyncset.done $0x0  }
0xb4: {  	[sflag:s3] =	ssyncadd.s32 $0xFFFFFFB0  }
0xb5: {  	_ =	swait.ge [sflag:s3], $0x50  }
0xb6: {  	[sflag:s3] =	ssyncset.done $0x0  }
0xb7: {  	[sflag:s3] =	ssyncadd.s32 $0xFFFFFFB0  }
0xb8: {  	_ =	swait.ge [sflag:s3], $0x50  }
0xb9: {  	[sflag:s3] =	ssyncset.done $0x0  }
0xba: {  	[sflag:s3] =	ssyncadd.s32 $0xFFFFFFB0  }
0xbb: {  	_ =	swait.ge [sflag:s3], $0x50  }
0xbc: {  	[sflag:s3] =	ssyncset.done $0x0  }
0xbd: {  	[sflag:s3] =	ssyncadd.s32 $0xFFFFFFB0  }
0xbe: {  	_ =	swait.ge [sflag:s3], $0x50  }
0xbf: {  	[sflag:s3] =	ssyncset.done $0x0  }
0xc0: {  	[sflag:s3] =	ssyncadd.s32 $0xFFFFFFB0  }
0xc1: {  	_ =	swait.ge [sflag:s3], $0x50  }
0xc2: {  	[sflag:s3] =	ssyncset.done $0x0  }
0xc3: {  	[sflag:s3] =	ssyncadd.s32 $0xFFFFFFB0  }
0xc4: {  	_ =	swait.ge [sflag:s3], $0x50  }
0xc5: {  	[sflag:s3] =	ssyncset.done $0x0  }
0xc6: {  	[sflag:s3] =	ssyncadd.s32 $0xFFFFFFB0  }
0xc7: {  	_ =	swait.ge [sflag:s3], $0x50  }
0xc8: {  	[sflag:s3] =	ssyncset.done $0x0  }
0xc9: {  	[sflag:s3] =	ssyncadd.s32 $0xFFFFFFB0  }
0xca: {  	_ =	swait.ge [sflag:s3], $0x50  }
0xcb: {  	[sflag:s3] =	ssyncset.done $0x0  }
0xcc: {  	[sflag:s3] =	ssyncadd.s32 $0xFFFFFFB0  }
0xcd: {  	_ =	swait.ge [sflag:s3], $0x50  }
0xce: {  	[sflag:s3] =	ssyncset.done $0x0  }
0xcf: {  	[sflag:s3] =	ssyncadd.s32 $0xFFFFFFB0  }
0xd0: {  	_ =	swait.ge [sflag:s3], $0x50  }
0xd1: {  	[sflag:s3] =	ssyncset.done $0x0  }
0xd2: {  	[sflag:s3] =	ssyncadd.s32 $0xFFFFFFB0  }
0xd3: {  	_ =	swait.ge [sflag:s3], $0x50  }
0xd4: {  	[sflag:s3] =	ssyncset.done $0x0  }
0xd5: {  	[sflag:s3] =	ssyncadd.s32 $0xFFFFFFB0  }
0xd6: {  	_ =	swait.ge [sflag:s3], $0x50  }
0xd7: {  	[sflag:s3] =	ssyncset.done $0x0  }
0xd8: {  	[sflag:s3] =	ssyncadd.s32 $0xFFFFFFB0  }
0xd9: {  	_ =	swait.ge [sflag:s3], $0x50  }
0xda: {  	[sflag:s3] =	ssyncset.done $0x0  }
0xdb: {  	[sflag:s3] =	ssyncadd.s32 $0xFFFFFFB0  }
0xdc: {  	_ =	swait.ge [sflag:s3], $0x50  }
0xdd: {  	[sflag:s3] =	ssyncset.done $0x0  }
0xde: {  	[sflag:s3] =	ssyncadd.s32 $0xFFFFFFB0  }
0xdf: {  	_ =	swait.ge [sflag:s3], $0x50  }
0xe0: {  	[sflag:s3] =	ssyncset.done $0x0  }
0xe1: {  	[sflag:s3] =	ssyncadd.s32 $0xFFFFFFB0  }
0xe2: {  	_ =	swait.ge [sflag:s3], $0x50  }
0xe3: {  	[sflag:s3] =	ssyncset.done $0x0  }
0xe4: {  	[sflag:s3] =	ssyncadd.s32 $0xFFFFFFB0  }
0xe5: {  	_ =	swait.ge [sflag:s3], $0x50  }
0xe6: {  	[sflag:s3] =	ssyncset.done $0x0  }
0xe7: {  	[sflag:s3] =	ssyncadd.s32 $0xFFFFFFB0  }
0xe8: {  	_ =	swait.ge [sflag:s3], $0x50  }
0xe9: {  	[sflag:s3] =	ssyncset.done $0x0  }
0xea: {  	[sflag:s3] =	ssyncadd.s32 $0xFFFFFFB0  }
0xeb: {  	_ =	swait.ge [sflag:s3], $0x50  }
0xec: {  	[sflag:s3] =	ssyncset.done $0x0  }
0xed: {  	[sflag:s3] =	ssyncadd.s32 $0xFFFFFFB0  }
0xee: {  	_ =	swait.ge [sflag:s3], $0x50  }
0xef: {  	[sflag:s3] =	ssyncset.done $0x0  }
0xf0: {  	[sflag:s3] =	ssyncadd.s32 $0xFFFFFFB0  }
0xf1: {  	_ =	swait.ge [sflag:s3], $0x50  }
0xf2: {  	[sflag:s3] =	ssyncset.done $0x0  }
0xf3: {  	[sflag:s3] =	ssyncadd.s32 $0xFFFFFFB0  }
.LBB2_14:
0xf4: {  	_ =	swait.ge [sflag:s20], $0xC80  }
0xf5: {  	[sflag:s20] =	ssyncset.done $0x0  }
0xf6: {  	[sflag:s20] =	ssyncadd.s32 $0xFFFFF380  }
0xf7: {  	_ =	swait.ge [sflag:s20], $0xC80  }
0xf8: {  	[sflag:s20] =	ssyncset.done $0x0  }
0xf9: {  	s3 =	sadd.s32 $0x400, s15;
	[sflag:s20] =	ssyncadd.s32 $0xFFFFF380  }
0xfa: {  	[tilespmem:s1], [sflag:$0x5] =	stream.linear.gather [hbm4b:s3+s1], $0xC80, $0x38;
	[tilespmem:$0x1F378] =	vst v63  }
0xfb: {  	s26 =	sadd.s32 $0x400, s17;
	s4 =	simm.s32 $0x1000  }
0xfc: {  	[tilespmem:s4], [sflag:$0x5] =	stream.linear.gather [hbm4b:s26+s1], $0xC80, $0x38;
	[tilespmem:$0x1F378] =	vst v63  }
0xfd: {  	s3 =	simm.s32 @!p2 $0x2000;
	s26 =	simm.s32 @!p2 $0x50;
	s4 =	simm.s32 @!p2 $0x4000  }
0xfe: {  	[tilespmem:s4], [sflag:$0x1] =	stream.indirect.gather @!p2 [hbm4b:s6+s26], $0x80, s3, s26, $0xb8;
	[tilespmem:$0x1F378] =	vst v63  }
0xff: {  	s7 =	simm.s32 @p0 $0x50;
	s18 =	simm.s32 @p0 $0x4000;
	s3 =	simm.s32 @p0 $0x2000  }
0x100: {  	[tilespmem:s18], [sflag:$0x1] =	stream.indirect.gather @p0 [hbm4b:s28+s7], $0x80, s3, s7, $0xb8;
	[tilespmem:$0x1F378] =	vst v63  }
0x101: {  	s5 =	simm.s32 @!p2 $0x6800;
	s3 =	simm.s32 @!p2 $0x2080  }
0x102: {  	[tilespmem:s5], [sflag:$0x2] =	stream.indirect.gather @!p2 [hbm4b:s6+s26], $0x80, s3, s26, $0xb8;
	[tilespmem:$0x1F378] =	vst v63  }
0x103: {  	s1 =	simm.s32 @p0 $0x6800;
	s3 =	simm.s32 @p0 $0x2080  }
0x104: {  	[tilespmem:s1], [sflag:$0x2] =	stream.indirect.gather @p0 [hbm4b:s28+s7], $0x80, s3, s7, $0xb8;
	[tilespmem:$0x1F378] =	vst v63  }
0x105: {  	s5 =	simm.s32 @!p2 $0x9000;
	s3 =	simm.s32 @!p2 $0x2100  }
0x106: {  	[tilespmem:s5], [sflag:$0x3] =	stream.indirect.gather @!p2 [hbm4b:s6+s26], $0x80, s3, s26, $0xb8;
	[tilespmem:$0x1F378] =	vst v63  }
0x107: {  	s8 =	simm.s32 @!p2 $0x1;
	s20 =	simm.s32 @p0 $0x9000;
	s3 =	simm.s32 @p0 $0x2100  }
0x108: {  	[tilespmem:s20], [sflag:$0x3] =	stream.indirect.gather @p0 [hbm4b:s28+s7], $0x80, s3, s7, $0xb8;
	[tilespmem:$0x1F378] =	vst v63  }
0x109: {  	_ =	swait.ge @!p2 [sflag:s8], $0x2800  }
0x10a: {  	s24 =	simm.s32 @!p0 $0x50;
	s13 =	simm.s32 @!p0 $0x6;
	[sflag:s8] =	ssyncset.done @!p2 $0x0  }
0x10b: {  	s5 =	simm.s32 @!p0 $0x4000;
	s3 =	simm.s32 @!p0 $0x3000;
	[sflag:s8] =	ssyncadd.s32 @!p2 $0xFFFFD800  }
0x10c: {  	[spmem:s2] =	stream.indirect.scatter.add.f32 @!p0 [tilespmem:s5], [sflag:$0x6], $0x80, s3, s24, $0xb8;
	[tilespmem:$0x1F378] =	vst v63  }
0x10d: {  	_ =	swait.ge @!p0 [sflag:s13], $0x2800  }
0x10e: {  	[sflag:s13] =	ssyncset.done @!p0 $0x0  }
0x10f: {  	[sflag:s13] =	ssyncadd.s32 @!p0 $0xFFFFD800  }
0x110: {  	_ =	swait.ge @p0 [sflag:s0], $0x2800  }
0x111: {  	[sflag:s0] =	ssyncset.done @p0 $0x0  }
0x112: {  	s17 =	simm.s32 @p0 $0x6;
	s3 =	simm.s32 @p0 $0x3000;
	[sflag:s0] =	ssyncadd.s32 @p0 $0xFFFFD800  }
0x113: {  	[spmem:s2] =	stream.indirect.scatter.add.f32 @p0 [tilespmem:s18], [sflag:$0x6], $0x80, s3, s7, $0xb8;
	[tilespmem:$0x1F378] =	vst v63  }
0x114: {  	_ =	swait.ge @p0 [sflag:s17], $0x2800  }
0x115: {  	[sflag:s17] =	ssyncset.done @p0 $0x0  }
0x116: {  	s15 =	simm.s32 @p0 $0xB800;
	[sflag:s17] =	ssyncadd.s32 @p0 $0xFFFFD800  }
0x117: {  	[spmem:s16] =	stream.indirect.scatter.add.f32 @p0 [tilespmem:s15], [sflag:$0x4], $0x1, s3, s7, $0xb8;
	[tilespmem:$0x1F378] =	vst v63  }
0x118: {  	s0 =	simm.s32 @!p2 $0x2180  }
0x119: {  	[tilespmem:s4], [sflag:$0x1] =	stream.indirect.gather @!p2 [hbm4b:s6+s26], $0x80, s0, s26, $0xb8;
	[tilespmem:$0x1F378] =	vst v63  }
0x11a: {  	s5 =	simm.s32 @!p2 $0x2;
	s0 =	simm.s32 @p0 $0x2180  }
0x11b: {  	[tilespmem:s18], [sflag:$0x1] =	stream.indirect.gather @p0 [hbm4b:s28+s7], $0x80, s0, s7, $0xb8;
	[tilespmem:$0x1F378] =	vst v63  }
0x11c: {  	_ =	swait.ge @!p2 [sflag:s5], $0x2800  }
0x11d: {  	[sflag:s5] =	ssyncset.done @!p2 $0x0  }
0x11e: {  	s3 =	simm.s32 @!p0 $0x6800;
	s0 =	simm.s32 @!p0 $0x3080;
	[sflag:s5] =	ssyncadd.s32 @!p2 $0xFFFFD800  }
0x11f: {  	[spmem:s2] =	stream.indirect.scatter.add.f32 @!p0 [tilespmem:s3], [sflag:$0x6], $0x80, s0, s24, $0xb8;
	[tilespmem:$0x1F378] =	vst v63  }
0x120: {  	_ =	swait.ge @!p0 [sflag:s13], $0x2800  }
0x121: {  	[sflag:s13] =	ssyncset.done @!p0 $0x0  }
0x122: {  	s25 =	simm.s32 @p0 $0x2;
	[sflag:s13] =	ssyncadd.s32 @!p0 $0xFFFFD800  }
0x123: {  	_ =	swait.ge @p0 [sflag:s25], $0x2800  }
0x124: {  	[sflag:s25] =	ssyncset.done @p0 $0x0  }
0x125: {  	p1 =	por $0x0, $0x0;
	s0 =	simm.s32 @p0 $0x3080;
	[sflag:s25] =	ssyncadd.s32 @p0 $0xFFFFD800  }
0x126: {  	[spmem:s2] =	stream.indirect.scatter.add.f32 @p0 [tilespmem:s1], [sflag:$0x6], $0x80, s0, s7, $0xb8;
	[tilespmem:$0x1F378] =	vst v63  }
0x127: {  	p3 =	sne.s32 @!p1 s23, $0x0;
	_ =	swait.ge @p0 [sflag:s17], $0x2800  }
0x128: {  	p4 =	por !p0, p1;
	p1 =	por p3, p1;
	[sflag:s17] =	ssyncset.done @p0 $0x0  }
0x129: {  	s12 =	simm.s32 @!p4 $0x6800;
	s14 =	simm.s32 @!p1 $0x6800;
	[sflag:s17] =	ssyncadd.s32 @p0 $0xFFFFD800  }
0x12a: {  	[spmem:s16] =	stream.indirect.scatter.add.f32 @p0 [tilespmem:s15], [sflag:$0x4], $0x1, s0, s7, $0xb8;
	[tilespmem:$0x1F378] =	vst v63  }
0x12b: {  	s1 =	smov.u32 s16;
	s0 =	simm.s32 @!p1 $0x2200;
	s16 =	simm.s32 @!p1 $0x50  }
0x12c: {  	[tilespmem:s14], [sflag:$0x2] =	stream.indirect.gather @!p1 [hbm4b:s6+s16], $0x80, s0, s16, $0xb8;
	[tilespmem:$0x1F378] =	vst v63  }
0x12d: {  	s0 =	simm.s32 @!p4 $0x50;
	s14 =	simm.s32 @!p4 $0x2200;
	s16 =	simm.s32 @!p2 $0x3  }
0x12e: {  	[tilespmem:s12], [sflag:$0x2] =	stream.indirect.gather @!p4 [hbm4b:s28+s0], $0x80, s14, s0, $0xb8;
	[tilespmem:$0x1F378] =	vst v63  }
0x12f: {  	_ =	swait.ge @!p2 [sflag:s16], $0x2800  }
0x130: {  	[sflag:s16] =	ssyncset.done @!p2 $0x0  }
0x131: {  	s22 =	simm.s32 @!p0 $0x9000;
	s0 =	simm.s32 @!p0 $0x3100;
	[sflag:s16] =	ssyncadd.s32 @!p2 $0xFFFFD800  }
0x132: {  	[spmem:s2] =	stream.indirect.scatter.add.f32 @!p0 [tilespmem:s22], [sflag:$0x6], $0x80, s0, s24, $0xb8;
	[tilespmem:$0x1F378] =	vst v63  }
0x133: {  	_ =	swait.ge @!p0 [sflag:s13], $0x2800  }
0x134: {  	[sflag:s13] =	ssyncset.done @!p0 $0x0  }
0x135: {  	s30 =	simm.s32 @p0 $0x3;
	[sflag:s13] =	ssyncadd.s32 @!p0 $0xFFFFD800  }
0x136: {  	_ =	swait.ge @p0 [sflag:s30], $0x2800  }
0x137: {  	s29 =	simm.s32 @p0 $0x3100;
	[sflag:s30] =	ssyncset.done @p0 $0x0  }
0x138: {  	s31 =	simm.s32 $0xC00;
	s21 =	simm.s32 @p0 $0x180;
	[sflag:s30] =	ssyncadd.s32 @p0 $0xFFFFD800  }
0x139: {  	[spmem:s2] =	stream.indirect.scatter.add.f32 @p0 [tilespmem:s20], [sflag:$0x6], $0x80, s29, s7, $0xb8;
	[tilespmem:$0x1F378] =	vst v63  }
0x13a: {  	s11 =	smov.u32 s23;
	s14 =	simm.s32 $0x600;
	_ =	swait.ge @p0 [sflag:s17], $0x2800  }
.LBB2_15:
0x13b: {  	s23 =	sshra.s32 @!p2 s14, $0x2  }
0x13c: {  	[sflag:s17] =	ssyncset.done @p0 $0x0;
	s12 =	smov.u32 s31;
	s31 =	sadd.s32 $0x600, s31  }
0x13d: {  	p3 =	sne.s32 s31, $0x3000;
	[sflag:s17] =	ssyncadd.s32 @p0 $0xFFFFD800  }
0x13e: {  	[spmem:s1] =	stream.indirect.scatter.add.f32 @p0 [tilespmem:s15], [sflag:$0x4], $0x1, s29, s7, $0xb8;
	[tilespmem:$0x1F378] =	vst v63  }
0x13f: {  	s4 =	simm.s32 @!p2 $0x9000;
	s0 =	sadd.s32 @!p2 $0x2100, s23  }
0x140: {  	[tilespmem:s4], [sflag:$0x3] =	stream.indirect.gather @!p2 [hbm4b:s6+s26], $0x80, s0, s26, $0xb8;
	[tilespmem:$0x1F378] =	vst v63  }
0x141: {  	s29 =	sshra.s32 @!p0 s14, $0x2;
	s0 =	sadd.s32 @p0 $0x2100, s21  }
0x142: {  	[tilespmem:s20], [sflag:$0x3] =	stream.indirect.gather @p0 [hbm4b:s28+s7], $0x80, s0, s7, $0xb8;
	[tilespmem:$0x1F378] =	vst v63  }
0x143: {  	s0 =	sadd.s32 @!p0 $0x3000, s29;
	_ =	swait.ge @!p2 [sflag:s8], $0x2800  }
0x144: {  	[sflag:s8] =	ssyncset.done @!p2 $0x0  }
0x145: {  	s4 =	simm.s32 @!p0 $0x4000;
	[sflag:s8] =	ssyncadd.s32 @!p2 $0xFFFFD800  }
0x146: {  	[spmem:s2] =	stream.indirect.scatter.add.f32 @!p0 [tilespmem:s4], [sflag:$0x6], $0x80, s0, s24, $0xb8;
	[tilespmem:$0x1F378] =	vst v63  }
0x147: {  	s0 =	simm.s32 @p0 $0x1;
	_ =	swait.ge @!p0 [sflag:s13], $0x2800  }
0x148: {  	[sflag:s13] =	ssyncset.done @!p0 $0x0  }
0x149: {  	[sflag:s13] =	ssyncadd.s32 @!p0 $0xFFFFD800  }
0x14a: {  	s10 =	sadd.s32 @p0 $0x3000, s21;
	_ =	swait.ge @p0 [sflag:s0], $0x2800  }
0x14b: {  	[sflag:s0] =	ssyncset.done @p0 $0x0  }
0x14c: {  	[sflag:s0] =	ssyncadd.s32 @p0 $0xFFFFD800  }
0x14d: {  	[spmem:s2] =	stream.indirect.scatter.add.f32 @p0 [tilespmem:s18], [sflag:$0x6], $0x80, s10, s7, $0xb8;
	[tilespmem:$0x1F378] =	vst v63  }
0x14e: {  	_ =	swait.ge @p0 [sflag:s17], $0x2800  }
0x14f: {  	[sflag:s17] =	ssyncset.done @p0 $0x0  }
0x150: {  	[sflag:s17] =	ssyncadd.s32 @p0 $0xFFFFD800  }
0x151: {  	[spmem:s1] =	stream.indirect.scatter.add.f32 @p0 [tilespmem:s15], [sflag:$0x4], $0x1, s10, s7, $0xb8;
	[tilespmem:$0x1F378] =	vst v63  }
0x152: {  	s4 =	simm.s32 @!p2 $0x4000;
	s10 =	sadd.s32 @!p2 $0x2180, s23  }
0x153: {  	[tilespmem:s4], [sflag:$0x1] =	stream.indirect.gather @!p2 [hbm4b:s6+s26], $0x80, s10, s26, $0xb8;
	[tilespmem:$0x1F378] =	vst v63  }
0x154: {  	s10 =	sadd.s32 @p0 $0x2180, s21  }
0x155: {  	[tilespmem:s18], [sflag:$0x1] =	stream.indirect.gather @p0 [hbm4b:s28+s7], $0x80, s10, s7, $0xb8;
	[tilespmem:$0x1F378] =	vst v63  }
0x156: {  	s10 =	sadd.s32 @!p0 $0x3080, s29;
	_ =	swait.ge @!p2 [sflag:s5], $0x2800  }
0x157: {  	[sflag:s5] =	ssyncset.done @!p2 $0x0  }
0x158: {  	[sflag:s5] =	ssyncadd.s32 @!p2 $0xFFFFD800  }
0x159: {  	[spmem:s2] =	stream.indirect.scatter.add.f32 @!p0 [tilespmem:s3], [sflag:$0x6], $0x80, s10, s24, $0xb8;
	[tilespmem:$0x1F378] =	vst v63  }
0x15a: {  	_ =	swait.ge @!p0 [sflag:s13], $0x2800  }
0x15b: {  	[sflag:s13] =	ssyncset.done @!p0 $0x0  }
0x15c: {  	[sflag:s13] =	ssyncadd.s32 @!p0 $0xFFFFD800  }
0x15d: {  	s10 =	sadd.s32 @p0 $0x3080, s21;
	_ =	swait.ge @p0 [sflag:s25], $0x2800  }
0x15e: {  	p1 =	seq.s32 s14, $0x2A00;
	s19 =	smov.u32 s28;
	[sflag:s25] =	ssyncset.done @p0 $0x0  }
0x15f: {  	p4 =	sne.s32 @!p1 s11, $0x0;
	s4 =	simm.s32 @p0 $0x6800;
	[sflag:s25] =	ssyncadd.s32 @p0 $0xFFFFD800  }
0x160: {  	[spmem:s2] =	stream.indirect.scatter.add.f32 @p0 [tilespmem:s4], [sflag:$0x6], $0x80, s10, s7, $0xb8;
	[tilespmem:$0x1F378] =	vst v63  }
0x161: {  	p4 =	por p4, p1;
	p1 =	por !p0, p1;
	_ =	swait.ge @p0 [sflag:s17], $0x2800  }
0x162: {  	s9 =	simm.s32 @!p1 $0x6800;
	s23 =	sshra.s32 @!p4 s14, $0x2;
	[sflag:s17] =	ssyncset.done @p0 $0x0  }
0x163: {  	s23 =	sadd.s32 @!p4 $0x2200, s23;
	s28 =	simm.s32 @!p4 $0x6800;
	[sflag:s17] =	ssyncadd.s32 @p0 $0xFFFFD800  }
0x164: {  	[spmem:s1] =	stream.indirect.scatter.add.f32 @p0 [tilespmem:s15], [sflag:$0x4], $0x1, s10, s7, $0xb8;
	[tilespmem:$0x1F378] =	vst v63  }
0x165: {  	s14 =	sshra.s32 @!p1 s14, $0x2;
	s4 =	simm.s32 @!p1 $0x50;
	s10 =	simm.s32 @!p4 $0x50  }
0x166: {  	[tilespmem:s28], [sflag:$0x2] =	stream.indirect.gather @!p4 [hbm4b:s6+s10], $0x80, s23, s10, $0xb8;
	[tilespmem:$0x1F378] =	vst v63  }
0x167: {  	s28 =	smov.u32 s19  }
0x168: {  	s10 =	sadd.s32 @!p1 $0x2200, s14;
	s14 =	smov.u32 s12  }
0x169: {  	[tilespmem:s9], [sflag:$0x2] =	stream.indirect.gather @!p1 [hbm4b:s19+s4], $0x80, s10, s4, $0xb8;
	[tilespmem:$0x1F378] =	vst v63  }
0x16a: {  	s4 =	sadd.s32 @!p0 $0x3100, s29;
	_ =	swait.ge @!p2 [sflag:s16], $0x2800  }
0x16b: {  	[sflag:s16] =	ssyncset.done @!p2 $0x0  }
0x16c: {  	[sflag:s16] =	ssyncadd.s32 @!p2 $0xFFFFD800  }
0x16d: {  	[spmem:s2] =	stream.indirect.scatter.add.f32 @!p0 [tilespmem:s22], [sflag:$0x6], $0x80, s4, s24, $0xb8;
	[tilespmem:$0x1F378] =	vst v63  }
0x16e: {  	_ =	swait.ge @!p0 [sflag:s13], $0x2800  }
0x16f: {  	[sflag:s13] =	ssyncset.done @!p0 $0x0  }
0x170: {  	[sflag:s13] =	ssyncadd.s32 @!p0 $0xFFFFD800  }
.Ltmp13:
0x171: {  	s29 =	sadd.s32 @p0 $0x3100, s21;
	_ =	swait.ge @p0 [sflag:s30], $0x2800;
	(pc) =	sbr.rel @p3 .LBB2_15-.Ltmp13, $4  }
0x172: {  	[sflag:s30] =	ssyncset.done @p0 $0x0  }
0x173: {  	[sflag:s30] =	ssyncadd.s32 @p0 $0xFFFFD800  }
0x174: {  	[spmem:s2] =	stream.indirect.scatter.add.f32 @p0 [tilespmem:s20], [sflag:$0x6], $0x80, s29, s7, $0xb8;
	[tilespmem:$0x1F378] =	vst v63  }
0x175: {  	s21 =	sshra.s32 @p0 s14, $0x2;
	_ =	swait.ge @p0 [sflag:s17], $0x2800  }
0x176: {  	[sflag:s17] =	ssyncset.done @p0 $0x0  }
0x177: {  	s4 =	sshra.s32 @!p2 s14, $0x2;
	[sflag:s17] =	ssyncadd.s32 @p0 $0xFFFFD800  }
0x178: {  	[spmem:s1] =	stream.indirect.scatter.add.f32 @p0 [tilespmem:s15], [sflag:$0x4], $0x1, s29, s7, $0xb8;
	[tilespmem:$0x1F378] =	vst v63  }
0x179: {  	s5 =	simm.s32 @!p2 $0x9000;
	s3 =	sadd.s32 @!p2 $0x2100, s4  }
0x17a: {  	[tilespmem:s5], [sflag:$0x3] =	stream.indirect.gather @!p2 [hbm4b:s6+s26], $0x80, s3, s26, $0xb8;
	[tilespmem:$0x1F378] =	vst v63  }
0x17b: {  	s5 =	sadd.s32 @p0 $0x2100, s21;
	s3 =	simm.s32 @p0 $0x9000  }
0x17c: {  	[tilespmem:s3], [sflag:$0x3] =	stream.indirect.gather @p0 [hbm4b:s28+s7], $0x80, s5, s7, $0xb8;
	[tilespmem:$0x1F378] =	vst v63  }
0x17d: {  	s16 =	sshra.s32 @!p0 s14, $0x2;
	_ =	swait.ge @!p2 [sflag:s8], $0x2800  }
0x17e: {  	s12 =	simm.s32 @!p0 $0x50;
	s10 =	simm.s32 @!p0 $0x4000;
	[sflag:s8] =	ssyncset.done @!p2 $0x0  }
0x17f: {  	s9 =	sadd.s32 @!p0 $0x3000, s16;
	s5 =	simm.s32 @!p0 $0x6;
	[sflag:s8] =	ssyncadd.s32 @!p2 $0xFFFFD800  }
0x180: {  	[spmem:s2] =	stream.indirect.scatter.add.f32 @!p0 [tilespmem:s10], [sflag:$0x6], $0x80, s9, s12, $0xb8;
	[tilespmem:$0x1F378] =	vst v63  }
0x181: {  	_ =	swait.ge @!p0 [sflag:s5], $0x2800  }
0x182: {  	[sflag:s5] =	ssyncset.done @!p0 $0x0  }
0x183: {  	[sflag:s5] =	ssyncadd.s32 @!p0 $0xFFFFD800  }
0x184: {  	_ =	swait.ge @p0 [sflag:s0], $0x2800  }
0x185: {  	[sflag:s0] =	ssyncset.done @p0 $0x0  }
0x186: {  	s13 =	simm.s32 @p0 $0x6;
	s9 =	sadd.s32 @p0 $0x3000, s21;
	[sflag:s0] =	ssyncadd.s32 @p0 $0xFFFFD800  }
0x187: {  	[spmem:s2] =	stream.indirect.scatter.add.f32 @p0 [tilespmem:s18], [sflag:$0x6], $0x80, s9, s7, $0xb8;
	[tilespmem:$0x1F378] =	vst v63  }
0x188: {  	_ =	swait.ge @p0 [sflag:s13], $0x2800  }
0x189: {  	[sflag:s13] =	ssyncset.done @p0 $0x0  }
0x18a: {  	s0 =	simm.s32 @p0 $0xB800;
	[sflag:s13] =	ssyncadd.s32 @p0 $0xFFFFD800  }
0x18b: {  	[spmem:s1] =	stream.indirect.scatter.add.f32 @p0 [tilespmem:s0], [sflag:$0x4], $0x1, s9, s7, $0xb8;
	[tilespmem:$0x1F378] =	vst v63  }
0x18c: {  	s4 =	sadd.s32 @!p2 $0x2180, s4;
	s9 =	simm.s32 @!p2 $0x4000  }
0x18d: {  	[tilespmem:s9], [sflag:$0x1] =	stream.indirect.gather @!p2 [hbm4b:s6+s26], $0x80, s4, s26, $0xb8;
	[tilespmem:$0x1F378] =	vst v63  }
0x18e: {  	s4 =	sadd.s32 @p0 $0x2180, s21;
	s9 =	simm.s32 @!p2 $0x2  }
0x18f: {  	[tilespmem:s18], [sflag:$0x1] =	stream.indirect.gather @p0 [hbm4b:s28+s7], $0x80, s4, s7, $0xb8;
	[tilespmem:$0x1F378] =	vst v63  }
0x190: {  	_ =	swait.ge @!p2 [sflag:s9], $0x2800  }
0x191: {  	[sflag:s9] =	ssyncset.done @!p2 $0x0  }
0x192: {  	s10 =	simm.s32 @!p0 $0x6800;
	s4 =	sadd.s32 @!p0 $0x3080, s16;
	[sflag:s9] =	ssyncadd.s32 @!p2 $0xFFFFD800  }
0x193: {  	[spmem:s2] =	stream.indirect.scatter.add.f32 @!p0 [tilespmem:s10], [sflag:$0x6], $0x80, s4, s12, $0xb8;
	[tilespmem:$0x1F378] =	vst v63  }
0x194: {  	_ =	swait.ge @!p0 [sflag:s5], $0x2800  }
0x195: {  	[sflag:s5] =	ssyncset.done @!p0 $0x0  }
0x196: {  	s4 =	simm.s32 @p0 $0x2;
	[sflag:s5] =	ssyncadd.s32 @!p0 $0xFFFFD800  }
0x197: {  	p1 =	seq.s32 s14, $0x2A00;
	_ =	swait.ge @p0 [sflag:s4], $0x2800  }
0x198: {  	p3 =	sne.s32 @!p1 s11, $0x0;
	[sflag:s4] =	ssyncset.done @p0 $0x0  }
0x199: {  	s9 =	sadd.s32 @p0 $0x3080, s21;
	[sflag:s4] =	ssyncadd.s32 @p0 $0xFFFFD800;
	s4 =	simm.s32 @p0 $0x6800  }
0x19a: {  	[spmem:s2] =	stream.indirect.scatter.add.f32 @p0 [tilespmem:s4], [sflag:$0x6], $0x80, s9, s7, $0xb8;
	[tilespmem:$0x1F378] =	vst v63  }
0x19b: {  	p3 =	por p3, p1;
	_ =	swait.ge @p0 [sflag:s13], $0x2800  }
0x19c: {  	p1 =	por !p0, p1;
	s15 =	simm.s32 @!p3 $0x50;
	[sflag:s13] =	ssyncset.done @p0 $0x0  }
0x19d: {  	s10 =	simm.s32 @!p1 $0x6800;
	s4 =	sshra.s32 @!p3 s14, $0x2;
	[sflag:s13] =	ssyncadd.s32 @p0 $0xFFFFD800  }
0x19e: {  	[spmem:s1] =	stream.indirect.scatter.add.f32 @p0 [tilespmem:s0], [sflag:$0x4], $0x1, s9, s7, $0xb8;
	[tilespmem:$0x1F378] =	vst v63  }
0x19f: {  	s14 =	sshra.s32 @!p1 s14, $0x2;
	s4 =	sadd.s32 @!p3 $0x2200, s4;
	s9 =	simm.s32 @!p3 $0x6800  }
0x1a0: {  	[tilespmem:s9], [sflag:$0x2] =	stream.indirect.gather @!p3 [hbm4b:s6+s15], $0x80, s4, s15, $0xb8;
	[tilespmem:$0x1F378] =	vst v63  }
0x1a1: {  	s4 =	simm.s32 @!p1 $0x50;
	s9 =	sadd.s32 @!p1 $0x2200, s14;
	s14 =	simm.s32 @!p2 $0x3  }
0x1a2: {  	[tilespmem:s10], [sflag:$0x2] =	stream.indirect.gather @!p1 [hbm4b:s28+s4], $0x80, s9, s4, $0xb8;
	[tilespmem:$0x1F378] =	vst v63  }
0x1a3: {  	_ =	swait.ge @!p2 [sflag:s14], $0x2800  }
0x1a4: {  	[sflag:s14] =	ssyncset.done @!p2 $0x0  }
0x1a5: {  	s4 =	sadd.s32 @!p0 $0x3100, s16;
	s9 =	simm.s32 @!p0 $0x9000;
	[sflag:s14] =	ssyncadd.s32 @!p2 $0xFFFFD800  }
0x1a6: {  	[spmem:s2] =	stream.indirect.scatter.add.f32 @!p0 [tilespmem:s9], [sflag:$0x6], $0x80, s4, s12, $0xb8;
	[tilespmem:$0x1F378] =	vst v63  }
0x1a7: {  	_ =	swait.ge @!p0 [sflag:s5], $0x2800  }
0x1a8: {  	[sflag:s5] =	ssyncset.done @!p0 $0x0  }
0x1a9: {  	s4 =	simm.s32 @p0 $0x3;
	[sflag:s5] =	ssyncadd.s32 @!p0 $0xFFFFD800  }
0x1aa: {  	_ =	swait.ge @p0 [sflag:s4], $0x2800  }
0x1ab: {  	[sflag:s4] =	ssyncset.done @p0 $0x0  }
0x1ac: {  	s5 =	sadd.s32 @p0 $0x3100, s21;
	[sflag:s4] =	ssyncadd.s32 @p0 $0xFFFFD800  }
0x1ad: {  	[spmem:s2] =	stream.indirect.scatter.add.f32 @p0 [tilespmem:s3], [sflag:$0x6], $0x80, s5, s7, $0xb8;
	[tilespmem:$0x1F378] =	vst v63  }
0x1ae: {  	_ =	swait.ge @p0 [sflag:s13], $0x2800  }
0x1af: {  	[sflag:s13] =	ssyncset.done @p0 $0x0  }
.Ltmp14:
0x1b0: {  	[sflag:s13] =	ssyncadd.s32 @p0 $0xFFFFD800;
	(pc) =	sbr.rel @!p0 .LBB2_18-.Ltmp14, $4  }
0x1b1: {  	[spmem:s1] =	stream.indirect.scatter.add.f32 @p0 [tilespmem:s0], [sflag:$0x4], $0x1, s5, s7, $0xb8;
	[tilespmem:$0x1F378] =	vst v63  }
0x1b2: {  	_ =	swait.ge @!p2 [sflag:s8], $0x2800  }
0x1b3: {  	s23 =	smov.u32 s11;
	[sflag:s8] =	ssyncset.done @!p2 $0x0  }
0x1b4: {  	s24 =	simm.s32 $0x6800;
	s14 =	smov.u32 s1;
	[sflag:s8] =	ssyncadd.s32 @!p2 $0xFFFFD800  }
0x1b5: {  	s0 =	simm.s32 $0x1  }
0x1b6: {  	_ =	swait.ge [sflag:s0], $0x2800  }
0x1b7: {  	s21 =	simm.s32 $0x50;
	s22 =	simm.s32 $0x4000;
	[sflag:s0] =	ssyncset.done $0x0  }
0x1b8: {  	s30 =	simm.s32 $0x3C00;
	s18 =	simm.s32 $0x6;
	[sflag:s0] =	ssyncadd.s32 $0xFFFFD800  }
0x1b9: {  	[spmem:s2] =	stream.indirect.scatter.add.f32 [tilespmem:s22], [sflag:$0x6], $0x80, s30, s21, $0xb8;
	[tilespmem:$0x1F378] =	vst v63  }
0x1ba: {  	_ =	swait.ge [sflag:s18], $0x2800  }
0x1bb: {  	[sflag:s18] =	ssyncset.done $0x0  }
0x1bc: {  	s17 =	simm.s32 $0xB800;
	s31 =	simm.s32 $0x4;
	[sflag:s18] =	ssyncadd.s32 $0xFFFFD800  }
0x1bd: {  	[spmem:s14] =	stream.indirect.scatter.add.f32 [tilespmem:s17], [sflag:$0x4], $0x1, s30, s21, $0xb8;
	[tilespmem:$0x1F378] =	vst v63  }
0x1be: {  	_ =	swait.ge [sflag:s31], $0x50  }
0x1bf: {  	[sflag:s31] =	ssyncset.done $0x0  }
0x1c0: {  	[sflag:s31] =	ssyncadd.s32 $0xFFFFFFB0  }
0x1c1: {  	_ =	swait.ge [sflag:s31], $0x50  }
0x1c2: {  	[sflag:s31] =	ssyncset.done $0x0  }
0x1c3: {  	[sflag:s31] =	ssyncadd.s32 $0xFFFFFFB0  }
0x1c4: {  	_ =	swait.ge [sflag:s31], $0x50  }
0x1c5: {  	[sflag:s31] =	ssyncset.done $0x0  }
0x1c6: {  	[sflag:s31] =	ssyncadd.s32 $0xFFFFFFB0  }
0x1c7: {  	_ =	swait.ge [sflag:s31], $0x50  }
0x1c8: {  	[sflag:s31] =	ssyncset.done $0x0  }
0x1c9: {  	[sflag:s31] =	ssyncadd.s32 $0xFFFFFFB0  }
0x1ca: {  	_ =	swait.ge [sflag:s31], $0x50  }
0x1cb: {  	[sflag:s31] =	ssyncset.done $0x0  }
0x1cc: {  	[sflag:s31] =	ssyncadd.s32 $0xFFFFFFB0  }
0x1cd: {  	_ =	swait.ge [sflag:s31], $0x50  }
0x1ce: {  	[sflag:s31] =	ssyncset.done $0x0  }
0x1cf: {  	[sflag:s31] =	ssyncadd.s32 $0xFFFFFFB0  }
0x1d0: {  	_ =	swait.ge [sflag:s31], $0x50  }
0x1d1: {  	[sflag:s31] =	ssyncset.done $0x0  }
0x1d2: {  	[sflag:s31] =	ssyncadd.s32 $0xFFFFFFB0  }
0x1d3: {  	_ =	swait.ge [sflag:s31], $0x50  }
0x1d4: {  	[sflag:s31] =	ssyncset.done $0x0  }
0x1d5: {  	[sflag:s31] =	ssyncadd.s32 $0xFFFFFFB0  }
0x1d6: {  	_ =	swait.ge [sflag:s31], $0x50  }
0x1d7: {  	[sflag:s31] =	ssyncset.done $0x0  }
0x1d8: {  	[sflag:s31] =	ssyncadd.s32 $0xFFFFFFB0  }
0x1d9: {  	_ =	swait.ge [sflag:s31], $0x50  }
0x1da: {  	[sflag:s31] =	ssyncset.done $0x0  }
0x1db: {  	[sflag:s31] =	ssyncadd.s32 $0xFFFFFFB0  }
0x1dc: {  	_ =	swait.ge [sflag:s31], $0x50  }
0x1dd: {  	[sflag:s31] =	ssyncset.done $0x0  }
0x1de: {  	[sflag:s31] =	ssyncadd.s32 $0xFFFFFFB0  }
0x1df: {  	_ =	swait.ge [sflag:s31], $0x50  }
0x1e0: {  	[sflag:s31] =	ssyncset.done $0x0  }
0x1e1: {  	[sflag:s31] =	ssyncadd.s32 $0xFFFFFFB0  }
0x1e2: {  	_ =	swait.ge [sflag:s31], $0x50  }
0x1e3: {  	[sflag:s31] =	ssyncset.done $0x0  }
0x1e4: {  	[sflag:s31] =	ssyncadd.s32 $0xFFFFFFB0  }
0x1e5: {  	_ =	swait.ge [sflag:s31], $0x50  }
0x1e6: {  	[sflag:s31] =	ssyncset.done $0x0  }
0x1e7: {  	[sflag:s31] =	ssyncadd.s32 $0xFFFFFFB0  }
0x1e8: {  	_ =	swait.ge [sflag:s31], $0x50  }
0x1e9: {  	[sflag:s31] =	ssyncset.done $0x0  }
0x1ea: {  	[sflag:s31] =	ssyncadd.s32 $0xFFFFFFB0  }
0x1eb: {  	_ =	swait.ge [sflag:s31], $0x50  }
0x1ec: {  	[sflag:s31] =	ssyncset.done $0x0  }
0x1ed: {  	[sflag:s31] =	ssyncadd.s32 $0xFFFFFFB0  }
0x1ee: {  	_ =	swait.ge [sflag:s31], $0x50  }
0x1ef: {  	[sflag:s31] =	ssyncset.done $0x0  }
0x1f0: {  	[sflag:s31] =	ssyncadd.s32 $0xFFFFFFB0  }
0x1f1: {  	_ =	swait.ge [sflag:s31], $0x50  }
0x1f2: {  	[sflag:s31] =	ssyncset.done $0x0  }
0x1f3: {  	[sflag:s31] =	ssyncadd.s32 $0xFFFFFFB0  }
0x1f4: {  	_ =	swait.ge [sflag:s31], $0x50  }
0x1f5: {  	[sflag:s31] =	ssyncset.done $0x0  }
0x1f6: {  	[sflag:s31] =	ssyncadd.s32 $0xFFFFFFB0  }
0x1f7: {  	_ =	swait.ge [sflag:s31], $0x50  }
0x1f8: {  	[sflag:s31] =	ssyncset.done $0x0  }
0x1f9: {  	[sflag:s31] =	ssyncadd.s32 $0xFFFFFFB0  }
0x1fa: {  	_ =	swait.ge [sflag:s31], $0x50  }
0x1fb: {  	[sflag:s31] =	ssyncset.done $0x0  }
0x1fc: {  	[sflag:s31] =	ssyncadd.s32 $0xFFFFFFB0  }
0x1fd: {  	_ =	swait.ge [sflag:s31], $0x50  }
0x1fe: {  	[sflag:s31] =	ssyncset.done $0x0  }
0x1ff: {  	[sflag:s31] =	ssyncadd.s32 $0xFFFFFFB0  }
0x200: {  	_ =	swait.ge [sflag:s31], $0x50  }
0x201: {  	[sflag:s31] =	ssyncset.done $0x0  }
0x202: {  	[sflag:s31] =	ssyncadd.s32 $0xFFFFFFB0  }
0x203: {  	_ =	swait.ge [sflag:s31], $0x50  }
.Ltmp15:
0x204: {  	[sflag:s31] =	ssyncset.done $0x0;
	(pc) =	sbr.rel .LBB2_19-.Ltmp15, $4  }
0x205: {  	s1 =	simm.s32 $0x0;
	[sflag:s31] =	ssyncadd.s32 $0xFFFFFFB0  }
0x206: {  	s20 =	simm.s32 $0x5;
	s25 =	simm.s32 $0x3;
	_ =	swait.ge [sflag:s31], $0x50  }
0x207: {  	s26 =	simm.s32 $0x9000;
	[sflag:s31] =	ssyncset.done $0x0;
	s15 =	rddreg [dreg:$0xb]  }
0x208: {  	s29 =	simm.s32 $0x1C00;
	s16 =	rddreg [dreg:$0xc];
	[sflag:s31] =	ssyncadd.s32 $0xFFFFFFB0  }
.LBB2_18:
0x209: {  	s21 =	simm.s32 $0x50;
	s22 =	simm.s32 $0x4000;
	s0 =	simm.s32 $0x3C00  }
0x20a: {  	s18 =	simm.s32 $0x6;
	s1 =	simm.s32 $0x0;
	s17 =	simm.s32 $0xB800  }
0x20b: {  	[spmem:s2] =	stream.indirect.scatter.add.f32 [tilespmem:s22], [sflag:$0x6], $0x80, s0, s21, $0xb8;
	[tilespmem:$0x1F378] =	vst v63  }
0x20c: {  	s20 =	simm.s32 $0x5;
	s25 =	simm.s32 $0x3;
	_ =	swait.ge [sflag:s18], $0x2800  }
0x20d: {  	s26 =	simm.s32 $0x9000;
	[sflag:s18] =	ssyncset.done $0x0;
	s15 =	rddreg [dreg:$0xb]  }
0x20e: {  	s29 =	simm.s32 $0x1C00;
	s16 =	rddreg [dreg:$0xc];
	[sflag:s18] =	ssyncadd.s32 $0xFFFFD800  }
.LBB2_19:
0x20f: {  	_ =	swait.ge [sflag:s20], $0xC80  }
0x210: {  	[sflag:s20] =	ssyncset.done $0x0  }
0x211: {  	[sflag:s20] =	ssyncadd.s32 $0xFFFFF380  }
0x212: {  	_ =	swait.ge [sflag:s20], $0xC80  }
0x213: {  	[sflag:s20] =	ssyncset.done $0x0  }
0x214: {  	s0 =	sadd.s32 $0x600, s15;
	s3 =	simm.s32 $0x2000;
	[sflag:s20] =	ssyncadd.s32 $0xFFFFF380  }
0x215: {  	[tilespmem:s3], [sflag:$0x5] =	stream.linear.gather [hbm4b:s0+s1], $0xC80, $0x38;
	[tilespmem:$0x1F378] =	vst v63  }
0x216: {  	s30 =	sadd.s32 $0x600, s16;
	s31 =	simm.s32 $0x3000  }
0x217: {  	[tilespmem:s31], [sflag:$0x5] =	stream.linear.gather [hbm4b:s30+s1], $0xC80, $0x38;
	[tilespmem:$0x1F378] =	vst v63  }
0x218: {  	s4 =	simm.s32 @!p2 $0x0;
	s0 =	simm.s32 @!p2 $0x50;
	s3 =	simm.s32 @!p2 $0x4000  }
0x219: {  	[tilespmem:s3], [sflag:$0x1] =	stream.indirect.gather @!p2 [hbm4b:s6+s0], $0x80, s4, s0, $0xb8;
	[tilespmem:$0x1F378] =	vst v63  }
0x21a: {  	s5 =	simm.s32 @p0 $0x50;
	s7 =	simm.s32 @p0 $0x4000;
	s4 =	simm.s32 @p0 $0x0  }
0x21b: {  	[tilespmem:s7], [sflag:$0x1] =	stream.indirect.gather @p0 [hbm4b:s28+s5], $0x80, s4, s5, $0xb8;
	[tilespmem:$0x1F378] =	vst v63  }
.Ltmp16:
0x21c: {  	s8 =	simm.s32 @!p2 $0x6800;
	s4 =	simm.s32 @!p2 $0x80;
	(pc) =	sbr.rel .LBB2_20-.Ltmp16, $4  }
0x21d: {  	[tilespmem:s8], [sflag:$0x2] =	stream.indirect.gather @!p2 [hbm4b:s6+s0], $0x80, s4, s0, $0xb8;
	[tilespmem:$0x1F378] =	vst v63  }
0x21e: {  	s9 =	simm.s32 $0x7;
	s4 =	simm.s32 @p0 $0x80;
	s8 =	simm.s32 @p0 $0x6800  }
0x21f: {  	[tilespmem:s8], [sflag:$0x2] =	stream.indirect.gather @p0 [hbm4b:s28+s5], $0x80, s4, s5, $0xb8;
	[tilespmem:$0x1F378] =	vst v63  }
0x220: {  	s11 =	simm.s32 $0x1080;
	s12 =	simm.s32 $0x200;
	s8 =	simm.s32 $0x0  }
.LBB2_26:
.Ltmp17:
0x221: {  	(pc) =	sbr.rel @p3 .LBB2_29-.Ltmp17, $2  }
0x222: {  	_ =	sdelay $0x2  }
0x223: {  	[spmem:s14] =	stream.indirect.scatter.add.f32 [tilespmem:s17], [sflag:$0x4], $0x1, s13, s21, $0xb8;
	[tilespmem:$0x1F378] =	vst v63  }
.LBB2_27:
0x224: {  	s9 =	sadd.s32 $0xFFFFFFFF, s9;
	s11 =	sadd.s32 $0x180, s11;
	s12 =	sadd.s32 $0x180, s12  }
.LBB2_20:
0x225: {  	s4 =	sadd.s32 @!p2 $0xFFFFFF00, s12;
	s10 =	simm.s32 @!p2 $0x9000  }
0x226: {  	[tilespmem:s10], [sflag:$0x3] =	stream.indirect.gather @!p2 [hbm4b:s6+s0], $0x80, s4, s0, $0xb8;
	[tilespmem:$0x1F378] =	vst v63  }
0x227: {  	s4 =	sadd.s32 @p0 $0xFFFFFF00, s12;
	s10 =	simm.s32 @p0 $0x9000  }
0x228: {  	[tilespmem:s10], [sflag:$0x3] =	stream.indirect.gather @p0 [hbm4b:s28+s5], $0x80, s4, s5, $0xb8;
	[tilespmem:$0x1F378] =	vst v63  }
0x229: {  	s4 =	simm.s32 @!p2 $0x1  }
0x22a: {  	_ =	swait.ge @!p2 [sflag:s4], $0x2800  }
0x22b: {  	[sflag:s4] =	ssyncset.done @!p2 $0x0  }
0x22c: {  	[sflag:s4] =	ssyncadd.s32 @!p2 $0xFFFFD800;
	s4 =	simm.s32 @p0 $0x1  }
0x22d: {  	_ =	swait.ge @p0 [sflag:s4], $0x2800  }
0x22e: {  	[sflag:s4] =	ssyncset.done @p0 $0x0  }
0x22f: {  	[sflag:s4] =	ssyncadd.s32 @p0 $0xFFFFD800;
	s4 =	sadd.s32 $0xFFFFFF80, s11  }
0x230: {  	[spmem:s2] =	stream.indirect.scatter.add.f32 [tilespmem:s22], [sflag:$0x6], $0x80, s4, s21, $0xb8;
	[tilespmem:$0x1F378] =	vst v63  }
0x231: {  	_ =	swait.ge [sflag:s18], $0x2800  }
0x232: {  	[sflag:s18] =	ssyncset.done $0x0  }
0x233: {  	s10 =	simm.s32 @!p2 $0xB800;
	[sflag:s18] =	ssyncadd.s32 $0xFFFFD800  }
0x234: {  	[spmem:s14] =	stream.indirect.scatter.add.f32 @!p2 [tilespmem:s10], [sflag:$0x4], $0x1, s4, s0, $0xb8;
	[tilespmem:$0x1F378] =	vst v63  }
0x235: {  	s4 =	sadd.s32 @!p2 $0xFFFFFF80, s12  }
0x236: {  	[tilespmem:s3], [sflag:$0x1] =	stream.indirect.gather @!p2 [hbm4b:s6+s0], $0x80, s4, s0, $0xb8;
	[tilespmem:$0x1F378] =	vst v63  }
0x237: {  	s4 =	sadd.s32 @p0 $0xFFFFFF80, s12  }
0x238: {  	[tilespmem:s7], [sflag:$0x1] =	stream.indirect.gather @p0 [hbm4b:s28+s5], $0x80, s4, s5, $0xb8;
	[tilespmem:$0x1F378] =	vst v63  }
0x239: {  	s4 =	simm.s32 @!p2 $0x2  }
0x23a: {  	_ =	swait.ge @!p2 [sflag:s4], $0x2800  }
0x23b: {  	[sflag:s4] =	ssyncset.done @!p2 $0x0  }
0x23c: {  	[sflag:s4] =	ssyncadd.s32 @!p2 $0xFFFFD800;
	s4 =	simm.s32 @p0 $0x2  }
0x23d: {  	_ =	swait.ge @p0 [sflag:s4], $0x2800  }
0x23e: {  	[sflag:s4] =	ssyncset.done @p0 $0x0  }
.Ltmp18:
0x23f: {  	[sflag:s4] =	ssyncadd.s32 @p0 $0xFFFFD800;
	(pc) =	sbr.rel @p2 .LBB2_58-.Ltmp18, $4  }
0x240: {  	[spmem:s2] =	stream.indirect.scatter.add.f32 [tilespmem:s24], [sflag:$0x6], $0x80, s11, s21, $0xb8;
	[tilespmem:$0x1F378] =	vst v63  }
0x241: {  	_ =	swait.ge [sflag:s18], $0x2800  }
0x242: {  	[sflag:s18] =	ssyncset.done $0x0  }
0x243: {  	p3 =	seq.s32 s9, $0x0;
	[sflag:s18] =	ssyncadd.s32 $0xFFFFD800  }
.Ltmp19:
0x244: {  	(pc) =	sbr.rel @p3 .LBB2_24-.Ltmp19, $2  }
0x245: {  	_ =	sdelay $0x2  }
0x246: {  	[spmem:s14] =	stream.indirect.scatter.add.f32 [tilespmem:s17], [sflag:$0x4], $0x1, s11, s21, $0xb8;
	[tilespmem:$0x1F378] =	vst v63  }
.Ltmp20:
0x247: {  	(pc) =	sbr.rel .LBB2_23-.Ltmp20, $2  }
0x248: {  	_ =	sdelay $0x2  }
0x249: {  	[tilespmem:s24], [sflag:$0x2] =	stream.indirect.gather [hbm4b:s6+s21], $0x80, s12, s21, $0xb8;
	[tilespmem:$0x1F378] =	vst v63  }
.LBB2_58:
.Ltmp21:
0x24a: {  	(pc) =	sbr.rel @p3 .LBB2_25-.Ltmp21, $1  }
0x24b: {  	_ =	sdelay $0x3  }
.LBB2_23:
.Ltmp22:
0x24c: {  	(pc) =	sbr.rel @p2 .LBB2_25-.Ltmp22, $3  }
0x24d: {  	_ =	sdelay $0x1  }
0x24e: {  	s4 =	simm.s32 @p0 $0x50;
	s10 =	simm.s32 @p0 $0x6800  }
0x24f: {  	[tilespmem:s10], [sflag:$0x2] =	stream.indirect.gather @p0 [hbm4b:s28+s4], $0x80, s12, s4, $0xb8;
	[tilespmem:$0x1F378] =	vst v63  }
.LBB2_24:
0x250: {  	_ =	swait.ge [sflag:s25], $0x2800  }
0x251: {  	[sflag:s25] =	ssyncset.done $0x0  }
0x252: {  	[sflag:s25] =	ssyncadd.s32 $0xFFFFD800  }
.LBB2_25:
0x253: {  	s4 =	simm.s32 @p0 $0x3  }
0x254: {  	_ =	swait.ge @p0 [sflag:s4], $0x2800  }
0x255: {  	[sflag:s4] =	ssyncset.done @p0 $0x0  }
.Ltmp23:
0x256: {  	s13 =	sadd.s32 $0x80, s11;
	[sflag:s4] =	ssyncadd.s32 @p0 $0xFFFFD800;
	(pc) =	sbr.rel @!p2 .LBB2_26-.Ltmp23, $4  }
0x257: {  	[spmem:s2] =	stream.indirect.scatter.add.f32 [tilespmem:s26], [sflag:$0x6], $0x80, s13, s21, $0xb8;
	[tilespmem:$0x1F378] =	vst v63  }
0x258: {  	_ =	swait.ge [sflag:s18], $0x2800  }
0x259: {  	[sflag:s18] =	ssyncset.done $0x0  }
0x25a: {  	s8 =	sadd.s32 $0x1, s8;
	[sflag:s18] =	ssyncadd.s32 $0xFFFFD800  }
.Ltmp24:
0x25b: {  	(pc) =	sbr.rel @!p3 .LBB2_27-.Ltmp24, $4  }
.Ltmp25:
0x25c: {  	(pc) =	sbr.rel @p3 .LBB2_30-.Ltmp25, $4  }
0x25d: {  	_ = 	snop  }
0x25e: {  	_ = 	snop  }
0x25f: {  	_ = 	snop  }
0x260: {  	_ = 	snop  }
.LBB2_29:
0x261: {  	s0 =	simm.s32 $0x1  }
0x262: {  	_ =	swait.ge [sflag:s0], $0x2800  }
0x263: {  	[sflag:s0] =	ssyncset.done $0x0  }
0x264: {  	[sflag:s0] =	ssyncadd.s32 $0xFFFFD800  }
.LBB2_30:
0x265: {  	s0 =	simm.s32 @p0 $0x1  }
0x266: {  	_ =	swait.ge @p0 [sflag:s0], $0x2800  }
0x267: {  	[sflag:s0] =	ssyncset.done @p0 $0x0  }
.Ltmp26:
0x268: {  	[sflag:s0] =	ssyncadd.s32 @p0 $0xFFFFD800;
	(pc) =	sbr.rel @p2 .LBB2_32-.Ltmp26, $4  }
0x269: {  	[spmem:s2] =	stream.indirect.scatter.add.f32 [tilespmem:s22], [sflag:$0x6], $0x80, s29, s21, $0xb8;
	[tilespmem:$0x1F378] =	vst v63  }
0x26a: {  	_ =	swait.ge [sflag:s18], $0x2800  }
0x26b: {  	[sflag:s18] =	ssyncset.done $0x0  }
0x26c: {  	[sflag:s18] =	ssyncadd.s32 $0xFFFFD800  }
0x26d: {  	[spmem:s14] =	stream.indirect.scatter.add.f32 [tilespmem:s17], [sflag:$0x4], $0x1, s29, s21, $0xb8;
	[tilespmem:$0x1F378] =	vst v63  }
0x26e: {  	s3 =	simm.s32 $0x4  }
0x26f: {  	_ =	swait.ge [sflag:s3], $0x50  }
0x270: {  	[sflag:s3] =	ssyncset.done $0x0  }
0x271: {  	[sflag:s3] =	ssyncadd.s32 $0xFFFFFFB0  }
0x272: {  	_ =	swait.ge [sflag:s3], $0x50  }
0x273: {  	[sflag:s3] =	ssyncset.done $0x0  }
0x274: {  	[sflag:s3] =	ssyncadd.s32 $0xFFFFFFB0  }
0x275: {  	_ =	swait.ge [sflag:s3], $0x50  }
0x276: {  	[sflag:s3] =	ssyncset.done $0x0  }
0x277: {  	[sflag:s3] =	ssyncadd.s32 $0xFFFFFFB0  }
0x278: {  	_ =	swait.ge [sflag:s3], $0x50  }
0x279: {  	[sflag:s3] =	ssyncset.done $0x0  }
0x27a: {  	[sflag:s3] =	ssyncadd.s32 $0xFFFFFFB0  }
0x27b: {  	_ =	swait.ge [sflag:s3], $0x50  }
0x27c: {  	[sflag:s3] =	ssyncset.done $0x0  }
0x27d: {  	[sflag:s3] =	ssyncadd.s32 $0xFFFFFFB0  }
0x27e: {  	_ =	swait.ge [sflag:s3], $0x50  }
0x27f: {  	[sflag:s3] =	ssyncset.done $0x0  }
0x280: {  	[sflag:s3] =	ssyncadd.s32 $0xFFFFFFB0  }
0x281: {  	_ =	swait.ge [sflag:s3], $0x50  }
0x282: {  	[sflag:s3] =	ssyncset.done $0x0  }
0x283: {  	[sflag:s3] =	ssyncadd.s32 $0xFFFFFFB0  }
0x284: {  	_ =	swait.ge [sflag:s3], $0x50  }
0x285: {  	[sflag:s3] =	ssyncset.done $0x0  }
0x286: {  	[sflag:s3] =	ssyncadd.s32 $0xFFFFFFB0  }
0x287: {  	_ =	swait.ge [sflag:s3], $0x50  }
0x288: {  	[sflag:s3] =	ssyncset.done $0x0  }
0x289: {  	[sflag:s3] =	ssyncadd.s32 $0xFFFFFFB0  }
0x28a: {  	_ =	swait.ge [sflag:s3], $0x50  }
0x28b: {  	[sflag:s3] =	ssyncset.done $0x0  }
0x28c: {  	[sflag:s3] =	ssyncadd.s32 $0xFFFFFFB0  }
0x28d: {  	_ =	swait.ge [sflag:s3], $0x50  }
0x28e: {  	[sflag:s3] =	ssyncset.done $0x0  }
0x28f: {  	[sflag:s3] =	ssyncadd.s32 $0xFFFFFFB0  }
0x290: {  	_ =	swait.ge [sflag:s3], $0x50  }
0x291: {  	[sflag:s3] =	ssyncset.done $0x0  }
0x292: {  	[sflag:s3] =	ssyncadd.s32 $0xFFFFFFB0  }
0x293: {  	_ =	swait.ge [sflag:s3], $0x50  }
0x294: {  	[sflag:s3] =	ssyncset.done $0x0  }
0x295: {  	[sflag:s3] =	ssyncadd.s32 $0xFFFFFFB0  }
0x296: {  	_ =	swait.ge [sflag:s3], $0x50  }
0x297: {  	[sflag:s3] =	ssyncset.done $0x0  }
0x298: {  	[sflag:s3] =	ssyncadd.s32 $0xFFFFFFB0  }
0x299: {  	_ =	swait.ge [sflag:s3], $0x50  }
0x29a: {  	[sflag:s3] =	ssyncset.done $0x0  }
0x29b: {  	[sflag:s3] =	ssyncadd.s32 $0xFFFFFFB0  }
0x29c: {  	_ =	swait.ge [sflag:s3], $0x50  }
0x29d: {  	[sflag:s3] =	ssyncset.done $0x0  }
0x29e: {  	[sflag:s3] =	ssyncadd.s32 $0xFFFFFFB0  }
0x29f: {  	_ =	swait.ge [sflag:s3], $0x50  }
0x2a0: {  	[sflag:s3] =	ssyncset.done $0x0  }
0x2a1: {  	[sflag:s3] =	ssyncadd.s32 $0xFFFFFFB0  }
0x2a2: {  	_ =	swait.ge [sflag:s3], $0x50  }
0x2a3: {  	[sflag:s3] =	ssyncset.done $0x0  }
0x2a4: {  	[sflag:s3] =	ssyncadd.s32 $0xFFFFFFB0  }
0x2a5: {  	_ =	swait.ge [sflag:s3], $0x50  }
0x2a6: {  	[sflag:s3] =	ssyncset.done $0x0  }
0x2a7: {  	[sflag:s3] =	ssyncadd.s32 $0xFFFFFFB0  }
0x2a8: {  	_ =	swait.ge [sflag:s3], $0x50  }
0x2a9: {  	[sflag:s3] =	ssyncset.done $0x0  }
0x2aa: {  	[sflag:s3] =	ssyncadd.s32 $0xFFFFFFB0  }
0x2ab: {  	_ =	swait.ge [sflag:s3], $0x50  }
0x2ac: {  	[sflag:s3] =	ssyncset.done $0x0  }
0x2ad: {  	[sflag:s3] =	ssyncadd.s32 $0xFFFFFFB0  }
0x2ae: {  	_ =	swait.ge [sflag:s3], $0x50  }
0x2af: {  	[sflag:s3] =	ssyncset.done $0x0  }
0x2b0: {  	[sflag:s3] =	ssyncadd.s32 $0xFFFFFFB0  }
0x2b1: {  	_ =	swait.ge [sflag:s3], $0x50  }
0x2b2: {  	[sflag:s3] =	ssyncset.done $0x0  }
0x2b3: {  	[sflag:s3] =	ssyncadd.s32 $0xFFFFFFB0  }
0x2b4: {  	_ =	swait.ge [sflag:s3], $0x50  }
0x2b5: {  	[sflag:s3] =	ssyncset.done $0x0  }
0x2b6: {  	[sflag:s3] =	ssyncadd.s32 $0xFFFFFFB0  }
0x2b7: {  	_ =	swait.ge [sflag:s3], $0x50  }
0x2b8: {  	[sflag:s3] =	ssyncset.done $0x0  }
0x2b9: {  	[sflag:s3] =	ssyncadd.s32 $0xFFFFFFB0  }
.LBB2_32:
0x2ba: {  	_ =	swait.ge [sflag:s20], $0xC80  }
0x2bb: {  	[sflag:s20] =	ssyncset.done $0x0  }
0x2bc: {  	[sflag:s20] =	ssyncadd.s32 $0xFFFFF380  }
0x2bd: {  	_ =	swait.ge [sflag:s20], $0xC80  }
0x2be: {  	[sflag:s20] =	ssyncset.done $0x0  }
0x2bf: {  	s3 =	sadd.s32 $0x800, s15;
	[sflag:s20] =	ssyncadd.s32 $0xFFFFF380  }
0x2c0: {  	[tilespmem:s1], [sflag:$0x5] =	stream.linear.gather [hbm4b:s3+s1], $0xC80, $0x38;
	[tilespmem:$0x1F378] =	vst v63  }
0x2c1: {  	s26 =	sadd.s32 $0x800, s16;
	s4 =	simm.s32 $0x1000  }
0x2c2: {  	[tilespmem:s4], [sflag:$0x5] =	stream.linear.gather [hbm4b:s26+s1], $0xC80, $0x38;
	[tilespmem:$0x1F378] =	vst v63  }
0x2c3: {  	s5 =	simm.s32 @!p2 $0x4000;
	s3 =	simm.s32 @!p2 $0x2000;
	s26 =	simm.s32 @!p2 $0x50  }
0x2c4: {  	[tilespmem:s5], [sflag:$0x1] =	stream.indirect.gather @!p2 [hbm4b:s6+s26], $0x80, s3, s26, $0xb8;
	[tilespmem:$0x1F378] =	vst v63  }
0x2c5: {  	s7 =	simm.s32 @p0 $0x50;
	s18 =	simm.s32 @p0 $0x4000;
	s3 =	simm.s32 @p0 $0x2000  }
0x2c6: {  	[tilespmem:s18], [sflag:$0x1] =	stream.indirect.gather @p0 [hbm4b:s28+s7], $0x80, s3, s7, $0xb8;
	[tilespmem:$0x1F378] =	vst v63  }
0x2c7: {  	s4 =	simm.s32 @!p2 $0x6800;
	s3 =	simm.s32 @!p2 $0x2080  }
0x2c8: {  	[tilespmem:s4], [sflag:$0x2] =	stream.indirect.gather @!p2 [hbm4b:s6+s26], $0x80, s3, s26, $0xb8;
	[tilespmem:$0x1F378] =	vst v63  }
0x2c9: {  	s1 =	simm.s32 @p0 $0x6800;
	s3 =	simm.s32 @p0 $0x2080  }
0x2ca: {  	[tilespmem:s1], [sflag:$0x2] =	stream.indirect.gather @p0 [hbm4b:s28+s7], $0x80, s3, s7, $0xb8;
	[tilespmem:$0x1F378] =	vst v63  }
0x2cb: {  	s4 =	simm.s32 @!p2 $0x9000;
	s3 =	simm.s32 @!p2 $0x2100  }
0x2cc: {  	[tilespmem:s4], [sflag:$0x3] =	stream.indirect.gather @!p2 [hbm4b:s6+s26], $0x80, s3, s26, $0xb8;
	[tilespmem:$0x1F378] =	vst v63  }
0x2cd: {  	s8 =	simm.s32 @!p2 $0x1;
	s20 =	simm.s32 @p0 $0x9000;
	s3 =	simm.s32 @p0 $0x2100  }
0x2ce: {  	[tilespmem:s20], [sflag:$0x3] =	stream.indirect.gather @p0 [hbm4b:s28+s7], $0x80, s3, s7, $0xb8;
	[tilespmem:$0x1F378] =	vst v63  }
0x2cf: {  	_ =	swait.ge @!p2 [sflag:s8], $0x2800  }
0x2d0: {  	s24 =	simm.s32 @!p0 $0x50;
	s13 =	simm.s32 @!p0 $0x6;
	[sflag:s8] =	ssyncset.done @!p2 $0x0  }
0x2d1: {  	s4 =	simm.s32 @!p0 $0x4000;
	s3 =	simm.s32 @!p0 $0x3000;
	[sflag:s8] =	ssyncadd.s32 @!p2 $0xFFFFD800  }
0x2d2: {  	[spmem:s2] =	stream.indirect.scatter.add.f32 @!p0 [tilespmem:s4], [sflag:$0x6], $0x80, s3, s24, $0xb8;
	[tilespmem:$0x1F378] =	vst v63  }
0x2d3: {  	_ =	swait.ge @!p0 [sflag:s13], $0x2800  }
0x2d4: {  	[sflag:s13] =	ssyncset.done @!p0 $0x0  }
0x2d5: {  	[sflag:s13] =	ssyncadd.s32 @!p0 $0xFFFFD800  }
0x2d6: {  	_ =	swait.ge @p0 [sflag:s0], $0x2800  }
0x2d7: {  	[sflag:s0] =	ssyncset.done @p0 $0x0  }
0x2d8: {  	s17 =	simm.s32 @p0 $0x6;
	s3 =	simm.s32 @p0 $0x3000;
	[sflag:s0] =	ssyncadd.s32 @p0 $0xFFFFD800  }
0x2d9: {  	[spmem:s2] =	stream.indirect.scatter.add.f32 @p0 [tilespmem:s18], [sflag:$0x6], $0x80, s3, s7, $0xb8;
	[tilespmem:$0x1F378] =	vst v63  }
0x2da: {  	_ =	swait.ge @p0 [sflag:s17], $0x2800  }
0x2db: {  	[sflag:s17] =	ssyncset.done @p0 $0x0  }
0x2dc: {  	s15 =	simm.s32 @p0 $0xB800;
	[sflag:s17] =	ssyncadd.s32 @p0 $0xFFFFD800  }
0x2dd: {  	[spmem:s14] =	stream.indirect.scatter.add.f32 @p0 [tilespmem:s15], [sflag:$0x4], $0x1, s3, s7, $0xb8;
	[tilespmem:$0x1F378] =	vst v63  }
0x2de: {  	s0 =	simm.s32 @!p2 $0x2180  }
0x2df: {  	[tilespmem:s5], [sflag:$0x1] =	stream.indirect.gather @!p2 [hbm4b:s6+s26], $0x80, s0, s26, $0xb8;
	[tilespmem:$0x1F378] =	vst v63  }
0x2e0: {  	s0 =	simm.s32 @p0 $0x2180;
	s5 =	simm.s32 @!p2 $0x2  }
0x2e1: {  	[tilespmem:s18], [sflag:$0x1] =	stream.indirect.gather @p0 [hbm4b:s28+s7], $0x80, s0, s7, $0xb8;
	[tilespmem:$0x1F378] =	vst v63  }
0x2e2: {  	_ =	swait.ge @!p2 [sflag:s5], $0x2800  }
0x2e3: {  	[sflag:s5] =	ssyncset.done @!p2 $0x0  }
0x2e4: {  	s3 =	simm.s32 @!p0 $0x6800;
	s0 =	simm.s32 @!p0 $0x3080;
	[sflag:s5] =	ssyncadd.s32 @!p2 $0xFFFFD800  }
0x2e5: {  	[spmem:s2] =	stream.indirect.scatter.add.f32 @!p0 [tilespmem:s3], [sflag:$0x6], $0x80, s0, s24, $0xb8;
	[tilespmem:$0x1F378] =	vst v63  }
0x2e6: {  	_ =	swait.ge @!p0 [sflag:s13], $0x2800  }
0x2e7: {  	[sflag:s13] =	ssyncset.done @!p0 $0x0  }
0x2e8: {  	s25 =	simm.s32 @p0 $0x2;
	[sflag:s13] =	ssyncadd.s32 @!p0 $0xFFFFD800  }
0x2e9: {  	_ =	swait.ge @p0 [sflag:s25], $0x2800  }
0x2ea: {  	[sflag:s25] =	ssyncset.done @p0 $0x0  }
0x2eb: {  	s0 =	simm.s32 @p0 $0x3080;
	[sflag:s25] =	ssyncadd.s32 @p0 $0xFFFFD800  }
0x2ec: {  	[spmem:s2] =	stream.indirect.scatter.add.f32 @p0 [tilespmem:s1], [sflag:$0x6], $0x80, s0, s7, $0xb8;
	[tilespmem:$0x1F378] =	vst v63  }
0x2ed: {  	p1 =	por $0x0, $0x0;
	_ =	swait.ge @p0 [sflag:s17], $0x2800  }
0x2ee: {  	s16 =	simm.s32 @!p2 $0x3;
	p3 =	sne.s32 @!p1 s23, $0x0;
	[sflag:s17] =	ssyncset.done @p0 $0x0  }
0x2ef: {  	p4 =	por !p0, p1;
	p1 =	por p3, p1;
	[sflag:s17] =	ssyncadd.s32 @p0 $0xFFFFD800  }
0x2f0: {  	[spmem:s14] =	stream.indirect.scatter.add.f32 @p0 [tilespmem:s15], [sflag:$0x4], $0x1, s0, s7, $0xb8;
	[tilespmem:$0x1F378] =	vst v63  }
0x2f1: {  	s10 =	simm.s32 @!p1 $0x6800;
	s12 =	simm.s32 @!p1 $0x50;
	s0 =	simm.s32 @!p1 $0x2200  }
0x2f2: {  	[tilespmem:s10], [sflag:$0x2] =	stream.indirect.gather @!p1 [hbm4b:s6+s12], $0x80, s0, s12, $0xb8;
	[tilespmem:$0x1F378] =	vst v63  }
0x2f3: {  	s4 =	simm.s32 @!p4 $0x6800;
	s0 =	simm.s32 @!p4 $0x50;
	s10 =	simm.s32 @!p4 $0x2200  }
0x2f4: {  	[tilespmem:s4], [sflag:$0x2] =	stream.indirect.gather @!p4 [hbm4b:s28+s0], $0x80, s10, s0, $0xb8;
	[tilespmem:$0x1F378] =	vst v63  }
0x2f5: {  	_ =	swait.ge @!p2 [sflag:s16], $0x2800  }
0x2f6: {  	[sflag:s16] =	ssyncset.done @!p2 $0x0  }
0x2f7: {  	s22 =	simm.s32 @!p0 $0x9000;
	s0 =	simm.s32 @!p0 $0x3100;
	[sflag:s16] =	ssyncadd.s32 @!p2 $0xFFFFD800  }
0x2f8: {  	[spmem:s2] =	stream.indirect.scatter.add.f32 @!p0 [tilespmem:s22], [sflag:$0x6], $0x80, s0, s24, $0xb8;
	[tilespmem:$0x1F378] =	vst v63  }
0x2f9: {  	_ =	swait.ge @!p0 [sflag:s13], $0x2800  }
0x2fa: {  	[sflag:s13] =	ssyncset.done @!p0 $0x0  }
0x2fb: {  	s30 =	simm.s32 @p0 $0x3;
	[sflag:s13] =	ssyncadd.s32 @!p0 $0xFFFFD800  }
0x2fc: {  	_ =	swait.ge @p0 [sflag:s30], $0x2800  }
0x2fd: {  	s29 =	simm.s32 @p0 $0x3100;
	[sflag:s30] =	ssyncset.done @p0 $0x0  }
0x2fe: {  	s31 =	simm.s32 $0xC00;
	s21 =	simm.s32 @p0 $0x180;
	[sflag:s30] =	ssyncadd.s32 @p0 $0xFFFFD800  }
0x2ff: {  	[spmem:s2] =	stream.indirect.scatter.add.f32 @p0 [tilespmem:s20], [sflag:$0x6], $0x80, s29, s7, $0xb8;
	[tilespmem:$0x1F378] =	vst v63  }
0x300: {  	s1 =	smov.u32 s14;
	s14 =	simm.s32 $0x600;
	_ =	swait.ge @p0 [sflag:s17], $0x2800  }
.LBB2_33:
0x301: {  	s4 =	sshra.s32 @!p2 s14, $0x2  }
0x302: {  	[sflag:s17] =	ssyncset.done @p0 $0x0;
	s12 =	smov.u32 s31;
	s31 =	sadd.s32 $0x600, s31  }
0x303: {  	p3 =	sne.s32 s31, $0x3000;
	[sflag:s17] =	ssyncadd.s32 @p0 $0xFFFFD800  }
0x304: {  	[spmem:s1] =	stream.indirect.scatter.add.f32 @p0 [tilespmem:s15], [sflag:$0x4], $0x1, s29, s7, $0xb8;
	[tilespmem:$0x1F378] =	vst v63  }
0x305: {  	s9 =	simm.s32 @!p2 $0x9000;
	s0 =	sadd.s32 @!p2 $0x2100, s4  }
0x306: {  	[tilespmem:s9], [sflag:$0x3] =	stream.indirect.gather @!p2 [hbm4b:s6+s26], $0x80, s0, s26, $0xb8;
	[tilespmem:$0x1F378] =	vst v63  }
0x307: {  	s29 =	sshra.s32 @!p0 s14, $0x2;
	s0 =	sadd.s32 @p0 $0x2100, s21  }
0x308: {  	[tilespmem:s20], [sflag:$0x3] =	stream.indirect.gather @p0 [hbm4b:s28+s7], $0x80, s0, s7, $0xb8;
	[tilespmem:$0x1F378] =	vst v63  }
0x309: {  	s0 =	sadd.s32 @!p0 $0x3000, s29;
	_ =	swait.ge @!p2 [sflag:s8], $0x2800  }
0x30a: {  	[sflag:s8] =	ssyncset.done @!p2 $0x0  }
0x30b: {  	s9 =	simm.s32 @!p0 $0x4000;
	[sflag:s8] =	ssyncadd.s32 @!p2 $0xFFFFD800  }
0x30c: {  	[spmem:s2] =	stream.indirect.scatter.add.f32 @!p0 [tilespmem:s9], [sflag:$0x6], $0x80, s0, s24, $0xb8;
	[tilespmem:$0x1F378] =	vst v63  }
0x30d: {  	s0 =	simm.s32 @p0 $0x1;
	_ =	swait.ge @!p0 [sflag:s13], $0x2800  }
0x30e: {  	[sflag:s13] =	ssyncset.done @!p0 $0x0  }
0x30f: {  	[sflag:s13] =	ssyncadd.s32 @!p0 $0xFFFFD800  }
0x310: {  	s10 =	sadd.s32 @p0 $0x3000, s21;
	_ =	swait.ge @p0 [sflag:s0], $0x2800  }
0x311: {  	[sflag:s0] =	ssyncset.done @p0 $0x0  }
0x312: {  	[sflag:s0] =	ssyncadd.s32 @p0 $0xFFFFD800  }
0x313: {  	[spmem:s2] =	stream.indirect.scatter.add.f32 @p0 [tilespmem:s18], [sflag:$0x6], $0x80, s10, s7, $0xb8;
	[tilespmem:$0x1F378] =	vst v63  }
0x314: {  	_ =	swait.ge @p0 [sflag:s17], $0x2800  }
0x315: {  	[sflag:s17] =	ssyncset.done @p0 $0x0  }
0x316: {  	[sflag:s17] =	ssyncadd.s32 @p0 $0xFFFFD800  }
0x317: {  	[spmem:s1] =	stream.indirect.scatter.add.f32 @p0 [tilespmem:s15], [sflag:$0x4], $0x1, s10, s7, $0xb8;
	[tilespmem:$0x1F378] =	vst v63  }
0x318: {  	s4 =	sadd.s32 @!p2 $0x2180, s4;
	s9 =	simm.s32 @!p2 $0x4000  }
0x319: {  	[tilespmem:s9], [sflag:$0x1] =	stream.indirect.gather @!p2 [hbm4b:s6+s26], $0x80, s4, s26, $0xb8;
	[tilespmem:$0x1F378] =	vst v63  }
0x31a: {  	s4 =	sadd.s32 @p0 $0x2180, s21  }
0x31b: {  	[tilespmem:s18], [sflag:$0x1] =	stream.indirect.gather @p0 [hbm4b:s28+s7], $0x80, s4, s7, $0xb8;
	[tilespmem:$0x1F378] =	vst v63  }
0x31c: {  	s4 =	sadd.s32 @!p0 $0x3080, s29;
	_ =	swait.ge @!p2 [sflag:s5], $0x2800  }
0x31d: {  	[sflag:s5] =	ssyncset.done @!p2 $0x0  }
0x31e: {  	[sflag:s5] =	ssyncadd.s32 @!p2 $0xFFFFD800  }
0x31f: {  	[spmem:s2] =	stream.indirect.scatter.add.f32 @!p0 [tilespmem:s3], [sflag:$0x6], $0x80, s4, s24, $0xb8;
	[tilespmem:$0x1F378] =	vst v63  }
0x320: {  	_ =	swait.ge @!p0 [sflag:s13], $0x2800  }
0x321: {  	[sflag:s13] =	ssyncset.done @!p0 $0x0  }
0x322: {  	[sflag:s13] =	ssyncadd.s32 @!p0 $0xFFFFD800  }
0x323: {  	s4 =	sadd.s32 @p0 $0x3080, s21;
	_ =	swait.ge @p0 [sflag:s25], $0x2800  }
0x324: {  	p1 =	seq.s32 s14, $0x2A00;
	[sflag:s25] =	ssyncset.done @p0 $0x0  }
0x325: {  	p4 =	sne.s32 @!p1 s23, $0x0;
	s9 =	simm.s32 @p0 $0x6800;
	[sflag:s25] =	ssyncadd.s32 @p0 $0xFFFFD800  }
0x326: {  	[spmem:s2] =	stream.indirect.scatter.add.f32 @p0 [tilespmem:s9], [sflag:$0x6], $0x80, s4, s7, $0xb8;
	[tilespmem:$0x1F378] =	vst v63  }
0x327: {  	p4 =	por p4, p1;
	p1 =	por !p0, p1;
	_ =	swait.ge @p0 [sflag:s17], $0x2800  }
0x328: {  	s11 =	simm.s32 @!p1 $0x6800;
	s10 =	sshra.s32 @!p4 s14, $0x2;
	[sflag:s17] =	ssyncset.done @p0 $0x0  }
0x329: {  	s10 =	sadd.s32 @!p4 $0x2200, s10;
	s9 =	simm.s32 @!p4 $0x6800;
	[sflag:s17] =	ssyncadd.s32 @p0 $0xFFFFD800  }
0x32a: {  	[spmem:s1] =	stream.indirect.scatter.add.f32 @p0 [tilespmem:s15], [sflag:$0x4], $0x1, s4, s7, $0xb8;
	[tilespmem:$0x1F378] =	vst v63  }
0x32b: {  	s14 =	sshra.s32 @!p1 s14, $0x2;
	s28 =	simm.s32 @!p1 $0x50;
	s4 =	simm.s32 @!p4 $0x50  }
0x32c: {  	[tilespmem:s9], [sflag:$0x2] =	stream.indirect.gather @!p4 [hbm4b:s6+s4], $0x80, s10, s4, $0xb8;
	[tilespmem:$0x1F378] =	vst v63  }
0x32d: {  	s4 =	sadd.s32 @!p1 $0x2200, s14;
	s14 =	smov.u32 s12  }
0x32e: {  	[tilespmem:s11], [sflag:$0x2] =	stream.indirect.gather @!p1 [hbm4b:s19+s28], $0x80, s4, s28, $0xb8;
	[tilespmem:$0x1F378] =	vst v63  }
0x32f: {  	s28 =	smov.u32 s19  }
0x330: {  	s4 =	sadd.s32 @!p0 $0x3100, s29;
	_ =	swait.ge @!p2 [sflag:s16], $0x2800  }
0x331: {  	[sflag:s16] =	ssyncset.done @!p2 $0x0  }
0x332: {  	[sflag:s16] =	ssyncadd.s32 @!p2 $0xFFFFD800  }
0x333: {  	[spmem:s2] =	stream.indirect.scatter.add.f32 @!p0 [tilespmem:s22], [sflag:$0x6], $0x80, s4, s24, $0xb8;
	[tilespmem:$0x1F378] =	vst v63  }
0x334: {  	_ =	swait.ge @!p0 [sflag:s13], $0x2800  }
0x335: {  	[sflag:s13] =	ssyncset.done @!p0 $0x0  }
0x336: {  	[sflag:s13] =	ssyncadd.s32 @!p0 $0xFFFFD800  }
.Ltmp27:
0x337: {  	s29 =	sadd.s32 @p0 $0x3100, s21;
	_ =	swait.ge @p0 [sflag:s30], $0x2800;
	(pc) =	sbr.rel @p3 .LBB2_33-.Ltmp27, $4  }
0x338: {  	[sflag:s30] =	ssyncset.done @p0 $0x0  }
0x339: {  	[sflag:s30] =	ssyncadd.s32 @p0 $0xFFFFD800  }
0x33a: {  	[spmem:s2] =	stream.indirect.scatter.add.f32 @p0 [tilespmem:s20], [sflag:$0x6], $0x80, s29, s7, $0xb8;
	[tilespmem:$0x1F378] =	vst v63  }
0x33b: {  	s21 =	sshra.s32 @p0 s14, $0x2;
	_ =	swait.ge @p0 [sflag:s17], $0x2800  }
0x33c: {  	[sflag:s17] =	ssyncset.done @p0 $0x0  }
0x33d: {  	s4 =	sshra.s32 @!p2 s14, $0x2;
	[sflag:s17] =	ssyncadd.s32 @p0 $0xFFFFD800  }
0x33e: {  	[spmem:s1] =	stream.indirect.scatter.add.f32 @p0 [tilespmem:s15], [sflag:$0x4], $0x1, s29, s7, $0xb8;
	[tilespmem:$0x1F378] =	vst v63  }
0x33f: {  	s5 =	simm.s32 @!p2 $0x9000;
	s3 =	sadd.s32 @!p2 $0x2100, s4  }
0x340: {  	[tilespmem:s5], [sflag:$0x3] =	stream.indirect.gather @!p2 [hbm4b:s6+s26], $0x80, s3, s26, $0xb8;
	[tilespmem:$0x1F378] =	vst v63  }
0x341: {  	s5 =	sadd.s32 @p0 $0x2100, s21;
	s3 =	simm.s32 @p0 $0x9000  }
0x342: {  	[tilespmem:s3], [sflag:$0x3] =	stream.indirect.gather @p0 [hbm4b:s28+s7], $0x80, s5, s7, $0xb8;
	[tilespmem:$0x1F378] =	vst v63  }
0x343: {  	s11 =	sshra.s32 @!p0 s14, $0x2;
	_ =	swait.ge @!p2 [sflag:s8], $0x2800  }
0x344: {  	s12 =	simm.s32 @!p0 $0x50;
	s10 =	simm.s32 @!p0 $0x4000;
	[sflag:s8] =	ssyncset.done @!p2 $0x0  }
0x345: {  	s9 =	sadd.s32 @!p0 $0x3000, s11;
	s5 =	simm.s32 @!p0 $0x6;
	[sflag:s8] =	ssyncadd.s32 @!p2 $0xFFFFD800  }
0x346: {  	[spmem:s2] =	stream.indirect.scatter.add.f32 @!p0 [tilespmem:s10], [sflag:$0x6], $0x80, s9, s12, $0xb8;
	[tilespmem:$0x1F378] =	vst v63  }
0x347: {  	_ =	swait.ge @!p0 [sflag:s5], $0x2800  }
0x348: {  	[sflag:s5] =	ssyncset.done @!p0 $0x0  }
0x349: {  	[sflag:s5] =	ssyncadd.s32 @!p0 $0xFFFFD800  }
0x34a: {  	_ =	swait.ge @p0 [sflag:s0], $0x2800  }
0x34b: {  	[sflag:s0] =	ssyncset.done @p0 $0x0  }
0x34c: {  	s13 =	simm.s32 @p0 $0x6;
	s9 =	sadd.s32 @p0 $0x3000, s21;
	[sflag:s0] =	ssyncadd.s32 @p0 $0xFFFFD800  }
0x34d: {  	[spmem:s2] =	stream.indirect.scatter.add.f32 @p0 [tilespmem:s18], [sflag:$0x6], $0x80, s9, s7, $0xb8;
	[tilespmem:$0x1F378] =	vst v63  }
0x34e: {  	_ =	swait.ge @p0 [sflag:s13], $0x2800  }
0x34f: {  	[sflag:s13] =	ssyncset.done @p0 $0x0  }
0x350: {  	s0 =	simm.s32 @p0 $0xB800;
	[sflag:s13] =	ssyncadd.s32 @p0 $0xFFFFD800  }
0x351: {  	[spmem:s1] =	stream.indirect.scatter.add.f32 @p0 [tilespmem:s0], [sflag:$0x4], $0x1, s9, s7, $0xb8;
	[tilespmem:$0x1F378] =	vst v63  }
0x352: {  	s4 =	sadd.s32 @!p2 $0x2180, s4;
	s9 =	simm.s32 @!p2 $0x4000  }
0x353: {  	[tilespmem:s9], [sflag:$0x1] =	stream.indirect.gather @!p2 [hbm4b:s6+s26], $0x80, s4, s26, $0xb8;
	[tilespmem:$0x1F378] =	vst v63  }
0x354: {  	s4 =	sadd.s32 @p0 $0x2180, s21;
	s9 =	simm.s32 @!p2 $0x2  }
0x355: {  	[tilespmem:s18], [sflag:$0x1] =	stream.indirect.gather @p0 [hbm4b:s28+s7], $0x80, s4, s7, $0xb8;
	[tilespmem:$0x1F378] =	vst v63  }
0x356: {  	_ =	swait.ge @!p2 [sflag:s9], $0x2800  }
0x357: {  	[sflag:s9] =	ssyncset.done @!p2 $0x0  }
0x358: {  	s10 =	simm.s32 @!p0 $0x6800;
	s4 =	sadd.s32 @!p0 $0x3080, s11;
	[sflag:s9] =	ssyncadd.s32 @!p2 $0xFFFFD800  }
0x359: {  	[spmem:s2] =	stream.indirect.scatter.add.f32 @!p0 [tilespmem:s10], [sflag:$0x6], $0x80, s4, s12, $0xb8;
	[tilespmem:$0x1F378] =	vst v63  }
0x35a: {  	_ =	swait.ge @!p0 [sflag:s5], $0x2800  }
0x35b: {  	[sflag:s5] =	ssyncset.done @!p0 $0x0  }
0x35c: {  	s4 =	simm.s32 @p0 $0x2;
	[sflag:s5] =	ssyncadd.s32 @!p0 $0xFFFFD800  }
0x35d: {  	p1 =	seq.s32 s14, $0x2A00;
	_ =	swait.ge @p0 [sflag:s4], $0x2800  }
0x35e: {  	p3 =	sne.s32 @!p1 s23, $0x0;
	[sflag:s4] =	ssyncset.done @p0 $0x0  }
0x35f: {  	s9 =	sadd.s32 @p0 $0x3080, s21;
	[sflag:s4] =	ssyncadd.s32 @p0 $0xFFFFD800;
	s4 =	simm.s32 @p0 $0x6800  }
0x360: {  	[spmem:s2] =	stream.indirect.scatter.add.f32 @p0 [tilespmem:s4], [sflag:$0x6], $0x80, s9, s7, $0xb8;
	[tilespmem:$0x1F378] =	vst v63  }
0x361: {  	p3 =	por p3, p1;
	_ =	swait.ge @p0 [sflag:s13], $0x2800  }
0x362: {  	p1 =	por !p0, p1;
	s15 =	simm.s32 @!p3 $0x50;
	[sflag:s13] =	ssyncset.done @p0 $0x0  }
0x363: {  	s10 =	simm.s32 @!p1 $0x6800;
	s4 =	sshra.s32 @!p3 s14, $0x2;
	[sflag:s13] =	ssyncadd.s32 @p0 $0xFFFFD800  }
0x364: {  	[spmem:s1] =	stream.indirect.scatter.add.f32 @p0 [tilespmem:s0], [sflag:$0x4], $0x1, s9, s7, $0xb8;
	[tilespmem:$0x1F378] =	vst v63  }
0x365: {  	s14 =	sshra.s32 @!p1 s14, $0x2;
	s4 =	sadd.s32 @!p3 $0x2200, s4;
	s9 =	simm.s32 @!p3 $0x6800  }
0x366: {  	[tilespmem:s9], [sflag:$0x2] =	stream.indirect.gather @!p3 [hbm4b:s6+s15], $0x80, s4, s15, $0xb8;
	[tilespmem:$0x1F378] =	vst v63  }
0x367: {  	s4 =	simm.s32 @!p1 $0x50;
	s9 =	sadd.s32 @!p1 $0x2200, s14;
	s14 =	simm.s32 @!p2 $0x3  }
0x368: {  	[tilespmem:s10], [sflag:$0x2] =	stream.indirect.gather @!p1 [hbm4b:s28+s4], $0x80, s9, s4, $0xb8;
	[tilespmem:$0x1F378] =	vst v63  }
0x369: {  	_ =	swait.ge @!p2 [sflag:s14], $0x2800  }
0x36a: {  	[sflag:s14] =	ssyncset.done @!p2 $0x0  }
0x36b: {  	s4 =	sadd.s32 @!p0 $0x3100, s11;
	s9 =	simm.s32 @!p0 $0x9000;
	[sflag:s14] =	ssyncadd.s32 @!p2 $0xFFFFD800  }
0x36c: {  	[spmem:s2] =	stream.indirect.scatter.add.f32 @!p0 [tilespmem:s9], [sflag:$0x6], $0x80, s4, s12, $0xb8;
	[tilespmem:$0x1F378] =	vst v63  }
0x36d: {  	_ =	swait.ge @!p0 [sflag:s5], $0x2800  }
0x36e: {  	[sflag:s5] =	ssyncset.done @!p0 $0x0  }
0x36f: {  	s4 =	simm.s32 @p0 $0x3;
	[sflag:s5] =	ssyncadd.s32 @!p0 $0xFFFFD800  }
0x370: {  	_ =	swait.ge @p0 [sflag:s4], $0x2800  }
0x371: {  	[sflag:s4] =	ssyncset.done @p0 $0x0  }
0x372: {  	s5 =	sadd.s32 @p0 $0x3100, s21;
	[sflag:s4] =	ssyncadd.s32 @p0 $0xFFFFD800  }
0x373: {  	[spmem:s2] =	stream.indirect.scatter.add.f32 @p0 [tilespmem:s3], [sflag:$0x6], $0x80, s5, s7, $0xb8;
	[tilespmem:$0x1F378] =	vst v63  }
0x374: {  	_ =	swait.ge @p0 [sflag:s13], $0x2800  }
0x375: {  	[sflag:s13] =	ssyncset.done @p0 $0x0  }
.Ltmp28:
0x376: {  	[sflag:s13] =	ssyncadd.s32 @p0 $0xFFFFD800;
	(pc) =	sbr.rel @!p0 .LBB2_36-.Ltmp28, $4  }
0x377: {  	[spmem:s1] =	stream.indirect.scatter.add.f32 @p0 [tilespmem:s0], [sflag:$0x4], $0x1, s5, s7, $0xb8;
	[tilespmem:$0x1F378] =	vst v63  }
0x378: {  	_ =	swait.ge @!p2 [sflag:s8], $0x2800  }
0x379: {  	[sflag:s8] =	ssyncset.done @!p2 $0x0  }
0x37a: {  	s16 =	smov.u32 s1;
	s24 =	simm.s32 $0x6800;
	[sflag:s8] =	ssyncadd.s32 @!p2 $0xFFFFD800  }
0x37b: {  	s0 =	simm.s32 $0x1  }
0x37c: {  	_ =	swait.ge [sflag:s0], $0x2800  }
0x37d: {  	s21 =	simm.s32 $0x50;
	s22 =	simm.s32 $0x4000;
	[sflag:s0] =	ssyncset.done $0x0  }
0x37e: {  	s30 =	simm.s32 $0x3C00;
	s19 =	simm.s32 $0x6;
	[sflag:s0] =	ssyncadd.s32 $0xFFFFD800  }
0x37f: {  	[spmem:s2] =	stream.indirect.scatter.add.f32 [tilespmem:s22], [sflag:$0x6], $0x80, s30, s21, $0xb8;
	[tilespmem:$0x1F378] =	vst v63  }
0x380: {  	_ =	swait.ge [sflag:s19], $0x2800  }
0x381: {  	[sflag:s19] =	ssyncset.done $0x0  }
0x382: {  	s18 =	simm.s32 $0xB800;
	s31 =	simm.s32 $0x4;
	[sflag:s19] =	ssyncadd.s32 $0xFFFFD800  }
0x383: {  	[spmem:s16] =	stream.indirect.scatter.add.f32 [tilespmem:s18], [sflag:$0x4], $0x1, s30, s21, $0xb8;
	[tilespmem:$0x1F378] =	vst v63  }
0x384: {  	_ =	swait.ge [sflag:s31], $0x50  }
0x385: {  	[sflag:s31] =	ssyncset.done $0x0  }
0x386: {  	[sflag:s31] =	ssyncadd.s32 $0xFFFFFFB0  }
0x387: {  	_ =	swait.ge [sflag:s31], $0x50  }
0x388: {  	[sflag:s31] =	ssyncset.done $0x0  }
0x389: {  	[sflag:s31] =	ssyncadd.s32 $0xFFFFFFB0  }
0x38a: {  	_ =	swait.ge [sflag:s31], $0x50  }
0x38b: {  	[sflag:s31] =	ssyncset.done $0x0  }
0x38c: {  	[sflag:s31] =	ssyncadd.s32 $0xFFFFFFB0  }
0x38d: {  	_ =	swait.ge [sflag:s31], $0x50  }
0x38e: {  	[sflag:s31] =	ssyncset.done $0x0  }
0x38f: {  	[sflag:s31] =	ssyncadd.s32 $0xFFFFFFB0  }
0x390: {  	_ =	swait.ge [sflag:s31], $0x50  }
0x391: {  	[sflag:s31] =	ssyncset.done $0x0  }
0x392: {  	[sflag:s31] =	ssyncadd.s32 $0xFFFFFFB0  }
0x393: {  	_ =	swait.ge [sflag:s31], $0x50  }
0x394: {  	[sflag:s31] =	ssyncset.done $0x0  }
0x395: {  	[sflag:s31] =	ssyncadd.s32 $0xFFFFFFB0  }
0x396: {  	_ =	swait.ge [sflag:s31], $0x50  }
0x397: {  	[sflag:s31] =	ssyncset.done $0x0  }
0x398: {  	[sflag:s31] =	ssyncadd.s32 $0xFFFFFFB0  }
0x399: {  	_ =	swait.ge [sflag:s31], $0x50  }
0x39a: {  	[sflag:s31] =	ssyncset.done $0x0  }
0x39b: {  	[sflag:s31] =	ssyncadd.s32 $0xFFFFFFB0  }
0x39c: {  	_ =	swait.ge [sflag:s31], $0x50  }
0x39d: {  	[sflag:s31] =	ssyncset.done $0x0  }
0x39e: {  	[sflag:s31] =	ssyncadd.s32 $0xFFFFFFB0  }
0x39f: {  	_ =	swait.ge [sflag:s31], $0x50  }
0x3a0: {  	[sflag:s31] =	ssyncset.done $0x0  }
0x3a1: {  	[sflag:s31] =	ssyncadd.s32 $0xFFFFFFB0  }
0x3a2: {  	_ =	swait.ge [sflag:s31], $0x50  }
0x3a3: {  	[sflag:s31] =	ssyncset.done $0x0  }
0x3a4: {  	[sflag:s31] =	ssyncadd.s32 $0xFFFFFFB0  }
0x3a5: {  	_ =	swait.ge [sflag:s31], $0x50  }
0x3a6: {  	[sflag:s31] =	ssyncset.done $0x0  }
0x3a7: {  	[sflag:s31] =	ssyncadd.s32 $0xFFFFFFB0  }
0x3a8: {  	_ =	swait.ge [sflag:s31], $0x50  }
0x3a9: {  	[sflag:s31] =	ssyncset.done $0x0  }
0x3aa: {  	[sflag:s31] =	ssyncadd.s32 $0xFFFFFFB0  }
0x3ab: {  	_ =	swait.ge [sflag:s31], $0x50  }
0x3ac: {  	[sflag:s31] =	ssyncset.done $0x0  }
0x3ad: {  	[sflag:s31] =	ssyncadd.s32 $0xFFFFFFB0  }
0x3ae: {  	_ =	swait.ge [sflag:s31], $0x50  }
0x3af: {  	[sflag:s31] =	ssyncset.done $0x0  }
0x3b0: {  	[sflag:s31] =	ssyncadd.s32 $0xFFFFFFB0  }
0x3b1: {  	_ =	swait.ge [sflag:s31], $0x50  }
0x3b2: {  	[sflag:s31] =	ssyncset.done $0x0  }
0x3b3: {  	[sflag:s31] =	ssyncadd.s32 $0xFFFFFFB0  }
0x3b4: {  	_ =	swait.ge [sflag:s31], $0x50  }
0x3b5: {  	[sflag:s31] =	ssyncset.done $0x0  }
0x3b6: {  	[sflag:s31] =	ssyncadd.s32 $0xFFFFFFB0  }
0x3b7: {  	_ =	swait.ge [sflag:s31], $0x50  }
0x3b8: {  	[sflag:s31] =	ssyncset.done $0x0  }
0x3b9: {  	[sflag:s31] =	ssyncadd.s32 $0xFFFFFFB0  }
0x3ba: {  	_ =	swait.ge [sflag:s31], $0x50  }
0x3bb: {  	[sflag:s31] =	ssyncset.done $0x0  }
0x3bc: {  	[sflag:s31] =	ssyncadd.s32 $0xFFFFFFB0  }
0x3bd: {  	_ =	swait.ge [sflag:s31], $0x50  }
0x3be: {  	[sflag:s31] =	ssyncset.done $0x0  }
0x3bf: {  	[sflag:s31] =	ssyncadd.s32 $0xFFFFFFB0  }
0x3c0: {  	_ =	swait.ge [sflag:s31], $0x50  }
0x3c1: {  	[sflag:s31] =	ssyncset.done $0x0  }
0x3c2: {  	[sflag:s31] =	ssyncadd.s32 $0xFFFFFFB0  }
0x3c3: {  	_ =	swait.ge [sflag:s31], $0x50  }
0x3c4: {  	[sflag:s31] =	ssyncset.done $0x0  }
0x3c5: {  	[sflag:s31] =	ssyncadd.s32 $0xFFFFFFB0  }
0x3c6: {  	_ =	swait.ge [sflag:s31], $0x50  }
0x3c7: {  	[sflag:s31] =	ssyncset.done $0x0  }
0x3c8: {  	[sflag:s31] =	ssyncadd.s32 $0xFFFFFFB0  }
0x3c9: {  	_ =	swait.ge [sflag:s31], $0x50  }
.Ltmp29:
0x3ca: {  	[sflag:s31] =	ssyncset.done $0x0;
	(pc) =	sbr.rel .LBB2_37-.Ltmp29, $4  }
0x3cb: {  	s1 =	simm.s32 $0x0;
	[sflag:s31] =	ssyncadd.s32 $0xFFFFFFB0  }
0x3cc: {  	s20 =	simm.s32 $0x5;
	s25 =	simm.s32 $0x3;
	_ =	swait.ge [sflag:s31], $0x50  }
0x3cd: {  	s26 =	simm.s32 $0x9000;
	[sflag:s31] =	ssyncset.done $0x0;
	s15 =	rddreg [dreg:$0xb]  }
0x3ce: {  	s29 =	simm.s32 $0x1C00;
	s17 =	rddreg [dreg:$0xc];
	[sflag:s31] =	ssyncadd.s32 $0xFFFFFFB0  }
.LBB2_36:
0x3cf: {  	s21 =	simm.s32 $0x50;
	s22 =	simm.s32 $0x4000;
	s0 =	simm.s32 $0x3C00  }
0x3d0: {  	s19 =	simm.s32 $0x6;
	s1 =	simm.s32 $0x0;
	s18 =	simm.s32 $0xB800  }
0x3d1: {  	[spmem:s2] =	stream.indirect.scatter.add.f32 [tilespmem:s22], [sflag:$0x6], $0x80, s0, s21, $0xb8;
	[tilespmem:$0x1F378] =	vst v63  }
0x3d2: {  	s20 =	simm.s32 $0x5;
	s25 =	simm.s32 $0x3;
	_ =	swait.ge [sflag:s19], $0x2800  }
0x3d3: {  	s26 =	simm.s32 $0x9000;
	[sflag:s19] =	ssyncset.done $0x0;
	s15 =	rddreg [dreg:$0xb]  }
0x3d4: {  	s29 =	simm.s32 $0x1C00;
	s17 =	rddreg [dreg:$0xc];
	[sflag:s19] =	ssyncadd.s32 $0xFFFFD800  }
.LBB2_37:
0x3d5: {  	_ =	swait.ge [sflag:s20], $0xC80  }
0x3d6: {  	[sflag:s20] =	ssyncset.done $0x0  }
0x3d7: {  	[sflag:s20] =	ssyncadd.s32 $0xFFFFF380  }
0x3d8: {  	_ =	swait.ge [sflag:s20], $0xC80  }
0x3d9: {  	s0 =	simm.s32 @!p2 $0x50;
	[sflag:s20] =	ssyncset.done $0x0  }
0x3da: {  	s4 =	simm.s32 @!p2 $0x0;
	s3 =	simm.s32 @!p2 $0x4000;
	[sflag:s20] =	ssyncadd.s32 $0xFFFFF380  }
0x3db: {  	[tilespmem:s3], [sflag:$0x1] =	stream.indirect.gather @!p2 [hbm4b:s6+s0], $0x80, s4, s0, $0xb8;
	[tilespmem:$0x1F378] =	vst v63  }
0x3dc: {  	s5 =	simm.s32 @p0 $0x50;
	s7 =	simm.s32 @p0 $0x4000;
	s4 =	simm.s32 @p0 $0x0  }
0x3dd: {  	[tilespmem:s7], [sflag:$0x1] =	stream.indirect.gather @p0 [hbm4b:s28+s5], $0x80, s4, s5, $0xb8;
	[tilespmem:$0x1F378] =	vst v63  }
.Ltmp30:
0x3de: {  	s8 =	simm.s32 @!p2 $0x6800;
	s4 =	simm.s32 @!p2 $0x80;
	(pc) =	sbr.rel .LBB2_38-.Ltmp30, $4  }
0x3df: {  	[tilespmem:s8], [sflag:$0x2] =	stream.indirect.gather @!p2 [hbm4b:s6+s0], $0x80, s4, s0, $0xb8;
	[tilespmem:$0x1F378] =	vst v63  }
0x3e0: {  	s9 =	simm.s32 $0x7;
	s4 =	simm.s32 @p0 $0x80;
	s8 =	simm.s32 @p0 $0x6800  }
0x3e1: {  	[tilespmem:s8], [sflag:$0x2] =	stream.indirect.gather @p0 [hbm4b:s28+s5], $0x80, s4, s5, $0xb8;
	[tilespmem:$0x1F378] =	vst v63  }
0x3e2: {  	s11 =	simm.s32 $0x1080;
	s12 =	simm.s32 $0x200;
	s8 =	simm.s32 $0x0  }
.LBB2_44:
.Ltmp31:
0x3e3: {  	(pc) =	sbr.rel @p3 .LBB2_47-.Ltmp31, $2  }
0x3e4: {  	_ =	sdelay $0x2  }
0x3e5: {  	[spmem:s16] =	stream.indirect.scatter.add.f32 [tilespmem:s18], [sflag:$0x4], $0x1, s13, s21, $0xb8;
	[tilespmem:$0x1F378] =	vst v63  }
.LBB2_45:
0x3e6: {  	s9 =	sadd.s32 $0xFFFFFFFF, s9;
	s11 =	sadd.s32 $0x180, s11;
	s12 =	sadd.s32 $0x180, s12  }
.LBB2_38:
0x3e7: {  	s4 =	sadd.s32 @!p2 $0xFFFFFF00, s12;
	s10 =	simm.s32 @!p2 $0x9000  }
0x3e8: {  	[tilespmem:s10], [sflag:$0x3] =	stream.indirect.gather @!p2 [hbm4b:s6+s0], $0x80, s4, s0, $0xb8;
	[tilespmem:$0x1F378] =	vst v63  }
0x3e9: {  	s4 =	sadd.s32 @p0 $0xFFFFFF00, s12;
	s10 =	simm.s32 @p0 $0x9000  }
0x3ea: {  	[tilespmem:s10], [sflag:$0x3] =	stream.indirect.gather @p0 [hbm4b:s28+s5], $0x80, s4, s5, $0xb8;
	[tilespmem:$0x1F378] =	vst v63  }
0x3eb: {  	s4 =	simm.s32 @!p2 $0x1  }
0x3ec: {  	_ =	swait.ge @!p2 [sflag:s4], $0x2800  }
0x3ed: {  	[sflag:s4] =	ssyncset.done @!p2 $0x0  }
0x3ee: {  	[sflag:s4] =	ssyncadd.s32 @!p2 $0xFFFFD800;
	s4 =	simm.s32 @p0 $0x1  }
0x3ef: {  	_ =	swait.ge @p0 [sflag:s4], $0x2800  }
0x3f0: {  	[sflag:s4] =	ssyncset.done @p0 $0x0  }
0x3f1: {  	[sflag:s4] =	ssyncadd.s32 @p0 $0xFFFFD800;
	s4 =	sadd.s32 $0xFFFFFF80, s11  }
0x3f2: {  	[spmem:s2] =	stream.indirect.scatter.add.f32 [tilespmem:s22], [sflag:$0x6], $0x80, s4, s21, $0xb8;
	[tilespmem:$0x1F378] =	vst v63  }
0x3f3: {  	_ =	swait.ge [sflag:s19], $0x2800  }
0x3f4: {  	[sflag:s19] =	ssyncset.done $0x0  }
0x3f5: {  	s10 =	simm.s32 @!p2 $0xB800;
	[sflag:s19] =	ssyncadd.s32 $0xFFFFD800  }
0x3f6: {  	[spmem:s16] =	stream.indirect.scatter.add.f32 @!p2 [tilespmem:s10], [sflag:$0x4], $0x1, s4, s0, $0xb8;
	[tilespmem:$0x1F378] =	vst v63  }
0x3f7: {  	s4 =	sadd.s32 @!p2 $0xFFFFFF80, s12  }
0x3f8: {  	[tilespmem:s3], [sflag:$0x1] =	stream.indirect.gather @!p2 [hbm4b:s6+s0], $0x80, s4, s0, $0xb8;
	[tilespmem:$0x1F378] =	vst v63  }
0x3f9: {  	s4 =	sadd.s32 @p0 $0xFFFFFF80, s12  }
0x3fa: {  	[tilespmem:s7], [sflag:$0x1] =	stream.indirect.gather @p0 [hbm4b:s28+s5], $0x80, s4, s5, $0xb8;
	[tilespmem:$0x1F378] =	vst v63  }
0x3fb: {  	s4 =	simm.s32 @!p2 $0x2  }
0x3fc: {  	_ =	swait.ge @!p2 [sflag:s4], $0x2800  }
0x3fd: {  	[sflag:s4] =	ssyncset.done @!p2 $0x0  }
0x3fe: {  	[sflag:s4] =	ssyncadd.s32 @!p2 $0xFFFFD800;
	s4 =	simm.s32 @p0 $0x2  }
0x3ff: {  	_ =	swait.ge @p0 [sflag:s4], $0x2800  }
0x400: {  	[sflag:s4] =	ssyncset.done @p0 $0x0  }
.Ltmp32:
0x401: {  	[sflag:s4] =	ssyncadd.s32 @p0 $0xFFFFD800;
	(pc) =	sbr.rel @p2 .LBB2_59-.Ltmp32, $4  }
0x402: {  	[spmem:s2] =	stream.indirect.scatter.add.f32 [tilespmem:s24], [sflag:$0x6], $0x80, s11, s21, $0xb8;
	[tilespmem:$0x1F378] =	vst v63  }
0x403: {  	_ =	swait.ge [sflag:s19], $0x2800  }
0x404: {  	[sflag:s19] =	ssyncset.done $0x0  }
0x405: {  	p3 =	seq.s32 s9, $0x0;
	[sflag:s19] =	ssyncadd.s32 $0xFFFFD800  }
.Ltmp33:
0x406: {  	(pc) =	sbr.rel @p3 .LBB2_42-.Ltmp33, $2  }
0x407: {  	_ =	sdelay $0x2  }
0x408: {  	[spmem:s16] =	stream.indirect.scatter.add.f32 [tilespmem:s18], [sflag:$0x4], $0x1, s11, s21, $0xb8;
	[tilespmem:$0x1F378] =	vst v63  }
.Ltmp34:
0x409: {  	(pc) =	sbr.rel .LBB2_41-.Ltmp34, $2  }
0x40a: {  	_ =	sdelay $0x2  }
0x40b: {  	[tilespmem:s24], [sflag:$0x2] =	stream.indirect.gather [hbm4b:s6+s21], $0x80, s12, s21, $0xb8;
	[tilespmem:$0x1F378] =	vst v63  }
.LBB2_59:
.Ltmp35:
0x40c: {  	(pc) =	sbr.rel @p3 .LBB2_43-.Ltmp35, $1  }
0x40d: {  	_ =	sdelay $0x3  }
.LBB2_41:
.Ltmp36:
0x40e: {  	(pc) =	sbr.rel @p2 .LBB2_43-.Ltmp36, $3  }
0x40f: {  	_ =	sdelay $0x1  }
0x410: {  	s4 =	simm.s32 @p0 $0x50;
	s10 =	simm.s32 @p0 $0x6800  }
0x411: {  	[tilespmem:s10], [sflag:$0x2] =	stream.indirect.gather @p0 [hbm4b:s28+s4], $0x80, s12, s4, $0xb8;
	[tilespmem:$0x1F378] =	vst v63  }
.LBB2_42:
0x412: {  	_ =	swait.ge [sflag:s25], $0x2800  }
0x413: {  	[sflag:s25] =	ssyncset.done $0x0  }
0x414: {  	[sflag:s25] =	ssyncadd.s32 $0xFFFFD800  }
.LBB2_43:
0x415: {  	s4 =	simm.s32 @p0 $0x3  }
0x416: {  	_ =	swait.ge @p0 [sflag:s4], $0x2800  }
0x417: {  	[sflag:s4] =	ssyncset.done @p0 $0x0  }
.Ltmp37:
0x418: {  	s13 =	sadd.s32 $0x80, s11;
	[sflag:s4] =	ssyncadd.s32 @p0 $0xFFFFD800;
	(pc) =	sbr.rel @!p2 .LBB2_44-.Ltmp37, $4  }
0x419: {  	[spmem:s2] =	stream.indirect.scatter.add.f32 [tilespmem:s26], [sflag:$0x6], $0x80, s13, s21, $0xb8;
	[tilespmem:$0x1F378] =	vst v63  }
0x41a: {  	_ =	swait.ge [sflag:s19], $0x2800  }
0x41b: {  	[sflag:s19] =	ssyncset.done $0x0  }
0x41c: {  	s8 =	sadd.s32 $0x1, s8;
	[sflag:s19] =	ssyncadd.s32 $0xFFFFD800  }
.Ltmp38:
0x41d: {  	(pc) =	sbr.rel @!p3 .LBB2_45-.Ltmp38, $4  }
.Ltmp39:
0x41e: {  	(pc) =	sbr.rel @p3 .LBB2_48-.Ltmp39, $4  }
0x41f: {  	_ = 	snop  }
0x420: {  	_ = 	snop  }
0x421: {  	_ = 	snop  }
0x422: {  	_ = 	snop  }
.LBB2_47:
0x423: {  	s0 =	simm.s32 $0x1  }
0x424: {  	_ =	swait.ge [sflag:s0], $0x2800  }
0x425: {  	[sflag:s0] =	ssyncset.done $0x0  }
0x426: {  	[sflag:s0] =	ssyncadd.s32 $0xFFFFD800  }
.LBB2_48:
0x427: {  	s0 =	simm.s32 @p0 $0x1  }
0x428: {  	_ =	swait.ge @p0 [sflag:s0], $0x2800  }
0x429: {  	[sflag:s0] =	ssyncset.done @p0 $0x0  }
0x42a: {  	[sflag:s0] =	ssyncadd.s32 @p0 $0xFFFFD800  }
0x42b: {  	[spmem:s2] =	stream.indirect.scatter.add.f32 [tilespmem:s22], [sflag:$0x6], $0x80, s29, s21, $0xb8;
	[tilespmem:$0x1F378] =	vst v63  }
0x42c: {  	_ =	swait.ge [sflag:s19], $0x2800  }
0x42d: {  	s31 =	sld [smem:$0x7FB];
	_ =	sdelay $0x2  }
0x42e: {  	p1 =	seq.s32 s31, $0x1  }
.Ltmp40:
0x42f: {  	_ = 	snop;
	(pc) =	sbr.rel @!p1 .LBB2_49-.Ltmp40, $3  }
0x430: {  	_ =	sdelay $0x1  }
0x431: {  	[sflag:s19] =	ssyncset.done $0x0  }
0x432: {  	[sflag:s19] =	ssyncadd.s32 $0xFFFFD800  }
0x433: {  	[spmem:s16] =	stream.indirect.scatter.add.f32 [tilespmem:s18], [sflag:$0x4], $0x1, s29, s21, $0xb8;
	[tilespmem:$0x1F378] =	vst v63  }
0x434: {  	s0 =	simm.s32 $0x4  }
0x435: {  	_ =	swait.ge [sflag:s0], $0x50  }
0x436: {  	[sflag:s0] =	ssyncset.done $0x0  }
0x437: {  	[sflag:s0] =	ssyncadd.s32 $0xFFFFFFB0  }
0x438: {  	_ =	swait.ge [sflag:s0], $0x50  }
0x439: {  	[sflag:s0] =	ssyncset.done $0x0  }
0x43a: {  	[sflag:s0] =	ssyncadd.s32 $0xFFFFFFB0  }
0x43b: {  	_ =	swait.ge [sflag:s0], $0x50  }
0x43c: {  	[sflag:s0] =	ssyncset.done $0x0  }
0x43d: {  	[sflag:s0] =	ssyncadd.s32 $0xFFFFFFB0  }
0x43e: {  	_ =	swait.ge [sflag:s0], $0x50  }
0x43f: {  	[sflag:s0] =	ssyncset.done $0x0  }
0x440: {  	[sflag:s0] =	ssyncadd.s32 $0xFFFFFFB0  }
0x441: {  	_ =	swait.ge [sflag:s0], $0x50  }
0x442: {  	[sflag:s0] =	ssyncset.done $0x0  }
0x443: {  	[sflag:s0] =	ssyncadd.s32 $0xFFFFFFB0  }
0x444: {  	_ =	swait.ge [sflag:s0], $0x50  }
0x445: {  	[sflag:s0] =	ssyncset.done $0x0  }
0x446: {  	[sflag:s0] =	ssyncadd.s32 $0xFFFFFFB0  }
0x447: {  	_ =	swait.ge [sflag:s0], $0x50  }
0x448: {  	[sflag:s0] =	ssyncset.done $0x0  }
0x449: {  	[sflag:s0] =	ssyncadd.s32 $0xFFFFFFB0  }
0x44a: {  	_ =	swait.ge [sflag:s0], $0x50  }
0x44b: {  	[sflag:s0] =	ssyncset.done $0x0  }
0x44c: {  	[sflag:s0] =	ssyncadd.s32 $0xFFFFFFB0  }
0x44d: {  	_ =	swait.ge [sflag:s0], $0x50  }
0x44e: {  	[sflag:s0] =	ssyncset.done $0x0  }
0x44f: {  	[sflag:s0] =	ssyncadd.s32 $0xFFFFFFB0  }
0x450: {  	_ =	swait.ge [sflag:s0], $0x50  }
0x451: {  	[sflag:s0] =	ssyncset.done $0x0  }
0x452: {  	[sflag:s0] =	ssyncadd.s32 $0xFFFFFFB0  }
0x453: {  	_ =	swait.ge [sflag:s0], $0x50  }
0x454: {  	[sflag:s0] =	ssyncset.done $0x0  }
0x455: {  	[sflag:s0] =	ssyncadd.s32 $0xFFFFFFB0  }
0x456: {  	_ =	swait.ge [sflag:s0], $0x50  }
0x457: {  	[sflag:s0] =	ssyncset.done $0x0  }
0x458: {  	[sflag:s0] =	ssyncadd.s32 $0xFFFFFFB0  }
0x459: {  	_ =	swait.ge [sflag:s0], $0x50  }
0x45a: {  	[sflag:s0] =	ssyncset.done $0x0  }
0x45b: {  	[sflag:s0] =	ssyncadd.s32 $0xFFFFFFB0  }
0x45c: {  	_ =	swait.ge [sflag:s0], $0x50  }
0x45d: {  	[sflag:s0] =	ssyncset.done $0x0  }
0x45e: {  	[sflag:s0] =	ssyncadd.s32 $0xFFFFFFB0  }
0x45f: {  	_ =	swait.ge [sflag:s0], $0x50  }
0x460: {  	[sflag:s0] =	ssyncset.done $0x0  }
0x461: {  	[sflag:s0] =	ssyncadd.s32 $0xFFFFFFB0  }
0x462: {  	_ =	swait.ge [sflag:s0], $0x50  }
0x463: {  	[sflag:s0] =	ssyncset.done $0x0  }
0x464: {  	[sflag:s0] =	ssyncadd.s32 $0xFFFFFFB0  }
0x465: {  	_ =	swait.ge [sflag:s0], $0x50  }
0x466: {  	[sflag:s0] =	ssyncset.done $0x0  }
0x467: {  	[sflag:s0] =	ssyncadd.s32 $0xFFFFFFB0  }
0x468: {  	_ =	swait.ge [sflag:s0], $0x50  }
0x469: {  	[sflag:s0] =	ssyncset.done $0x0  }
0x46a: {  	[sflag:s0] =	ssyncadd.s32 $0xFFFFFFB0  }
0x46b: {  	_ =	swait.ge [sflag:s0], $0x50  }
0x46c: {  	[sflag:s0] =	ssyncset.done $0x0  }
0x46d: {  	[sflag:s0] =	ssyncadd.s32 $0xFFFFFFB0  }
0x46e: {  	_ =	swait.ge [sflag:s0], $0x50  }
0x46f: {  	[sflag:s0] =	ssyncset.done $0x0  }
0x470: {  	[sflag:s0] =	ssyncadd.s32 $0xFFFFFFB0  }
0x471: {  	_ =	swait.ge [sflag:s0], $0x50  }
0x472: {  	[sflag:s0] =	ssyncset.done $0x0  }
0x473: {  	[sflag:s0] =	ssyncadd.s32 $0xFFFFFFB0  }
0x474: {  	_ =	swait.ge [sflag:s0], $0x50  }
0x475: {  	[sflag:s0] =	ssyncset.done $0x0  }
0x476: {  	[sflag:s0] =	ssyncadd.s32 $0xFFFFFFB0  }
0x477: {  	_ =	swait.ge [sflag:s0], $0x50  }
0x478: {  	[sflag:s0] =	ssyncset.done $0x0  }
0x479: {  	[sflag:s0] =	ssyncadd.s32 $0xFFFFFFB0  }
0x47a: {  	_ =	swait.ge [sflag:s0], $0x50  }
0x47b: {  	[sflag:s0] =	ssyncset.done $0x0  }
0x47c: {  	[sflag:s0] =	ssyncadd.s32 $0xFFFFFFB0  }
.Ltmp41:
0x47d: {  	_ =	swait.ge [sflag:s0], $0x50;
	(pc) =	sbr.rel @p5 .LBB2_54-.Ltmp41, $3  }
0x47e: {  	[sflag:s0] =	ssyncset.done $0x0  }
0x47f: {  	[sflag:s0] =	ssyncadd.s32 $0xFFFFFFB0  }
0x480: {  	[bflag:$0x0] =	sbarrier.arrive $0xFFFF;
	_ =	sdelay $0x1  }
0x481: {  	s0 =	stileid.u32;
	s3 =	rddreg [dreg:$0xa]  }
0x482: {  	s4 =	rddreg [dreg:$0xd];
	s0 =	sshll.u32 s0, $0x6  }
.Ltmp42:
0x483: {  	s3 =	sshrl.u32 s3, $0x3;
	s0 =	sor.u32 $0x1C06, s0;
	(pc) =	sbr.rel .LBB2_52-.Ltmp42, $4  }
0x484: {  	[hbm:s4], [sflag:s0] =	dma.local [spmem:s3], $0x3E80  }
0x485: {  	_ =	swait.ge [sflag:s19], $0x3E80  }
0x486: {  	[sflag:s19] =	ssyncset.done $0x0  }
0x487: {  	[sflag:s19] =	ssyncadd.s32 $0xFFFFC180  }
.LBB2_49:
0x488: {  	[bflag:$0x0] =	sbarrier.arrive $0xFFFF  }
.LBB2_52:
0x489: {  	s0 =	sld [smem:$0x7FA];
	_ =	sdelay $0x2  }
0x48a: {  	p1 =	seq.s32 s0, $0x1  }
.Ltmp43:
0x48b: {  	_ = 	snop;
	(pc) =	sbr.rel @!p1 .LBB2_54-.Ltmp43, $1  }
0x48c: {  	_ =	sdelay $0x3  }
0x48d: {  	s0 =	stileid.u32;
	s3 =	rddreg [dreg:$0xa]  }
0x48e: {  	s4 =	rddreg [dreg:$0xe];
	s0 =	sshll.u32 s0, $0x6  }
.Ltmp44:
0x48f: {  	s3 =	sshrl.u32 s3, $0x3;
	s0 =	sor.u32 $0x1C06, s0;
	(pc) =	sbr.rel .LBB2_55-.Ltmp44, $4  }
0x490: {  	[hbm:s4], [sflag:s0] =	dma.local [spmem:s3], $0x3E80  }
0x491: {  	_ =	swait.ge [sflag:s19], $0x3E80  }
0x492: {  	[sflag:s19] =	ssyncset.done $0x0  }
0x493: {  	s3 =	rddreg [dreg:$0x13];
	[sflag:s19] =	ssyncadd.s32 $0xFFFFC180  }
.LBB2_56:
0x494: {  	_ =	sfence.sel $0x180000  }
0x495: {  	[bflag:$0x0] =	sbarrier.arrive $0xFFFF  }
0x496: {  	_ =	strace $0x90000047  }
0x497: {  	s0 =	stileid.u32;
	[bflag:$0x2] =	sbarrier.arrive $0xFFFF  }
0x498: {  	p0 =	sne.s32 s0, $0x0;
	s0 =	rddreg [dreg:$0x4]  }
0x499: {  	s0 =	sadd.s32 @!p0 $0x100000, s0  }
0x49a: {  	[sflag:s0] =	ssyncadd.tile.s32 @!p0 $0x1;
	_ =	shalt  }
.Lfunc_end2:
_tile_overlayer_lowered:
.L_overlay_start_2:
0x49b: {  	(tag) =	ssettag $0x2  }
0x49c: {  	s0 =	rddreg [dreg:$0x0];
	s2 =	stileid.u32  }
0x49d: {  	s1 =	rddreg [dreg:$0x1];
	p0 =	sne.s32 s2, $0x0  }
0x49e: {  	s3 =	rddreg [dreg:$0x2];
	[bflag:$0x3] =	sbarrier.arrive $0xFFFF;
	s2 =	simm.s32 @!p0 $0x1C06  }
0x49f: {  	[timem:s3], [sflag:s2] =	dma.local @!p0 [hbm:s0], s1  }
0x4a0: {  	s0 =	simm.s32 @!p0 $0x6  }
0x4a1: {  	_ =	swait.ge @!p0 [sflag:s0], s1  }
0x4a2: {  	s1 =	ssub.s32 @!p0 $0x0, s1;
	[sflag:s0] =	ssyncset.done @!p0 $0x0  }
0x4a3: {  	[sflag:s0] =	ssyncadd.s32 @!p0 s1  }
0x4a4: {  	[bflag:$0x3] =	sbarrier.arrive $0xFFFF  }
0x4a5: {  	_ =	shalt  }

</sc_bundles>
